<compile_context>
chip_gen: v7x
topology: tpu7x:2x2x1
jax: 0.10.2.dev20260603
libtpu: 0.0.44.dev20260713+nightly
codegen_flags: <defaults>
</compile_context>

<pallas_src>
import functools

import jax
import jax.numpy as jnp
from jax import lax
from jax.experimental import pallas as pl
from jax.experimental.pallas import tpu as pltpu
from jax.experimental.pallas import tpu_sc as plsc

D = 64
LANES = 16
NC = 2
NS = 16
NW = NC * NS

S = 200
SUB = 40


@functools.lru_cache(maxsize=None)
def _make_gather(B, L, V):
    N = B * L
    assert N % (NW * S) == 0 and S % L == 0
    per_w = N // NW
    n_chunks = per_w // S
    b_per_chunk = S // L
    mesh = plsc.VectorSubcoreMesh(core_axis_name="c", subcore_axis_name="s")

    @functools.partial(
        pl.kernel,
        mesh=mesh,
        compiler_params=pltpu.CompilerParams(use_tc_tiling_on_sc=True),
        out_type=jax.ShapeDtypeStruct((B, L, D), jnp.float32),
        scratch_types=[
            pltpu.VMEM((per_w,), jnp.int32),
            pltpu.VMEM((2, S, 2 * D), jnp.float32),
            pltpu.VMEM((S, D), jnp.float32),
            pltpu.VMEM((S,), jnp.float32),
            pltpu.VMEM((S,), jnp.float32),
            pltpu.SemaphoreType.DMA,
            pltpu.SemaphoreType.DMA,
        ],
    )
    def k(ids_hbm, w_hbm, sc_hbm, out_hbm,
          idx_v, rows_v, outb_v, scf0_v, scf1_v, sem0, sem1):
        wid = lax.axis_index("s") * NC + lax.axis_index("c")
        base = wid * per_w
        bbase = wid * (per_w // L)
        sems = (sem0, sem1)
        scfs = (scf0_v, scf1_v)

        pltpu.sync_copy(ids_hbm.at[pl.ds(base, per_w)], idx_v)

        def fire(c, b):
            for s in range(S // SUB):
                idx_s = idx_v.at[pl.ds(c * S + s * SUB, SUB)]
                pltpu.async_copy(sc_hbm.at[idx_s],
                                 scfs[b].at[pl.ds(s * SUB, SUB)], sems[b])
                pltpu.async_copy(w_hbm.at[idx_s],
                                 rows_v.at[b, pl.ds(s * SUB, SUB)], sems[b])

        def drain(c, b):
            for s in range(S // SUB):
                idx_s = idx_v.at[pl.ds(c * S + s * SUB, SUB)]
                pltpu.make_async_copy(
                    sc_hbm.at[idx_s],
                    scfs[b].at[pl.ds(s * SUB, SUB)], sems[b]).wait()
                pltpu.make_async_copy(
                    w_hbm.at[idx_s],
                    rows_v.at[b, pl.ds(s * SUB, SUB)], sems[b]).wait()

        def quant_rows(b, r0, sg, kks):
            nsg = -sg
            for kk in kks:
                splat = jnp.broadcast_to(sg[kk], (LANES,))
                nsplat = jnp.broadcast_to(nsg[kk], (LANES,))
                r = r0 + kk
                for j in range(D // LANES):
                    w = rows_v[b, r, pl.ds(j * LANES, LANES)]
                    outb_v[r, pl.ds(j * LANES, LANES)] = jnp.where(
                        w < 0, nsplat, splat)

        def compute(c, b):
            def group_body(g, carry2):
                sg = jnp.maximum(scfs[b][pl.ds(g * LANES, LANES)],
                                 jnp.float32(1e-8))
                quant_rows(b, g * LANES, sg, range(LANES))
                return carry2

            lax.fori_loop(0, S // LANES, group_body, 0)
            tail = S % LANES
            if tail:
                sg = jnp.maximum(scfs[b][pl.ds(S - LANES, LANES)],
                                 jnp.float32(1e-8))
                quant_rows(b, S - LANES, sg, range(LANES - tail, LANES))
            for i in range(b_per_chunk):
                pltpu.sync_copy(outb_v.at[pl.ds(i * L, L)],
                                out_hbm.at[bbase + c * b_per_chunk + i])

        fire(0, 0)

        def chunk_body(c2, carry):
            for b in range(2):
                c = c2 * 2 + b
                nxt = c + 1

                @pl.when(nxt < n_chunks)
                def _():
                    fire(nxt, 1 - b)

                drain(c, b)
                compute(c, b)
            return carry

        lax.fori_loop(0, n_chunks // 2, chunk_body, 0)

    return k


def kernel(input_ids, weight, scales):
    B, L = input_ids.shape
    V = weight.shape[0]
    N = B * L
    ids = input_ids.reshape(N).astype(jnp.int32)
    sc_flat = scales.reshape(-1)
    w128 = jnp.pad(weight, ((0, 0), (0, 2 * D - weight.shape[1])))
    return _make_gather(B, L, V)(ids, w128, sc_flat)

# --- scband reference (transcript-rebuilt; emitter-appended) ---
"""Pipeline reference for scband-literati-quant-embedding-61838939127938 (READ-ONLY COPY).

The authoritative reference and input builder live on the scoring server;
editing this copy changes nothing except your own understanding.
"""

import jax, jax.numpy as jnp
import numpy as np

V = 1000000
D = 64
G = 64  # group_size == embedding_dim -> num_groups = 1, no padding needed
B = 4096
L = 50


def setup_inputs(seed: int = 0) -> dict:
    key = jax.random.key(seed)
    k1, k2 = jax.random.split(key)
    weight = jax.random.normal(k1, (V, D), dtype=jnp.float32) * 0.02
    scales = jnp.ones((V, D // G), dtype=jnp.float32) * 0.1
    input_ids = jax.random.randint(k2, (B, L), 0, V, dtype=jnp.int64) if jax.config.jax_enable_x64 else jax.random.randint(k2, (B, L), 0, V, dtype=jnp.int32)
    return {"input_ids": input_ids, "weight": weight, "scales": scales}


def reference(input_ids, weight, scales):
    # quantize_literati: w -> sign(w) * clamp(scale, 1e-8), per group of G elements
    # D % G == 0 here, so no padding branch is needed.
    w_groups = weight.reshape(V, D // G, G)
    s = jnp.sign(w_groups)
    signs = jnp.where(s == 0, 1.0, s)  # SignSTE forward: sign(0) -> 1
    sc = jnp.clip(scales, 1e-8)[..., None]  # ScaleClampSTE forward
    w_q = (signs * sc).reshape(V, D)
    # F.embedding lookup (padding_idx=None)
    return jnp.take(w_q, input_ids, axis=0)

if __name__ == "__main__":
    import jax
    _d = setup_inputs()
    print(jax.jit(kernel)(*tuple(_d.values())))

</pallas_src>

<mosaic_0001>
#map = affine_map<(d0, d1) -> (0)>
#map1 = affine_map<(d0, d1) -> (0, 0)>
#map2 = affine_map<(d0, d1) -> (0, 0, 0)>
module attributes {stable_mosaic.version = 14 : i64} {
  func.func @k(%arg0: i32, %arg1: i32, %arg2: memref<204800xi32, #tpu.memory_space<hbm>>, %arg3: memref<1000000x128xf32, #tpu.memory_space<hbm>>, %arg4: memref<1000000xf32, #tpu.memory_space<hbm>>, %arg5: memref<4096x50x64xf32, #tpu.memory_space<hbm>>, %arg6: memref<6400xi32, #tpu.memory_space<vmem>>, %arg7: memref<2x200x128xf32, #tpu.memory_space<vmem>>, %arg8: memref<200x64xf32, #tpu.memory_space<vmem>>, %arg9: memref<200xf32, #tpu.memory_space<vmem>>, %arg10: memref<200xf32, #tpu.memory_space<vmem>>, %arg11: memref<!tpu.dma_semaphore, #tpu.memory_space<semaphore_mem>>, %arg12: memref<!tpu.dma_semaphore, #tpu.memory_space<semaphore_mem>>) attributes {dimension_semantics = [#tpu.dimension_semantics<core_parallel>, #tpu.dimension_semantics<subcore_parallel>], iteration_bounds = array<i64: 2, 16>, scalar_prefetch = 0 : i64, scratch_operands = 7 : i64, tpu.core_type = #tpu.core_type<sc_vector_subcore>, window_params = [{transform_indices = #map}, {transform_indices = #map1}, {transform_indices = #map}, {transform_indices = #map2}]} {
    %mul3A = arith.constant 2 : i32
    %mul3A_0 = arith.muli %arg1, %mul3A : i32
    %add3A = arith.addi %mul3A_0, %arg0 : i32
    %mul3A_1 = arith.constant 6400 : i32
    %mul3A_2 = arith.muli %add3A, %mul3A_1 : i32
    %mul3A_3 = arith.constant 128 : i32
    %mul3A_4 = arith.muli %add3A, %mul3A_3 : i32
    "tpu.region"() ({
      %run_scoped3A = tpu.sem_alloc : memref<!tpu.dma_semaphore, #tpu.memory_space<semaphore_mem>>
      %dma_start3A_89 = tpu.memref_slice %arg2[%mul3A_2] : memref<204800xi32, #tpu.memory_space<hbm>> -> memref<6400xi32, #tpu.memory_space<hbm>>
      %dma_start3A_90 = tpu.memref_slice %arg2[%mul3A_2] : memref<204800xi32, #tpu.memory_space<hbm>> -> memref<6400xi32, #tpu.memory_space<hbm>>
      tpu.enqueue_dma source(%dma_start3A_90 : memref<6400xi32, #tpu.memory_space<hbm>>) target(%arg6 : memref<6400xi32, #tpu.memory_space<vmem>>) target_semaphore(%run_scoped3A : memref<!tpu.dma_semaphore, #tpu.memory_space<semaphore_mem>>)
      %dma_wait3A = tpu.memref_slice %arg2[%mul3A_2] : memref<204800xi32, #tpu.memory_space<hbm>> -> memref<6400xi32, #tpu.memory_space<hbm>>
      %dma_wait3A_91 = tpu.memref_slice %arg2[%mul3A_2] : memref<204800xi32, #tpu.memory_space<hbm>> -> memref<6400xi32, #tpu.memory_space<hbm>>
      tpu.wait_dma2 semaphore(%run_scoped3A : memref<!tpu.dma_semaphore, #tpu.memory_space<semaphore_mem>>) src(%dma_wait3A_91 : memref<6400xi32, #tpu.memory_space<hbm>>) dst(%arg6 : memref<6400xi32, #tpu.memory_space<vmem>>)
      tpu.yield
    }) : () -> ()
    %dma_start3A = arith.constant 0 : i32
    %dma_start3A_5 = tpu.memref_slice %arg9[%dma_start3A] : memref<200xf32, #tpu.memory_space<vmem>> -> memref<40xf32, #tpu.memory_space<vmem>>
    %dma_start3A_6 = arith.constant 0 : i32
    %dma_start3A_7 = tpu.memref_slice %arg6[%dma_start3A_6] : memref<6400xi32, #tpu.memory_space<vmem>> -> memref<40xi32, #tpu.memory_space<vmem>>
    %dma_start3A_8 = arith.constant 0 : i32
    %dma_start3A_9 = tpu.memref_slice %arg4[%dma_start3A_8] : memref<1000000xf32, #tpu.memory_space<hbm>> -> memref<1000000xf32, #tpu.memory_space<hbm>>
    tpu.enqueue_indirect_dma source(%dma_start3A_9 : memref<1000000xf32, #tpu.memory_space<hbm>>) target(%dma_start3A_5 : memref<40xf32, #tpu.memory_space<vmem>>) offsets(%dma_start3A_7 : memref<40xi32, #tpu.memory_space<vmem>>) semaphore(%arg11 : memref<!tpu.dma_semaphore, #tpu.memory_space<semaphore_mem>>)
    %dma_start3A_10 = arith.constant 0 : i32
    %dma_start3A_11 = arith.constant 0 : i32
    %dma_start3A_12 = arith.constant 0 : i32
    %dma_start3A_13 = tpu.memref_slice %arg7[%dma_start3A_10, %dma_start3A_11, %dma_start3A_12] : memref<2x200x128xf32, #tpu.memory_space<vmem>> -> memref<1x40x128xf32, #tpu.memory_space<vmem>>
    %dma_start3A_14 = tpu.memref_squeeze %dma_start3A_13 : memref<1x40x128xf32, #tpu.memory_space<vmem>> -> memref<40x128xf32, #tpu.memory_space<vmem>>
    %dma_start3A_15 = arith.constant 0 : i32
    %dma_start3A_16 = tpu.memref_slice %arg6[%dma_start3A_15] : memref<6400xi32, #tpu.memory_space<vmem>> -> memref<40xi32, #tpu.memory_space<vmem>>
    %dma_start3A_17 = arith.constant 0 : i32
    %dma_start3A_18 = arith.constant 0 : i32
    %dma_start3A_19 = tpu.memref_slice %arg3[%dma_start3A_17, %dma_start3A_18] : memref<1000000x128xf32, #tpu.memory_space<hbm>> -> memref<1000000x128xf32, #tpu.memory_space<hbm>>
    tpu.enqueue_indirect_dma source(%dma_start3A_19 : memref<1000000x128xf32, #tpu.memory_space<hbm>>) target(%dma_start3A_14 : memref<40x128xf32, #tpu.memory_space<vmem>>) offsets(%dma_start3A_16 : memref<40xi32, #tpu.memory_space<vmem>>) semaphore(%arg11 : memref<!tpu.dma_semaphore, #tpu.memory_space<semaphore_mem>>)
    %dma_start3A_20 = arith.constant 40 : i32
    %dma_start3A_21 = tpu.memref_slice %arg9[%dma_start3A_20] : memref<200xf32, #tpu.memory_space<vmem>> -> memref<40xf32, #tpu.memory_space<vmem>>
    %dma_start3A_22 = arith.constant 40 : i32
    %dma_start3A_23 = tpu.memref_slice %arg6[%dma_start3A_22] : memref<6400xi32, #tpu.memory_space<vmem>> -> memref<40xi32, #tpu.memory_space<vmem>>
    %dma_start3A_24 = arith.constant 0 : i32
    %dma_start3A_25 = tpu.memref_slice %arg4[%dma_start3A_24] : memref<1000000xf32, #tpu.memory_space<hbm>> -> memref<1000000xf32, #tpu.memory_space<hbm>>
    tpu.enqueue_indirect_dma source(%dma_start3A_25 : memref<1000000xf32, #tpu.memory_space<hbm>>) target(%dma_start3A_21 : memref<40xf32, #tpu.memory_space<vmem>>) offsets(%dma_start3A_23 : memref<40xi32, #tpu.memory_space<vmem>>) semaphore(%arg11 : memref<!tpu.dma_semaphore, #tpu.memory_space<semaphore_mem>>)
    %dma_start3A_26 = arith.constant 0 : i32
    %dma_start3A_27 = arith.constant 40 : i32
    %dma_start3A_28 = arith.constant 0 : i32
    %dma_start3A_29 = tpu.memref_slice %arg7[%dma_start3A_26, %dma_start3A_27, %dma_start3A_28] : memref<2x200x128xf32, #tpu.memory_space<vmem>> -> memref<1x40x128xf32, #tpu.memory_space<vmem>>
    %dma_start3A_30 = tpu.memref_squeeze %dma_start3A_29 : memref<1x40x128xf32, #tpu.memory_space<vmem>> -> memref<40x128xf32, #tpu.memory_space<vmem>>
    %dma_start3A_31 = arith.constant 40 : i32
    %dma_start3A_32 = tpu.memref_slice %arg6[%dma_start3A_31] : memref<6400xi32, #tpu.memory_space<vmem>> -> memref<40xi32, #tpu.memory_space<vmem>>
    %dma_start3A_33 = arith.constant 0 : i32
    %dma_start3A_34 = arith.constant 0 : i32
    %dma_start3A_35 = tpu.memref_slice %arg3[%dma_start3A_33, %dma_start3A_34] : memref<1000000x128xf32, #tpu.memory_space<hbm>> -> memref<1000000x128xf32, #tpu.memory_space<hbm>>
    tpu.enqueue_indirect_dma source(%dma_start3A_35 : memref<1000000x128xf32, #tpu.memory_space<hbm>>) target(%dma_start3A_30 : memref<40x128xf32, #tpu.memory_space<vmem>>) offsets(%dma_start3A_32 : memref<40xi32, #tpu.memory_space<vmem>>) semaphore(%arg11 : memref<!tpu.dma_semaphore, #tpu.memory_space<semaphore_mem>>)
    %dma_start3A_36 = arith.constant 80 : i32
    %dma_start3A_37 = tpu.memref_slice %arg9[%dma_start3A_36] : memref<200xf32, #tpu.memory_space<vmem>> -> memref<40xf32, #tpu.memory_space<vmem>>
    %dma_start3A_38 = arith.constant 80 : i32
    %dma_start3A_39 = tpu.memref_slice %arg6[%dma_start3A_38] : memref<6400xi32, #tpu.memory_space<vmem>> -> memref<40xi32, #tpu.memory_space<vmem>>
    %dma_start3A_40 = arith.constant 0 : i32
    %dma_start3A_41 = tpu.memref_slice %arg4[%dma_start3A_40] : memref<1000000xf32, #tpu.memory_space<hbm>> -> memref<1000000xf32, #tpu.memory_space<hbm>>
    tpu.enqueue_indirect_dma source(%dma_start3A_41 : memref<1000000xf32, #tpu.memory_space<hbm>>) target(%dma_start3A_37 : memref<40xf32, #tpu.memory_space<vmem>>) offsets(%dma_start3A_39 : memref<40xi32, #tpu.memory_space<vmem>>) semaphore(%arg11 : memref<!tpu.dma_semaphore, #tpu.memory_space<semaphore_mem>>)
    %dma_start3A_42 = arith.constant 0 : i32
    %dma_start3A_43 = arith.constant 80 : i32
    %dma_start3A_44 = arith.constant 0 : i32
    %dma_start3A_45 = tpu.memref_slice %arg7[%dma_start3A_42, %dma_start3A_43, %dma_start3A_44] : memref<2x200x128xf32, #tpu.memory_space<vmem>> -> memref<1x40x128xf32, #tpu.memory_space<vmem>>
    %dma_start3A_46 = tpu.memref_squeeze %dma_start3A_45 : memref<1x40x128xf32, #tpu.memory_space<vmem>> -> memref<40x128xf32, #tpu.memory_space<vmem>>
    %dma_start3A_47 = arith.constant 80 : i32
    %dma_start3A_48 = tpu.memref_slice %arg6[%dma_start3A_47] : memref<6400xi32, #tpu.memory_space<vmem>> -> memref<40xi32, #tpu.memory_space<vmem>>
    %dma_start3A_49 = arith.constant 0 : i32
    %dma_start3A_50 = arith.constant 0 : i32
    %dma_start3A_51 = tpu.memref_slice %arg3[%dma_start3A_49, %dma_start3A_50] : memref<1000000x128xf32, #tpu.memory_space<hbm>> -> memref<1000000x128xf32, #tpu.memory_space<hbm>>
    tpu.enqueue_indirect_dma source(%dma_start3A_51 : memref<1000000x128xf32, #tpu.memory_space<hbm>>) target(%dma_start3A_46 : memref<40x128xf32, #tpu.memory_space<vmem>>) offsets(%dma_start3A_48 : memref<40xi32, #tpu.memory_space<vmem>>) semaphore(%arg11 : memref<!tpu.dma_semaphore, #tpu.memory_space<semaphore_mem>>)
    %dma_start3A_52 = arith.constant 120 : i32
    %dma_start3A_53 = tpu.memref_slice %arg9[%dma_start3A_52] : memref<200xf32, #tpu.memory_space<vmem>> -> memref<40xf32, #tpu.memory_space<vmem>>
    %dma_start3A_54 = arith.constant 120 : i32
    %dma_start3A_55 = tpu.memref_slice %arg6[%dma_start3A_54] : memref<6400xi32, #tpu.memory_space<vmem>> -> memref<40xi32, #tpu.memory_space<vmem>>
    %dma_start3A_56 = arith.constant 0 : i32
    %dma_start3A_57 = tpu.memref_slice %arg4[%dma_start3A_56] : memref<1000000xf32, #tpu.memory_space<hbm>> -> memref<1000000xf32, #tpu.memory_space<hbm>>
    tpu.enqueue_indirect_dma source(%dma_start3A_57 : memref<1000000xf32, #tpu.memory_space<hbm>>) target(%dma_start3A_53 : memref<40xf32, #tpu.memory_space<vmem>>) offsets(%dma_start3A_55 : memref<40xi32, #tpu.memory_space<vmem>>) semaphore(%arg11 : memref<!tpu.dma_semaphore, #tpu.memory_space<semaphore_mem>>)
    %dma_start3A_58 = arith.constant 0 : i32
    %dma_start3A_59 = arith.constant 120 : i32
    %dma_start3A_60 = arith.constant 0 : i32
    %dma_start3A_61 = tpu.memref_slice %arg7[%dma_start3A_58, %dma_start3A_59, %dma_start3A_60] : memref<2x200x128xf32, #tpu.memory_space<vmem>> -> memref<1x40x128xf32, #tpu.memory_space<vmem>>
    %dma_start3A_62 = tpu.memref_squeeze %dma_start3A_61 : memref<1x40x128xf32, #tpu.memory_space<vmem>> -> memref<40x128xf32, #tpu.memory_space<vmem>>
    %dma_start3A_63 = arith.constant 120 : i32
    %dma_start3A_64 = tpu.memref_slice %arg6[%dma_start3A_63] : memref<6400xi32, #tpu.memory_space<vmem>> -> memref<40xi32, #tpu.memory_space<vmem>>
    %dma_start3A_65 = arith.constant 0 : i32
    %dma_start3A_66 = arith.constant 0 : i32
    %dma_start3A_67 = tpu.memref_slice %arg3[%dma_start3A_65, %dma_start3A_66] : memref<1000000x128xf32, #tpu.memory_space<hbm>> -> memref<1000000x128xf32, #tpu.memory_space<hbm>>
    tpu.enqueue_indirect_dma source(%dma_start3A_67 : memref<1000000x128xf32, #tpu.memory_space<hbm>>) target(%dma_start3A_62 : memref<40x128xf32, #tpu.memory_space<vmem>>) offsets(%dma_start3A_64 : memref<40xi32, #tpu.memory_space<vmem>>) semaphore(%arg11 : memref<!tpu.dma_semaphore, #tpu.memory_space<semaphore_mem>>)
    %dma_start3A_68 = arith.constant 160 : i32
    %dma_start3A_69 = tpu.memref_slice %arg9[%dma_start3A_68] : memref<200xf32, #tpu.memory_space<vmem>> -> memref<40xf32, #tpu.memory_space<vmem>>
    %dma_start3A_70 = arith.constant 160 : i32
    %dma_start3A_71 = tpu.memref_slice %arg6[%dma_start3A_70] : memref<6400xi32, #tpu.memory_space<vmem>> -> memref<40xi32, #tpu.memory_space<vmem>>
    %dma_start3A_72 = arith.constant 0 : i32
    %dma_start3A_73 = tpu.memref_slice %arg4[%dma_start3A_72] : memref<1000000xf32, #tpu.memory_space<hbm>> -> memref<1000000xf32, #tpu.memory_space<hbm>>
    tpu.enqueue_indirect_dma source(%dma_start3A_73 : memref<1000000xf32, #tpu.memory_space<hbm>>) target(%dma_start3A_69 : memref<40xf32, #tpu.memory_space<vmem>>) offsets(%dma_start3A_71 : memref<40xi32, #tpu.memory_space<vmem>>) semaphore(%arg11 : memref<!tpu.dma_semaphore, #tpu.memory_space<semaphore_mem>>)
    %dma_start3A_74 = arith.constant 0 : i32
    %dma_start3A_75 = arith.constant 160 : i32
    %dma_start3A_76 = arith.constant 0 : i32
    %dma_start3A_77 = tpu.memref_slice %arg7[%dma_start3A_74, %dma_start3A_75, %dma_start3A_76] : memref<2x200x128xf32, #tpu.memory_space<vmem>> -> memref<1x40x128xf32, #tpu.memory_space<vmem>>
    %dma_start3A_78 = tpu.memref_squeeze %dma_start3A_77 : memref<1x40x128xf32, #tpu.memory_space<vmem>> -> memref<40x128xf32, #tpu.memory_space<vmem>>
    %dma_start3A_79 = arith.constant 160 : i32
    %dma_start3A_80 = tpu.memref_slice %arg6[%dma_start3A_79] : memref<6400xi32, #tpu.memory_space<vmem>> -> memref<40xi32, #tpu.memory_space<vmem>>
    %dma_start3A_81 = arith.constant 0 : i32
    %dma_start3A_82 = arith.constant 0 : i32
    %dma_start3A_83 = tpu.memref_slice %arg3[%dma_start3A_81, %dma_start3A_82] : memref<1000000x128xf32, #tpu.memory_space<hbm>> -> memref<1000000x128xf32, #tpu.memory_space<hbm>>
    tpu.enqueue_indirect_dma source(%dma_start3A_83 : memref<1000000x128xf32, #tpu.memory_space<hbm>>) target(%dma_start3A_78 : memref<40x128xf32, #tpu.memory_space<vmem>>) offsets(%dma_start3A_80 : memref<40xi32, #tpu.memory_space<vmem>>) semaphore(%arg11 : memref<!tpu.dma_semaphore, #tpu.memory_space<semaphore_mem>>)
    %scan3A = arith.constant 0 : i32
    %scan3A_84 = arith.constant 0 : i32
    %scan3A_85 = arith.constant 16 : i32
    %scan3A_86 = arith.addi %scan3A_84, %scan3A_85 : i32
    %scan3A_87 = arith.constant 1 : i32
    scf.for %scan3A_89 = %scan3A_84 to %scan3A_86 step %scan3A_87  : i32 {
      %mul3A_90 = arith.constant 2 : i32
      %mul3A_91 = arith.muli %scan3A_89, %mul3A_90 : i32
      %add3A_92 = arith.constant 0 : i32
      %add3A_93 = arith.addi %mul3A_91, %add3A_92 : i32
      %add3A_94 = arith.constant 1 : i32
      %add3A_95 = arith.addi %add3A_93, %add3A_94 : i32
      %lt3A = arith.constant 32 : i32
      %lt3A_96 = arith.cmpi slt, %add3A_95, %lt3A : i32
      %convert_element_type3A = arith.extui %lt3A_96 : i1 to i32
      %cond3A = arith.constant 0 : i32
      %cond3A_97 = arith.cmpi ne, %convert_element_type3A, %cond3A : i32
      scf.if %cond3A_97 {
        %mul3A_1534 = arith.constant 200 : i32
        %mul3A_1535 = arith.muli %add3A_95, %mul3A_1534 : i32
        %add3A_1536 = arith.constant 0 : i32
        %add3A_1537 = arith.addi %mul3A_1535, %add3A_1536 : i32
        %dma_start3A_1538 = arith.constant 0 : i32
        %dma_start3A_1539 = tpu.memref_slice %arg10[%dma_start3A_1538] : memref<200xf32, #tpu.memory_space<vmem>> -> memref<40xf32, #tpu.memory_space<vmem>>
        %dma_start3A_1540 = tpu.memref_slice %arg6[%add3A_1537] : memref<6400xi32, #tpu.memory_space<vmem>> -> memref<40xi32, #tpu.memory_space<vmem>>
        %dma_start3A_1541 = arith.constant 0 : i32
        %dma_start3A_1542 = tpu.memref_slice %arg4[%dma_start3A_1541] : memref<1000000xf32, #tpu.memory_space<hbm>> -> memref<1000000xf32, #tpu.memory_space<hbm>>
        tpu.enqueue_indirect_dma source(%dma_start3A_1542 : memref<1000000xf32, #tpu.memory_space<hbm>>) target(%dma_start3A_1539 : memref<40xf32, #tpu.memory_space<vmem>>) offsets(%dma_start3A_1540 : memref<40xi32, #tpu.memory_space<vmem>>) semaphore(%arg12 : memref<!tpu.dma_semaphore, #tpu.memory_space<semaphore_mem>>)
        %dma_start3A_1543 = arith.constant 1 : i32
        %dma_start3A_1544 = arith.constant 0 : i32
        %dma_start3A_1545 = arith.constant 0 : i32
        %dma_start3A_1546 = tpu.memref_slice %arg7[%dma_start3A_1543, %dma_start3A_1544, %dma_start3A_1545] : memref<2x200x128xf32, #tpu.memory_space<vmem>> -> memref<1x40x128xf32, #tpu.memory_space<vmem>>
        %dma_start3A_1547 = tpu.memref_squeeze %dma_start3A_1546 : memref<1x40x128xf32, #tpu.memory_space<vmem>> -> memref<40x128xf32, #tpu.memory_space<vmem>>
        %dma_start3A_1548 = tpu.memref_slice %arg6[%add3A_1537] : memref<6400xi32, #tpu.memory_space<vmem>> -> memref<40xi32, #tpu.memory_space<vmem>>
        %dma_start3A_1549 = arith.constant 0 : i32
        %dma_start3A_1550 = arith.constant 0 : i32
        %dma_start3A_1551 = tpu.memref_slice %arg3[%dma_start3A_1549, %dma_start3A_1550] : memref<1000000x128xf32, #tpu.memory_space<hbm>> -> memref<1000000x128xf32, #tpu.memory_space<hbm>>
        tpu.enqueue_indirect_dma source(%dma_start3A_1551 : memref<1000000x128xf32, #tpu.memory_space<hbm>>) target(%dma_start3A_1547 : memref<40x128xf32, #tpu.memory_space<vmem>>) offsets(%dma_start3A_1548 : memref<40xi32, #tpu.memory_space<vmem>>) semaphore(%arg12 : memref<!tpu.dma_semaphore, #tpu.memory_space<semaphore_mem>>)
        %mul3A_1552 = arith.constant 200 : i32
        %mul3A_1553 = arith.muli %add3A_95, %mul3A_1552 : i32
        %add3A_1554 = arith.constant 40 : i32
        %add3A_1555 = arith.addi %mul3A_1553, %add3A_1554 : i32
        %dma_start3A_1556 = arith.constant 40 : i32
        %dma_start3A_1557 = tpu.memref_slice %arg10[%dma_start3A_1556] : memref<200xf32, #tpu.memory_space<vmem>> -> memref<40xf32, #tpu.memory_space<vmem>>
        %dma_start3A_1558 = tpu.memref_slice %arg6[%add3A_1555] : memref<6400xi32, #tpu.memory_space<vmem>> -> memref<40xi32, #tpu.memory_space<vmem>>
        %dma_start3A_1559 = arith.constant 0 : i32
        %dma_start3A_1560 = tpu.memref_slice %arg4[%dma_start3A_1559] : memref<1000000xf32, #tpu.memory_space<hbm>> -> memref<1000000xf32, #tpu.memory_space<hbm>>
        tpu.enqueue_indirect_dma source(%dma_start3A_1560 : memref<1000000xf32, #tpu.memory_space<hbm>>) target(%dma_start3A_1557 : memref<40xf32, #tpu.memory_space<vmem>>) offsets(%dma_start3A_1558 : memref<40xi32, #tpu.memory_space<vmem>>) semaphore(%arg12 : memref<!tpu.dma_semaphore, #tpu.memory_space<semaphore_mem>>)
        %dma_start3A_1561 = arith.constant 1 : i32
        %dma_start3A_1562 = arith.constant 40 : i32
        %dma_start3A_1563 = arith.constant 0 : i32
        %dma_start3A_1564 = tpu.memref_slice %arg7[%dma_start3A_1561, %dma_start3A_1562, %dma_start3A_1563] : memref<2x200x128xf32, #tpu.memory_space<vmem>> -> memref<1x40x128xf32, #tpu.memory_space<vmem>>
        %dma_start3A_1565 = tpu.memref_squeeze %dma_start3A_1564 : memref<1x40x128xf32, #tpu.memory_space<vmem>> -> memref<40x128xf32, #tpu.memory_space<vmem>>
        %dma_start3A_1566 = tpu.memref_slice %arg6[%add3A_1555] : memref<6400xi32, #tpu.memory_space<vmem>> -> memref<40xi32, #tpu.memory_space<vmem>>
        %dma_start3A_1567 = arith.constant 0 : i32
        %dma_start3A_1568 = arith.constant 0 : i32
        %dma_start3A_1569 = tpu.memref_slice %arg3[%dma_start3A_1567, %dma_start3A_1568] : memref<1000000x128xf32, #tpu.memory_space<hbm>> -> memref<1000000x128xf32, #tpu.memory_space<hbm>>
        tpu.enqueue_indirect_dma source(%dma_start3A_1569 : memref<1000000x128xf32, #tpu.memory_space<hbm>>) target(%dma_start3A_1565 : memref<40x128xf32, #tpu.memory_space<vmem>>) offsets(%dma_start3A_1566 : memref<40xi32, #tpu.memory_space<vmem>>) semaphore(%arg12 : memref<!tpu.dma_semaphore, #tpu.memory_space<semaphore_mem>>)
        %mul3A_1570 = arith.constant 200 : i32
        %mul3A_1571 = arith.muli %add3A_95, %mul3A_1570 : i32
        %add3A_1572 = arith.constant 80 : i32
        %add3A_1573 = arith.addi %mul3A_1571, %add3A_1572 : i32
        %dma_start3A_1574 = arith.constant 80 : i32
        %dma_start3A_1575 = tpu.memref_slice %arg10[%dma_start3A_1574] : memref<200xf32, #tpu.memory_space<vmem>> -> memref<40xf32, #tpu.memory_space<vmem>>
        %dma_start3A_1576 = tpu.memref_slice %arg6[%add3A_1573] : memref<6400xi32, #tpu.memory_space<vmem>> -> memref<40xi32, #tpu.memory_space<vmem>>
        %dma_start3A_1577 = arith.constant 0 : i32
        %dma_start3A_1578 = tpu.memref_slice %arg4[%dma_start3A_1577] : memref<1000000xf32, #tpu.memory_space<hbm>> -> memref<1000000xf32, #tpu.memory_space<hbm>>
        tpu.enqueue_indirect_dma source(%dma_start3A_1578 : memref<1000000xf32, #tpu.memory_space<hbm>>) target(%dma_start3A_1575 : memref<40xf32, #tpu.memory_space<vmem>>) offsets(%dma_start3A_1576 : memref<40xi32, #tpu.memory_space<vmem>>) semaphore(%arg12 : memref<!tpu.dma_semaphore, #tpu.memory_space<semaphore_mem>>)
        %dma_start3A_1579 = arith.constant 1 : i32
        %dma_start3A_1580 = arith.constant 80 : i32
        %dma_start3A_1581 = arith.constant 0 : i32
        %dma_start3A_1582 = tpu.memref_slice %arg7[%dma_start3A_1579, %dma_start3A_1580, %dma_start3A_1581] : memref<2x200x128xf32, #tpu.memory_space<vmem>> -> memref<1x40x128xf32, #tpu.memory_space<vmem>>
        %dma_start3A_1583 = tpu.memref_squeeze %dma_start3A_1582 : memref<1x40x128xf32, #tpu.memory_space<vmem>> -> memref<40x128xf32, #tpu.memory_space<vmem>>
        %dma_start3A_1584 = tpu.memref_slice %arg6[%add3A_1573] : memref<6400xi32, #tpu.memory_space<vmem>> -> memref<40xi32, #tpu.memory_space<vmem>>
        %dma_start3A_1585 = arith.constant 0 : i32
        %dma_start3A_1586 = arith.constant 0 : i32
        %dma_start3A_1587 = tpu.memref_slice %arg3[%dma_start3A_1585, %dma_start3A_1586] : memref<1000000x128xf32, #tpu.memory_space<hbm>> -> memref<1000000x128xf32, #tpu.memory_space<hbm>>
        tpu.enqueue_indirect_dma source(%dma_start3A_1587 : memref<1000000x128xf32, #tpu.memory_space<hbm>>) target(%dma_start3A_1583 : memref<40x128xf32, #tpu.memory_space<vmem>>) offsets(%dma_start3A_1584 : memref<40xi32, #tpu.memory_space<vmem>>) semaphore(%arg12 : memref<!tpu.dma_semaphore, #tpu.memory_space<semaphore_mem>>)
        %mul3A_1588 = arith.constant 200 : i32
        %mul3A_1589 = arith.muli %add3A_95, %mul3A_1588 : i32
        %add3A_1590 = arith.constant 120 : i32
        %add3A_1591 = arith.addi %mul3A_1589, %add3A_1590 : i32
        %dma_start3A_1592 = arith.constant 120 : i32
        %dma_start3A_1593 = tpu.memref_slice %arg10[%dma_start3A_1592] : memref<200xf32, #tpu.memory_space<vmem>> -> memref<40xf32, #tpu.memory_space<vmem>>
        %dma_start3A_1594 = tpu.memref_slice %arg6[%add3A_1591] : memref<6400xi32, #tpu.memory_space<vmem>> -> memref<40xi32, #tpu.memory_space<vmem>>
        %dma_start3A_1595 = arith.constant 0 : i32
        %dma_start3A_1596 = tpu.memref_slice %arg4[%dma_start3A_1595] : memref<1000000xf32, #tpu.memory_space<hbm>> -> memref<1000000xf32, #tpu.memory_space<hbm>>
        tpu.enqueue_indirect_dma source(%dma_start3A_1596 : memref<1000000xf32, #tpu.memory_space<hbm>>) target(%dma_start3A_1593 : memref<40xf32, #tpu.memory_space<vmem>>) offsets(%dma_start3A_1594 : memref<40xi32, #tpu.memory_space<vmem>>) semaphore(%arg12 : memref<!tpu.dma_semaphore, #tpu.memory_space<semaphore_mem>>)
        %dma_start3A_1597 = arith.constant 1 : i32
        %dma_start3A_1598 = arith.constant 120 : i32
        %dma_start3A_1599 = arith.constant 0 : i32
        %dma_start3A_1600 = tpu.memref_slice %arg7[%dma_start3A_1597, %dma_start3A_1598, %dma_start3A_1599] : memref<2x200x128xf32, #tpu.memory_space<vmem>> -> memref<1x40x128xf32, #tpu.memory_space<vmem>>
        %dma_start3A_1601 = tpu.memref_squeeze %dma_start3A_1600 : memref<1x40x128xf32, #tpu.memory_space<vmem>> -> memref<40x128xf32, #tpu.memory_space<vmem>>
        %dma_start3A_1602 = tpu.memref_slice %arg6[%add3A_1591] : memref<6400xi32, #tpu.memory_space<vmem>> -> memref<40xi32, #tpu.memory_space<vmem>>
        %dma_start3A_1603 = arith.constant 0 : i32
        %dma_start3A_1604 = arith.constant 0 : i32
        %dma_start3A_1605 = tpu.memref_slice %arg3[%dma_start3A_1603, %dma_start3A_1604] : memref<1000000x128xf32, #tpu.memory_space<hbm>> -> memref<1000000x128xf32, #tpu.memory_space<hbm>>
        tpu.enqueue_indirect_dma source(%dma_start3A_1605 : memref<1000000x128xf32, #tpu.memory_space<hbm>>) target(%dma_start3A_1601 : memref<40x128xf32, #tpu.memory_space<vmem>>) offsets(%dma_start3A_1602 : memref<40xi32, #tpu.memory_space<vmem>>) semaphore(%arg12 : memref<!tpu.dma_semaphore, #tpu.memory_space<semaphore_mem>>)
        %mul3A_1606 = arith.constant 200 : i32
        %mul3A_1607 = arith.muli %add3A_95, %mul3A_1606 : i32
        %add3A_1608 = arith.constant 160 : i32
        %add3A_1609 = arith.addi %mul3A_1607, %add3A_1608 : i32
        %dma_start3A_1610 = arith.constant 160 : i32
        %dma_start3A_1611 = tpu.memref_slice %arg10[%dma_start3A_1610] : memref<200xf32, #tpu.memory_space<vmem>> -> memref<40xf32, #tpu.memory_space<vmem>>
        %dma_start3A_1612 = tpu.memref_slice %arg6[%add3A_1609] : memref<6400xi32, #tpu.memory_space<vmem>> -> memref<40xi32, #tpu.memory_space<vmem>>
        %dma_start3A_1613 = arith.constant 0 : i32
        %dma_start3A_1614 = tpu.memref_slice %arg4[%dma_start3A_1613] : memref<1000000xf32, #tpu.memory_space<hbm>> -> memref<1000000xf32, #tpu.memory_space<hbm>>
        tpu.enqueue_indirect_dma source(%dma_start3A_1614 : memref<1000000xf32, #tpu.memory_space<hbm>>) target(%dma_start3A_1611 : memref<40xf32, #tpu.memory_space<vmem>>) offsets(%dma_start3A_1612 : memref<40xi32, #tpu.memory_space<vmem>>) semaphore(%arg12 : memref<!tpu.dma_semaphore, #tpu.memory_space<semaphore_mem>>)
        %dma_start3A_1615 = arith.constant 1 : i32
        %dma_start3A_1616 = arith.constant 160 : i32
        %dma_start3A_1617 = arith.constant 0 : i32
        %dma_start3A_1618 = tpu.memref_slice %arg7[%dma_start3A_1615, %dma_start3A_1616, %dma_start3A_1617] : memref<2x200x128xf32, #tpu.memory_space<vmem>> -> memref<1x40x128xf32, #tpu.memory_space<vmem>>
        %dma_start3A_1619 = tpu.memref_squeeze %dma_start3A_1618 : memref<1x40x128xf32, #tpu.memory_space<vmem>> -> memref<40x128xf32, #tpu.memory_space<vmem>>
        %dma_start3A_1620 = tpu.memref_slice %arg6[%add3A_1609] : memref<6400xi32, #tpu.memory_space<vmem>> -> memref<40xi32, #tpu.memory_space<vmem>>
        %dma_start3A_1621 = arith.constant 0 : i32
        %dma_start3A_1622 = arith.constant 0 : i32
        %dma_start3A_1623 = tpu.memref_slice %arg3[%dma_start3A_1621, %dma_start3A_1622] : memref<1000000x128xf32, #tpu.memory_space<hbm>> -> memref<1000000x128xf32, #tpu.memory_space<hbm>>
        tpu.enqueue_indirect_dma source(%dma_start3A_1623 : memref<1000000x128xf32, #tpu.memory_space<hbm>>) target(%dma_start3A_1619 : memref<40x128xf32, #tpu.memory_space<vmem>>) offsets(%dma_start3A_1620 : memref<40xi32, #tpu.memory_space<vmem>>) semaphore(%arg12 : memref<!tpu.dma_semaphore, #tpu.memory_space<semaphore_mem>>)
      } else {
      }
      %mul3A_98 = arith.constant 200 : i32
      %mul3A_99 = arith.muli %add3A_93, %mul3A_98 : i32
      %add3A_100 = arith.constant 0 : i32
      %add3A_101 = arith.addi %mul3A_99, %add3A_100 : i32
      %dma_wait3A = arith.constant 0 : i32
      %dma_wait3A_102 = tpu.memref_slice %arg9[%dma_wait3A] : memref<200xf32, #tpu.memory_space<vmem>> -> memref<40xf32, #tpu.memory_space<vmem>>
      %dma_wait3A_103 = tpu.memref_slice %arg6[%add3A_101] : memref<6400xi32, #tpu.memory_space<vmem>> -> memref<40xi32, #tpu.memory_space<vmem>>
      %dma_wait3A_104 = arith.constant 0 : i32
      %dma_wait3A_105 = tpu.memref_slice %arg4[%dma_wait3A_104] : memref<1000000xf32, #tpu.memory_space<hbm>> -> memref<1000000xf32, #tpu.memory_space<hbm>>
      tpu.wait_indirect_dma semaphore(%arg11 : memref<!tpu.dma_semaphore, #tpu.memory_space<semaphore_mem>>) src(%dma_wait3A_105 : memref<1000000xf32, #tpu.memory_space<hbm>>) dst(%dma_wait3A_102 : memref<40xf32, #tpu.memory_space<vmem>>)
      %dma_wait3A_106 = arith.constant 0 : i32
      %dma_wait3A_107 = arith.constant 0 : i32
      %dma_wait3A_108 = arith.constant 0 : i32
      %dma_wait3A_109 = tpu.memref_slice %arg7[%dma_wait3A_106, %dma_wait3A_107, %dma_wait3A_108] : memref<2x200x128xf32, #tpu.memory_space<vmem>> -> memref<1x40x128xf32, #tpu.memory_space<vmem>>
      %dma_wait3A_110 = tpu.memref_squeeze %dma_wait3A_109 : memref<1x40x128xf32, #tpu.memory_space<vmem>> -> memref<40x128xf32, #tpu.memory_space<vmem>>
      %dma_wait3A_111 = tpu.memref_slice %arg6[%add3A_101] : memref<6400xi32, #tpu.memory_space<vmem>> -> memref<40xi32, #tpu.memory_space<vmem>>
      %dma_wait3A_112 = arith.constant 0 : i32
      %dma_wait3A_113 = arith.constant 0 : i32
      %dma_wait3A_114 = tpu.memref_slice %arg3[%dma_wait3A_112, %dma_wait3A_113] : memref<1000000x128xf32, #tpu.memory_space<hbm>> -> memref<1000000x128xf32, #tpu.memory_space<hbm>>
      tpu.wait_indirect_dma semaphore(%arg11 : memref<!tpu.dma_semaphore, #tpu.memory_space<semaphore_mem>>) src(%dma_wait3A_114 : memref<1000000x128xf32, #tpu.memory_space<hbm>>) dst(%dma_wait3A_110 : memref<40x128xf32, #tpu.memory_space<vmem>>)
      %mul3A_115 = arith.constant 200 : i32
      %mul3A_116 = arith.muli %add3A_93, %mul3A_115 : i32
      %add3A_117 = arith.constant 40 : i32
      %add3A_118 = arith.addi %mul3A_116, %add3A_117 : i32
      %dma_wait3A_119 = arith.constant 40 : i32
      %dma_wait3A_120 = tpu.memref_slice %arg9[%dma_wait3A_119] : memref<200xf32, #tpu.memory_space<vmem>> -> memref<40xf32, #tpu.memory_space<vmem>>
      %dma_wait3A_121 = tpu.memref_slice %arg6[%add3A_118] : memref<6400xi32, #tpu.memory_space<vmem>> -> memref<40xi32, #tpu.memory_space<vmem>>
      %dma_wait3A_122 = arith.constant 0 : i32
      %dma_wait3A_123 = tpu.memref_slice %arg4[%dma_wait3A_122] : memref<1000000xf32, #tpu.memory_space<hbm>> -> memref<1000000xf32, #tpu.memory_space<hbm>>
      tpu.wait_indirect_dma semaphore(%arg11 : memref<!tpu.dma_semaphore, #tpu.memory_space<semaphore_mem>>) src(%dma_wait3A_123 : memref<1000000xf32, #tpu.memory_space<hbm>>) dst(%dma_wait3A_120 : memref<40xf32, #tpu.memory_space<vmem>>)
      %dma_wait3A_124 = arith.constant 0 : i32
      %dma_wait3A_125 = arith.constant 40 : i32
      %dma_wait3A_126 = arith.constant 0 : i32
      %dma_wait3A_127 = tpu.memref_slice %arg7[%dma_wait3A_124, %dma_wait3A_125, %dma_wait3A_126] : memref<2x200x128xf32, #tpu.memory_space<vmem>> -> memref<1x40x128xf32, #tpu.memory_space<vmem>>
      %dma_wait3A_128 = tpu.memref_squeeze %dma_wait3A_127 : memref<1x40x128xf32, #tpu.memory_space<vmem>> -> memref<40x128xf32, #tpu.memory_space<vmem>>
      %dma_wait3A_129 = tpu.memref_slice %arg6[%add3A_118] : memref<6400xi32, #tpu.memory_space<vmem>> -> memref<40xi32, #tpu.memory_space<vmem>>
      %dma_wait3A_130 = arith.constant 0 : i32
      %dma_wait3A_131 = arith.constant 0 : i32
      %dma_wait3A_132 = tpu.memref_slice %arg3[%dma_wait3A_130, %dma_wait3A_131] : memref<1000000x128xf32, #tpu.memory_space<hbm>> -> memref<1000000x128xf32, #tpu.memory_space<hbm>>
      tpu.wait_indirect_dma semaphore(%arg11 : memref<!tpu.dma_semaphore, #tpu.memory_space<semaphore_mem>>) src(%dma_wait3A_132 : memref<1000000x128xf32, #tpu.memory_space<hbm>>) dst(%dma_wait3A_128 : memref<40x128xf32, #tpu.memory_space<vmem>>)
      %mul3A_133 = arith.constant 200 : i32
      %mul3A_134 = arith.muli %add3A_93, %mul3A_133 : i32
      %add3A_135 = arith.constant 80 : i32
      %add3A_136 = arith.addi %mul3A_134, %add3A_135 : i32
      %dma_wait3A_137 = arith.constant 80 : i32
      %dma_wait3A_138 = tpu.memref_slice %arg9[%dma_wait3A_137] : memref<200xf32, #tpu.memory_space<vmem>> -> memref<40xf32, #tpu.memory_space<vmem>>
      %dma_wait3A_139 = tpu.memref_slice %arg6[%add3A_136] : memref<6400xi32, #tpu.memory_space<vmem>> -> memref<40xi32, #tpu.memory_space<vmem>>
      %dma_wait3A_140 = arith.constant 0 : i32
      %dma_wait3A_141 = tpu.memref_slice %arg4[%dma_wait3A_140] : memref<1000000xf32, #tpu.memory_space<hbm>> -> memref<1000000xf32, #tpu.memory_space<hbm>>
      tpu.wait_indirect_dma semaphore(%arg11 : memref<!tpu.dma_semaphore, #tpu.memory_space<semaphore_mem>>) src(%dma_wait3A_141 : memref<1000000xf32, #tpu.memory_space<hbm>>) dst(%dma_wait3A_138 : memref<40xf32, #tpu.memory_space<vmem>>)
      %dma_wait3A_142 = arith.constant 0 : i32
      %dma_wait3A_143 = arith.constant 80 : i32
      %dma_wait3A_144 = arith.constant 0 : i32
      %dma_wait3A_145 = tpu.memref_slice %arg7[%dma_wait3A_142, %dma_wait3A_143, %dma_wait3A_144] : memref<2x200x128xf32, #tpu.memory_space<vmem>> -> memref<1x40x128xf32, #tpu.memory_space<vmem>>
      %dma_wait3A_146 = tpu.memref_squeeze %dma_wait3A_145 : memref<1x40x128xf32, #tpu.memory_space<vmem>> -> memref<40x128xf32, #tpu.memory_space<vmem>>
      %dma_wait3A_147 = tpu.memref_slice %arg6[%add3A_136] : memref<6400xi32, #tpu.memory_space<vmem>> -> memref<40xi32, #tpu.memory_space<vmem>>
      %dma_wait3A_148 = arith.constant 0 : i32
      %dma_wait3A_149 = arith.constant 0 : i32
      %dma_wait3A_150 = tpu.memref_slice %arg3[%dma_wait3A_148, %dma_wait3A_149] : memref<1000000x128xf32, #tpu.memory_space<hbm>> -> memref<1000000x128xf32, #tpu.memory_space<hbm>>
      tpu.wait_indirect_dma semaphore(%arg11 : memref<!tpu.dma_semaphore, #tpu.memory_space<semaphore_mem>>) src(%dma_wait3A_150 : memref<1000000x128xf32, #tpu.memory_space<hbm>>) dst(%dma_wait3A_146 : memref<40x128xf32, #tpu.memory_space<vmem>>)
      %mul3A_151 = arith.constant 200 : i32
      %mul3A_152 = arith.muli %add3A_93, %mul3A_151 : i32
      %add3A_153 = arith.constant 120 : i32
      %add3A_154 = arith.addi %mul3A_152, %add3A_153 : i32
      %dma_wait3A_155 = arith.constant 120 : i32
      %dma_wait3A_156 = tpu.memref_slice %arg9[%dma_wait3A_155] : memref<200xf32, #tpu.memory_space<vmem>> -> memref<40xf32, #tpu.memory_space<vmem>>
      %dma_wait3A_157 = tpu.memref_slice %arg6[%add3A_154] : memref<6400xi32, #tpu.memory_space<vmem>> -> memref<40xi32, #tpu.memory_space<vmem>>
      %dma_wait3A_158 = arith.constant 0 : i32
      %dma_wait3A_159 = tpu.memref_slice %arg4[%dma_wait3A_158] : memref<1000000xf32, #tpu.memory_space<hbm>> -> memref<1000000xf32, #tpu.memory_space<hbm>>
      tpu.wait_indirect_dma semaphore(%arg11 : memref<!tpu.dma_semaphore, #tpu.memory_space<semaphore_mem>>) src(%dma_wait3A_159 : memref<1000000xf32, #tpu.memory_space<hbm>>) dst(%dma_wait3A_156 : memref<40xf32, #tpu.memory_space<vmem>>)
      %dma_wait3A_160 = arith.constant 0 : i32
      %dma_wait3A_161 = arith.constant 120 : i32
      %dma_wait3A_162 = arith.constant 0 : i32
      %dma_wait3A_163 = tpu.memref_slice %arg7[%dma_wait3A_160, %dma_wait3A_161, %dma_wait3A_162] : memref<2x200x128xf32, #tpu.memory_space<vmem>> -> memref<1x40x128xf32, #tpu.memory_space<vmem>>
      %dma_wait3A_164 = tpu.memref_squeeze %dma_wait3A_163 : memref<1x40x128xf32, #tpu.memory_space<vmem>> -> memref<40x128xf32, #tpu.memory_space<vmem>>
      %dma_wait3A_165 = tpu.memref_slice %arg6[%add3A_154] : memref<6400xi32, #tpu.memory_space<vmem>> -> memref<40xi32, #tpu.memory_space<vmem>>
      %dma_wait3A_166 = arith.constant 0 : i32
      %dma_wait3A_167 = arith.constant 0 : i32
      %dma_wait3A_168 = tpu.memref_slice %arg3[%dma_wait3A_166, %dma_wait3A_167] : memref<1000000x128xf32, #tpu.memory_space<hbm>> -> memref<1000000x128xf32, #tpu.memory_space<hbm>>
      tpu.wait_indirect_dma semaphore(%arg11 : memref<!tpu.dma_semaphore, #tpu.memory_space<semaphore_mem>>) src(%dma_wait3A_168 : memref<1000000x128xf32, #tpu.memory_space<hbm>>) dst(%dma_wait3A_164 : memref<40x128xf32, #tpu.memory_space<vmem>>)
      %mul3A_169 = arith.constant 200 : i32
      %mul3A_170 = arith.muli %add3A_93, %mul3A_169 : i32
      %add3A_171 = arith.constant 160 : i32
      %add3A_172 = arith.addi %mul3A_170, %add3A_171 : i32
      %dma_wait3A_173 = arith.constant 160 : i32
      %dma_wait3A_174 = tpu.memref_slice %arg9[%dma_wait3A_173] : memref<200xf32, #tpu.memory_space<vmem>> -> memref<40xf32, #tpu.memory_space<vmem>>
      %dma_wait3A_175 = tpu.memref_slice %arg6[%add3A_172] : memref<6400xi32, #tpu.memory_space<vmem>> -> memref<40xi32, #tpu.memory_space<vmem>>
      %dma_wait3A_176 = arith.constant 0 : i32
      %dma_wait3A_177 = tpu.memref_slice %arg4[%dma_wait3A_176] : memref<1000000xf32, #tpu.memory_space<hbm>> -> memref<1000000xf32, #tpu.memory_space<hbm>>
      tpu.wait_indirect_dma semaphore(%arg11 : memref<!tpu.dma_semaphore, #tpu.memory_space<semaphore_mem>>) src(%dma_wait3A_177 : memref<1000000xf32, #tpu.memory_space<hbm>>) dst(%dma_wait3A_174 : memref<40xf32, #tpu.memory_space<vmem>>)
      %dma_wait3A_178 = arith.constant 0 : i32
      %dma_wait3A_179 = arith.constant 160 : i32
      %dma_wait3A_180 = arith.constant 0 : i32
      %dma_wait3A_181 = tpu.memref_slice %arg7[%dma_wait3A_178, %dma_wait3A_179, %dma_wait3A_180] : memref<2x200x128xf32, #tpu.memory_space<vmem>> -> memref<1x40x128xf32, #tpu.memory_space<vmem>>
      %dma_wait3A_182 = tpu.memref_squeeze %dma_wait3A_181 : memref<1x40x128xf32, #tpu.memory_space<vmem>> -> memref<40x128xf32, #tpu.memory_space<vmem>>
      %dma_wait3A_183 = tpu.memref_slice %arg6[%add3A_172] : memref<6400xi32, #tpu.memory_space<vmem>> -> memref<40xi32, #tpu.memory_space<vmem>>
      %dma_wait3A_184 = arith.constant 0 : i32
      %dma_wait3A_185 = arith.constant 0 : i32
      %dma_wait3A_186 = tpu.memref_slice %arg3[%dma_wait3A_184, %dma_wait3A_185] : memref<1000000x128xf32, #tpu.memory_space<hbm>> -> memref<1000000x128xf32, #tpu.memory_space<hbm>>
      tpu.wait_indirect_dma semaphore(%arg11 : memref<!tpu.dma_semaphore, #tpu.memory_space<semaphore_mem>>) src(%dma_wait3A_186 : memref<1000000x128xf32, #tpu.memory_space<hbm>>) dst(%dma_wait3A_182 : memref<40x128xf32, #tpu.memory_space<vmem>>)
      %scan3A_187 = arith.constant 0 : i32
      %scan3A_188 = arith.constant 0 : i32
      %scan3A_189 = arith.constant 12 : i32
      %scan3A_190 = arith.addi %scan3A_188, %scan3A_189 : i32
      %scan3A_191 = arith.constant 1 : i32
      scf.for %scan3A_1534 = %scan3A_188 to %scan3A_190 step %scan3A_191  : i32 {
        %mul3A_1535 = arith.constant 16 : i32
        %mul3A_1536 = arith.muli %scan3A_1534, %mul3A_1535 : i32
        %get3A_1537 = arith.index_cast %mul3A_1536 : i32 to index
        %get3A_1538 = tpu.vector_load %arg9[%get3A_1537] {strides = array<i32>} : memref<200xf32, #tpu.memory_space<vmem>>, vector<16xf32>,
        %get3A_1539 = vector.shape_cast %get3A_1538 : vector<16xf32> to vector<16xf32>
        %max3A_1540 = arith.constant 9.99999993E-9 : f32
        %max3A_1541 = vector.broadcast %max3A_1540 : f32 to vector<16xf32>
        %max3A_1542 = arith.maximumf %get3A_1539, %max3A_1541 : vector<16xf32>
        %mul3A_1543 = arith.constant 16 : i32
        %mul3A_1544 = arith.muli %scan3A_1534, %mul3A_1543 : i32
        %neg3A_1545 = arith.constant 0.000000e+00 : f32
        %neg3A_1546 = vector.broadcast %neg3A_1545 : f32 to vector<16xf32>
        %neg3A_1547 = arith.subf %neg3A_1546, %max3A_1542 : vector<16xf32>
        %slice3A_1548 = vector.extract_strided_slice %max3A_1542 {offsets = [0], sizes = [1], strides = [1]} : vector<16xf32> to vector<1xf32>
        %squeeze3A_1549 = vector.extract %slice3A_1548[0] : f32 from vector<1xf32>
        %broadcast_in_dim3A_1550 = vector.broadcast %squeeze3A_1549 : f32 to vector<16xf32>
        %slice3A_1551 = vector.extract_strided_slice %neg3A_1547 {offsets = [0], sizes = [1], strides = [1]} : vector<16xf32> to vector<1xf32>
        %squeeze3A_1552 = vector.extract %slice3A_1551[0] : f32 from vector<1xf32>
        %broadcast_in_dim3A_1553 = vector.broadcast %squeeze3A_1552 : f32 to vector<16xf32>
        %add3A_1554 = arith.constant 0 : i32
        %add3A_1555 = arith.addi %mul3A_1544, %add3A_1554 : i32
        %get3A_1556 = arith.constant 0 : i32
        %get3A_1557 = arith.index_cast %get3A_1556 : i32 to index
        %get3A_1558 = arith.index_cast %add3A_1555 : i32 to index
        %get3A_1559 = arith.constant 0 : index
        %get3A_1560 = tpu.vector_load %arg7[%get3A_1557, %get3A_1558, %get3A_1559] {strides = array<i32>} : memref<2x200x128xf32, #tpu.memory_space<vmem>>, vector<1x1x16xf32>,
        %get3A_1561 = vector.shape_cast %get3A_1560 : vector<1x1x16xf32> to vector<16xf32>
        %lt3A_1562 = arith.constant 0.000000e+00 : f32
        %lt3A_1563 = vector.broadcast %lt3A_1562 : f32 to vector<16xf32>
        %lt3A_1564 = arith.cmpf olt, %get3A_1561, %lt3A_1563 : vector<16xf32>
        %select_n3A_1565 = arith.select %lt3A_1564, %broadcast_in_dim3A_1553, %broadcast_in_dim3A_1550 : vector<16xi1>, vector<16xf32>
        %swap3A_1566 = arith.index_cast %add3A_1555 : i32 to index
        %swap3A_1567 = arith.constant 0 : index
        %swap3A_1568 = tpu.vector_load %arg8[%swap3A_1566, %swap3A_1567] {strides = array<i32>} : memref<200x64xf32, #tpu.memory_space<vmem>>, vector<1x16xf32>,
        %swap3A_1569 = vector.shape_cast %swap3A_1568 : vector<1x16xf32> to vector<16xf32>
        %swap3A_1570 = vector.shape_cast %select_n3A_1565 : vector<16xf32> to vector<1x16xf32>
        tpu.vector_store %arg8[%swap3A_1566, %swap3A_1567], %swap3A_1570 {strides = array<i32>} : memref<200x64xf32, #tpu.memory_space<vmem>>, vector<1x16xf32>,
        %get3A_1571 = arith.constant 0 : i32
        %get3A_1572 = arith.index_cast %get3A_1571 : i32 to index
        %get3A_1573 = arith.index_cast %add3A_1555 : i32 to index
        %get3A_1574 = arith.constant 16 : index
        %get3A_1575 = tpu.vector_load %arg7[%get3A_1572, %get3A_1573, %get3A_1574] {strides = array<i32>} : memref<2x200x128xf32, #tpu.memory_space<vmem>>, vector<1x1x16xf32>,
        %get3A_1576 = vector.shape_cast %get3A_1575 : vector<1x1x16xf32> to vector<16xf32>
        %lt3A_1577 = arith.constant 0.000000e+00 : f32
        %lt3A_1578 = vector.broadcast %lt3A_1577 : f32 to vector<16xf32>
        %lt3A_1579 = arith.cmpf olt, %get3A_1576, %lt3A_1578 : vector<16xf32>
        %select_n3A_1580 = arith.select %lt3A_1579, %broadcast_in_dim3A_1553, %broadcast_in_dim3A_1550 : vector<16xi1>, vector<16xf32>
        %swap3A_1581 = arith.index_cast %add3A_1555 : i32 to index
        %swap3A_1582 = arith.constant 16 : index
        %swap3A_1583 = tpu.vector_load %arg8[%swap3A_1581, %swap3A_1582] {strides = array<i32>} : memref<200x64xf32, #tpu.memory_space<vmem>>, vector<1x16xf32>,
        %swap3A_1584 = vector.shape_cast %swap3A_1583 : vector<1x16xf32> to vector<16xf32>
        %swap3A_1585 = vector.shape_cast %select_n3A_1580 : vector<16xf32> to vector<1x16xf32>
        tpu.vector_store %arg8[%swap3A_1581, %swap3A_1582], %swap3A_1585 {strides = array<i32>} : memref<200x64xf32, #tpu.memory_space<vmem>>, vector<1x16xf32>,
        %get3A_1586 = arith.constant 0 : i32
        %get3A_1587 = arith.index_cast %get3A_1586 : i32 to index
        %get3A_1588 = arith.index_cast %add3A_1555 : i32 to index
        %get3A_1589 = arith.constant 32 : index
        %get3A_1590 = tpu.vector_load %arg7[%get3A_1587, %get3A_1588, %get3A_1589] {strides = array<i32>} : memref<2x200x128xf32, #tpu.memory_space<vmem>>, vector<1x1x16xf32>,
        %get3A_1591 = vector.shape_cast %get3A_1590 : vector<1x1x16xf32> to vector<16xf32>
        %lt3A_1592 = arith.constant 0.000000e+00 : f32
        %lt3A_1593 = vector.broadcast %lt3A_1592 : f32 to vector<16xf32>
        %lt3A_1594 = arith.cmpf olt, %get3A_1591, %lt3A_1593 : vector<16xf32>
        %select_n3A_1595 = arith.select %lt3A_1594, %broadcast_in_dim3A_1553, %broadcast_in_dim3A_1550 : vector<16xi1>, vector<16xf32>
        %swap3A_1596 = arith.index_cast %add3A_1555 : i32 to index
        %swap3A_1597 = arith.constant 32 : index
        %swap3A_1598 = tpu.vector_load %arg8[%swap3A_1596, %swap3A_1597] {strides = array<i32>} : memref<200x64xf32, #tpu.memory_space<vmem>>, vector<1x16xf32>,
        %swap3A_1599 = vector.shape_cast %swap3A_1598 : vector<1x16xf32> to vector<16xf32>
        %swap3A_1600 = vector.shape_cast %select_n3A_1595 : vector<16xf32> to vector<1x16xf32>
        tpu.vector_store %arg8[%swap3A_1596, %swap3A_1597], %swap3A_1600 {strides = array<i32>} : memref<200x64xf32, #tpu.memory_space<vmem>>, vector<1x16xf32>,
        %get3A_1601 = arith.constant 0 : i32
        %get3A_1602 = arith.index_cast %get3A_1601 : i32 to index
        %get3A_1603 = arith.index_cast %add3A_1555 : i32 to index
        %get3A_1604 = arith.constant 48 : index
        %get3A_1605 = tpu.vector_load %arg7[%get3A_1602, %get3A_1603, %get3A_1604] {strides = array<i32>} : memref<2x200x128xf32, #tpu.memory_space<vmem>>, vector<1x1x16xf32>,
        %get3A_1606 = vector.shape_cast %get3A_1605 : vector<1x1x16xf32> to vector<16xf32>
        %lt3A_1607 = arith.constant 0.000000e+00 : f32
        %lt3A_1608 = vector.broadcast %lt3A_1607 : f32 to vector<16xf32>
        %lt3A_1609 = arith.cmpf olt, %get3A_1606, %lt3A_1608 : vector<16xf32>
        %select_n3A_1610 = arith.select %lt3A_1609, %broadcast_in_dim3A_1553, %broadcast_in_dim3A_1550 : vector<16xi1>, vector<16xf32>
        %swap3A_1611 = arith.index_cast %add3A_1555 : i32 to index
        %swap3A_1612 = arith.constant 48 : index
        %swap3A_1613 = tpu.vector_load %arg8[%swap3A_1611, %swap3A_1612] {strides = array<i32>} : memref<200x64xf32, #tpu.memory_space<vmem>>, vector<1x16xf32>,
        %swap3A_1614 = vector.shape_cast %swap3A_1613 : vector<1x16xf32> to vector<16xf32>
        %swap3A_1615 = vector.shape_cast %select_n3A_1610 : vector<16xf32> to vector<1x16xf32>
        tpu.vector_store %arg8[%swap3A_1611, %swap3A_1612], %swap3A_1615 {strides = array<i32>} : memref<200x64xf32, #tpu.memory_space<vmem>>, vector<1x16xf32>,
        %slice3A_1616 = vector.extract_strided_slice %max3A_1542 {offsets = [1], sizes = [1], strides = [1]} : vector<16xf32> to vector<1xf32>
        %squeeze3A_1617 = vector.extract %slice3A_1616[0] : f32 from vector<1xf32>
        %broadcast_in_dim3A_1618 = vector.broadcast %squeeze3A_1617 : f32 to vector<16xf32>
        %slice3A_1619 = vector.extract_strided_slice %neg3A_1547 {offsets = [1], sizes = [1], strides = [1]} : vector<16xf32> to vector<1xf32>
        %squeeze3A_1620 = vector.extract %slice3A_1619[0] : f32 from vector<1xf32>
        %broadcast_in_dim3A_1621 = vector.broadcast %squeeze3A_1620 : f32 to vector<16xf32>
        %add3A_1622 = arith.constant 1 : i32
        %add3A_1623 = arith.addi %mul3A_1544, %add3A_1622 : i32
        %get3A_1624 = arith.constant 0 : i32
        %get3A_1625 = arith.index_cast %get3A_1624 : i32 to index
        %get3A_1626 = arith.index_cast %add3A_1623 : i32 to index
        %get3A_1627 = arith.constant 0 : index
        %get3A_1628 = tpu.vector_load %arg7[%get3A_1625, %get3A_1626, %get3A_1627] {strides = array<i32>} : memref<2x200x128xf32, #tpu.memory_space<vmem>>, vector<1x1x16xf32>,
        %get3A_1629 = vector.shape_cast %get3A_1628 : vector<1x1x16xf32> to vector<16xf32>
        %lt3A_1630 = arith.constant 0.000000e+00 : f32
        %lt3A_1631 = vector.broadcast %lt3A_1630 : f32 to vector<16xf32>
        %lt3A_1632 = arith.cmpf olt, %get3A_1629, %lt3A_1631 : vector<16xf32>
        %select_n3A_1633 = arith.select %lt3A_1632, %broadcast_in_dim3A_1621, %broadcast_in_dim3A_1618 : vector<16xi1>, vector<16xf32>
        %swap3A_1634 = arith.index_cast %add3A_1623 : i32 to index
        %swap3A_1635 = arith.constant 0 : index
        %swap3A_1636 = tpu.vector_load %arg8[%swap3A_1634, %swap3A_1635] {strides = array<i32>} : memref<200x64xf32, #tpu.memory_space<vmem>>, vector<1x16xf32>,
        %swap3A_1637 = vector.shape_cast %swap3A_1636 : vector<1x16xf32> to vector<16xf32>
        %swap3A_1638 = vector.shape_cast %select_n3A_1633 : vector<16xf32> to vector<1x16xf32>
        tpu.vector_store %arg8[%swap3A_1634, %swap3A_1635], %swap3A_1638 {strides = array<i32>} : memref<200x64xf32, #tpu.memory_space<vmem>>, vector<1x16xf32>,
        %get3A_1639 = arith.constant 0 : i32
        %get3A_1640 = arith.index_cast %get3A_1639 : i32 to index
        %get3A_1641 = arith.index_cast %add3A_1623 : i32 to index
        %get3A_1642 = arith.constant 16 : index
        %get3A_1643 = tpu.vector_load %arg7[%get3A_1640, %get3A_1641, %get3A_1642] {strides = array<i32>} : memref<2x200x128xf32, #tpu.memory_space<vmem>>, vector<1x1x16xf32>,
        %get3A_1644 = vector.shape_cast %get3A_1643 : vector<1x1x16xf32> to vector<16xf32>
        %lt3A_1645 = arith.constant 0.000000e+00 : f32
        %lt3A_1646 = vector.broadcast %lt3A_1645 : f32 to vector<16xf32>
        %lt3A_1647 = arith.cmpf olt, %get3A_1644, %lt3A_1646 : vector<16xf32>
        %select_n3A_1648 = arith.select %lt3A_1647, %broadcast_in_dim3A_1621, %broadcast_in_dim3A_1618 : vector<16xi1>, vector<16xf32>
        %swap3A_1649 = arith.index_cast %add3A_1623 : i32 to index
        %swap3A_1650 = arith.constant 16 : index
        %swap3A_1651 = tpu.vector_load %arg8[%swap3A_1649, %swap3A_1650] {strides = array<i32>} : memref<200x64xf32, #tpu.memory_space<vmem>>, vector<1x16xf32>,
        %swap3A_1652 = vector.shape_cast %swap3A_1651 : vector<1x16xf32> to vector<16xf32>
        %swap3A_1653 = vector.shape_cast %select_n3A_1648 : vector<16xf32> to vector<1x16xf32>
        tpu.vector_store %arg8[%swap3A_1649, %swap3A_1650], %swap3A_1653 {strides = array<i32>} : memref<200x64xf32, #tpu.memory_space<vmem>>, vector<1x16xf32>,
        %get3A_1654 = arith.constant 0 : i32
        %get3A_1655 = arith.index_cast %get3A_1654 : i32 to index
        %get3A_1656 = arith.index_cast %add3A_1623 : i32 to index
        %get3A_1657 = arith.constant 32 : index
        %get3A_1658 = tpu.vector_load %arg7[%get3A_1655, %get3A_1656, %get3A_1657] {strides = array<i32>} : memref<2x200x128xf32, #tpu.memory_space<vmem>>, vector<1x1x16xf32>,
        %get3A_1659 = vector.shape_cast %get3A_1658 : vector<1x1x16xf32> to vector<16xf32>
        %lt3A_1660 = arith.constant 0.000000e+00 : f32
        %lt3A_1661 = vector.broadcast %lt3A_1660 : f32 to vector<16xf32>
        %lt3A_1662 = arith.cmpf olt, %get3A_1659, %lt3A_1661 : vector<16xf32>
        %select_n3A_1663 = arith.select %lt3A_1662, %broadcast_in_dim3A_1621, %broadcast_in_dim3A_1618 : vector<16xi1>, vector<16xf32>
        %swap3A_1664 = arith.index_cast %add3A_1623 : i32 to index
        %swap3A_1665 = arith.constant 32 : index
        %swap3A_1666 = tpu.vector_load %arg8[%swap3A_1664, %swap3A_1665] {strides = array<i32>} : memref<200x64xf32, #tpu.memory_space<vmem>>, vector<1x16xf32>,
        %swap3A_1667 = vector.shape_cast %swap3A_1666 : vector<1x16xf32> to vector<16xf32>
        %swap3A_1668 = vector.shape_cast %select_n3A_1663 : vector<16xf32> to vector<1x16xf32>
        tpu.vector_store %arg8[%swap3A_1664, %swap3A_1665], %swap3A_1668 {strides = array<i32>} : memref<200x64xf32, #tpu.memory_space<vmem>>, vector<1x16xf32>,
        %get3A_1669 = arith.constant 0 : i32
        %get3A_1670 = arith.index_cast %get3A_1669 : i32 to index
        %get3A_1671 = arith.index_cast %add3A_1623 : i32 to index
        %get3A_1672 = arith.constant 48 : index
        %get3A_1673 = tpu.vector_load %arg7[%get3A_1670, %get3A_1671, %get3A_1672] {strides = array<i32>} : memref<2x200x128xf32, #tpu.memory_space<vmem>>, vector<1x1x16xf32>,
        %get3A_1674 = vector.shape_cast %get3A_1673 : vector<1x1x16xf32> to vector<16xf32>
        %lt3A_1675 = arith.constant 0.000000e+00 : f32
        %lt3A_1676 = vector.broadcast %lt3A_1675 : f32 to vector<16xf32>
        %lt3A_1677 = arith.cmpf olt, %get3A_1674, %lt3A_1676 : vector<16xf32>
        %select_n3A_1678 = arith.select %lt3A_1677, %broadcast_in_dim3A_1621, %broadcast_in_dim3A_1618 : vector<16xi1>, vector<16xf32>
        %swap3A_1679 = arith.index_cast %add3A_1623 : i32 to index
        %swap3A_1680 = arith.constant 48 : index
        %swap3A_1681 = tpu.vector_load %arg8[%swap3A_1679, %swap3A_1680] {strides = array<i32>} : memref<200x64xf32, #tpu.memory_space<vmem>>, vector<1x16xf32>,
        %swap3A_1682 = vector.shape_cast %swap3A_1681 : vector<1x16xf32> to vector<16xf32>
        %swap3A_1683 = vector.shape_cast %select_n3A_1678 : vector<16xf32> to vector<1x16xf32>
        tpu.vector_store %arg8[%swap3A_1679, %swap3A_1680], %swap3A_1683 {strides = array<i32>} : memref<200x64xf32, #tpu.memory_space<vmem>>, vector<1x16xf32>,
        %slice3A_1684 = vector.extract_strided_slice %max3A_1542 {offsets = [2], sizes = [1], strides = [1]} : vector<16xf32> to vector<1xf32>
        %squeeze3A_1685 = vector.extract %slice3A_1684[0] : f32 from vector<1xf32>
        %broadcast_in_dim3A_1686 = vector.broadcast %squeeze3A_1685 : f32 to vector<16xf32>
        %slice3A_1687 = vector.extract_strided_slice %neg3A_1547 {offsets = [2], sizes = [1], strides = [1]} : vector<16xf32> to vector<1xf32>
        %squeeze3A_1688 = vector.extract %slice3A_1687[0] : f32 from vector<1xf32>
        %broadcast_in_dim3A_1689 = vector.broadcast %squeeze3A_1688 : f32 to vector<16xf32>
        %add3A_1690 = arith.constant 2 : i32
        %add3A_1691 = arith.addi %mul3A_1544, %add3A_1690 : i32
        %get3A_1692 = arith.constant 0 : i32
        %get3A_1693 = arith.index_cast %get3A_1692 : i32 to index
        %get3A_1694 = arith.index_cast %add3A_1691 : i32 to index
        %get3A_1695 = arith.constant 0 : index
        %get3A_1696 = tpu.vector_load %arg7[%get3A_1693, %get3A_1694, %get3A_1695] {strides = array<i32>} : memref<2x200x128xf32, #tpu.memory_space<vmem>>, vector<1x1x16xf32>,
        %get3A_1697 = vector.shape_cast %get3A_1696 : vector<1x1x16xf32> to vector<16xf32>
        %lt3A_1698 = arith.constant 0.000000e+00 : f32
        %lt3A_1699 = vector.broadcast %lt3A_1698 : f32 to vector<16xf32>
        %lt3A_1700 = arith.cmpf olt, %get3A_1697, %lt3A_1699 : vector<16xf32>
        %select_n3A_1701 = arith.select %lt3A_1700, %broadcast_in_dim3A_1689, %broadcast_in_dim3A_1686 : vector<16xi1>, vector<16xf32>
        %swap3A_1702 = arith.index_cast %add3A_1691 : i32 to index
        %swap3A_1703 = arith.constant 0 : index
        %swap3A_1704 = tpu.vector_load %arg8[%swap3A_1702, %swap3A_1703] {strides = array<i32>} : memref<200x64xf32, #tpu.memory_space<vmem>>, vector<1x16xf32>,
        %swap3A_1705 = vector.shape_cast %swap3A_1704 : vector<1x16xf32> to vector<16xf32>
        %swap3A_1706 = vector.shape_cast %select_n3A_1701 : vector<16xf32> to vector<1x16xf32>
        tpu.vector_store %arg8[%swap3A_1702, %swap3A_1703], %swap3A_1706 {strides = array<i32>} : memref<200x64xf32, #tpu.memory_space<vmem>>, vector<1x16xf32>,
        %get3A_1707 = arith.constant 0 : i32
        %get3A_1708 = arith.index_cast %get3A_1707 : i32 to index
        %get3A_1709 = arith.index_cast %add3A_1691 : i32 to index
        %get3A_1710 = arith.constant 16 : index
        %get3A_1711 = tpu.vector_load %arg7[%get3A_1708, %get3A_1709, %get3A_1710] {strides = array<i32>} : memref<2x200x128xf32, #tpu.memory_space<vmem>>, vector<1x1x16xf32>,
        %get3A_1712 = vector.shape_cast %get3A_1711 : vector<1x1x16xf32> to vector<16xf32>
        %lt3A_1713 = arith.constant 0.000000e+00 : f32
        %lt3A_1714 = vector.broadcast %lt3A_1713 : f32 to vector<16xf32>
        %lt3A_1715 = arith.cmpf olt, %get3A_1712, %lt3A_1714 : vector<16xf32>
        %select_n3A_1716 = arith.select %lt3A_1715, %broadcast_in_dim3A_1689, %broadcast_in_dim3A_1686 : vector<16xi1>, vector<16xf32>
        %swap3A_1717 = arith.index_cast %add3A_1691 : i32 to index
        %swap3A_1718 = arith.constant 16 : index
        %swap3A_1719 = tpu.vector_load %arg8[%swap3A_1717, %swap3A_1718] {strides = array<i32>} : memref<200x64xf32, #tpu.memory_space<vmem>>, vector<1x16xf32>,
        %swap3A_1720 = vector.shape_cast %swap3A_1719 : vector<1x16xf32> to vector<16xf32>
        %swap3A_1721 = vector.shape_cast %select_n3A_1716 : vector<16xf32> to vector<1x16xf32>
        tpu.vector_store %arg8[%swap3A_1717, %swap3A_1718], %swap3A_1721 {strides = array<i32>} : memref<200x64xf32, #tpu.memory_space<vmem>>, vector<1x16xf32>,
        %get3A_1722 = arith.constant 0 : i32
        %get3A_1723 = arith.index_cast %get3A_1722 : i32 to index
        %get3A_1724 = arith.index_cast %add3A_1691 : i32 to index
        %get3A_1725 = arith.constant 32 : index
        %get3A_1726 = tpu.vector_load %arg7[%get3A_1723, %get3A_1724, %get3A_1725] {strides = array<i32>} : memref<2x200x128xf32, #tpu.memory_space<vmem>>, vector<1x1x16xf32>,
        %get3A_1727 = vector.shape_cast %get3A_1726 : vector<1x1x16xf32> to vector<16xf32>
        %lt3A_1728 = arith.constant 0.000000e+00 : f32
        %lt3A_1729 = vector.broadcast %lt3A_1728 : f32 to vector<16xf32>
        %lt3A_1730 = arith.cmpf olt, %get3A_1727, %lt3A_1729 : vector<16xf32>
        %select_n3A_1731 = arith.select %lt3A_1730, %broadcast_in_dim3A_1689, %broadcast_in_dim3A_1686 : vector<16xi1>, vector<16xf32>
        %swap3A_1732 = arith.index_cast %add3A_1691 : i32 to index
        %swap3A_1733 = arith.constant 32 : index
        %swap3A_1734 = tpu.vector_load %arg8[%swap3A_1732, %swap3A_1733] {strides = array<i32>} : memref<200x64xf32, #tpu.memory_space<vmem>>, vector<1x16xf32>,
        %swap3A_1735 = vector.shape_cast %swap3A_1734 : vector<1x16xf32> to vector<16xf32>
        %swap3A_1736 = vector.shape_cast %select_n3A_1731 : vector<16xf32> to vector<1x16xf32>
        tpu.vector_store %arg8[%swap3A_1732, %swap3A_1733], %swap3A_1736 {strides = array<i32>} : memref<200x64xf32, #tpu.memory_space<vmem>>, vector<1x16xf32>,
        %get3A_1737 = arith.constant 0 : i32
        %get3A_1738 = arith.index_cast %get3A_1737 : i32 to index
        %get3A_1739 = arith.index_cast %add3A_1691 : i32 to index
        %get3A_1740 = arith.constant 48 : index
        %get3A_1741 = tpu.vector_load %arg7[%get3A_1738, %get3A_1739, %get3A_1740] {strides = array<i32>} : memref<2x200x128xf32, #tpu.memory_space<vmem>>, vector<1x1x16xf32>,
        %get3A_1742 = vector.shape_cast %get3A_1741 : vector<1x1x16xf32> to vector<16xf32>
        %lt3A_1743 = arith.constant 0.000000e+00 : f32
        %lt3A_1744 = vector.broadcast %lt3A_1743 : f32 to vector<16xf32>
        %lt3A_1745 = arith.cmpf olt, %get3A_1742, %lt3A_1744 : vector<16xf32>
        %select_n3A_1746 = arith.select %lt3A_1745, %broadcast_in_dim3A_1689, %broadcast_in_dim3A_1686 : vector<16xi1>, vector<16xf32>
        %swap3A_1747 = arith.index_cast %add3A_1691 : i32 to index
        %swap3A_1748 = arith.constant 48 : index
        %swap3A_1749 = tpu.vector_load %arg8[%swap3A_1747, %swap3A_1748] {strides = array<i32>} : memref<200x64xf32, #tpu.memory_space<vmem>>, vector<1x16xf32>,
        %swap3A_1750 = vector.shape_cast %swap3A_1749 : vector<1x16xf32> to vector<16xf32>
        %swap3A_1751 = vector.shape_cast %select_n3A_1746 : vector<16xf32> to vector<1x16xf32>
        tpu.vector_store %arg8[%swap3A_1747, %swap3A_1748], %swap3A_1751 {strides = array<i32>} : memref<200x64xf32, #tpu.memory_space<vmem>>, vector<1x16xf32>,
        %slice3A_1752 = vector.extract_strided_slice %max3A_1542 {offsets = [3], sizes = [1], strides = [1]} : vector<16xf32> to vector<1xf32>
        %squeeze3A_1753 = vector.extract %slice3A_1752[0] : f32 from vector<1xf32>
        %broadcast_in_dim3A_1754 = vector.broadcast %squeeze3A_1753 : f32 to vector<16xf32>
        %slice3A_1755 = vector.extract_strided_slice %neg3A_1547 {offsets = [3], sizes = [1], strides = [1]} : vector<16xf32> to vector<1xf32>
        %squeeze3A_1756 = vector.extract %slice3A_1755[0] : f32 from vector<1xf32>
        %broadcast_in_dim3A_1757 = vector.broadcast %squeeze3A_1756 : f32 to vector<16xf32>
        %add3A_1758 = arith.constant 3 : i32
        %add3A_1759 = arith.addi %mul3A_1544, %add3A_1758 : i32
        %get3A_1760 = arith.constant 0 : i32
        %get3A_1761 = arith.index_cast %get3A_1760 : i32 to index
        %get3A_1762 = arith.index_cast %add3A_1759 : i32 to index
        %get3A_1763 = arith.constant 0 : index
        %get3A_1764 = tpu.vector_load %arg7[%get3A_1761, %get3A_1762, %get3A_1763] {strides = array<i32>} : memref<2x200x128xf32, #tpu.memory_space<vmem>>, vector<1x1x16xf32>,
        %get3A_1765 = vector.shape_cast %get3A_1764 : vector<1x1x16xf32> to vector<16xf32>
        %lt3A_1766 = arith.constant 0.000000e+00 : f32
        %lt3A_1767 = vector.broadcast %lt3A_1766 : f32 to vector<16xf32>
        %lt3A_1768 = arith.cmpf olt, %get3A_1765, %lt3A_1767 : vector<16xf32>
        %select_n3A_1769 = arith.select %lt3A_1768, %broadcast_in_dim3A_1757, %broadcast_in_dim3A_1754 : vector<16xi1>, vector<16xf32>
        %swap3A_1770 = arith.index_cast %add3A_1759 : i32 to index
        %swap3A_1771 = arith.constant 0 : index
        %swap3A_1772 = tpu.vector_load %arg8[%swap3A_1770, %swap3A_1771] {strides = array<i32>} : memref<200x64xf32, #tpu.memory_space<vmem>>, vector<1x16xf32>,
        %swap3A_1773 = vector.shape_cast %swap3A_1772 : vector<1x16xf32> to vector<16xf32>
        %swap3A_1774 = vector.shape_cast %select_n3A_1769 : vector<16xf32> to vector<1x16xf32>
        tpu.vector_store %arg8[%swap3A_1770, %swap3A_1771], %swap3A_1774 {strides = array<i32>} : memref<200x64xf32, #tpu.memory_space<vmem>>, vector<1x16xf32>,
        %get3A_1775 = arith.constant 0 : i32
        %get3A_1776 = arith.index_cast %get3A_1775 : i32 to index
        %get3A_1777 = arith.index_cast %add3A_1759 : i32 to index
        %get3A_1778 = arith.constant 16 : index
        %get3A_1779 = tpu.vector_load %arg7[%get3A_1776, %get3A_1777, %get3A_1778] {strides = array<i32>} : memref<2x200x128xf32, #tpu.memory_space<vmem>>, vector<1x1x16xf32>,
        %get3A_1780 = vector.shape_cast %get3A_1779 : vector<1x1x16xf32> to vector<16xf32>
        %lt3A_1781 = arith.constant 0.000000e+00 : f32
        %lt3A_1782 = vector.broadcast %lt3A_1781 : f32 to vector<16xf32>
        %lt3A_1783 = arith.cmpf olt, %get3A_1780, %lt3A_1782 : vector<16xf32>
        %select_n3A_1784 = arith.select %lt3A_1783, %broadcast_in_dim3A_1757, %broadcast_in_dim3A_1754 : vector<16xi1>, vector<16xf32>
        %swap3A_1785 = arith.index_cast %add3A_1759 : i32 to index
        %swap3A_1786 = arith.constant 16 : index
        %swap3A_1787 = tpu.vector_load %arg8[%swap3A_1785, %swap3A_1786] {strides = array<i32>} : memref<200x64xf32, #tpu.memory_space<vmem>>, vector<1x16xf32>,
        %swap3A_1788 = vector.shape_cast %swap3A_1787 : vector<1x16xf32> to vector<16xf32>
        %swap3A_1789 = vector.shape_cast %select_n3A_1784 : vector<16xf32> to vector<1x16xf32>
        tpu.vector_store %arg8[%swap3A_1785, %swap3A_1786], %swap3A_1789 {strides = array<i32>} : memref<200x64xf32, #tpu.memory_space<vmem>>, vector<1x16xf32>,
        %get3A_1790 = arith.constant 0 : i32
        %get3A_1791 = arith.index_cast %get3A_1790 : i32 to index
        %get3A_1792 = arith.index_cast %add3A_1759 : i32 to index
        %get3A_1793 = arith.constant 32 : index
        %get3A_1794 = tpu.vector_load %arg7[%get3A_1791, %get3A_1792, %get3A_1793] {strides = array<i32>} : memref<2x200x128xf32, #tpu.memory_space<vmem>>, vector<1x1x16xf32>,
        %get3A_1795 = vector.shape_cast %get3A_1794 : vector<1x1x16xf32> to vector<16xf32>
        %lt3A_1796 = arith.constant 0.000000e+00 : f32
        %lt3A_1797 = vector.broadcast %lt3A_1796 : f32 to vector<16xf32>
        %lt3A_1798 = arith.cmpf olt, %get3A_1795, %lt3A_1797 : vector<16xf32>
        %select_n3A_1799 = arith.select %lt3A_1798, %broadcast_in_dim3A_1757, %broadcast_in_dim3A_1754 : vector<16xi1>, vector<16xf32>
        %swap3A_1800 = arith.index_cast %add3A_1759 : i32 to index
        %swap3A_1801 = arith.constant 32 : index
        %swap3A_1802 = tpu.vector_load %arg8[%swap3A_1800, %swap3A_1801] {strides = array<i32>} : memref<200x64xf32, #tpu.memory_space<vmem>>, vector<1x16xf32>,
        %swap3A_1803 = vector.shape_cast %swap3A_1802 : vector<1x16xf32> to vector<16xf32>
        %swap3A_1804 = vector.shape_cast %select_n3A_1799 : vector<16xf32> to vector<1x16xf32>
        tpu.vector_store %arg8[%swap3A_1800, %swap3A_1801], %swap3A_1804 {strides = array<i32>} : memref<200x64xf32, #tpu.memory_space<vmem>>, vector<1x16xf32>,
        %get3A_1805 = arith.constant 0 : i32
        %get3A_1806 = arith.index_cast %get3A_1805 : i32 to index
        %get3A_1807 = arith.index_cast %add3A_1759 : i32 to index
        %get3A_1808 = arith.constant 48 : index
        %get3A_1809 = tpu.vector_load %arg7[%get3A_1806, %get3A_1807, %get3A_1808] {strides = array<i32>} : memref<2x200x128xf32, #tpu.memory_space<vmem>>, vector<1x1x16xf32>,
        %get3A_1810 = vector.shape_cast %get3A_1809 : vector<1x1x16xf32> to vector<16xf32>
        %lt3A_1811 = arith.constant 0.000000e+00 : f32
        %lt3A_1812 = vector.broadcast %lt3A_1811 : f32 to vector<16xf32>
        %lt3A_1813 = arith.cmpf olt, %get3A_1810, %lt3A_1812 : vector<16xf32>
        %select_n3A_1814 = arith.select %lt3A_1813, %broadcast_in_dim3A_1757, %broadcast_in_dim3A_1754 : vector<16xi1>, vector<16xf32>
        %swap3A_1815 = arith.index_cast %add3A_1759 : i32 to index
        %swap3A_1816 = arith.constant 48 : index
        %swap3A_1817 = tpu.vector_load %arg8[%swap3A_1815, %swap3A_1816] {strides = array<i32>} : memref<200x64xf32, #tpu.memory_space<vmem>>, vector<1x16xf32>,
        %swap3A_1818 = vector.shape_cast %swap3A_1817 : vector<1x16xf32> to vector<16xf32>
        %swap3A_1819 = vector.shape_cast %select_n3A_1814 : vector<16xf32> to vector<1x16xf32>
        tpu.vector_store %arg8[%swap3A_1815, %swap3A_1816], %swap3A_1819 {strides = array<i32>} : memref<200x64xf32, #tpu.memory_space<vmem>>, vector<1x16xf32>,
        %slice3A_1820 = vector.extract_strided_slice %max3A_1542 {offsets = [4], sizes = [1], strides = [1]} : vector<16xf32> to vector<1xf32>
        %squeeze3A_1821 = vector.extract %slice3A_1820[0] : f32 from vector<1xf32>
        %broadcast_in_dim3A_1822 = vector.broadcast %squeeze3A_1821 : f32 to vector<16xf32>
        %slice3A_1823 = vector.extract_strided_slice %neg3A_1547 {offsets = [4], sizes = [1], strides = [1]} : vector<16xf32> to vector<1xf32>
        %squeeze3A_1824 = vector.extract %slice3A_1823[0] : f32 from vector<1xf32>
        %broadcast_in_dim3A_1825 = vector.broadcast %squeeze3A_1824 : f32 to vector<16xf32>
        %add3A_1826 = arith.constant 4 : i32
        %add3A_1827 = arith.addi %mul3A_1544, %add3A_1826 : i32
        %get3A_1828 = arith.constant 0 : i32
        %get3A_1829 = arith.index_cast %get3A_1828 : i32 to index
        %get3A_1830 = arith.index_cast %add3A_1827 : i32 to index
        %get3A_1831 = arith.constant 0 : index
        %get3A_1832 = tpu.vector_load %arg7[%get3A_1829, %get3A_1830, %get3A_1831] {strides = array<i32>} : memref<2x200x128xf32, #tpu.memory_space<vmem>>, vector<1x1x16xf32>,
        %get3A_1833 = vector.shape_cast %get3A_1832 : vector<1x1x16xf32> to vector<16xf32>
        %lt3A_1834 = arith.constant 0.000000e+00 : f32
        %lt3A_1835 = vector.broadcast %lt3A_1834 : f32 to vector<16xf32>
        %lt3A_1836 = arith.cmpf olt, %get3A_1833, %lt3A_1835 : vector<16xf32>
        %select_n3A_1837 = arith.select %lt3A_1836, %broadcast_in_dim3A_1825, %broadcast_in_dim3A_1822 : vector<16xi1>, vector<16xf32>
        %swap3A_1838 = arith.index_cast %add3A_1827 : i32 to index
        %swap3A_1839 = arith.constant 0 : index
        %swap3A_1840 = tpu.vector_load %arg8[%swap3A_1838, %swap3A_1839] {strides = array<i32>} : memref<200x64xf32, #tpu.memory_space<vmem>>, vector<1x16xf32>,
        %swap3A_1841 = vector.shape_cast %swap3A_1840 : vector<1x16xf32> to vector<16xf32>
        %swap3A_1842 = vector.shape_cast %select_n3A_1837 : vector<16xf32> to vector<1x16xf32>
        tpu.vector_store %arg8[%swap3A_1838, %swap3A_1839], %swap3A_1842 {strides = array<i32>} : memref<200x64xf32, #tpu.memory_space<vmem>>, vector<1x16xf32>,
        %get3A_1843 = arith.constant 0 : i32
        %get3A_1844 = arith.index_cast %get3A_1843 : i32 to index
        %get3A_1845 = arith.index_cast %add3A_1827 : i32 to index
        %get3A_1846 = arith.constant 16 : index
        %get3A_1847 = tpu.vector_load %arg7[%get3A_1844, %get3A_1845, %get3A_1846] {strides = array<i32>} : memref<2x200x128xf32, #tpu.memory_space<vmem>>, vector<1x1x16xf32>,
        %get3A_1848 = vector.shape_cast %get3A_1847 : vector<1x1x16xf32> to vector<16xf32>
        %lt3A_1849 = arith.constant 0.000000e+00 : f32
        %lt3A_1850 = vector.broadcast %lt3A_1849 : f32 to vector<16xf32>
        %lt3A_1851 = arith.cmpf olt, %get3A_1848, %lt3A_1850 : vector<16xf32>
        %select_n3A_1852 = arith.select %lt3A_1851, %broadcast_in_dim3A_1825, %broadcast_in_dim3A_1822 : vector<16xi1>, vector<16xf32>
        %swap3A_1853 = arith.index_cast %add3A_1827 : i32 to index
        %swap3A_1854 = arith.constant 16 : index
        %swap3A_1855 = tpu.vector_load %arg8[%swap3A_1853, %swap3A_1854] {strides = array<i32>} : memref<200x64xf32, #tpu.memory_space<vmem>>, vector<1x16xf32>,
        %swap3A_1856 = vector.shape_cast %swap3A_1855 : vector<1x16xf32> to vector<16xf32>
        %swap3A_1857 = vector.shape_cast %select_n3A_1852 : vector<16xf32> to vector<1x16xf32>
        tpu.vector_store %arg8[%swap3A_1853, %swap3A_1854], %swap3A_1857 {strides = array<i32>} : memref<200x64xf32, #tpu.memory_space<vmem>>, vector<1x16xf32>,
        %get3A_1858 = arith.constant 0 : i32
        %get3A_1859 = arith.index_cast %get3A_1858 : i32 to index
        %get3A_1860 = arith.index_cast %add3A_1827 : i32 to index
        %get3A_1861 = arith.constant 32 : index
        %get3A_1862 = tpu.vector_load %arg7[%get3A_1859, %get3A_1860, %get3A_1861] {strides = array<i32>} : memref<2x200x128xf32, #tpu.memory_space<vmem>>, vector<1x1x16xf32>,
        %get3A_1863 = vector.shape_cast %get3A_1862 : vector<1x1x16xf32> to vector<16xf32>
        %lt3A_1864 = arith.constant 0.000000e+00 : f32
        %lt3A_1865 = vector.broadcast %lt3A_1864 : f32 to vector<16xf32>
        %lt3A_1866 = arith.cmpf olt, %get3A_1863, %lt3A_1865 : vector<16xf32>
        %select_n3A_1867 = arith.select %lt3A_1866, %broadcast_in_dim3A_1825, %broadcast_in_dim3A_1822 : vector<16xi1>, vector<16xf32>
        %swap3A_1868 = arith.index_cast %add3A_1827 : i32 to index
        %swap3A_1869 = arith.constant 32 : index
        %swap3A_1870 = tpu.vector_load %arg8[%swap3A_1868, %swap3A_1869] {strides = array<i32>} : memref<200x64xf32, #tpu.memory_space<vmem>>, vector<1x16xf32>,
        %swap3A_1871 = vector.shape_cast %swap3A_1870 : vector<1x16xf32> to vector<16xf32>
        %swap3A_1872 = vector.shape_cast %select_n3A_1867 : vector<16xf32> to vector<1x16xf32>
        tpu.vector_store %arg8[%swap3A_1868, %swap3A_1869], %swap3A_1872 {strides = array<i32>} : memref<200x64xf32, #tpu.memory_space<vmem>>, vector<1x16xf32>,
        %get3A_1873 = arith.constant 0 : i32
        %get3A_1874 = arith.index_cast %get3A_1873 : i32 to index
        %get3A_1875 = arith.index_cast %add3A_1827 : i32 to index
        %get3A_1876 = arith.constant 48 : index
        %get3A_1877 = tpu.vector_load %arg7[%get3A_1874, %get3A_1875, %get3A_1876] {strides = array<i32>} : memref<2x200x128xf32, #tpu.memory_space<vmem>>, vector<1x1x16xf32>,
        %get3A_1878 = vector.shape_cast %get3A_1877 : vector<1x1x16xf32> to vector<16xf32>
        %lt3A_1879 = arith.constant 0.000000e+00 : f32
        %lt3A_1880 = vector.broadcast %lt3A_1879 : f32 to vector<16xf32>
        %lt3A_1881 = arith.cmpf olt, %get3A_1878, %lt3A_1880 : vector<16xf32>
        %select_n3A_1882 = arith.select %lt3A_1881, %broadcast_in_dim3A_1825, %broadcast_in_dim3A_1822 : vector<16xi1>, vector<16xf32>
        %swap3A_1883 = arith.index_cast %add3A_1827 : i32 to index
        %swap3A_1884 = arith.constant 48 : index
        %swap3A_1885 = tpu.vector_load %arg8[%swap3A_1883, %swap3A_1884] {strides = array<i32>} : memref<200x64xf32, #tpu.memory_space<vmem>>, vector<1x16xf32>,
        %swap3A_1886 = vector.shape_cast %swap3A_1885 : vector<1x16xf32> to vector<16xf32>
        %swap3A_1887 = vector.shape_cast %select_n3A_1882 : vector<16xf32> to vector<1x16xf32>
        tpu.vector_store %arg8[%swap3A_1883, %swap3A_1884], %swap3A_1887 {strides = array<i32>} : memref<200x64xf32, #tpu.memory_space<vmem>>, vector<1x16xf32>,
        %slice3A_1888 = vector.extract_strided_slice %max3A_1542 {offsets = [5], sizes = [1], strides = [1]} : vector<16xf32> to vector<1xf32>
        %squeeze3A_1889 = vector.extract %slice3A_1888[0] : f32 from vector<1xf32>
        %broadcast_in_dim3A_1890 = vector.broadcast %squeeze3A_1889 : f32 to vector<16xf32>
        %slice3A_1891 = vector.extract_strided_slice %neg3A_1547 {offsets = [5], sizes = [1], strides = [1]} : vector<16xf32> to vector<1xf32>
        %squeeze3A_1892 = vector.extract %slice3A_1891[0] : f32 from vector<1xf32>
        %broadcast_in_dim3A_1893 = vector.broadcast %squeeze3A_1892 : f32 to vector<16xf32>
        %add3A_1894 = arith.constant 5 : i32
        %add3A_1895 = arith.addi %mul3A_1544, %add3A_1894 : i32
        %get3A_1896 = arith.constant 0 : i32
        %get3A_1897 = arith.index_cast %get3A_1896 : i32 to index
        %get3A_1898 = arith.index_cast %add3A_1895 : i32 to index
        %get3A_1899 = arith.constant 0 : index
        %get3A_1900 = tpu.vector_load %arg7[%get3A_1897, %get3A_1898, %get3A_1899] {strides = array<i32>} : memref<2x200x128xf32, #tpu.memory_space<vmem>>, vector<1x1x16xf32>,
        %get3A_1901 = vector.shape_cast %get3A_1900 : vector<1x1x16xf32> to vector<16xf32>
        %lt3A_1902 = arith.constant 0.000000e+00 : f32
        %lt3A_1903 = vector.broadcast %lt3A_1902 : f32 to vector<16xf32>
        %lt3A_1904 = arith.cmpf olt, %get3A_1901, %lt3A_1903 : vector<16xf32>
        %select_n3A_1905 = arith.select %lt3A_1904, %broadcast_in_dim3A_1893, %broadcast_in_dim3A_1890 : vector<16xi1>, vector<16xf32>
        %swap3A_1906 = arith.index_cast %add3A_1895 : i32 to index
        %swap3A_1907 = arith.constant 0 : index
        %swap3A_1908 = tpu.vector_load %arg8[%swap3A_1906, %swap3A_1907] {strides = array<i32>} : memref<200x64xf32, #tpu.memory_space<vmem>>, vector<1x16xf32>,
        %swap3A_1909 = vector.shape_cast %swap3A_1908 : vector<1x16xf32> to vector<16xf32>
        %swap3A_1910 = vector.shape_cast %select_n3A_1905 : vector<16xf32> to vector<1x16xf32>
        tpu.vector_store %arg8[%swap3A_1906, %swap3A_1907], %swap3A_1910 {strides = array<i32>} : memref<200x64xf32, #tpu.memory_space<vmem>>, vector<1x16xf32>,
        %get3A_1911 = arith.constant 0 : i32
        %get3A_1912 = arith.index_cast %get3A_1911 : i32 to index
        %get3A_1913 = arith.index_cast %add3A_1895 : i32 to index
        %get3A_1914 = arith.constant 16 : index
        %get3A_1915 = tpu.vector_load %arg7[%get3A_1912, %get3A_1913, %get3A_1914] {strides = array<i32>} : memref<2x200x128xf32, #tpu.memory_space<vmem>>, vector<1x1x16xf32>,
        %get3A_1916 = vector.shape_cast %get3A_1915 : vector<1x1x16xf32> to vector<16xf32>
        %lt3A_1917 = arith.constant 0.000000e+00 : f32
        %lt3A_1918 = vector.broadcast %lt3A_1917 : f32 to vector<16xf32>
        %lt3A_1919 = arith.cmpf olt, %get3A_1916, %lt3A_1918 : vector<16xf32>
        %select_n3A_1920 = arith.select %lt3A_1919, %broadcast_in_dim3A_1893, %broadcast_in_dim3A_1890 : vector<16xi1>, vector<16xf32>
        %swap3A_1921 = arith.index_cast %add3A_1895 : i32 to index
        %swap3A_1922 = arith.constant 16 : index
        %swap3A_1923 = tpu.vector_load %arg8[%swap3A_1921, %swap3A_1922] {strides = array<i32>} : memref<200x64xf32, #tpu.memory_space<vmem>>, vector<1x16xf32>,
        %swap3A_1924 = vector.shape_cast %swap3A_1923 : vector<1x16xf32> to vector<16xf32>
        %swap3A_1925 = vector.shape_cast %select_n3A_1920 : vector<16xf32> to vector<1x16xf32>
        tpu.vector_store %arg8[%swap3A_1921, %swap3A_1922], %swap3A_1925 {strides = array<i32>} : memref<200x64xf32, #tpu.memory_space<vmem>>, vector<1x16xf32>,
        %get3A_1926 = arith.constant 0 : i32
        %get3A_1927 = arith.index_cast %get3A_1926 : i32 to index
        %get3A_1928 = arith.index_cast %add3A_1895 : i32 to index
        %get3A_1929 = arith.constant 32 : index
        %get3A_1930 = tpu.vector_load %arg7[%get3A_1927, %get3A_1928, %get3A_1929] {strides = array<i32>} : memref<2x200x128xf32, #tpu.memory_space<vmem>>, vector<1x1x16xf32>,
        %get3A_1931 = vector.shape_cast %get3A_1930 : vector<1x1x16xf32> to vector<16xf32>
        %lt3A_1932 = arith.constant 0.000000e+00 : f32
        %lt3A_1933 = vector.broadcast %lt3A_1932 : f32 to vector<16xf32>
        %lt3A_1934 = arith.cmpf olt, %get3A_1931, %lt3A_1933 : vector<16xf32>
        %select_n3A_1935 = arith.select %lt3A_1934, %broadcast_in_dim3A_1893, %broadcast_in_dim3A_1890 : vector<16xi1>, vector<16xf32>
        %swap3A_1936 = arith.index_cast %add3A_1895 : i32 to index
        %swap3A_1937 = arith.constant 32 : index
        %swap3A_1938 = tpu.vector_load %arg8[%swap3A_1936, %swap3A_1937] {strides = array<i32>} : memref<200x64xf32, #tpu.memory_space<vmem>>, vector<1x16xf32>,
        %swap3A_1939 = vector.shape_cast %swap3A_1938 : vector<1x16xf32> to vector<16xf32>
        %swap3A_1940 = vector.shape_cast %select_n3A_1935 : vector<16xf32> to vector<1x16xf32>
        tpu.vector_store %arg8[%swap3A_1936, %swap3A_1937], %swap3A_1940 {strides = array<i32>} : memref<200x64xf32, #tpu.memory_space<vmem>>, vector<1x16xf32>,
        %get3A_1941 = arith.constant 0 : i32
        %get3A_1942 = arith.index_cast %get3A_1941 : i32 to index
        %get3A_1943 = arith.index_cast %add3A_1895 : i32 to index
        %get3A_1944 = arith.constant 48 : index
        %get3A_1945 = tpu.vector_load %arg7[%get3A_1942, %get3A_1943, %get3A_1944] {strides = array<i32>} : memref<2x200x128xf32, #tpu.memory_space<vmem>>, vector<1x1x16xf32>,
        %get3A_1946 = vector.shape_cast %get3A_1945 : vector<1x1x16xf32> to vector<16xf32>
        %lt3A_1947 = arith.constant 0.000000e+00 : f32
        %lt3A_1948 = vector.broadcast %lt3A_1947 : f32 to vector<16xf32>
        %lt3A_1949 = arith.cmpf olt, %get3A_1946, %lt3A_1948 : vector<16xf32>
        %select_n3A_1950 = arith.select %lt3A_1949, %broadcast_in_dim3A_1893, %broadcast_in_dim3A_1890 : vector<16xi1>, vector<16xf32>
        %swap3A_1951 = arith.index_cast %add3A_1895 : i32 to index
        %swap3A_1952 = arith.constant 48 : index
        %swap3A_1953 = tpu.vector_load %arg8[%swap3A_1951, %swap3A_1952] {strides = array<i32>} : memref<200x64xf32, #tpu.memory_space<vmem>>, vector<1x16xf32>,
        %swap3A_1954 = vector.shape_cast %swap3A_1953 : vector<1x16xf32> to vector<16xf32>
        %swap3A_1955 = vector.shape_cast %select_n3A_1950 : vector<16xf32> to vector<1x16xf32>
        tpu.vector_store %arg8[%swap3A_1951, %swap3A_1952], %swap3A_1955 {strides = array<i32>} : memref<200x64xf32, #tpu.memory_space<vmem>>, vector<1x16xf32>,
        %slice3A_1956 = vector.extract_strided_slice %max3A_1542 {offsets = [6], sizes = [1], strides = [1]} : vector<16xf32> to vector<1xf32>
        %squeeze3A_1957 = vector.extract %slice3A_1956[0] : f32 from vector<1xf32>
        %broadcast_in_dim3A_1958 = vector.broadcast %squeeze3A_1957 : f32 to vector<16xf32>
        %slice3A_1959 = vector.extract_strided_slice %neg3A_1547 {offsets = [6], sizes = [1], strides = [1]} : vector<16xf32> to vector<1xf32>
        %squeeze3A_1960 = vector.extract %slice3A_1959[0] : f32 from vector<1xf32>
        %broadcast_in_dim3A_1961 = vector.broadcast %squeeze3A_1960 : f32 to vector<16xf32>
        %add3A_1962 = arith.constant 6 : i32
        %add3A_1963 = arith.addi %mul3A_1544, %add3A_1962 : i32
        %get3A_1964 = arith.constant 0 : i32
        %get3A_1965 = arith.index_cast %get3A_1964 : i32 to index
        %get3A_1966 = arith.index_cast %add3A_1963 : i32 to index
        %get3A_1967 = arith.constant 0 : index
        %get3A_1968 = tpu.vector_load %arg7[%get3A_1965, %get3A_1966, %get3A_1967] {strides = array<i32>} : memref<2x200x128xf32, #tpu.memory_space<vmem>>, vector<1x1x16xf32>,
        %get3A_1969 = vector.shape_cast %get3A_1968 : vector<1x1x16xf32> to vector<16xf32>
        %lt3A_1970 = arith.constant 0.000000e+00 : f32
        %lt3A_1971 = vector.broadcast %lt3A_1970 : f32 to vector<16xf32>
        %lt3A_1972 = arith.cmpf olt, %get3A_1969, %lt3A_1971 : vector<16xf32>
        %select_n3A_1973 = arith.select %lt3A_1972, %broadcast_in_dim3A_1961, %broadcast_in_dim3A_1958 : vector<16xi1>, vector<16xf32>
        %swap3A_1974 = arith.index_cast %add3A_1963 : i32 to index
        %swap3A_1975 = arith.constant 0 : index
        %swap3A_1976 = tpu.vector_load %arg8[%swap3A_1974, %swap3A_1975] {strides = array<i32>} : memref<200x64xf32, #tpu.memory_space<vmem>>, vector<1x16xf32>,
        %swap3A_1977 = vector.shape_cast %swap3A_1976 : vector<1x16xf32> to vector<16xf32>
        %swap3A_1978 = vector.shape_cast %select_n3A_1973 : vector<16xf32> to vector<1x16xf32>
        tpu.vector_store %arg8[%swap3A_1974, %swap3A_1975], %swap3A_1978 {strides = array<i32>} : memref<200x64xf32, #tpu.memory_space<vmem>>, vector<1x16xf32>,
        %get3A_1979 = arith.constant 0 : i32
        %get3A_1980 = arith.index_cast %get3A_1979 : i32 to index
        %get3A_1981 = arith.index_cast %add3A_1963 : i32 to index
        %get3A_1982 = arith.constant 16 : index
        %get3A_1983 = tpu.vector_load %arg7[%get3A_1980, %get3A_1981, %get3A_1982] {strides = array<i32>} : memref<2x200x128xf32, #tpu.memory_space<vmem>>, vector<1x1x16xf32>,
        %get3A_1984 = vector.shape_cast %get3A_1983 : vector<1x1x16xf32> to vector<16xf32>
        %lt3A_1985 = arith.constant 0.000000e+00 : f32
        %lt3A_1986 = vector.broadcast %lt3A_1985 : f32 to vector<16xf32>
        %lt3A_1987 = arith.cmpf olt, %get3A_1984, %lt3A_1986 : vector<16xf32>
        %select_n3A_1988 = arith.select %lt3A_1987, %broadcast_in_dim3A_1961, %broadcast_in_dim3A_1958 : vector<16xi1>, vector<16xf32>
        %swap3A_1989 = arith.index_cast %add3A_1963 : i32 to index
        %swap3A_1990 = arith.constant 16 : index
        %swap3A_1991 = tpu.vector_load %arg8[%swap3A_1989, %swap3A_1990] {strides = array<i32>} : memref<200x64xf32, #tpu.memory_space<vmem>>, vector<1x16xf32>,
        %swap3A_1992 = vector.shape_cast %swap3A_1991 : vector<1x16xf32> to vector<16xf32>
        %swap3A_1993 = vector.shape_cast %select_n3A_1988 : vector<16xf32> to vector<1x16xf32>
        tpu.vector_store %arg8[%swap3A_1989, %swap3A_1990], %swap3A_1993 {strides = array<i32>} : memref<200x64xf32, #tpu.memory_space<vmem>>, vector<1x16xf32>,
        %get3A_1994 = arith.constant 0 : i32
        %get3A_1995 = arith.index_cast %get3A_1994 : i32 to index
        %get3A_1996 = arith.index_cast %add3A_1963 : i32 to index
        %get3A_1997 = arith.constant 32 : index
        %get3A_1998 = tpu.vector_load %arg7[%get3A_1995, %get3A_1996, %get3A_1997] {strides = array<i32>} : memref<2x200x128xf32, #tpu.memory_space<vmem>>, vector<1x1x16xf32>,
        %get3A_1999 = vector.shape_cast %get3A_1998 : vector<1x1x16xf32> to vector<16xf32>
        %lt3A_2000 = arith.constant 0.000000e+00 : f32
        %lt3A_2001 = vector.broadcast %lt3A_2000 : f32 to vector<16xf32>
        %lt3A_2002 = arith.cmpf olt, %get3A_1999, %lt3A_2001 : vector<16xf32>
        %select_n3A_2003 = arith.select %lt3A_2002, %broadcast_in_dim3A_1961, %broadcast_in_dim3A_1958 : vector<16xi1>, vector<16xf32>
        %swap3A_2004 = arith.index_cast %add3A_1963 : i32 to index
        %swap3A_2005 = arith.constant 32 : index
        %swap3A_2006 = tpu.vector_load %arg8[%swap3A_2004, %swap3A_2005] {strides = array<i32>} : memref<200x64xf32, #tpu.memory_space<vmem>>, vector<1x16xf32>,
        %swap3A_2007 = vector.shape_cast %swap3A_2006 : vector<1x16xf32> to vector<16xf32>
        %swap3A_2008 = vector.shape_cast %select_n3A_2003 : vector<16xf32> to vector<1x16xf32>
        tpu.vector_store %arg8[%swap3A_2004, %swap3A_2005], %swap3A_2008 {strides = array<i32>} : memref<200x64xf32, #tpu.memory_space<vmem>>, vector<1x16xf32>,
        %get3A_2009 = arith.constant 0 : i32
        %get3A_2010 = arith.index_cast %get3A_2009 : i32 to index
        %get3A_2011 = arith.index_cast %add3A_1963 : i32 to index
        %get3A_2012 = arith.constant 48 : index
        %get3A_2013 = tpu.vector_load %arg7[%get3A_2010, %get3A_2011, %get3A_2012] {strides = array<i32>} : memref<2x200x128xf32, #tpu.memory_space<vmem>>, vector<1x1x16xf32>,
        %get3A_2014 = vector.shape_cast %get3A_2013 : vector<1x1x16xf32> to vector<16xf32>
        %lt3A_2015 = arith.constant 0.000000e+00 : f32
        %lt3A_2016 = vector.broadcast %lt3A_2015 : f32 to vector<16xf32>
        %lt3A_2017 = arith.cmpf olt, %get3A_2014, %lt3A_2016 : vector<16xf32>
        %select_n3A_2018 = arith.select %lt3A_2017, %broadcast_in_dim3A_1961, %broadcast_in_dim3A_1958 : vector<16xi1>, vector<16xf32>
        %swap3A_2019 = arith.index_cast %add3A_1963 : i32 to index
        %swap3A_2020 = arith.constant 48 : index
        %swap3A_2021 = tpu.vector_load %arg8[%swap3A_2019, %swap3A_2020] {strides = array<i32>} : memref<200x64xf32, #tpu.memory_space<vmem>>, vector<1x16xf32>,
        %swap3A_2022 = vector.shape_cast %swap3A_2021 : vector<1x16xf32> to vector<16xf32>
        %swap3A_2023 = vector.shape_cast %select_n3A_2018 : vector<16xf32> to vector<1x16xf32>
        tpu.vector_store %arg8[%swap3A_2019, %swap3A_2020], %swap3A_2023 {strides = array<i32>} : memref<200x64xf32, #tpu.memory_space<vmem>>, vector<1x16xf32>,
        %slice3A_2024 = vector.extract_strided_slice %max3A_1542 {offsets = [7], sizes = [1], strides = [1]} : vector<16xf32> to vector<1xf32>
        %squeeze3A_2025 = vector.extract %slice3A_2024[0] : f32 from vector<1xf32>
        %broadcast_in_dim3A_2026 = vector.broadcast %squeeze3A_2025 : f32 to vector<16xf32>
        %slice3A_2027 = vector.extract_strided_slice %neg3A_1547 {offsets = [7], sizes = [1], strides = [1]} : vector<16xf32> to vector<1xf32>
        %squeeze3A_2028 = vector.extract %slice3A_2027[0] : f32 from vector<1xf32>
        %broadcast_in_dim3A_2029 = vector.broadcast %squeeze3A_2028 : f32 to vector<16xf32>
        %add3A_2030 = arith.constant 7 : i32
        %add3A_2031 = arith.addi %mul3A_1544, %add3A_2030 : i32
        %get3A_2032 = arith.constant 0 : i32
        %get3A_2033 = arith.index_cast %get3A_2032 : i32 to index
        %get3A_2034 = arith.index_cast %add3A_2031 : i32 to index
        %get3A_2035 = arith.constant 0 : index
        %get3A_2036 = tpu.vector_load %arg7[%get3A_2033, %get3A_2034, %get3A_2035] {strides = array<i32>} : memref<2x200x128xf32, #tpu.memory_space<vmem>>, vector<1x1x16xf32>,
        %get3A_2037 = vector.shape_cast %get3A_2036 : vector<1x1x16xf32> to vector<16xf32>
        %lt3A_2038 = arith.constant 0.000000e+00 : f32
        %lt3A_2039 = vector.broadcast %lt3A_2038 : f32 to vector<16xf32>
        %lt3A_2040 = arith.cmpf olt, %get3A_2037, %lt3A_2039 : vector<16xf32>
        %select_n3A_2041 = arith.select %lt3A_2040, %broadcast_in_dim3A_2029, %broadcast_in_dim3A_2026 : vector<16xi1>, vector<16xf32>
        %swap3A_2042 = arith.index_cast %add3A_2031 : i32 to index
        %swap3A_2043 = arith.constant 0 : index
        %swap3A_2044 = tpu.vector_load %arg8[%swap3A_2042, %swap3A_2043] {strides = array<i32>} : memref<200x64xf32, #tpu.memory_space<vmem>>, vector<1x16xf32>,
        %swap3A_2045 = vector.shape_cast %swap3A_2044 : vector<1x16xf32> to vector<16xf32>
        %swap3A_2046 = vector.shape_cast %select_n3A_2041 : vector<16xf32> to vector<1x16xf32>
        tpu.vector_store %arg8[%swap3A_2042, %swap3A_2043], %swap3A_2046 {strides = array<i32>} : memref<200x64xf32, #tpu.memory_space<vmem>>, vector<1x16xf32>,
        %get3A_2047 = arith.constant 0 : i32
        %get3A_2048 = arith.index_cast %get3A_2047 : i32 to index
        %get3A_2049 = arith.index_cast %add3A_2031 : i32 to index
        %get3A_2050 = arith.constant 16 : index
        %get3A_2051 = tpu.vector_load %arg7[%get3A_2048, %get3A_2049, %get3A_2050] {strides = array<i32>} : memref<2x200x128xf32, #tpu.memory_space<vmem>>, vector<1x1x16xf32>,
        %get3A_2052 = vector.shape_cast %get3A_2051 : vector<1x1x16xf32> to vector<16xf32>
        %lt3A_2053 = arith.constant 0.000000e+00 : f32
        %lt3A_2054 = vector.broadcast %lt3A_2053 : f32 to vector<16xf32>
        %lt3A_2055 = arith.cmpf olt, %get3A_2052, %lt3A_2054 : vector<16xf32>
        %select_n3A_2056 = arith.select %lt3A_2055, %broadcast_in_dim3A_2029, %broadcast_in_dim3A_2026 : vector<16xi1>, vector<16xf32>
        %swap3A_2057 = arith.index_cast %add3A_2031 : i32 to index
        %swap3A_2058 = arith.constant 16 : index
        %swap3A_2059 = tpu.vector_load %arg8[%swap3A_2057, %swap3A_2058] {strides = array<i32>} : memref<200x64xf32, #tpu.memory_space<vmem>>, vector<1x16xf32>,
        %swap3A_2060 = vector.shape_cast %swap3A_2059 : vector<1x16xf32> to vector<16xf32>
        %swap3A_2061 = vector.shape_cast %select_n3A_2056 : vector<16xf32> to vector<1x16xf32>
        tpu.vector_store %arg8[%swap3A_2057, %swap3A_2058], %swap3A_2061 {strides = array<i32>} : memref<200x64xf32, #tpu.memory_space<vmem>>, vector<1x16xf32>,
        %get3A_2062 = arith.constant 0 : i32
        %get3A_2063 = arith.index_cast %get3A_2062 : i32 to index
        %get3A_2064 = arith.index_cast %add3A_2031 : i32 to index
        %get3A_2065 = arith.constant 32 : index
        %get3A_2066 = tpu.vector_load %arg7[%get3A_2063, %get3A_2064, %get3A_2065] {strides = array<i32>} : memref<2x200x128xf32, #tpu.memory_space<vmem>>, vector<1x1x16xf32>,
        %get3A_2067 = vector.shape_cast %get3A_2066 : vector<1x1x16xf32> to vector<16xf32>
        %lt3A_2068 = arith.constant 0.000000e+00 : f32
        %lt3A_2069 = vector.broadcast %lt3A_2068 : f32 to vector<16xf32>
        %lt3A_2070 = arith.cmpf olt, %get3A_2067, %lt3A_2069 : vector<16xf32>
        %select_n3A_2071 = arith.select %lt3A_2070, %broadcast_in_dim3A_2029, %broadcast_in_dim3A_2026 : vector<16xi1>, vector<16xf32>
        %swap3A_2072 = arith.index_cast %add3A_2031 : i32 to index
        %swap3A_2073 = arith.constant 32 : index
        %swap3A_2074 = tpu.vector_load %arg8[%swap3A_2072, %swap3A_2073] {strides = array<i32>} : memref<200x64xf32, #tpu.memory_space<vmem>>, vector<1x16xf32>,
        %swap3A_2075 = vector.shape_cast %swap3A_2074 : vector<1x16xf32> to vector<16xf32>
        %swap3A_2076 = vector.shape_cast %select_n3A_2071 : vector<16xf32> to vector<1x16xf32>
        tpu.vector_store %arg8[%swap3A_2072, %swap3A_2073], %swap3A_2076 {strides = array<i32>} : memref<200x64xf32, #tpu.memory_space<vmem>>, vector<1x16xf32>,
        %get3A_2077 = arith.constant 0 : i32
        %get3A_2078 = arith.index_cast %get3A_2077 : i32 to index
        %get3A_2079 = arith.index_cast %add3A_2031 : i32 to index
        %get3A_2080 = arith.constant 48 : index
        %get3A_2081 = tpu.vector_load %arg7[%get3A_2078, %get3A_2079, %get3A_2080] {strides = array<i32>} : memref<2x200x128xf32, #tpu.memory_space<vmem>>, vector<1x1x16xf32>,
        %get3A_2082 = vector.shape_cast %get3A_2081 : vector<1x1x16xf32> to vector<16xf32>
        %lt3A_2083 = arith.constant 0.000000e+00 : f32
        %lt3A_2084 = vector.broadcast %lt3A_2083 : f32 to vector<16xf32>
        %lt3A_2085 = arith.cmpf olt, %get3A_2082, %lt3A_2084 : vector<16xf32>
        %select_n3A_2086 = arith.select %lt3A_2085, %broadcast_in_dim3A_2029, %broadcast_in_dim3A_2026 : vector<16xi1>, vector<16xf32>
        %swap3A_2087 = arith.index_cast %add3A_2031 : i32 to index
        %swap3A_2088 = arith.constant 48 : index
        %swap3A_2089 = tpu.vector_load %arg8[%swap3A_2087, %swap3A_2088] {strides = array<i32>} : memref<200x64xf32, #tpu.memory_space<vmem>>, vector<1x16xf32>,
        %swap3A_2090 = vector.shape_cast %swap3A_2089 : vector<1x16xf32> to vector<16xf32>
        %swap3A_2091 = vector.shape_cast %select_n3A_2086 : vector<16xf32> to vector<1x16xf32>
        tpu.vector_store %arg8[%swap3A_2087, %swap3A_2088], %swap3A_2091 {strides = array<i32>} : memref<200x64xf32, #tpu.memory_space<vmem>>, vector<1x16xf32>,
        %slice3A_2092 = vector.extract_strided_slice %max3A_1542 {offsets = [8], sizes = [1], strides = [1]} : vector<16xf32> to vector<1xf32>
        %squeeze3A_2093 = vector.extract %slice3A_2092[0] : f32 from vector<1xf32>
        %broadcast_in_dim3A_2094 = vector.broadcast %squeeze3A_2093 : f32 to vector<16xf32>
        %slice3A_2095 = vector.extract_strided_slice %neg3A_1547 {offsets = [8], sizes = [1], strides = [1]} : vector<16xf32> to vector<1xf32>
        %squeeze3A_2096 = vector.extract %slice3A_2095[0] : f32 from vector<1xf32>
        %broadcast_in_dim3A_2097 = vector.broadcast %squeeze3A_2096 : f32 to vector<16xf32>
        %add3A_2098 = arith.constant 8 : i32
        %add3A_2099 = arith.addi %mul3A_1544, %add3A_2098 : i32
        %get3A_2100 = arith.constant 0 : i32
        %get3A_2101 = arith.index_cast %get3A_2100 : i32 to index
        %get3A_2102 = arith.index_cast %add3A_2099 : i32 to index
        %get3A_2103 = arith.constant 0 : index
        %get3A_2104 = tpu.vector_load %arg7[%get3A_2101, %get3A_2102, %get3A_2103] {strides = array<i32>} : memref<2x200x128xf32, #tpu.memory_space<vmem>>, vector<1x1x16xf32>,
        %get3A_2105 = vector.shape_cast %get3A_2104 : vector<1x1x16xf32> to vector<16xf32>
        %lt3A_2106 = arith.constant 0.000000e+00 : f32
        %lt3A_2107 = vector.broadcast %lt3A_2106 : f32 to vector<16xf32>
        %lt3A_2108 = arith.cmpf olt, %get3A_2105, %lt3A_2107 : vector<16xf32>
        %select_n3A_2109 = arith.select %lt3A_2108, %broadcast_in_dim3A_2097, %broadcast_in_dim3A_2094 : vector<16xi1>, vector<16xf32>
        %swap3A_2110 = arith.index_cast %add3A_2099 : i32 to index
        %swap3A_2111 = arith.constant 0 : index
        %swap3A_2112 = tpu.vector_load %arg8[%swap3A_2110, %swap3A_2111] {strides = array<i32>} : memref<200x64xf32, #tpu.memory_space<vmem>>, vector<1x16xf32>,
        %swap3A_2113 = vector.shape_cast %swap3A_2112 : vector<1x16xf32> to vector<16xf32>
        %swap3A_2114 = vector.shape_cast %select_n3A_2109 : vector<16xf32> to vector<1x16xf32>
        tpu.vector_store %arg8[%swap3A_2110, %swap3A_2111], %swap3A_2114 {strides = array<i32>} : memref<200x64xf32, #tpu.memory_space<vmem>>, vector<1x16xf32>,
        %get3A_2115 = arith.constant 0 : i32
        %get3A_2116 = arith.index_cast %get3A_2115 : i32 to index
        %get3A_2117 = arith.index_cast %add3A_2099 : i32 to index
        %get3A_2118 = arith.constant 16 : index
        %get3A_2119 = tpu.vector_load %arg7[%get3A_2116, %get3A_2117, %get3A_2118] {strides = array<i32>} : memref<2x200x128xf32, #tpu.memory_space<vmem>>, vector<1x1x16xf32>,
        %get3A_2120 = vector.shape_cast %get3A_2119 : vector<1x1x16xf32> to vector<16xf32>
        %lt3A_2121 = arith.constant 0.000000e+00 : f32
        %lt3A_2122 = vector.broadcast %lt3A_2121 : f32 to vector<16xf32>
        %lt3A_2123 = arith.cmpf olt, %get3A_2120, %lt3A_2122 : vector<16xf32>
        %select_n3A_2124 = arith.select %lt3A_2123, %broadcast_in_dim3A_2097, %broadcast_in_dim3A_2094 : vector<16xi1>, vector<16xf32>
        %swap3A_2125 = arith.index_cast %add3A_2099 : i32 to index
        %swap3A_2126 = arith.constant 16 : index
        %swap3A_2127 = tpu.vector_load %arg8[%swap3A_2125, %swap3A_2126] {strides = array<i32>} : memref<200x64xf32, #tpu.memory_space<vmem>>, vector<1x16xf32>,
        %swap3A_2128 = vector.shape_cast %swap3A_2127 : vector<1x16xf32> to vector<16xf32>
        %swap3A_2129 = vector.shape_cast %select_n3A_2124 : vector<16xf32> to vector<1x16xf32>
        tpu.vector_store %arg8[%swap3A_2125, %swap3A_2126], %swap3A_2129 {strides = array<i32>} : memref<200x64xf32, #tpu.memory_space<vmem>>, vector<1x16xf32>,
        %get3A_2130 = arith.constant 0 : i32
        %get3A_2131 = arith.index_cast %get3A_2130 : i32 to index
        %get3A_2132 = arith.index_cast %add3A_2099 : i32 to index
        %get3A_2133 = arith.constant 32 : index
        %get3A_2134 = tpu.vector_load %arg7[%get3A_2131, %get3A_2132, %get3A_2133] {strides = array<i32>} : memref<2x200x128xf32, #tpu.memory_space<vmem>>, vector<1x1x16xf32>,
        %get3A_2135 = vector.shape_cast %get3A_2134 : vector<1x1x16xf32> to vector<16xf32>
        %lt3A_2136 = arith.constant 0.000000e+00 : f32
        %lt3A_2137 = vector.broadcast %lt3A_2136 : f32 to vector<16xf32>
        %lt3A_2138 = arith.cmpf olt, %get3A_2135, %lt3A_2137 : vector<16xf32>
        %select_n3A_2139 = arith.select %lt3A_2138, %broadcast_in_dim3A_2097, %broadcast_in_dim3A_2094 : vector<16xi1>, vector<16xf32>
        %swap3A_2140 = arith.index_cast %add3A_2099 : i32 to index
        %swap3A_2141 = arith.constant 32 : index
        %swap3A_2142 = tpu.vector_load %arg8[%swap3A_2140, %swap3A_2141] {strides = array<i32>} : memref<200x64xf32, #tpu.memory_space<vmem>>, vector<1x16xf32>,
        %swap3A_2143 = vector.shape_cast %swap3A_2142 : vector<1x16xf32> to vector<16xf32>
        %swap3A_2144 = vector.shape_cast %select_n3A_2139 : vector<16xf32> to vector<1x16xf32>
        tpu.vector_store %arg8[%swap3A_2140, %swap3A_2141], %swap3A_2144 {strides = array<i32>} : memref<200x64xf32, #tpu.memory_space<vmem>>, vector<1x16xf32>,
        %get3A_2145 = arith.constant 0 : i32
        %get3A_2146 = arith.index_cast %get3A_2145 : i32 to index
        %get3A_2147 = arith.index_cast %add3A_2099 : i32 to index
        %get3A_2148 = arith.constant 48 : index
        %get3A_2149 = tpu.vector_load %arg7[%get3A_2146, %get3A_2147, %get3A_2148] {strides = array<i32>} : memref<2x200x128xf32, #tpu.memory_space<vmem>>, vector<1x1x16xf32>,
        %get3A_2150 = vector.shape_cast %get3A_2149 : vector<1x1x16xf32> to vector<16xf32>
        %lt3A_2151 = arith.constant 0.000000e+00 : f32
        %lt3A_2152 = vector.broadcast %lt3A_2151 : f32 to vector<16xf32>
        %lt3A_2153 = arith.cmpf olt, %get3A_2150, %lt3A_2152 : vector<16xf32>
        %select_n3A_2154 = arith.select %lt3A_2153, %broadcast_in_dim3A_2097, %broadcast_in_dim3A_2094 : vector<16xi1>, vector<16xf32>
        %swap3A_2155 = arith.index_cast %add3A_2099 : i32 to index
        %swap3A_2156 = arith.constant 48 : index
        %swap3A_2157 = tpu.vector_load %arg8[%swap3A_2155, %swap3A_2156] {strides = array<i32>} : memref<200x64xf32, #tpu.memory_space<vmem>>, vector<1x16xf32>,
        %swap3A_2158 = vector.shape_cast %swap3A_2157 : vector<1x16xf32> to vector<16xf32>
        %swap3A_2159 = vector.shape_cast %select_n3A_2154 : vector<16xf32> to vector<1x16xf32>
        tpu.vector_store %arg8[%swap3A_2155, %swap3A_2156], %swap3A_2159 {strides = array<i32>} : memref<200x64xf32, #tpu.memory_space<vmem>>, vector<1x16xf32>,
        %slice3A_2160 = vector.extract_strided_slice %max3A_1542 {offsets = [9], sizes = [1], strides = [1]} : vector<16xf32> to vector<1xf32>
        %squeeze3A_2161 = vector.extract %slice3A_2160[0] : f32 from vector<1xf32>
        %broadcast_in_dim3A_2162 = vector.broadcast %squeeze3A_2161 : f32 to vector<16xf32>
        %slice3A_2163 = vector.extract_strided_slice %neg3A_1547 {offsets = [9], sizes = [1], strides = [1]} : vector<16xf32> to vector<1xf32>
        %squeeze3A_2164 = vector.extract %slice3A_2163[0] : f32 from vector<1xf32>
        %broadcast_in_dim3A_2165 = vector.broadcast %squeeze3A_2164 : f32 to vector<16xf32>
        %add3A_2166 = arith.constant 9 : i32
        %add3A_2167 = arith.addi %mul3A_1544, %add3A_2166 : i32
        %get3A_2168 = arith.constant 0 : i32
        %get3A_2169 = arith.index_cast %get3A_2168 : i32 to index
        %get3A_2170 = arith.index_cast %add3A_2167 : i32 to index
        %get3A_2171 = arith.constant 0 : index
        %get3A_2172 = tpu.vector_load %arg7[%get3A_2169, %get3A_2170, %get3A_2171] {strides = array<i32>} : memref<2x200x128xf32, #tpu.memory_space<vmem>>, vector<1x1x16xf32>,
        %get3A_2173 = vector.shape_cast %get3A_2172 : vector<1x1x16xf32> to vector<16xf32>
        %lt3A_2174 = arith.constant 0.000000e+00 : f32
        %lt3A_2175 = vector.broadcast %lt3A_2174 : f32 to vector<16xf32>
        %lt3A_2176 = arith.cmpf olt, %get3A_2173, %lt3A_2175 : vector<16xf32>
        %select_n3A_2177 = arith.select %lt3A_2176, %broadcast_in_dim3A_2165, %broadcast_in_dim3A_2162 : vector<16xi1>, vector<16xf32>
        %swap3A_2178 = arith.index_cast %add3A_2167 : i32 to index
        %swap3A_2179 = arith.constant 0 : index
        %swap3A_2180 = tpu.vector_load %arg8[%swap3A_2178, %swap3A_2179] {strides = array<i32>} : memref<200x64xf32, #tpu.memory_space<vmem>>, vector<1x16xf32>,
        %swap3A_2181 = vector.shape_cast %swap3A_2180 : vector<1x16xf32> to vector<16xf32>
        %swap3A_2182 = vector.shape_cast %select_n3A_2177 : vector<16xf32> to vector<1x16xf32>
        tpu.vector_store %arg8[%swap3A_2178, %swap3A_2179], %swap3A_2182 {strides = array<i32>} : memref<200x64xf32, #tpu.memory_space<vmem>>, vector<1x16xf32>,
        %get3A_2183 = arith.constant 0 : i32
        %get3A_2184 = arith.index_cast %get3A_2183 : i32 to index
        %get3A_2185 = arith.index_cast %add3A_2167 : i32 to index
        %get3A_2186 = arith.constant 16 : index
        %get3A_2187 = tpu.vector_load %arg7[%get3A_2184, %get3A_2185, %get3A_2186] {strides = array<i32>} : memref<2x200x128xf32, #tpu.memory_space<vmem>>, vector<1x1x16xf32>,
        %get3A_2188 = vector.shape_cast %get3A_2187 : vector<1x1x16xf32> to vector<16xf32>
        %lt3A_2189 = arith.constant 0.000000e+00 : f32
        %lt3A_2190 = vector.broadcast %lt3A_2189 : f32 to vector<16xf32>
        %lt3A_2191 = arith.cmpf olt, %get3A_2188, %lt3A_2190 : vector<16xf32>
        %select_n3A_2192 = arith.select %lt3A_2191, %broadcast_in_dim3A_2165, %broadcast_in_dim3A_2162 : vector<16xi1>, vector<16xf32>
        %swap3A_2193 = arith.index_cast %add3A_2167 : i32 to index
        %swap3A_2194 = arith.constant 16 : index
        %swap3A_2195 = tpu.vector_load %arg8[%swap3A_2193, %swap3A_2194] {strides = array<i32>} : memref<200x64xf32, #tpu.memory_space<vmem>>, vector<1x16xf32>,
        %swap3A_2196 = vector.shape_cast %swap3A_2195 : vector<1x16xf32> to vector<16xf32>
        %swap3A_2197 = vector.shape_cast %select_n3A_2192 : vector<16xf32> to vector<1x16xf32>
        tpu.vector_store %arg8[%swap3A_2193, %swap3A_2194], %swap3A_2197 {strides = array<i32>} : memref<200x64xf32, #tpu.memory_space<vmem>>, vector<1x16xf32>,
        %get3A_2198 = arith.constant 0 : i32
        %get3A_2199 = arith.index_cast %get3A_2198 : i32 to index
        %get3A_2200 = arith.index_cast %add3A_2167 : i32 to index
        %get3A_2201 = arith.constant 32 : index
        %get3A_2202 = tpu.vector_load %arg7[%get3A_2199, %get3A_2200, %get3A_2201] {strides = array<i32>} : memref<2x200x128xf32, #tpu.memory_space<vmem>>, vector<1x1x16xf32>,
        %get3A_2203 = vector.shape_cast %get3A_2202 : vector<1x1x16xf32> to vector<16xf32>
        %lt3A_2204 = arith.constant 0.000000e+00 : f32
        %lt3A_2205 = vector.broadcast %lt3A_2204 : f32 to vector<16xf32>
        %lt3A_2206 = arith.cmpf olt, %get3A_2203, %lt3A_2205 : vector<16xf32>
        %select_n3A_2207 = arith.select %lt3A_2206, %broadcast_in_dim3A_2165, %broadcast_in_dim3A_2162 : vector<16xi1>, vector<16xf32>
        %swap3A_2208 = arith.index_cast %add3A_2167 : i32 to index
        %swap3A_2209 = arith.constant 32 : index
        %swap3A_2210 = tpu.vector_load %arg8[%swap3A_2208, %swap3A_2209] {strides = array<i32>} : memref<200x64xf32, #tpu.memory_space<vmem>>, vector<1x16xf32>,
        %swap3A_2211 = vector.shape_cast %swap3A_2210 : vector<1x16xf32> to vector<16xf32>
        %swap3A_2212 = vector.shape_cast %select_n3A_2207 : vector<16xf32> to vector<1x16xf32>
        tpu.vector_store %arg8[%swap3A_2208, %swap3A_2209], %swap3A_2212 {strides = array<i32>} : memref<200x64xf32, #tpu.memory_space<vmem>>, vector<1x16xf32>,
        %get3A_2213 = arith.constant 0 : i32
        %get3A_2214 = arith.index_cast %get3A_2213 : i32 to index
        %get3A_2215 = arith.index_cast %add3A_2167 : i32 to index
        %get3A_2216 = arith.constant 48 : index
        %get3A_2217 = tpu.vector_load %arg7[%get3A_2214, %get3A_2215, %get3A_2216] {strides = array<i32>} : memref<2x200x128xf32, #tpu.memory_space<vmem>>, vector<1x1x16xf32>,
        %get3A_2218 = vector.shape_cast %get3A_2217 : vector<1x1x16xf32> to vector<16xf32>
        %lt3A_2219 = arith.constant 0.000000e+00 : f32
        %lt3A_2220 = vector.broadcast %lt3A_2219 : f32 to vector<16xf32>
        %lt3A_2221 = arith.cmpf olt, %get3A_2218, %lt3A_2220 : vector<16xf32>
        %select_n3A_2222 = arith.select %lt3A_2221, %broadcast_in_dim3A_2165, %broadcast_in_dim3A_2162 : vector<16xi1>, vector<16xf32>
        %swap3A_2223 = arith.index_cast %add3A_2167 : i32 to index
        %swap3A_2224 = arith.constant 48 : index
        %swap3A_2225 = tpu.vector_load %arg8[%swap3A_2223, %swap3A_2224] {strides = array<i32>} : memref<200x64xf32, #tpu.memory_space<vmem>>, vector<1x16xf32>,
        %swap3A_2226 = vector.shape_cast %swap3A_2225 : vector<1x16xf32> to vector<16xf32>
        %swap3A_2227 = vector.shape_cast %select_n3A_2222 : vector<16xf32> to vector<1x16xf32>
        tpu.vector_store %arg8[%swap3A_2223, %swap3A_2224], %swap3A_2227 {strides = array<i32>} : memref<200x64xf32, #tpu.memory_space<vmem>>, vector<1x16xf32>,
        %slice3A_2228 = vector.extract_strided_slice %max3A_1542 {offsets = [10], sizes = [1], strides = [1]} : vector<16xf32> to vector<1xf32>
        %squeeze3A_2229 = vector.extract %slice3A_2228[0] : f32 from vector<1xf32>
        %broadcast_in_dim3A_2230 = vector.broadcast %squeeze3A_2229 : f32 to vector<16xf32>
        %slice3A_2231 = vector.extract_strided_slice %neg3A_1547 {offsets = [10], sizes = [1], strides = [1]} : vector<16xf32> to vector<1xf32>
        %squeeze3A_2232 = vector.extract %slice3A_2231[0] : f32 from vector<1xf32>
        %broadcast_in_dim3A_2233 = vector.broadcast %squeeze3A_2232 : f32 to vector<16xf32>
        %add3A_2234 = arith.constant 10 : i32
        %add3A_2235 = arith.addi %mul3A_1544, %add3A_2234 : i32
        %get3A_2236 = arith.constant 0 : i32
        %get3A_2237 = arith.index_cast %get3A_2236 : i32 to index
        %get3A_2238 = arith.index_cast %add3A_2235 : i32 to index
        %get3A_2239 = arith.constant 0 : index
        %get3A_2240 = tpu.vector_load %arg7[%get3A_2237, %get3A_2238, %get3A_2239] {strides = array<i32>} : memref<2x200x128xf32, #tpu.memory_space<vmem>>, vector<1x1x16xf32>,
        %get3A_2241 = vector.shape_cast %get3A_2240 : vector<1x1x16xf32> to vector<16xf32>
        %lt3A_2242 = arith.constant 0.000000e+00 : f32
        %lt3A_2243 = vector.broadcast %lt3A_2242 : f32 to vector<16xf32>
        %lt3A_2244 = arith.cmpf olt, %get3A_2241, %lt3A_2243 : vector<16xf32>
        %select_n3A_2245 = arith.select %lt3A_2244, %broadcast_in_dim3A_2233, %broadcast_in_dim3A_2230 : vector<16xi1>, vector<16xf32>
        %swap3A_2246 = arith.index_cast %add3A_2235 : i32 to index
        %swap3A_2247 = arith.constant 0 : index
        %swap3A_2248 = tpu.vector_load %arg8[%swap3A_2246, %swap3A_2247] {strides = array<i32>} : memref<200x64xf32, #tpu.memory_space<vmem>>, vector<1x16xf32>,
        %swap3A_2249 = vector.shape_cast %swap3A_2248 : vector<1x16xf32> to vector<16xf32>
        %swap3A_2250 = vector.shape_cast %select_n3A_2245 : vector<16xf32> to vector<1x16xf32>
        tpu.vector_store %arg8[%swap3A_2246, %swap3A_2247], %swap3A_2250 {strides = array<i32>} : memref<200x64xf32, #tpu.memory_space<vmem>>, vector<1x16xf32>,
        %get3A_2251 = arith.constant 0 : i32
        %get3A_2252 = arith.index_cast %get3A_2251 : i32 to index
        %get3A_2253 = arith.index_cast %add3A_2235 : i32 to index
        %get3A_2254 = arith.constant 16 : index
        %get3A_2255 = tpu.vector_load %arg7[%get3A_2252, %get3A_2253, %get3A_2254] {strides = array<i32>} : memref<2x200x128xf32, #tpu.memory_space<vmem>>, vector<1x1x16xf32>,
        %get3A_2256 = vector.shape_cast %get3A_2255 : vector<1x1x16xf32> to vector<16xf32>
        %lt3A_2257 = arith.constant 0.000000e+00 : f32
        %lt3A_2258 = vector.broadcast %lt3A_2257 : f32 to vector<16xf32>
        %lt3A_2259 = arith.cmpf olt, %get3A_2256, %lt3A_2258 : vector<16xf32>
        %select_n3A_2260 = arith.select %lt3A_2259, %broadcast_in_dim3A_2233, %broadcast_in_dim3A_2230 : vector<16xi1>, vector<16xf32>
        %swap3A_2261 = arith.index_cast %add3A_2235 : i32 to index
        %swap3A_2262 = arith.constant 16 : index
        %swap3A_2263 = tpu.vector_load %arg8[%swap3A_2261, %swap3A_2262] {strides = array<i32>} : memref<200x64xf32, #tpu.memory_space<vmem>>, vector<1x16xf32>,
        %swap3A_2264 = vector.shape_cast %swap3A_2263 : vector<1x16xf32> to vector<16xf32>
        %swap3A_2265 = vector.shape_cast %select_n3A_2260 : vector<16xf32> to vector<1x16xf32>
        tpu.vector_store %arg8[%swap3A_2261, %swap3A_2262], %swap3A_2265 {strides = array<i32>} : memref<200x64xf32, #tpu.memory_space<vmem>>, vector<1x16xf32>,
        %get3A_2266 = arith.constant 0 : i32
        %get3A_2267 = arith.index_cast %get3A_2266 : i32 to index
        %get3A_2268 = arith.index_cast %add3A_2235 : i32 to index
        %get3A_2269 = arith.constant 32 : index
        %get3A_2270 = tpu.vector_load %arg7[%get3A_2267, %get3A_2268, %get3A_2269] {strides = array<i32>} : memref<2x200x128xf32, #tpu.memory_space<vmem>>, vector<1x1x16xf32>,
        %get3A_2271 = vector.shape_cast %get3A_2270 : vector<1x1x16xf32> to vector<16xf32>
        %lt3A_2272 = arith.constant 0.000000e+00 : f32
        %lt3A_2273 = vector.broadcast %lt3A_2272 : f32 to vector<16xf32>
        %lt3A_2274 = arith.cmpf olt, %get3A_2271, %lt3A_2273 : vector<16xf32>
        %select_n3A_2275 = arith.select %lt3A_2274, %broadcast_in_dim3A_2233, %broadcast_in_dim3A_2230 : vector<16xi1>, vector<16xf32>
        %swap3A_2276 = arith.index_cast %add3A_2235 : i32 to index
        %swap3A_2277 = arith.constant 32 : index
        %swap3A_2278 = tpu.vector_load %arg8[%swap3A_2276, %swap3A_2277] {strides = array<i32>} : memref<200x64xf32, #tpu.memory_space<vmem>>, vector<1x16xf32>,
        %swap3A_2279 = vector.shape_cast %swap3A_2278 : vector<1x16xf32> to vector<16xf32>
        %swap3A_2280 = vector.shape_cast %select_n3A_2275 : vector<16xf32> to vector<1x16xf32>
        tpu.vector_store %arg8[%swap3A_2276, %swap3A_2277], %swap3A_2280 {strides = array<i32>} : memref<200x64xf32, #tpu.memory_space<vmem>>, vector<1x16xf32>,
        %get3A_2281 = arith.constant 0 : i32
        %get3A_2282 = arith.index_cast %get3A_2281 : i32 to index
        %get3A_2283 = arith.index_cast %add3A_2235 : i32 to index
        %get3A_2284 = arith.constant 48 : index
        %get3A_2285 = tpu.vector_load %arg7[%get3A_2282, %get3A_2283, %get3A_2284] {strides = array<i32>} : memref<2x200x128xf32, #tpu.memory_space<vmem>>, vector<1x1x16xf32>,
        %get3A_2286 = vector.shape_cast %get3A_2285 : vector<1x1x16xf32> to vector<16xf32>
        %lt3A_2287 = arith.constant 0.000000e+00 : f32
        %lt3A_2288 = vector.broadcast %lt3A_2287 : f32 to vector<16xf32>
        %lt3A_2289 = arith.cmpf olt, %get3A_2286, %lt3A_2288 : vector<16xf32>
        %select_n3A_2290 = arith.select %lt3A_2289, %broadcast_in_dim3A_2233, %broadcast_in_dim3A_2230 : vector<16xi1>, vector<16xf32>
        %swap3A_2291 = arith.index_cast %add3A_2235 : i32 to index
        %swap3A_2292 = arith.constant 48 : index
        %swap3A_2293 = tpu.vector_load %arg8[%swap3A_2291, %swap3A_2292] {strides = array<i32>} : memref<200x64xf32, #tpu.memory_space<vmem>>, vector<1x16xf32>,
        %swap3A_2294 = vector.shape_cast %swap3A_2293 : vector<1x16xf32> to vector<16xf32>
        %swap3A_2295 = vector.shape_cast %select_n3A_2290 : vector<16xf32> to vector<1x16xf32>
        tpu.vector_store %arg8[%swap3A_2291, %swap3A_2292], %swap3A_2295 {strides = array<i32>} : memref<200x64xf32, #tpu.memory_space<vmem>>, vector<1x16xf32>,
        %slice3A_2296 = vector.extract_strided_slice %max3A_1542 {offsets = [11], sizes = [1], strides = [1]} : vector<16xf32> to vector<1xf32>
        %squeeze3A_2297 = vector.extract %slice3A_2296[0] : f32 from vector<1xf32>
        %broadcast_in_dim3A_2298 = vector.broadcast %squeeze3A_2297 : f32 to vector<16xf32>
        %slice3A_2299 = vector.extract_strided_slice %neg3A_1547 {offsets = [11], sizes = [1], strides = [1]} : vector<16xf32> to vector<1xf32>
        %squeeze3A_2300 = vector.extract %slice3A_2299[0] : f32 from vector<1xf32>
        %broadcast_in_dim3A_2301 = vector.broadcast %squeeze3A_2300 : f32 to vector<16xf32>
        %add3A_2302 = arith.constant 11 : i32
        %add3A_2303 = arith.addi %mul3A_1544, %add3A_2302 : i32
        %get3A_2304 = arith.constant 0 : i32
        %get3A_2305 = arith.index_cast %get3A_2304 : i32 to index
        %get3A_2306 = arith.index_cast %add3A_2303 : i32 to index
        %get3A_2307 = arith.constant 0 : index
        %get3A_2308 = tpu.vector_load %arg7[%get3A_2305, %get3A_2306, %get3A_2307] {strides = array<i32>} : memref<2x200x128xf32, #tpu.memory_space<vmem>>, vector<1x1x16xf32>,
        %get3A_2309 = vector.shape_cast %get3A_2308 : vector<1x1x16xf32> to vector<16xf32>
        %lt3A_2310 = arith.constant 0.000000e+00 : f32
        %lt3A_2311 = vector.broadcast %lt3A_2310 : f32 to vector<16xf32>
        %lt3A_2312 = arith.cmpf olt, %get3A_2309, %lt3A_2311 : vector<16xf32>
        %select_n3A_2313 = arith.select %lt3A_2312, %broadcast_in_dim3A_2301, %broadcast_in_dim3A_2298 : vector<16xi1>, vector<16xf32>
        %swap3A_2314 = arith.index_cast %add3A_2303 : i32 to index
        %swap3A_2315 = arith.constant 0 : index
        %swap3A_2316 = tpu.vector_load %arg8[%swap3A_2314, %swap3A_2315] {strides = array<i32>} : memref<200x64xf32, #tpu.memory_space<vmem>>, vector<1x16xf32>,
        %swap3A_2317 = vector.shape_cast %swap3A_2316 : vector<1x16xf32> to vector<16xf32>
        %swap3A_2318 = vector.shape_cast %select_n3A_2313 : vector<16xf32> to vector<1x16xf32>
        tpu.vector_store %arg8[%swap3A_2314, %swap3A_2315], %swap3A_2318 {strides = array<i32>} : memref<200x64xf32, #tpu.memory_space<vmem>>, vector<1x16xf32>,
        %get3A_2319 = arith.constant 0 : i32
        %get3A_2320 = arith.index_cast %get3A_2319 : i32 to index
        %get3A_2321 = arith.index_cast %add3A_2303 : i32 to index
        %get3A_2322 = arith.constant 16 : index
        %get3A_2323 = tpu.vector_load %arg7[%get3A_2320, %get3A_2321, %get3A_2322] {strides = array<i32>} : memref<2x200x128xf32, #tpu.memory_space<vmem>>, vector<1x1x16xf32>,
        %get3A_2324 = vector.shape_cast %get3A_2323 : vector<1x1x16xf32> to vector<16xf32>
        %lt3A_2325 = arith.constant 0.000000e+00 : f32
        %lt3A_2326 = vector.broadcast %lt3A_2325 : f32 to vector<16xf32>
        %lt3A_2327 = arith.cmpf olt, %get3A_2324, %lt3A_2326 : vector<16xf32>
        %select_n3A_2328 = arith.select %lt3A_2327, %broadcast_in_dim3A_2301, %broadcast_in_dim3A_2298 : vector<16xi1>, vector<16xf32>
        %swap3A_2329 = arith.index_cast %add3A_2303 : i32 to index
        %swap3A_2330 = arith.constant 16 : index
        %swap3A_2331 = tpu.vector_load %arg8[%swap3A_2329, %swap3A_2330] {strides = array<i32>} : memref<200x64xf32, #tpu.memory_space<vmem>>, vector<1x16xf32>,
        %swap3A_2332 = vector.shape_cast %swap3A_2331 : vector<1x16xf32> to vector<16xf32>
        %swap3A_2333 = vector.shape_cast %select_n3A_2328 : vector<16xf32> to vector<1x16xf32>
        tpu.vector_store %arg8[%swap3A_2329, %swap3A_2330], %swap3A_2333 {strides = array<i32>} : memref<200x64xf32, #tpu.memory_space<vmem>>, vector<1x16xf32>,
        %get3A_2334 = arith.constant 0 : i32
        %get3A_2335 = arith.index_cast %get3A_2334 : i32 to index
        %get3A_2336 = arith.index_cast %add3A_2303 : i32 to index
        %get3A_2337 = arith.constant 32 : index
        %get3A_2338 = tpu.vector_load %arg7[%get3A_2335, %get3A_2336, %get3A_2337] {strides = array<i32>} : memref<2x200x128xf32, #tpu.memory_space<vmem>>, vector<1x1x16xf32>,
        %get3A_2339 = vector.shape_cast %get3A_2338 : vector<1x1x16xf32> to vector<16xf32>
        %lt3A_2340 = arith.constant 0.000000e+00 : f32
        %lt3A_2341 = vector.broadcast %lt3A_2340 : f32 to vector<16xf32>
        %lt3A_2342 = arith.cmpf olt, %get3A_2339, %lt3A_2341 : vector<16xf32>
        %select_n3A_2343 = arith.select %lt3A_2342, %broadcast_in_dim3A_2301, %broadcast_in_dim3A_2298 : vector<16xi1>, vector<16xf32>
        %swap3A_2344 = arith.index_cast %add3A_2303 : i32 to index
        %swap3A_2345 = arith.constant 32 : index
        %swap3A_2346 = tpu.vector_load %arg8[%swap3A_2344, %swap3A_2345] {strides = array<i32>} : memref<200x64xf32, #tpu.memory_space<vmem>>, vector<1x16xf32>,
        %swap3A_2347 = vector.shape_cast %swap3A_2346 : vector<1x16xf32> to vector<16xf32>
        %swap3A_2348 = vector.shape_cast %select_n3A_2343 : vector<16xf32> to vector<1x16xf32>
        tpu.vector_store %arg8[%swap3A_2344, %swap3A_2345], %swap3A_2348 {strides = array<i32>} : memref<200x64xf32, #tpu.memory_space<vmem>>, vector<1x16xf32>,
        %get3A_2349 = arith.constant 0 : i32
        %get3A_2350 = arith.index_cast %get3A_2349 : i32 to index
        %get3A_2351 = arith.index_cast %add3A_2303 : i32 to index
        %get3A_2352 = arith.constant 48 : index
        %get3A_2353 = tpu.vector_load %arg7[%get3A_2350, %get3A_2351, %get3A_2352] {strides = array<i32>} : memref<2x200x128xf32, #tpu.memory_space<vmem>>, vector<1x1x16xf32>,
        %get3A_2354 = vector.shape_cast %get3A_2353 : vector<1x1x16xf32> to vector<16xf32>
        %lt3A_2355 = arith.constant 0.000000e+00 : f32
        %lt3A_2356 = vector.broadcast %lt3A_2355 : f32 to vector<16xf32>
        %lt3A_2357 = arith.cmpf olt, %get3A_2354, %lt3A_2356 : vector<16xf32>
        %select_n3A_2358 = arith.select %lt3A_2357, %broadcast_in_dim3A_2301, %broadcast_in_dim3A_2298 : vector<16xi1>, vector<16xf32>
        %swap3A_2359 = arith.index_cast %add3A_2303 : i32 to index
        %swap3A_2360 = arith.constant 48 : index
        %swap3A_2361 = tpu.vector_load %arg8[%swap3A_2359, %swap3A_2360] {strides = array<i32>} : memref<200x64xf32, #tpu.memory_space<vmem>>, vector<1x16xf32>,
        %swap3A_2362 = vector.shape_cast %swap3A_2361 : vector<1x16xf32> to vector<16xf32>
        %swap3A_2363 = vector.shape_cast %select_n3A_2358 : vector<16xf32> to vector<1x16xf32>
        tpu.vector_store %arg8[%swap3A_2359, %swap3A_2360], %swap3A_2363 {strides = array<i32>} : memref<200x64xf32, #tpu.memory_space<vmem>>, vector<1x16xf32>,
        %slice3A_2364 = vector.extract_strided_slice %max3A_1542 {offsets = [12], sizes = [1], strides = [1]} : vector<16xf32> to vector<1xf32>
        %squeeze3A_2365 = vector.extract %slice3A_2364[0] : f32 from vector<1xf32>
        %broadcast_in_dim3A_2366 = vector.broadcast %squeeze3A_2365 : f32 to vector<16xf32>
        %slice3A_2367 = vector.extract_strided_slice %neg3A_1547 {offsets = [12], sizes = [1], strides = [1]} : vector<16xf32> to vector<1xf32>
        %squeeze3A_2368 = vector.extract %slice3A_2367[0] : f32 from vector<1xf32>
        %broadcast_in_dim3A_2369 = vector.broadcast %squeeze3A_2368 : f32 to vector<16xf32>
        %add3A_2370 = arith.constant 12 : i32
        %add3A_2371 = arith.addi %mul3A_1544, %add3A_2370 : i32
        %get3A_2372 = arith.constant 0 : i32
        %get3A_2373 = arith.index_cast %get3A_2372 : i32 to index
        %get3A_2374 = arith.index_cast %add3A_2371 : i32 to index
        %get3A_2375 = arith.constant 0 : index
        %get3A_2376 = tpu.vector_load %arg7[%get3A_2373, %get3A_2374, %get3A_2375] {strides = array<i32>} : memref<2x200x128xf32, #tpu.memory_space<vmem>>, vector<1x1x16xf32>,
        %get3A_2377 = vector.shape_cast %get3A_2376 : vector<1x1x16xf32> to vector<16xf32>
        %lt3A_2378 = arith.constant 0.000000e+00 : f32
        %lt3A_2379 = vector.broadcast %lt3A_2378 : f32 to vector<16xf32>
        %lt3A_2380 = arith.cmpf olt, %get3A_2377, %lt3A_2379 : vector<16xf32>
        %select_n3A_2381 = arith.select %lt3A_2380, %broadcast_in_dim3A_2369, %broadcast_in_dim3A_2366 : vector<16xi1>, vector<16xf32>
        %swap3A_2382 = arith.index_cast %add3A_2371 : i32 to index
        %swap3A_2383 = arith.constant 0 : index
        %swap3A_2384 = tpu.vector_load %arg8[%swap3A_2382, %swap3A_2383] {strides = array<i32>} : memref<200x64xf32, #tpu.memory_space<vmem>>, vector<1x16xf32>,
        %swap3A_2385 = vector.shape_cast %swap3A_2384 : vector<1x16xf32> to vector<16xf32>
        %swap3A_2386 = vector.shape_cast %select_n3A_2381 : vector<16xf32> to vector<1x16xf32>
        tpu.vector_store %arg8[%swap3A_2382, %swap3A_2383], %swap3A_2386 {strides = array<i32>} : memref<200x64xf32, #tpu.memory_space<vmem>>, vector<1x16xf32>,
        %get3A_2387 = arith.constant 0 : i32
        %get3A_2388 = arith.index_cast %get3A_2387 : i32 to index
        %get3A_2389 = arith.index_cast %add3A_2371 : i32 to index
        %get3A_2390 = arith.constant 16 : index
        %get3A_2391 = tpu.vector_load %arg7[%get3A_2388, %get3A_2389, %get3A_2390] {strides = array<i32>} : memref<2x200x128xf32, #tpu.memory_space<vmem>>, vector<1x1x16xf32>,
        %get3A_2392 = vector.shape_cast %get3A_2391 : vector<1x1x16xf32> to vector<16xf32>
        %lt3A_2393 = arith.constant 0.000000e+00 : f32
        %lt3A_2394 = vector.broadcast %lt3A_2393 : f32 to vector<16xf32>
        %lt3A_2395 = arith.cmpf olt, %get3A_2392, %lt3A_2394 : vector<16xf32>
        %select_n3A_2396 = arith.select %lt3A_2395, %broadcast_in_dim3A_2369, %broadcast_in_dim3A_2366 : vector<16xi1>, vector<16xf32>
        %swap3A_2397 = arith.index_cast %add3A_2371 : i32 to index
        %swap3A_2398 = arith.constant 16 : index
        %swap3A_2399 = tpu.vector_load %arg8[%swap3A_2397, %swap3A_2398] {strides = array<i32>} : memref<200x64xf32, #tpu.memory_space<vmem>>, vector<1x16xf32>,
        %swap3A_2400 = vector.shape_cast %swap3A_2399 : vector<1x16xf32> to vector<16xf32>
        %swap3A_2401 = vector.shape_cast %select_n3A_2396 : vector<16xf32> to vector<1x16xf32>
        tpu.vector_store %arg8[%swap3A_2397, %swap3A_2398], %swap3A_2401 {strides = array<i32>} : memref<200x64xf32, #tpu.memory_space<vmem>>, vector<1x16xf32>,
        %get3A_2402 = arith.constant 0 : i32
        %get3A_2403 = arith.index_cast %get3A_2402 : i32 to index
        %get3A_2404 = arith.index_cast %add3A_2371 : i32 to index
        %get3A_2405 = arith.constant 32 : index
        %get3A_2406 = tpu.vector_load %arg7[%get3A_2403, %get3A_2404, %get3A_2405] {strides = array<i32>} : memref<2x200x128xf32, #tpu.memory_space<vmem>>, vector<1x1x16xf32>,
        %get3A_2407 = vector.shape_cast %get3A_2406 : vector<1x1x16xf32> to vector<16xf32>
        %lt3A_2408 = arith.constant 0.000000e+00 : f32
        %lt3A_2409 = vector.broadcast %lt3A_2408 : f32 to vector<16xf32>
        %lt3A_2410 = arith.cmpf olt, %get3A_2407, %lt3A_2409 : vector<16xf32>
        %select_n3A_2411 = arith.select %lt3A_2410, %broadcast_in_dim3A_2369, %broadcast_in_dim3A_2366 : vector<16xi1>, vector<16xf32>
        %swap3A_2412 = arith.index_cast %add3A_2371 : i32 to index
        %swap3A_2413 = arith.constant 32 : index
        %swap3A_2414 = tpu.vector_load %arg8[%swap3A_2412, %swap3A_2413] {strides = array<i32>} : memref<200x64xf32, #tpu.memory_space<vmem>>, vector<1x16xf32>,
        %swap3A_2415 = vector.shape_cast %swap3A_2414 : vector<1x16xf32> to vector<16xf32>
        %swap3A_2416 = vector.shape_cast %select_n3A_2411 : vector<16xf32> to vector<1x16xf32>
        tpu.vector_store %arg8[%swap3A_2412, %swap3A_2413], %swap3A_2416 {strides = array<i32>} : memref<200x64xf32, #tpu.memory_space<vmem>>, vector<1x16xf32>,
        %get3A_2417 = arith.constant 0 : i32
        %get3A_2418 = arith.index_cast %get3A_2417 : i32 to index
        %get3A_2419 = arith.index_cast %add3A_2371 : i32 to index
        %get3A_2420 = arith.constant 48 : index
        %get3A_2421 = tpu.vector_load %arg7[%get3A_2418, %get3A_2419, %get3A_2420] {strides = array<i32>} : memref<2x200x128xf32, #tpu.memory_space<vmem>>, vector<1x1x16xf32>,
        %get3A_2422 = vector.shape_cast %get3A_2421 : vector<1x1x16xf32> to vector<16xf32>
        %lt3A_2423 = arith.constant 0.000000e+00 : f32
        %lt3A_2424 = vector.broadcast %lt3A_2423 : f32 to vector<16xf32>
        %lt3A_2425 = arith.cmpf olt, %get3A_2422, %lt3A_2424 : vector<16xf32>
        %select_n3A_2426 = arith.select %lt3A_2425, %broadcast_in_dim3A_2369, %broadcast_in_dim3A_2366 : vector<16xi1>, vector<16xf32>
        %swap3A_2427 = arith.index_cast %add3A_2371 : i32 to index
        %swap3A_2428 = arith.constant 48 : index
        %swap3A_2429 = tpu.vector_load %arg8[%swap3A_2427, %swap3A_2428] {strides = array<i32>} : memref<200x64xf32, #tpu.memory_space<vmem>>, vector<1x16xf32>,
        %swap3A_2430 = vector.shape_cast %swap3A_2429 : vector<1x16xf32> to vector<16xf32>
        %swap3A_2431 = vector.shape_cast %select_n3A_2426 : vector<16xf32> to vector<1x16xf32>
        tpu.vector_store %arg8[%swap3A_2427, %swap3A_2428], %swap3A_2431 {strides = array<i32>} : memref<200x64xf32, #tpu.memory_space<vmem>>, vector<1x16xf32>,
        %slice3A_2432 = vector.extract_strided_slice %max3A_1542 {offsets = [13], sizes = [1], strides = [1]} : vector<16xf32> to vector<1xf32>
        %squeeze3A_2433 = vector.extract %slice3A_2432[0] : f32 from vector<1xf32>
        %broadcast_in_dim3A_2434 = vector.broadcast %squeeze3A_2433 : f32 to vector<16xf32>
        %slice3A_2435 = vector.extract_strided_slice %neg3A_1547 {offsets = [13], sizes = [1], strides = [1]} : vector<16xf32> to vector<1xf32>
        %squeeze3A_2436 = vector.extract %slice3A_2435[0] : f32 from vector<1xf32>
        %broadcast_in_dim3A_2437 = vector.broadcast %squeeze3A_2436 : f32 to vector<16xf32>
        %add3A_2438 = arith.constant 13 : i32
        %add3A_2439 = arith.addi %mul3A_1544, %add3A_2438 : i32
        %get3A_2440 = arith.constant 0 : i32
        %get3A_2441 = arith.index_cast %get3A_2440 : i32 to index
        %get3A_2442 = arith.index_cast %add3A_2439 : i32 to index
        %get3A_2443 = arith.constant 0 : index
        %get3A_2444 = tpu.vector_load %arg7[%get3A_2441, %get3A_2442, %get3A_2443] {strides = array<i32>} : memref<2x200x128xf32, #tpu.memory_space<vmem>>, vector<1x1x16xf32>,
        %get3A_2445 = vector.shape_cast %get3A_2444 : vector<1x1x16xf32> to vector<16xf32>
        %lt3A_2446 = arith.constant 0.000000e+00 : f32
        %lt3A_2447 = vector.broadcast %lt3A_2446 : f32 to vector<16xf32>
        %lt3A_2448 = arith.cmpf olt, %get3A_2445, %lt3A_2447 : vector<16xf32>
        %select_n3A_2449 = arith.select %lt3A_2448, %broadcast_in_dim3A_2437, %broadcast_in_dim3A_2434 : vector<16xi1>, vector<16xf32>
        %swap3A_2450 = arith.index_cast %add3A_2439 : i32 to index
        %swap3A_2451 = arith.constant 0 : index
        %swap3A_2452 = tpu.vector_load %arg8[%swap3A_2450, %swap3A_2451] {strides = array<i32>} : memref<200x64xf32, #tpu.memory_space<vmem>>, vector<1x16xf32>,
        %swap3A_2453 = vector.shape_cast %swap3A_2452 : vector<1x16xf32> to vector<16xf32>
        %swap3A_2454 = vector.shape_cast %select_n3A_2449 : vector<16xf32> to vector<1x16xf32>
        tpu.vector_store %arg8[%swap3A_2450, %swap3A_2451], %swap3A_2454 {strides = array<i32>} : memref<200x64xf32, #tpu.memory_space<vmem>>, vector<1x16xf32>,
        %get3A_2455 = arith.constant 0 : i32
        %get3A_2456 = arith.index_cast %get3A_2455 : i32 to index
        %get3A_2457 = arith.index_cast %add3A_2439 : i32 to index
        %get3A_2458 = arith.constant 16 : index
        %get3A_2459 = tpu.vector_load %arg7[%get3A_2456, %get3A_2457, %get3A_2458] {strides = array<i32>} : memref<2x200x128xf32, #tpu.memory_space<vmem>>, vector<1x1x16xf32>,
        %get3A_2460 = vector.shape_cast %get3A_2459 : vector<1x1x16xf32> to vector<16xf32>
        %lt3A_2461 = arith.constant 0.000000e+00 : f32
        %lt3A_2462 = vector.broadcast %lt3A_2461 : f32 to vector<16xf32>
        %lt3A_2463 = arith.cmpf olt, %get3A_2460, %lt3A_2462 : vector<16xf32>
        %select_n3A_2464 = arith.select %lt3A_2463, %broadcast_in_dim3A_2437, %broadcast_in_dim3A_2434 : vector<16xi1>, vector<16xf32>
        %swap3A_2465 = arith.index_cast %add3A_2439 : i32 to index
        %swap3A_2466 = arith.constant 16 : index
        %swap3A_2467 = tpu.vector_load %arg8[%swap3A_2465, %swap3A_2466] {strides = array<i32>} : memref<200x64xf32, #tpu.memory_space<vmem>>, vector<1x16xf32>,
        %swap3A_2468 = vector.shape_cast %swap3A_2467 : vector<1x16xf32> to vector<16xf32>
        %swap3A_2469 = vector.shape_cast %select_n3A_2464 : vector<16xf32> to vector<1x16xf32>
        tpu.vector_store %arg8[%swap3A_2465, %swap3A_2466], %swap3A_2469 {strides = array<i32>} : memref<200x64xf32, #tpu.memory_space<vmem>>, vector<1x16xf32>,
        %get3A_2470 = arith.constant 0 : i32
        %get3A_2471 = arith.index_cast %get3A_2470 : i32 to index
        %get3A_2472 = arith.index_cast %add3A_2439 : i32 to index
        %get3A_2473 = arith.constant 32 : index
        %get3A_2474 = tpu.vector_load %arg7[%get3A_2471, %get3A_2472, %get3A_2473] {strides = array<i32>} : memref<2x200x128xf32, #tpu.memory_space<vmem>>, vector<1x1x16xf32>,
        %get3A_2475 = vector.shape_cast %get3A_2474 : vector<1x1x16xf32> to vector<16xf32>
        %lt3A_2476 = arith.constant 0.000000e+00 : f32
        %lt3A_2477 = vector.broadcast %lt3A_2476 : f32 to vector<16xf32>
        %lt3A_2478 = arith.cmpf olt, %get3A_2475, %lt3A_2477 : vector<16xf32>
        %select_n3A_2479 = arith.select %lt3A_2478, %broadcast_in_dim3A_2437, %broadcast_in_dim3A_2434 : vector<16xi1>, vector<16xf32>
        %swap3A_2480 = arith.index_cast %add3A_2439 : i32 to index
        %swap3A_2481 = arith.constant 32 : index
        %swap3A_2482 = tpu.vector_load %arg8[%swap3A_2480, %swap3A_2481] {strides = array<i32>} : memref<200x64xf32, #tpu.memory_space<vmem>>, vector<1x16xf32>,
        %swap3A_2483 = vector.shape_cast %swap3A_2482 : vector<1x16xf32> to vector<16xf32>
        %swap3A_2484 = vector.shape_cast %select_n3A_2479 : vector<16xf32> to vector<1x16xf32>
        tpu.vector_store %arg8[%swap3A_2480, %swap3A_2481], %swap3A_2484 {strides = array<i32>} : memref<200x64xf32, #tpu.memory_space<vmem>>, vector<1x16xf32>,
        %get3A_2485 = arith.constant 0 : i32
        %get3A_2486 = arith.index_cast %get3A_2485 : i32 to index
        %get3A_2487 = arith.index_cast %add3A_2439 : i32 to index
        %get3A_2488 = arith.constant 48 : index
        %get3A_2489 = tpu.vector_load %arg7[%get3A_2486, %get3A_2487, %get3A_2488] {strides = array<i32>} : memref<2x200x128xf32, #tpu.memory_space<vmem>>, vector<1x1x16xf32>,
        %get3A_2490 = vector.shape_cast %get3A_2489 : vector<1x1x16xf32> to vector<16xf32>
        %lt3A_2491 = arith.constant 0.000000e+00 : f32
        %lt3A_2492 = vector.broadcast %lt3A_2491 : f32 to vector<16xf32>
        %lt3A_2493 = arith.cmpf olt, %get3A_2490, %lt3A_2492 : vector<16xf32>
        %select_n3A_2494 = arith.select %lt3A_2493, %broadcast_in_dim3A_2437, %broadcast_in_dim3A_2434 : vector<16xi1>, vector<16xf32>
        %swap3A_2495 = arith.index_cast %add3A_2439 : i32 to index
        %swap3A_2496 = arith.constant 48 : index
        %swap3A_2497 = tpu.vector_load %arg8[%swap3A_2495, %swap3A_2496] {strides = array<i32>} : memref<200x64xf32, #tpu.memory_space<vmem>>, vector<1x16xf32>,
        %swap3A_2498 = vector.shape_cast %swap3A_2497 : vector<1x16xf32> to vector<16xf32>
        %swap3A_2499 = vector.shape_cast %select_n3A_2494 : vector<16xf32> to vector<1x16xf32>
        tpu.vector_store %arg8[%swap3A_2495, %swap3A_2496], %swap3A_2499 {strides = array<i32>} : memref<200x64xf32, #tpu.memory_space<vmem>>, vector<1x16xf32>,
        %slice3A_2500 = vector.extract_strided_slice %max3A_1542 {offsets = [14], sizes = [1], strides = [1]} : vector<16xf32> to vector<1xf32>
        %squeeze3A_2501 = vector.extract %slice3A_2500[0] : f32 from vector<1xf32>
        %broadcast_in_dim3A_2502 = vector.broadcast %squeeze3A_2501 : f32 to vector<16xf32>
        %slice3A_2503 = vector.extract_strided_slice %neg3A_1547 {offsets = [14], sizes = [1], strides = [1]} : vector<16xf32> to vector<1xf32>
        %squeeze3A_2504 = vector.extract %slice3A_2503[0] : f32 from vector<1xf32>
        %broadcast_in_dim3A_2505 = vector.broadcast %squeeze3A_2504 : f32 to vector<16xf32>
        %add3A_2506 = arith.constant 14 : i32
        %add3A_2507 = arith.addi %mul3A_1544, %add3A_2506 : i32
        %get3A_2508 = arith.constant 0 : i32
        %get3A_2509 = arith.index_cast %get3A_2508 : i32 to index
        %get3A_2510 = arith.index_cast %add3A_2507 : i32 to index
        %get3A_2511 = arith.constant 0 : index
        %get3A_2512 = tpu.vector_load %arg7[%get3A_2509, %get3A_2510, %get3A_2511] {strides = array<i32>} : memref<2x200x128xf32, #tpu.memory_space<vmem>>, vector<1x1x16xf32>,
        %get3A_2513 = vector.shape_cast %get3A_2512 : vector<1x1x16xf32> to vector<16xf32>
        %lt3A_2514 = arith.constant 0.000000e+00 : f32
        %lt3A_2515 = vector.broadcast %lt3A_2514 : f32 to vector<16xf32>
        %lt3A_2516 = arith.cmpf olt, %get3A_2513, %lt3A_2515 : vector<16xf32>
        %select_n3A_2517 = arith.select %lt3A_2516, %broadcast_in_dim3A_2505, %broadcast_in_dim3A_2502 : vector<16xi1>, vector<16xf32>
        %swap3A_2518 = arith.index_cast %add3A_2507 : i32 to index
        %swap3A_2519 = arith.constant 0 : index
        %swap3A_2520 = tpu.vector_load %arg8[%swap3A_2518, %swap3A_2519] {strides = array<i32>} : memref<200x64xf32, #tpu.memory_space<vmem>>, vector<1x16xf32>,
        %swap3A_2521 = vector.shape_cast %swap3A_2520 : vector<1x16xf32> to vector<16xf32>
        %swap3A_2522 = vector.shape_cast %select_n3A_2517 : vector<16xf32> to vector<1x16xf32>
        tpu.vector_store %arg8[%swap3A_2518, %swap3A_2519], %swap3A_2522 {strides = array<i32>} : memref<200x64xf32, #tpu.memory_space<vmem>>, vector<1x16xf32>,
        %get3A_2523 = arith.constant 0 : i32
        %get3A_2524 = arith.index_cast %get3A_2523 : i32 to index
        %get3A_2525 = arith.index_cast %add3A_2507 : i32 to index
        %get3A_2526 = arith.constant 16 : index
        %get3A_2527 = tpu.vector_load %arg7[%get3A_2524, %get3A_2525, %get3A_2526] {strides = array<i32>} : memref<2x200x128xf32, #tpu.memory_space<vmem>>, vector<1x1x16xf32>,
        %get3A_2528 = vector.shape_cast %get3A_2527 : vector<1x1x16xf32> to vector<16xf32>
        %lt3A_2529 = arith.constant 0.000000e+00 : f32
        %lt3A_2530 = vector.broadcast %lt3A_2529 : f32 to vector<16xf32>
        %lt3A_2531 = arith.cmpf olt, %get3A_2528, %lt3A_2530 : vector<16xf32>
        %select_n3A_2532 = arith.select %lt3A_2531, %broadcast_in_dim3A_2505, %broadcast_in_dim3A_2502 : vector<16xi1>, vector<16xf32>
        %swap3A_2533 = arith.index_cast %add3A_2507 : i32 to index
        %swap3A_2534 = arith.constant 16 : index
        %swap3A_2535 = tpu.vector_load %arg8[%swap3A_2533, %swap3A_2534] {strides = array<i32>} : memref<200x64xf32, #tpu.memory_space<vmem>>, vector<1x16xf32>,
        %swap3A_2536 = vector.shape_cast %swap3A_2535 : vector<1x16xf32> to vector<16xf32>
        %swap3A_2537 = vector.shape_cast %select_n3A_2532 : vector<16xf32> to vector<1x16xf32>
        tpu.vector_store %arg8[%swap3A_2533, %swap3A_2534], %swap3A_2537 {strides = array<i32>} : memref<200x64xf32, #tpu.memory_space<vmem>>, vector<1x16xf32>,
        %get3A_2538 = arith.constant 0 : i32
        %get3A_2539 = arith.index_cast %get3A_2538 : i32 to index
        %get3A_2540 = arith.index_cast %add3A_2507 : i32 to index
        %get3A_2541 = arith.constant 32 : index
        %get3A_2542 = tpu.vector_load %arg7[%get3A_2539, %get3A_2540, %get3A_2541] {strides = array<i32>} : memref<2x200x128xf32, #tpu.memory_space<vmem>>, vector<1x1x16xf32>,
        %get3A_2543 = vector.shape_cast %get3A_2542 : vector<1x1x16xf32> to vector<16xf32>
        %lt3A_2544 = arith.constant 0.000000e+00 : f32
        %lt3A_2545 = vector.broadcast %lt3A_2544 : f32 to vector<16xf32>
        %lt3A_2546 = arith.cmpf olt, %get3A_2543, %lt3A_2545 : vector<16xf32>
        %select_n3A_2547 = arith.select %lt3A_2546, %broadcast_in_dim3A_2505, %broadcast_in_dim3A_2502 : vector<16xi1>, vector<16xf32>
        %swap3A_2548 = arith.index_cast %add3A_2507 : i32 to index
        %swap3A_2549 = arith.constant 32 : index
        %swap3A_2550 = tpu.vector_load %arg8[%swap3A_2548, %swap3A_2549] {strides = array<i32>} : memref<200x64xf32, #tpu.memory_space<vmem>>, vector<1x16xf32>,
        %swap3A_2551 = vector.shape_cast %swap3A_2550 : vector<1x16xf32> to vector<16xf32>
        %swap3A_2552 = vector.shape_cast %select_n3A_2547 : vector<16xf32> to vector<1x16xf32>
        tpu.vector_store %arg8[%swap3A_2548, %swap3A_2549], %swap3A_2552 {strides = array<i32>} : memref<200x64xf32, #tpu.memory_space<vmem>>, vector<1x16xf32>,
        %get3A_2553 = arith.constant 0 : i32
        %get3A_2554 = arith.index_cast %get3A_2553 : i32 to index
        %get3A_2555 = arith.index_cast %add3A_2507 : i32 to index
        %get3A_2556 = arith.constant 48 : index
        %get3A_2557 = tpu.vector_load %arg7[%get3A_2554, %get3A_2555, %get3A_2556] {strides = array<i32>} : memref<2x200x128xf32, #tpu.memory_space<vmem>>, vector<1x1x16xf32>,
        %get3A_2558 = vector.shape_cast %get3A_2557 : vector<1x1x16xf32> to vector<16xf32>
        %lt3A_2559 = arith.constant 0.000000e+00 : f32
        %lt3A_2560 = vector.broadcast %lt3A_2559 : f32 to vector<16xf32>
        %lt3A_2561 = arith.cmpf olt, %get3A_2558, %lt3A_2560 : vector<16xf32>
        %select_n3A_2562 = arith.select %lt3A_2561, %broadcast_in_dim3A_2505, %broadcast_in_dim3A_2502 : vector<16xi1>, vector<16xf32>
        %swap3A_2563 = arith.index_cast %add3A_2507 : i32 to index
        %swap3A_2564 = arith.constant 48 : index
        %swap3A_2565 = tpu.vector_load %arg8[%swap3A_2563, %swap3A_2564] {strides = array<i32>} : memref<200x64xf32, #tpu.memory_space<vmem>>, vector<1x16xf32>,
        %swap3A_2566 = vector.shape_cast %swap3A_2565 : vector<1x16xf32> to vector<16xf32>
        %swap3A_2567 = vector.shape_cast %select_n3A_2562 : vector<16xf32> to vector<1x16xf32>
        tpu.vector_store %arg8[%swap3A_2563, %swap3A_2564], %swap3A_2567 {strides = array<i32>} : memref<200x64xf32, #tpu.memory_space<vmem>>, vector<1x16xf32>,
        %slice3A_2568 = vector.extract_strided_slice %max3A_1542 {offsets = [15], sizes = [1], strides = [1]} : vector<16xf32> to vector<1xf32>
        %squeeze3A_2569 = vector.extract %slice3A_2568[0] : f32 from vector<1xf32>
        %broadcast_in_dim3A_2570 = vector.broadcast %squeeze3A_2569 : f32 to vector<16xf32>
        %slice3A_2571 = vector.extract_strided_slice %neg3A_1547 {offsets = [15], sizes = [1], strides = [1]} : vector<16xf32> to vector<1xf32>
        %squeeze3A_2572 = vector.extract %slice3A_2571[0] : f32 from vector<1xf32>
        %broadcast_in_dim3A_2573 = vector.broadcast %squeeze3A_2572 : f32 to vector<16xf32>
        %add3A_2574 = arith.constant 15 : i32
        %add3A_2575 = arith.addi %mul3A_1544, %add3A_2574 : i32
        %get3A_2576 = arith.constant 0 : i32
        %get3A_2577 = arith.index_cast %get3A_2576 : i32 to index
        %get3A_2578 = arith.index_cast %add3A_2575 : i32 to index
        %get3A_2579 = arith.constant 0 : index
        %get3A_2580 = tpu.vector_load %arg7[%get3A_2577, %get3A_2578, %get3A_2579] {strides = array<i32>} : memref<2x200x128xf32, #tpu.memory_space<vmem>>, vector<1x1x16xf32>,
        %get3A_2581 = vector.shape_cast %get3A_2580 : vector<1x1x16xf32> to vector<16xf32>
        %lt3A_2582 = arith.constant 0.000000e+00 : f32
        %lt3A_2583 = vector.broadcast %lt3A_2582 : f32 to vector<16xf32>
        %lt3A_2584 = arith.cmpf olt, %get3A_2581, %lt3A_2583 : vector<16xf32>
        %select_n3A_2585 = arith.select %lt3A_2584, %broadcast_in_dim3A_2573, %broadcast_in_dim3A_2570 : vector<16xi1>, vector<16xf32>
        %swap3A_2586 = arith.index_cast %add3A_2575 : i32 to index
        %swap3A_2587 = arith.constant 0 : index
        %swap3A_2588 = tpu.vector_load %arg8[%swap3A_2586, %swap3A_2587] {strides = array<i32>} : memref<200x64xf32, #tpu.memory_space<vmem>>, vector<1x16xf32>,
        %swap3A_2589 = vector.shape_cast %swap3A_2588 : vector<1x16xf32> to vector<16xf32>
        %swap3A_2590 = vector.shape_cast %select_n3A_2585 : vector<16xf32> to vector<1x16xf32>
        tpu.vector_store %arg8[%swap3A_2586, %swap3A_2587], %swap3A_2590 {strides = array<i32>} : memref<200x64xf32, #tpu.memory_space<vmem>>, vector<1x16xf32>,
        %get3A_2591 = arith.constant 0 : i32
        %get3A_2592 = arith.index_cast %get3A_2591 : i32 to index
        %get3A_2593 = arith.index_cast %add3A_2575 : i32 to index
        %get3A_2594 = arith.constant 16 : index
        %get3A_2595 = tpu.vector_load %arg7[%get3A_2592, %get3A_2593, %get3A_2594] {strides = array<i32>} : memref<2x200x128xf32, #tpu.memory_space<vmem>>, vector<1x1x16xf32>,
        %get3A_2596 = vector.shape_cast %get3A_2595 : vector<1x1x16xf32> to vector<16xf32>
        %lt3A_2597 = arith.constant 0.000000e+00 : f32
        %lt3A_2598 = vector.broadcast %lt3A_2597 : f32 to vector<16xf32>
        %lt3A_2599 = arith.cmpf olt, %get3A_2596, %lt3A_2598 : vector<16xf32>
        %select_n3A_2600 = arith.select %lt3A_2599, %broadcast_in_dim3A_2573, %broadcast_in_dim3A_2570 : vector<16xi1>, vector<16xf32>
        %swap3A_2601 = arith.index_cast %add3A_2575 : i32 to index
        %swap3A_2602 = arith.constant 16 : index
        %swap3A_2603 = tpu.vector_load %arg8[%swap3A_2601, %swap3A_2602] {strides = array<i32>} : memref<200x64xf32, #tpu.memory_space<vmem>>, vector<1x16xf32>,
        %swap3A_2604 = vector.shape_cast %swap3A_2603 : vector<1x16xf32> to vector<16xf32>
        %swap3A_2605 = vector.shape_cast %select_n3A_2600 : vector<16xf32> to vector<1x16xf32>
        tpu.vector_store %arg8[%swap3A_2601, %swap3A_2602], %swap3A_2605 {strides = array<i32>} : memref<200x64xf32, #tpu.memory_space<vmem>>, vector<1x16xf32>,
        %get3A_2606 = arith.constant 0 : i32
        %get3A_2607 = arith.index_cast %get3A_2606 : i32 to index
        %get3A_2608 = arith.index_cast %add3A_2575 : i32 to index
        %get3A_2609 = arith.constant 32 : index
        %get3A_2610 = tpu.vector_load %arg7[%get3A_2607, %get3A_2608, %get3A_2609] {strides = array<i32>} : memref<2x200x128xf32, #tpu.memory_space<vmem>>, vector<1x1x16xf32>,
        %get3A_2611 = vector.shape_cast %get3A_2610 : vector<1x1x16xf32> to vector<16xf32>
        %lt3A_2612 = arith.constant 0.000000e+00 : f32
        %lt3A_2613 = vector.broadcast %lt3A_2612 : f32 to vector<16xf32>
        %lt3A_2614 = arith.cmpf olt, %get3A_2611, %lt3A_2613 : vector<16xf32>
        %select_n3A_2615 = arith.select %lt3A_2614, %broadcast_in_dim3A_2573, %broadcast_in_dim3A_2570 : vector<16xi1>, vector<16xf32>
        %swap3A_2616 = arith.index_cast %add3A_2575 : i32 to index
        %swap3A_2617 = arith.constant 32 : index
        %swap3A_2618 = tpu.vector_load %arg8[%swap3A_2616, %swap3A_2617] {strides = array<i32>} : memref<200x64xf32, #tpu.memory_space<vmem>>, vector<1x16xf32>,
        %swap3A_2619 = vector.shape_cast %swap3A_2618 : vector<1x16xf32> to vector<16xf32>
        %swap3A_2620 = vector.shape_cast %select_n3A_2615 : vector<16xf32> to vector<1x16xf32>
        tpu.vector_store %arg8[%swap3A_2616, %swap3A_2617], %swap3A_2620 {strides = array<i32>} : memref<200x64xf32, #tpu.memory_space<vmem>>, vector<1x16xf32>,
        %get3A_2621 = arith.constant 0 : i32
        %get3A_2622 = arith.index_cast %get3A_2621 : i32 to index
        %get3A_2623 = arith.index_cast %add3A_2575 : i32 to index
        %get3A_2624 = arith.constant 48 : index
        %get3A_2625 = tpu.vector_load %arg7[%get3A_2622, %get3A_2623, %get3A_2624] {strides = array<i32>} : memref<2x200x128xf32, #tpu.memory_space<vmem>>, vector<1x1x16xf32>,
        %get3A_2626 = vector.shape_cast %get3A_2625 : vector<1x1x16xf32> to vector<16xf32>
        %lt3A_2627 = arith.constant 0.000000e+00 : f32
        %lt3A_2628 = vector.broadcast %lt3A_2627 : f32 to vector<16xf32>
        %lt3A_2629 = arith.cmpf olt, %get3A_2626, %lt3A_2628 : vector<16xf32>
        %select_n3A_2630 = arith.select %lt3A_2629, %broadcast_in_dim3A_2573, %broadcast_in_dim3A_2570 : vector<16xi1>, vector<16xf32>
        %swap3A_2631 = arith.index_cast %add3A_2575 : i32 to index
        %swap3A_2632 = arith.constant 48 : index
        %swap3A_2633 = tpu.vector_load %arg8[%swap3A_2631, %swap3A_2632] {strides = array<i32>} : memref<200x64xf32, #tpu.memory_space<vmem>>, vector<1x16xf32>,
        %swap3A_2634 = vector.shape_cast %swap3A_2633 : vector<1x16xf32> to vector<16xf32>
        %swap3A_2635 = vector.shape_cast %select_n3A_2630 : vector<16xf32> to vector<1x16xf32>
        tpu.vector_store %arg8[%swap3A_2631, %swap3A_2632], %swap3A_2635 {strides = array<i32>} : memref<200x64xf32, #tpu.memory_space<vmem>>, vector<1x16xf32>,
      }
      %scan3A_192 = arith.constant 12 : i32
      %get3A = arith.constant 184 : index
      %get3A_193 = tpu.vector_load %arg9[%get3A] {strides = array<i32>} : memref<200xf32, #tpu.memory_space<vmem>>, vector<16xf32>,
      %get3A_194 = vector.shape_cast %get3A_193 : vector<16xf32> to vector<16xf32>
      %max3A = arith.constant 9.99999993E-9 : f32
      %max3A_195 = vector.broadcast %max3A : f32 to vector<16xf32>
      %max3A_196 = arith.maximumf %get3A_194, %max3A_195 : vector<16xf32>
      %neg3A = arith.constant 0.000000e+00 : f32
      %neg3A_197 = vector.broadcast %neg3A : f32 to vector<16xf32>
      %neg3A_198 = arith.subf %neg3A_197, %max3A_196 : vector<16xf32>
      %slice3A = vector.extract_strided_slice %max3A_196 {offsets = [8], sizes = [1], strides = [1]} : vector<16xf32> to vector<1xf32>
      %squeeze3A = vector.extract %slice3A[0] : f32 from vector<1xf32>
      %broadcast_in_dim3A = vector.broadcast %squeeze3A : f32 to vector<16xf32>
      %slice3A_199 = vector.extract_strided_slice %neg3A_198 {offsets = [8], sizes = [1], strides = [1]} : vector<16xf32> to vector<1xf32>
      %squeeze3A_200 = vector.extract %slice3A_199[0] : f32 from vector<1xf32>
      %broadcast_in_dim3A_201 = vector.broadcast %squeeze3A_200 : f32 to vector<16xf32>
      %get3A_202 = arith.constant 0 : i32
      %get3A_203 = arith.constant 192 : i32
      %get3A_204 = arith.index_cast %get3A_202 : i32 to index
      %get3A_205 = arith.index_cast %get3A_203 : i32 to index
      %get3A_206 = arith.constant 0 : index
      %get3A_207 = tpu.vector_load %arg7[%get3A_204, %get3A_205, %get3A_206] {strides = array<i32>} : memref<2x200x128xf32, #tpu.memory_space<vmem>>, vector<1x1x16xf32>,
      %get3A_208 = vector.shape_cast %get3A_207 : vector<1x1x16xf32> to vector<16xf32>
      %lt3A_209 = arith.constant 0.000000e+00 : f32
      %lt3A_210 = vector.broadcast %lt3A_209 : f32 to vector<16xf32>
      %lt3A_211 = arith.cmpf olt, %get3A_208, %lt3A_210 : vector<16xf32>
      %select_n3A = arith.select %lt3A_211, %broadcast_in_dim3A_201, %broadcast_in_dim3A : vector<16xi1>, vector<16xf32>
      %swap3A = arith.constant 192 : i32
      %swap3A_212 = arith.index_cast %swap3A : i32 to index
      %swap3A_213 = arith.constant 0 : index
      %swap3A_214 = tpu.vector_load %arg8[%swap3A_212, %swap3A_213] {strides = array<i32>} : memref<200x64xf32, #tpu.memory_space<vmem>>, vector<1x16xf32>,
      %swap3A_215 = vector.shape_cast %swap3A_214 : vector<1x16xf32> to vector<16xf32>
      %swap3A_216 = vector.shape_cast %select_n3A : vector<16xf32> to vector<1x16xf32>
      tpu.vector_store %arg8[%swap3A_212, %swap3A_213], %swap3A_216 {strides = array<i32>} : memref<200x64xf32, #tpu.memory_space<vmem>>, vector<1x16xf32>,
      %get3A_217 = arith.constant 0 : i32
      %get3A_218 = arith.constant 192 : i32
      %get3A_219 = arith.index_cast %get3A_217 : i32 to index
      %get3A_220 = arith.index_cast %get3A_218 : i32 to index
      %get3A_221 = arith.constant 16 : index
      %get3A_222 = tpu.vector_load %arg7[%get3A_219, %get3A_220, %get3A_221] {strides = array<i32>} : memref<2x200x128xf32, #tpu.memory_space<vmem>>, vector<1x1x16xf32>,
      %get3A_223 = vector.shape_cast %get3A_222 : vector<1x1x16xf32> to vector<16xf32>
      %lt3A_224 = arith.constant 0.000000e+00 : f32
      %lt3A_225 = vector.broadcast %lt3A_224 : f32 to vector<16xf32>
      %lt3A_226 = arith.cmpf olt, %get3A_223, %lt3A_225 : vector<16xf32>
      %select_n3A_227 = arith.select %lt3A_226, %broadcast_in_dim3A_201, %broadcast_in_dim3A : vector<16xi1>, vector<16xf32>
      %swap3A_228 = arith.constant 192 : i32
      %swap3A_229 = arith.index_cast %swap3A_228 : i32 to index
      %swap3A_230 = arith.constant 16 : index
      %swap3A_231 = tpu.vector_load %arg8[%swap3A_229, %swap3A_230] {strides = array<i32>} : memref<200x64xf32, #tpu.memory_space<vmem>>, vector<1x16xf32>,
      %swap3A_232 = vector.shape_cast %swap3A_231 : vector<1x16xf32> to vector<16xf32>
      %swap3A_233 = vector.shape_cast %select_n3A_227 : vector<16xf32> to vector<1x16xf32>
      tpu.vector_store %arg8[%swap3A_229, %swap3A_230], %swap3A_233 {strides = array<i32>} : memref<200x64xf32, #tpu.memory_space<vmem>>, vector<1x16xf32>,
      %get3A_234 = arith.constant 0 : i32
      %get3A_235 = arith.constant 192 : i32
      %get3A_236 = arith.index_cast %get3A_234 : i32 to index
      %get3A_237 = arith.index_cast %get3A_235 : i32 to index
      %get3A_238 = arith.constant 32 : index
      %get3A_239 = tpu.vector_load %arg7[%get3A_236, %get3A_237, %get3A_238] {strides = array<i32>} : memref<2x200x128xf32, #tpu.memory_space<vmem>>, vector<1x1x16xf32>,
      %get3A_240 = vector.shape_cast %get3A_239 : vector<1x1x16xf32> to vector<16xf32>
      %lt3A_241 = arith.constant 0.000000e+00 : f32
      %lt3A_242 = vector.broadcast %lt3A_241 : f32 to vector<16xf32>
      %lt3A_243 = arith.cmpf olt, %get3A_240, %lt3A_242 : vector<16xf32>
      %select_n3A_244 = arith.select %lt3A_243, %broadcast_in_dim3A_201, %broadcast_in_dim3A : vector<16xi1>, vector<16xf32>
      %swap3A_245 = arith.constant 192 : i32
      %swap3A_246 = arith.index_cast %swap3A_245 : i32 to index
      %swap3A_247 = arith.constant 32 : index
      %swap3A_248 = tpu.vector_load %arg8[%swap3A_246, %swap3A_247] {strides = array<i32>} : memref<200x64xf32, #tpu.memory_space<vmem>>, vector<1x16xf32>,
      %swap3A_249 = vector.shape_cast %swap3A_248 : vector<1x16xf32> to vector<16xf32>
      %swap3A_250 = vector.shape_cast %select_n3A_244 : vector<16xf32> to vector<1x16xf32>
      tpu.vector_store %arg8[%swap3A_246, %swap3A_247], %swap3A_250 {strides = array<i32>} : memref<200x64xf32, #tpu.memory_space<vmem>>, vector<1x16xf32>,
      %get3A_251 = arith.constant 0 : i32
      %get3A_252 = arith.constant 192 : i32
      %get3A_253 = arith.index_cast %get3A_251 : i32 to index
      %get3A_254 = arith.index_cast %get3A_252 : i32 to index
      %get3A_255 = arith.constant 48 : index
      %get3A_256 = tpu.vector_load %arg7[%get3A_253, %get3A_254, %get3A_255] {strides = array<i32>} : memref<2x200x128xf32, #tpu.memory_space<vmem>>, vector<1x1x16xf32>,
      %get3A_257 = vector.shape_cast %get3A_256 : vector<1x1x16xf32> to vector<16xf32>
      %lt3A_258 = arith.constant 0.000000e+00 : f32
      %lt3A_259 = vector.broadcast %lt3A_258 : f32 to vector<16xf32>
      %lt3A_260 = arith.cmpf olt, %get3A_257, %lt3A_259 : vector<16xf32>
      %select_n3A_261 = arith.select %lt3A_260, %broadcast_in_dim3A_201, %broadcast_in_dim3A : vector<16xi1>, vector<16xf32>
      %swap3A_262 = arith.constant 192 : i32
      %swap3A_263 = arith.index_cast %swap3A_262 : i32 to index
      %swap3A_264 = arith.constant 48 : index
      %swap3A_265 = tpu.vector_load %arg8[%swap3A_263, %swap3A_264] {strides = array<i32>} : memref<200x64xf32, #tpu.memory_space<vmem>>, vector<1x16xf32>,
      %swap3A_266 = vector.shape_cast %swap3A_265 : vector<1x16xf32> to vector<16xf32>
      %swap3A_267 = vector.shape_cast %select_n3A_261 : vector<16xf32> to vector<1x16xf32>
      tpu.vector_store %arg8[%swap3A_263, %swap3A_264], %swap3A_267 {strides = array<i32>} : memref<200x64xf32, #tpu.memory_space<vmem>>, vector<1x16xf32>,
      %slice3A_268 = vector.extract_strided_slice %max3A_196 {offsets = [9], sizes = [1], strides = [1]} : vector<16xf32> to vector<1xf32>
      %squeeze3A_269 = vector.extract %slice3A_268[0] : f32 from vector<1xf32>
      %broadcast_in_dim3A_270 = vector.broadcast %squeeze3A_269 : f32 to vector<16xf32>
      %slice3A_271 = vector.extract_strided_slice %neg3A_198 {offsets = [9], sizes = [1], strides = [1]} : vector<16xf32> to vector<1xf32>
      %squeeze3A_272 = vector.extract %slice3A_271[0] : f32 from vector<1xf32>
      %broadcast_in_dim3A_273 = vector.broadcast %squeeze3A_272 : f32 to vector<16xf32>
      %get3A_274 = arith.constant 0 : i32
      %get3A_275 = arith.constant 193 : i32
      %get3A_276 = arith.index_cast %get3A_274 : i32 to index
      %get3A_277 = arith.index_cast %get3A_275 : i32 to index
      %get3A_278 = arith.constant 0 : index
      %get3A_279 = tpu.vector_load %arg7[%get3A_276, %get3A_277, %get3A_278] {strides = array<i32>} : memref<2x200x128xf32, #tpu.memory_space<vmem>>, vector<1x1x16xf32>,
      %get3A_280 = vector.shape_cast %get3A_279 : vector<1x1x16xf32> to vector<16xf32>
      %lt3A_281 = arith.constant 0.000000e+00 : f32
      %lt3A_282 = vector.broadcast %lt3A_281 : f32 to vector<16xf32>
      %lt3A_283 = arith.cmpf olt, %get3A_280, %lt3A_282 : vector<16xf32>
      %select_n3A_284 = arith.select %lt3A_283, %broadcast_in_dim3A_273, %broadcast_in_dim3A_270 : vector<16xi1>, vector<16xf32>
      %swap3A_285 = arith.constant 193 : i32
      %swap3A_286 = arith.index_cast %swap3A_285 : i32 to index
      %swap3A_287 = arith.constant 0 : index
      %swap3A_288 = tpu.vector_load %arg8[%swap3A_286, %swap3A_287] {strides = array<i32>} : memref<200x64xf32, #tpu.memory_space<vmem>>, vector<1x16xf32>,
      %swap3A_289 = vector.shape_cast %swap3A_288 : vector<1x16xf32> to vector<16xf32>
      %swap3A_290 = vector.shape_cast %select_n3A_284 : vector<16xf32> to vector<1x16xf32>
      tpu.vector_store %arg8[%swap3A_286, %swap3A_287], %swap3A_290 {strides = array<i32>} : memref<200x64xf32, #tpu.memory_space<vmem>>, vector<1x16xf32>,
      %get3A_291 = arith.constant 0 : i32
      %get3A_292 = arith.constant 193 : i32
      %get3A_293 = arith.index_cast %get3A_291 : i32 to index
      %get3A_294 = arith.index_cast %get3A_292 : i32 to index
      %get3A_295 = arith.constant 16 : index
      %get3A_296 = tpu.vector_load %arg7[%get3A_293, %get3A_294, %get3A_295] {strides = array<i32>} : memref<2x200x128xf32, #tpu.memory_space<vmem>>, vector<1x1x16xf32>,
      %get3A_297 = vector.shape_cast %get3A_296 : vector<1x1x16xf32> to vector<16xf32>
      %lt3A_298 = arith.constant 0.000000e+00 : f32
      %lt3A_299 = vector.broadcast %lt3A_298 : f32 to vector<16xf32>
      %lt3A_300 = arith.cmpf olt, %get3A_297, %lt3A_299 : vector<16xf32>
      %select_n3A_301 = arith.select %lt3A_300, %broadcast_in_dim3A_273, %broadcast_in_dim3A_270 : vector<16xi1>, vector<16xf32>
      %swap3A_302 = arith.constant 193 : i32
      %swap3A_303 = arith.index_cast %swap3A_302 : i32 to index
      %swap3A_304 = arith.constant 16 : index
      %swap3A_305 = tpu.vector_load %arg8[%swap3A_303, %swap3A_304] {strides = array<i32>} : memref<200x64xf32, #tpu.memory_space<vmem>>, vector<1x16xf32>,
      %swap3A_306 = vector.shape_cast %swap3A_305 : vector<1x16xf32> to vector<16xf32>
      %swap3A_307 = vector.shape_cast %select_n3A_301 : vector<16xf32> to vector<1x16xf32>
      tpu.vector_store %arg8[%swap3A_303, %swap3A_304], %swap3A_307 {strides = array<i32>} : memref<200x64xf32, #tpu.memory_space<vmem>>, vector<1x16xf32>,
      %get3A_308 = arith.constant 0 : i32
      %get3A_309 = arith.constant 193 : i32
      %get3A_310 = arith.index_cast %get3A_308 : i32 to index
      %get3A_311 = arith.index_cast %get3A_309 : i32 to index
      %get3A_312 = arith.constant 32 : index
      %get3A_313 = tpu.vector_load %arg7[%get3A_310, %get3A_311, %get3A_312] {strides = array<i32>} : memref<2x200x128xf32, #tpu.memory_space<vmem>>, vector<1x1x16xf32>,
      %get3A_314 = vector.shape_cast %get3A_313 : vector<1x1x16xf32> to vector<16xf32>
      %lt3A_315 = arith.constant 0.000000e+00 : f32
      %lt3A_316 = vector.broadcast %lt3A_315 : f32 to vector<16xf32>
      %lt3A_317 = arith.cmpf olt, %get3A_314, %lt3A_316 : vector<16xf32>
      %select_n3A_318 = arith.select %lt3A_317, %broadcast_in_dim3A_273, %broadcast_in_dim3A_270 : vector<16xi1>, vector<16xf32>
      %swap3A_319 = arith.constant 193 : i32
      %swap3A_320 = arith.index_cast %swap3A_319 : i32 to index
      %swap3A_321 = arith.constant 32 : index
      %swap3A_322 = tpu.vector_load %arg8[%swap3A_320, %swap3A_321] {strides = array<i32>} : memref<200x64xf32, #tpu.memory_space<vmem>>, vector<1x16xf32>,
      %swap3A_323 = vector.shape_cast %swap3A_322 : vector<1x16xf32> to vector<16xf32>
      %swap3A_324 = vector.shape_cast %select_n3A_318 : vector<16xf32> to vector<1x16xf32>
      tpu.vector_store %arg8[%swap3A_320, %swap3A_321], %swap3A_324 {strides = array<i32>} : memref<200x64xf32, #tpu.memory_space<vmem>>, vector<1x16xf32>,
      %get3A_325 = arith.constant 0 : i32
      %get3A_326 = arith.constant 193 : i32
      %get3A_327 = arith.index_cast %get3A_325 : i32 to index
      %get3A_328 = arith.index_cast %get3A_326 : i32 to index
      %get3A_329 = arith.constant 48 : index
      %get3A_330 = tpu.vector_load %arg7[%get3A_327, %get3A_328, %get3A_329] {strides = array<i32>} : memref<2x200x128xf32, #tpu.memory_space<vmem>>, vector<1x1x16xf32>,
      %get3A_331 = vector.shape_cast %get3A_330 : vector<1x1x16xf32> to vector<16xf32>
      %lt3A_332 = arith.constant 0.000000e+00 : f32
      %lt3A_333 = vector.broadcast %lt3A_332 : f32 to vector<16xf32>
      %lt3A_334 = arith.cmpf olt, %get3A_331, %lt3A_333 : vector<16xf32>
      %select_n3A_335 = arith.select %lt3A_334, %broadcast_in_dim3A_273, %broadcast_in_dim3A_270 : vector<16xi1>, vector<16xf32>
      %swap3A_336 = arith.constant 193 : i32
      %swap3A_337 = arith.index_cast %swap3A_336 : i32 to index
      %swap3A_338 = arith.constant 48 : index
      %swap3A_339 = tpu.vector_load %arg8[%swap3A_337, %swap3A_338] {strides = array<i32>} : memref<200x64xf32, #tpu.memory_space<vmem>>, vector<1x16xf32>,
      %swap3A_340 = vector.shape_cast %swap3A_339 : vector<1x16xf32> to vector<16xf32>
      %swap3A_341 = vector.shape_cast %select_n3A_335 : vector<16xf32> to vector<1x16xf32>
      tpu.vector_store %arg8[%swap3A_337, %swap3A_338], %swap3A_341 {strides = array<i32>} : memref<200x64xf32, #tpu.memory_space<vmem>>, vector<1x16xf32>,
      %slice3A_342 = vector.extract_strided_slice %max3A_196 {offsets = [10], sizes = [1], strides = [1]} : vector<16xf32> to vector<1xf32>
      %squeeze3A_343 = vector.extract %slice3A_342[0] : f32 from vector<1xf32>
      %broadcast_in_dim3A_344 = vector.broadcast %squeeze3A_343 : f32 to vector<16xf32>
      %slice3A_345 = vector.extract_strided_slice %neg3A_198 {offsets = [10], sizes = [1], strides = [1]} : vector<16xf32> to vector<1xf32>
      %squeeze3A_346 = vector.extract %slice3A_345[0] : f32 from vector<1xf32>
      %broadcast_in_dim3A_347 = vector.broadcast %squeeze3A_346 : f32 to vector<16xf32>
      %get3A_348 = arith.constant 0 : i32
      %get3A_349 = arith.constant 194 : i32
      %get3A_350 = arith.index_cast %get3A_348 : i32 to index
      %get3A_351 = arith.index_cast %get3A_349 : i32 to index
      %get3A_352 = arith.constant 0 : index
      %get3A_353 = tpu.vector_load %arg7[%get3A_350, %get3A_351, %get3A_352] {strides = array<i32>} : memref<2x200x128xf32, #tpu.memory_space<vmem>>, vector<1x1x16xf32>,
      %get3A_354 = vector.shape_cast %get3A_353 : vector<1x1x16xf32> to vector<16xf32>
      %lt3A_355 = arith.constant 0.000000e+00 : f32
      %lt3A_356 = vector.broadcast %lt3A_355 : f32 to vector<16xf32>
      %lt3A_357 = arith.cmpf olt, %get3A_354, %lt3A_356 : vector<16xf32>
      %select_n3A_358 = arith.select %lt3A_357, %broadcast_in_dim3A_347, %broadcast_in_dim3A_344 : vector<16xi1>, vector<16xf32>
      %swap3A_359 = arith.constant 194 : i32
      %swap3A_360 = arith.index_cast %swap3A_359 : i32 to index
      %swap3A_361 = arith.constant 0 : index
      %swap3A_362 = tpu.vector_load %arg8[%swap3A_360, %swap3A_361] {strides = array<i32>} : memref<200x64xf32, #tpu.memory_space<vmem>>, vector<1x16xf32>,
      %swap3A_363 = vector.shape_cast %swap3A_362 : vector<1x16xf32> to vector<16xf32>
      %swap3A_364 = vector.shape_cast %select_n3A_358 : vector<16xf32> to vector<1x16xf32>
      tpu.vector_store %arg8[%swap3A_360, %swap3A_361], %swap3A_364 {strides = array<i32>} : memref<200x64xf32, #tpu.memory_space<vmem>>, vector<1x16xf32>,
      %get3A_365 = arith.constant 0 : i32
      %get3A_366 = arith.constant 194 : i32
      %get3A_367 = arith.index_cast %get3A_365 : i32 to index
      %get3A_368 = arith.index_cast %get3A_366 : i32 to index
      %get3A_369 = arith.constant 16 : index
      %get3A_370 = tpu.vector_load %arg7[%get3A_367, %get3A_368, %get3A_369] {strides = array<i32>} : memref<2x200x128xf32, #tpu.memory_space<vmem>>, vector<1x1x16xf32>,
      %get3A_371 = vector.shape_cast %get3A_370 : vector<1x1x16xf32> to vector<16xf32>
      %lt3A_372 = arith.constant 0.000000e+00 : f32
      %lt3A_373 = vector.broadcast %lt3A_372 : f32 to vector<16xf32>
      %lt3A_374 = arith.cmpf olt, %get3A_371, %lt3A_373 : vector<16xf32>
      %select_n3A_375 = arith.select %lt3A_374, %broadcast_in_dim3A_347, %broadcast_in_dim3A_344 : vector<16xi1>, vector<16xf32>
      %swap3A_376 = arith.constant 194 : i32
      %swap3A_377 = arith.index_cast %swap3A_376 : i32 to index
      %swap3A_378 = arith.constant 16 : index
      %swap3A_379 = tpu.vector_load %arg8[%swap3A_377, %swap3A_378] {strides = array<i32>} : memref<200x64xf32, #tpu.memory_space<vmem>>, vector<1x16xf32>,
      %swap3A_380 = vector.shape_cast %swap3A_379 : vector<1x16xf32> to vector<16xf32>
      %swap3A_381 = vector.shape_cast %select_n3A_375 : vector<16xf32> to vector<1x16xf32>
      tpu.vector_store %arg8[%swap3A_377, %swap3A_378], %swap3A_381 {strides = array<i32>} : memref<200x64xf32, #tpu.memory_space<vmem>>, vector<1x16xf32>,
      %get3A_382 = arith.constant 0 : i32
      %get3A_383 = arith.constant 194 : i32
      %get3A_384 = arith.index_cast %get3A_382 : i32 to index
      %get3A_385 = arith.index_cast %get3A_383 : i32 to index
      %get3A_386 = arith.constant 32 : index
      %get3A_387 = tpu.vector_load %arg7[%get3A_384, %get3A_385, %get3A_386] {strides = array<i32>} : memref<2x200x128xf32, #tpu.memory_space<vmem>>, vector<1x1x16xf32>,
      %get3A_388 = vector.shape_cast %get3A_387 : vector<1x1x16xf32> to vector<16xf32>
      %lt3A_389 = arith.constant 0.000000e+00 : f32
      %lt3A_390 = vector.broadcast %lt3A_389 : f32 to vector<16xf32>
      %lt3A_391 = arith.cmpf olt, %get3A_388, %lt3A_390 : vector<16xf32>
      %select_n3A_392 = arith.select %lt3A_391, %broadcast_in_dim3A_347, %broadcast_in_dim3A_344 : vector<16xi1>, vector<16xf32>
      %swap3A_393 = arith.constant 194 : i32
      %swap3A_394 = arith.index_cast %swap3A_393 : i32 to index
      %swap3A_395 = arith.constant 32 : index
      %swap3A_396 = tpu.vector_load %arg8[%swap3A_394, %swap3A_395] {strides = array<i32>} : memref<200x64xf32, #tpu.memory_space<vmem>>, vector<1x16xf32>,
      %swap3A_397 = vector.shape_cast %swap3A_396 : vector<1x16xf32> to vector<16xf32>
      %swap3A_398 = vector.shape_cast %select_n3A_392 : vector<16xf32> to vector<1x16xf32>
      tpu.vector_store %arg8[%swap3A_394, %swap3A_395], %swap3A_398 {strides = array<i32>} : memref<200x64xf32, #tpu.memory_space<vmem>>, vector<1x16xf32>,
      %get3A_399 = arith.constant 0 : i32
      %get3A_400 = arith.constant 194 : i32
      %get3A_401 = arith.index_cast %get3A_399 : i32 to index
      %get3A_402 = arith.index_cast %get3A_400 : i32 to index
      %get3A_403 = arith.constant 48 : index
      %get3A_404 = tpu.vector_load %arg7[%get3A_401, %get3A_402, %get3A_403] {strides = array<i32>} : memref<2x200x128xf32, #tpu.memory_space<vmem>>, vector<1x1x16xf32>,
      %get3A_405 = vector.shape_cast %get3A_404 : vector<1x1x16xf32> to vector<16xf32>
      %lt3A_406 = arith.constant 0.000000e+00 : f32
      %lt3A_407 = vector.broadcast %lt3A_406 : f32 to vector<16xf32>
      %lt3A_408 = arith.cmpf olt, %get3A_405, %lt3A_407 : vector<16xf32>
      %select_n3A_409 = arith.select %lt3A_408, %broadcast_in_dim3A_347, %broadcast_in_dim3A_344 : vector<16xi1>, vector<16xf32>
      %swap3A_410 = arith.constant 194 : i32
      %swap3A_411 = arith.index_cast %swap3A_410 : i32 to index
      %swap3A_412 = arith.constant 48 : index
      %swap3A_413 = tpu.vector_load %arg8[%swap3A_411, %swap3A_412] {strides = array<i32>} : memref<200x64xf32, #tpu.memory_space<vmem>>, vector<1x16xf32>,
      %swap3A_414 = vector.shape_cast %swap3A_413 : vector<1x16xf32> to vector<16xf32>
      %swap3A_415 = vector.shape_cast %select_n3A_409 : vector<16xf32> to vector<1x16xf32>
      tpu.vector_store %arg8[%swap3A_411, %swap3A_412], %swap3A_415 {strides = array<i32>} : memref<200x64xf32, #tpu.memory_space<vmem>>, vector<1x16xf32>,
      %slice3A_416 = vector.extract_strided_slice %max3A_196 {offsets = [11], sizes = [1], strides = [1]} : vector<16xf32> to vector<1xf32>
      %squeeze3A_417 = vector.extract %slice3A_416[0] : f32 from vector<1xf32>
      %broadcast_in_dim3A_418 = vector.broadcast %squeeze3A_417 : f32 to vector<16xf32>
      %slice3A_419 = vector.extract_strided_slice %neg3A_198 {offsets = [11], sizes = [1], strides = [1]} : vector<16xf32> to vector<1xf32>
      %squeeze3A_420 = vector.extract %slice3A_419[0] : f32 from vector<1xf32>
      %broadcast_in_dim3A_421 = vector.broadcast %squeeze3A_420 : f32 to vector<16xf32>
      %get3A_422 = arith.constant 0 : i32
      %get3A_423 = arith.constant 195 : i32
      %get3A_424 = arith.index_cast %get3A_422 : i32 to index
      %get3A_425 = arith.index_cast %get3A_423 : i32 to index
      %get3A_426 = arith.constant 0 : index
      %get3A_427 = tpu.vector_load %arg7[%get3A_424, %get3A_425, %get3A_426] {strides = array<i32>} : memref<2x200x128xf32, #tpu.memory_space<vmem>>, vector<1x1x16xf32>,
      %get3A_428 = vector.shape_cast %get3A_427 : vector<1x1x16xf32> to vector<16xf32>
      %lt3A_429 = arith.constant 0.000000e+00 : f32
      %lt3A_430 = vector.broadcast %lt3A_429 : f32 to vector<16xf32>
      %lt3A_431 = arith.cmpf olt, %get3A_428, %lt3A_430 : vector<16xf32>
      %select_n3A_432 = arith.select %lt3A_431, %broadcast_in_dim3A_421, %broadcast_in_dim3A_418 : vector<16xi1>, vector<16xf32>
      %swap3A_433 = arith.constant 195 : i32
      %swap3A_434 = arith.index_cast %swap3A_433 : i32 to index
      %swap3A_435 = arith.constant 0 : index
      %swap3A_436 = tpu.vector_load %arg8[%swap3A_434, %swap3A_435] {strides = array<i32>} : memref<200x64xf32, #tpu.memory_space<vmem>>, vector<1x16xf32>,
      %swap3A_437 = vector.shape_cast %swap3A_436 : vector<1x16xf32> to vector<16xf32>
      %swap3A_438 = vector.shape_cast %select_n3A_432 : vector<16xf32> to vector<1x16xf32>
      tpu.vector_store %arg8[%swap3A_434, %swap3A_435], %swap3A_438 {strides = array<i32>} : memref<200x64xf32, #tpu.memory_space<vmem>>, vector<1x16xf32>,
      %get3A_439 = arith.constant 0 : i32
      %get3A_440 = arith.constant 195 : i32
      %get3A_441 = arith.index_cast %get3A_439 : i32 to index
      %get3A_442 = arith.index_cast %get3A_440 : i32 to index
      %get3A_443 = arith.constant 16 : index
      %get3A_444 = tpu.vector_load %arg7[%get3A_441, %get3A_442, %get3A_443] {strides = array<i32>} : memref<2x200x128xf32, #tpu.memory_space<vmem>>, vector<1x1x16xf32>,
      %get3A_445 = vector.shape_cast %get3A_444 : vector<1x1x16xf32> to vector<16xf32>
      %lt3A_446 = arith.constant 0.000000e+00 : f32
      %lt3A_447 = vector.broadcast %lt3A_446 : f32 to vector<16xf32>
      %lt3A_448 = arith.cmpf olt, %get3A_445, %lt3A_447 : vector<16xf32>
      %select_n3A_449 = arith.select %lt3A_448, %broadcast_in_dim3A_421, %broadcast_in_dim3A_418 : vector<16xi1>, vector<16xf32>
      %swap3A_450 = arith.constant 195 : i32
      %swap3A_451 = arith.index_cast %swap3A_450 : i32 to index
      %swap3A_452 = arith.constant 16 : index
      %swap3A_453 = tpu.vector_load %arg8[%swap3A_451, %swap3A_452] {strides = array<i32>} : memref<200x64xf32, #tpu.memory_space<vmem>>, vector<1x16xf32>,
      %swap3A_454 = vector.shape_cast %swap3A_453 : vector<1x16xf32> to vector<16xf32>
      %swap3A_455 = vector.shape_cast %select_n3A_449 : vector<16xf32> to vector<1x16xf32>
      tpu.vector_store %arg8[%swap3A_451, %swap3A_452], %swap3A_455 {strides = array<i32>} : memref<200x64xf32, #tpu.memory_space<vmem>>, vector<1x16xf32>,
      %get3A_456 = arith.constant 0 : i32
      %get3A_457 = arith.constant 195 : i32
      %get3A_458 = arith.index_cast %get3A_456 : i32 to index
      %get3A_459 = arith.index_cast %get3A_457 : i32 to index
      %get3A_460 = arith.constant 32 : index
      %get3A_461 = tpu.vector_load %arg7[%get3A_458, %get3A_459, %get3A_460] {strides = array<i32>} : memref<2x200x128xf32, #tpu.memory_space<vmem>>, vector<1x1x16xf32>,
      %get3A_462 = vector.shape_cast %get3A_461 : vector<1x1x16xf32> to vector<16xf32>
      %lt3A_463 = arith.constant 0.000000e+00 : f32
      %lt3A_464 = vector.broadcast %lt3A_463 : f32 to vector<16xf32>
      %lt3A_465 = arith.cmpf olt, %get3A_462, %lt3A_464 : vector<16xf32>
      %select_n3A_466 = arith.select %lt3A_465, %broadcast_in_dim3A_421, %broadcast_in_dim3A_418 : vector<16xi1>, vector<16xf32>
      %swap3A_467 = arith.constant 195 : i32
      %swap3A_468 = arith.index_cast %swap3A_467 : i32 to index
      %swap3A_469 = arith.constant 32 : index
      %swap3A_470 = tpu.vector_load %arg8[%swap3A_468, %swap3A_469] {strides = array<i32>} : memref<200x64xf32, #tpu.memory_space<vmem>>, vector<1x16xf32>,
      %swap3A_471 = vector.shape_cast %swap3A_470 : vector<1x16xf32> to vector<16xf32>
      %swap3A_472 = vector.shape_cast %select_n3A_466 : vector<16xf32> to vector<1x16xf32>
      tpu.vector_store %arg8[%swap3A_468, %swap3A_469], %swap3A_472 {strides = array<i32>} : memref<200x64xf32, #tpu.memory_space<vmem>>, vector<1x16xf32>,
      %get3A_473 = arith.constant 0 : i32
      %get3A_474 = arith.constant 195 : i32
      %get3A_475 = arith.index_cast %get3A_473 : i32 to index
      %get3A_476 = arith.index_cast %get3A_474 : i32 to index
      %get3A_477 = arith.constant 48 : index
      %get3A_478 = tpu.vector_load %arg7[%get3A_475, %get3A_476, %get3A_477] {strides = array<i32>} : memref<2x200x128xf32, #tpu.memory_space<vmem>>, vector<1x1x16xf32>,
      %get3A_479 = vector.shape_cast %get3A_478 : vector<1x1x16xf32> to vector<16xf32>
      %lt3A_480 = arith.constant 0.000000e+00 : f32
      %lt3A_481 = vector.broadcast %lt3A_480 : f32 to vector<16xf32>
      %lt3A_482 = arith.cmpf olt, %get3A_479, %lt3A_481 : vector<16xf32>
      %select_n3A_483 = arith.select %lt3A_482, %broadcast_in_dim3A_421, %broadcast_in_dim3A_418 : vector<16xi1>, vector<16xf32>
      %swap3A_484 = arith.constant 195 : i32
      %swap3A_485 = arith.index_cast %swap3A_484 : i32 to index
      %swap3A_486 = arith.constant 48 : index
      %swap3A_487 = tpu.vector_load %arg8[%swap3A_485, %swap3A_486] {strides = array<i32>} : memref<200x64xf32, #tpu.memory_space<vmem>>, vector<1x16xf32>,
      %swap3A_488 = vector.shape_cast %swap3A_487 : vector<1x16xf32> to vector<16xf32>
      %swap3A_489 = vector.shape_cast %select_n3A_483 : vector<16xf32> to vector<1x16xf32>
      tpu.vector_store %arg8[%swap3A_485, %swap3A_486], %swap3A_489 {strides = array<i32>} : memref<200x64xf32, #tpu.memory_space<vmem>>, vector<1x16xf32>,
      %slice3A_490 = vector.extract_strided_slice %max3A_196 {offsets = [12], sizes = [1], strides = [1]} : vector<16xf32> to vector<1xf32>
      %squeeze3A_491 = vector.extract %slice3A_490[0] : f32 from vector<1xf32>
      %broadcast_in_dim3A_492 = vector.broadcast %squeeze3A_491 : f32 to vector<16xf32>
      %slice3A_493 = vector.extract_strided_slice %neg3A_198 {offsets = [12], sizes = [1], strides = [1]} : vector<16xf32> to vector<1xf32>
      %squeeze3A_494 = vector.extract %slice3A_493[0] : f32 from vector<1xf32>
      %broadcast_in_dim3A_495 = vector.broadcast %squeeze3A_494 : f32 to vector<16xf32>
      %get3A_496 = arith.constant 0 : i32
      %get3A_497 = arith.constant 196 : i32
      %get3A_498 = arith.index_cast %get3A_496 : i32 to index
      %get3A_499 = arith.index_cast %get3A_497 : i32 to index
      %get3A_500 = arith.constant 0 : index
      %get3A_501 = tpu.vector_load %arg7[%get3A_498, %get3A_499, %get3A_500] {strides = array<i32>} : memref<2x200x128xf32, #tpu.memory_space<vmem>>, vector<1x1x16xf32>,
      %get3A_502 = vector.shape_cast %get3A_501 : vector<1x1x16xf32> to vector<16xf32>
      %lt3A_503 = arith.constant 0.000000e+00 : f32
      %lt3A_504 = vector.broadcast %lt3A_503 : f32 to vector<16xf32>
      %lt3A_505 = arith.cmpf olt, %get3A_502, %lt3A_504 : vector<16xf32>
      %select_n3A_506 = arith.select %lt3A_505, %broadcast_in_dim3A_495, %broadcast_in_dim3A_492 : vector<16xi1>, vector<16xf32>
      %swap3A_507 = arith.constant 196 : i32
      %swap3A_508 = arith.index_cast %swap3A_507 : i32 to index
      %swap3A_509 = arith.constant 0 : index
      %swap3A_510 = tpu.vector_load %arg8[%swap3A_508, %swap3A_509] {strides = array<i32>} : memref<200x64xf32, #tpu.memory_space<vmem>>, vector<1x16xf32>,
      %swap3A_511 = vector.shape_cast %swap3A_510 : vector<1x16xf32> to vector<16xf32>
      %swap3A_512 = vector.shape_cast %select_n3A_506 : vector<16xf32> to vector<1x16xf32>
      tpu.vector_store %arg8[%swap3A_508, %swap3A_509], %swap3A_512 {strides = array<i32>} : memref<200x64xf32, #tpu.memory_space<vmem>>, vector<1x16xf32>,
      %get3A_513 = arith.constant 0 : i32
      %get3A_514 = arith.constant 196 : i32
      %get3A_515 = arith.index_cast %get3A_513 : i32 to index
      %get3A_516 = arith.index_cast %get3A_514 : i32 to index
      %get3A_517 = arith.constant 16 : index
      %get3A_518 = tpu.vector_load %arg7[%get3A_515, %get3A_516, %get3A_517] {strides = array<i32>} : memref<2x200x128xf32, #tpu.memory_space<vmem>>, vector<1x1x16xf32>,
      %get3A_519 = vector.shape_cast %get3A_518 : vector<1x1x16xf32> to vector<16xf32>
      %lt3A_520 = arith.constant 0.000000e+00 : f32
      %lt3A_521 = vector.broadcast %lt3A_520 : f32 to vector<16xf32>
      %lt3A_522 = arith.cmpf olt, %get3A_519, %lt3A_521 : vector<16xf32>
      %select_n3A_523 = arith.select %lt3A_522, %broadcast_in_dim3A_495, %broadcast_in_dim3A_492 : vector<16xi1>, vector<16xf32>
      %swap3A_524 = arith.constant 196 : i32
      %swap3A_525 = arith.index_cast %swap3A_524 : i32 to index
      %swap3A_526 = arith.constant 16 : index
      %swap3A_527 = tpu.vector_load %arg8[%swap3A_525, %swap3A_526] {strides = array<i32>} : memref<200x64xf32, #tpu.memory_space<vmem>>, vector<1x16xf32>,
      %swap3A_528 = vector.shape_cast %swap3A_527 : vector<1x16xf32> to vector<16xf32>
      %swap3A_529 = vector.shape_cast %select_n3A_523 : vector<16xf32> to vector<1x16xf32>
      tpu.vector_store %arg8[%swap3A_525, %swap3A_526], %swap3A_529 {strides = array<i32>} : memref<200x64xf32, #tpu.memory_space<vmem>>, vector<1x16xf32>,
      %get3A_530 = arith.constant 0 : i32
      %get3A_531 = arith.constant 196 : i32
      %get3A_532 = arith.index_cast %get3A_530 : i32 to index
      %get3A_533 = arith.index_cast %get3A_531 : i32 to index
      %get3A_534 = arith.constant 32 : index
      %get3A_535 = tpu.vector_load %arg7[%get3A_532, %get3A_533, %get3A_534] {strides = array<i32>} : memref<2x200x128xf32, #tpu.memory_space<vmem>>, vector<1x1x16xf32>,
      %get3A_536 = vector.shape_cast %get3A_535 : vector<1x1x16xf32> to vector<16xf32>
      %lt3A_537 = arith.constant 0.000000e+00 : f32
      %lt3A_538 = vector.broadcast %lt3A_537 : f32 to vector<16xf32>
      %lt3A_539 = arith.cmpf olt, %get3A_536, %lt3A_538 : vector<16xf32>
      %select_n3A_540 = arith.select %lt3A_539, %broadcast_in_dim3A_495, %broadcast_in_dim3A_492 : vector<16xi1>, vector<16xf32>
      %swap3A_541 = arith.constant 196 : i32
      %swap3A_542 = arith.index_cast %swap3A_541 : i32 to index
      %swap3A_543 = arith.constant 32 : index
      %swap3A_544 = tpu.vector_load %arg8[%swap3A_542, %swap3A_543] {strides = array<i32>} : memref<200x64xf32, #tpu.memory_space<vmem>>, vector<1x16xf32>,
      %swap3A_545 = vector.shape_cast %swap3A_544 : vector<1x16xf32> to vector<16xf32>
      %swap3A_546 = vector.shape_cast %select_n3A_540 : vector<16xf32> to vector<1x16xf32>
      tpu.vector_store %arg8[%swap3A_542, %swap3A_543], %swap3A_546 {strides = array<i32>} : memref<200x64xf32, #tpu.memory_space<vmem>>, vector<1x16xf32>,
      %get3A_547 = arith.constant 0 : i32
      %get3A_548 = arith.constant 196 : i32
      %get3A_549 = arith.index_cast %get3A_547 : i32 to index
      %get3A_550 = arith.index_cast %get3A_548 : i32 to index
      %get3A_551 = arith.constant 48 : index
      %get3A_552 = tpu.vector_load %arg7[%get3A_549, %get3A_550, %get3A_551] {strides = array<i32>} : memref<2x200x128xf32, #tpu.memory_space<vmem>>, vector<1x1x16xf32>,
      %get3A_553 = vector.shape_cast %get3A_552 : vector<1x1x16xf32> to vector<16xf32>
      %lt3A_554 = arith.constant 0.000000e+00 : f32
      %lt3A_555 = vector.broadcast %lt3A_554 : f32 to vector<16xf32>
      %lt3A_556 = arith.cmpf olt, %get3A_553, %lt3A_555 : vector<16xf32>
      %select_n3A_557 = arith.select %lt3A_556, %broadcast_in_dim3A_495, %broadcast_in_dim3A_492 : vector<16xi1>, vector<16xf32>
      %swap3A_558 = arith.constant 196 : i32
      %swap3A_559 = arith.index_cast %swap3A_558 : i32 to index
      %swap3A_560 = arith.constant 48 : index
      %swap3A_561 = tpu.vector_load %arg8[%swap3A_559, %swap3A_560] {strides = array<i32>} : memref<200x64xf32, #tpu.memory_space<vmem>>, vector<1x16xf32>,
      %swap3A_562 = vector.shape_cast %swap3A_561 : vector<1x16xf32> to vector<16xf32>
      %swap3A_563 = vector.shape_cast %select_n3A_557 : vector<16xf32> to vector<1x16xf32>
      tpu.vector_store %arg8[%swap3A_559, %swap3A_560], %swap3A_563 {strides = array<i32>} : memref<200x64xf32, #tpu.memory_space<vmem>>, vector<1x16xf32>,
      %slice3A_564 = vector.extract_strided_slice %max3A_196 {offsets = [13], sizes = [1], strides = [1]} : vector<16xf32> to vector<1xf32>
      %squeeze3A_565 = vector.extract %slice3A_564[0] : f32 from vector<1xf32>
      %broadcast_in_dim3A_566 = vector.broadcast %squeeze3A_565 : f32 to vector<16xf32>
      %slice3A_567 = vector.extract_strided_slice %neg3A_198 {offsets = [13], sizes = [1], strides = [1]} : vector<16xf32> to vector<1xf32>
      %squeeze3A_568 = vector.extract %slice3A_567[0] : f32 from vector<1xf32>
      %broadcast_in_dim3A_569 = vector.broadcast %squeeze3A_568 : f32 to vector<16xf32>
      %get3A_570 = arith.constant 0 : i32
      %get3A_571 = arith.constant 197 : i32
      %get3A_572 = arith.index_cast %get3A_570 : i32 to index
      %get3A_573 = arith.index_cast %get3A_571 : i32 to index
      %get3A_574 = arith.constant 0 : index
      %get3A_575 = tpu.vector_load %arg7[%get3A_572, %get3A_573, %get3A_574] {strides = array<i32>} : memref<2x200x128xf32, #tpu.memory_space<vmem>>, vector<1x1x16xf32>,
      %get3A_576 = vector.shape_cast %get3A_575 : vector<1x1x16xf32> to vector<16xf32>
      %lt3A_577 = arith.constant 0.000000e+00 : f32
      %lt3A_578 = vector.broadcast %lt3A_577 : f32 to vector<16xf32>
      %lt3A_579 = arith.cmpf olt, %get3A_576, %lt3A_578 : vector<16xf32>
      %select_n3A_580 = arith.select %lt3A_579, %broadcast_in_dim3A_569, %broadcast_in_dim3A_566 : vector<16xi1>, vector<16xf32>
      %swap3A_581 = arith.constant 197 : i32
      %swap3A_582 = arith.index_cast %swap3A_581 : i32 to index
      %swap3A_583 = arith.constant 0 : index
      %swap3A_584 = tpu.vector_load %arg8[%swap3A_582, %swap3A_583] {strides = array<i32>} : memref<200x64xf32, #tpu.memory_space<vmem>>, vector<1x16xf32>,
      %swap3A_585 = vector.shape_cast %swap3A_584 : vector<1x16xf32> to vector<16xf32>
      %swap3A_586 = vector.shape_cast %select_n3A_580 : vector<16xf32> to vector<1x16xf32>
      tpu.vector_store %arg8[%swap3A_582, %swap3A_583], %swap3A_586 {strides = array<i32>} : memref<200x64xf32, #tpu.memory_space<vmem>>, vector<1x16xf32>,
      %get3A_587 = arith.constant 0 : i32
      %get3A_588 = arith.constant 197 : i32
      %get3A_589 = arith.index_cast %get3A_587 : i32 to index
      %get3A_590 = arith.index_cast %get3A_588 : i32 to index
      %get3A_591 = arith.constant 16 : index
      %get3A_592 = tpu.vector_load %arg7[%get3A_589, %get3A_590, %get3A_591] {strides = array<i32>} : memref<2x200x128xf32, #tpu.memory_space<vmem>>, vector<1x1x16xf32>,
      %get3A_593 = vector.shape_cast %get3A_592 : vector<1x1x16xf32> to vector<16xf32>
      %lt3A_594 = arith.constant 0.000000e+00 : f32
      %lt3A_595 = vector.broadcast %lt3A_594 : f32 to vector<16xf32>
      %lt3A_596 = arith.cmpf olt, %get3A_593, %lt3A_595 : vector<16xf32>
      %select_n3A_597 = arith.select %lt3A_596, %broadcast_in_dim3A_569, %broadcast_in_dim3A_566 : vector<16xi1>, vector<16xf32>
      %swap3A_598 = arith.constant 197 : i32
      %swap3A_599 = arith.index_cast %swap3A_598 : i32 to index
      %swap3A_600 = arith.constant 16 : index
      %swap3A_601 = tpu.vector_load %arg8[%swap3A_599, %swap3A_600] {strides = array<i32>} : memref<200x64xf32, #tpu.memory_space<vmem>>, vector<1x16xf32>,
      %swap3A_602 = vector.shape_cast %swap3A_601 : vector<1x16xf32> to vector<16xf32>
      %swap3A_603 = vector.shape_cast %select_n3A_597 : vector<16xf32> to vector<1x16xf32>
      tpu.vector_store %arg8[%swap3A_599, %swap3A_600], %swap3A_603 {strides = array<i32>} : memref<200x64xf32, #tpu.memory_space<vmem>>, vector<1x16xf32>,
      %get3A_604 = arith.constant 0 : i32
      %get3A_605 = arith.constant 197 : i32
      %get3A_606 = arith.index_cast %get3A_604 : i32 to index
      %get3A_607 = arith.index_cast %get3A_605 : i32 to index
      %get3A_608 = arith.constant 32 : index
      %get3A_609 = tpu.vector_load %arg7[%get3A_606, %get3A_607, %get3A_608] {strides = array<i32>} : memref<2x200x128xf32, #tpu.memory_space<vmem>>, vector<1x1x16xf32>,
      %get3A_610 = vector.shape_cast %get3A_609 : vector<1x1x16xf32> to vector<16xf32>
      %lt3A_611 = arith.constant 0.000000e+00 : f32
      %lt3A_612 = vector.broadcast %lt3A_611 : f32 to vector<16xf32>
      %lt3A_613 = arith.cmpf olt, %get3A_610, %lt3A_612 : vector<16xf32>
      %select_n3A_614 = arith.select %lt3A_613, %broadcast_in_dim3A_569, %broadcast_in_dim3A_566 : vector<16xi1>, vector<16xf32>
      %swap3A_615 = arith.constant 197 : i32
      %swap3A_616 = arith.index_cast %swap3A_615 : i32 to index
      %swap3A_617 = arith.constant 32 : index
      %swap3A_618 = tpu.vector_load %arg8[%swap3A_616, %swap3A_617] {strides = array<i32>} : memref<200x64xf32, #tpu.memory_space<vmem>>, vector<1x16xf32>,
      %swap3A_619 = vector.shape_cast %swap3A_618 : vector<1x16xf32> to vector<16xf32>
      %swap3A_620 = vector.shape_cast %select_n3A_614 : vector<16xf32> to vector<1x16xf32>
      tpu.vector_store %arg8[%swap3A_616, %swap3A_617], %swap3A_620 {strides = array<i32>} : memref<200x64xf32, #tpu.memory_space<vmem>>, vector<1x16xf32>,
      %get3A_621 = arith.constant 0 : i32
      %get3A_622 = arith.constant 197 : i32
      %get3A_623 = arith.index_cast %get3A_621 : i32 to index
      %get3A_624 = arith.index_cast %get3A_622 : i32 to index
      %get3A_625 = arith.constant 48 : index
      %get3A_626 = tpu.vector_load %arg7[%get3A_623, %get3A_624, %get3A_625] {strides = array<i32>} : memref<2x200x128xf32, #tpu.memory_space<vmem>>, vector<1x1x16xf32>,
      %get3A_627 = vector.shape_cast %get3A_626 : vector<1x1x16xf32> to vector<16xf32>
      %lt3A_628 = arith.constant 0.000000e+00 : f32
      %lt3A_629 = vector.broadcast %lt3A_628 : f32 to vector<16xf32>
      %lt3A_630 = arith.cmpf olt, %get3A_627, %lt3A_629 : vector<16xf32>
      %select_n3A_631 = arith.select %lt3A_630, %broadcast_in_dim3A_569, %broadcast_in_dim3A_566 : vector<16xi1>, vector<16xf32>
      %swap3A_632 = arith.constant 197 : i32
      %swap3A_633 = arith.index_cast %swap3A_632 : i32 to index
      %swap3A_634 = arith.constant 48 : index
      %swap3A_635 = tpu.vector_load %arg8[%swap3A_633, %swap3A_634] {strides = array<i32>} : memref<200x64xf32, #tpu.memory_space<vmem>>, vector<1x16xf32>,
      %swap3A_636 = vector.shape_cast %swap3A_635 : vector<1x16xf32> to vector<16xf32>
      %swap3A_637 = vector.shape_cast %select_n3A_631 : vector<16xf32> to vector<1x16xf32>
      tpu.vector_store %arg8[%swap3A_633, %swap3A_634], %swap3A_637 {strides = array<i32>} : memref<200x64xf32, #tpu.memory_space<vmem>>, vector<1x16xf32>,
      %slice3A_638 = vector.extract_strided_slice %max3A_196 {offsets = [14], sizes = [1], strides = [1]} : vector<16xf32> to vector<1xf32>
      %squeeze3A_639 = vector.extract %slice3A_638[0] : f32 from vector<1xf32>
      %broadcast_in_dim3A_640 = vector.broadcast %squeeze3A_639 : f32 to vector<16xf32>
      %slice3A_641 = vector.extract_strided_slice %neg3A_198 {offsets = [14], sizes = [1], strides = [1]} : vector<16xf32> to vector<1xf32>
      %squeeze3A_642 = vector.extract %slice3A_641[0] : f32 from vector<1xf32>
      %broadcast_in_dim3A_643 = vector.broadcast %squeeze3A_642 : f32 to vector<16xf32>
      %get3A_644 = arith.constant 0 : i32
      %get3A_645 = arith.constant 198 : i32
      %get3A_646 = arith.index_cast %get3A_644 : i32 to index
      %get3A_647 = arith.index_cast %get3A_645 : i32 to index
      %get3A_648 = arith.constant 0 : index
      %get3A_649 = tpu.vector_load %arg7[%get3A_646, %get3A_647, %get3A_648] {strides = array<i32>} : memref<2x200x128xf32, #tpu.memory_space<vmem>>, vector<1x1x16xf32>,
      %get3A_650 = vector.shape_cast %get3A_649 : vector<1x1x16xf32> to vector<16xf32>
      %lt3A_651 = arith.constant 0.000000e+00 : f32
      %lt3A_652 = vector.broadcast %lt3A_651 : f32 to vector<16xf32>
      %lt3A_653 = arith.cmpf olt, %get3A_650, %lt3A_652 : vector<16xf32>
      %select_n3A_654 = arith.select %lt3A_653, %broadcast_in_dim3A_643, %broadcast_in_dim3A_640 : vector<16xi1>, vector<16xf32>
      %swap3A_655 = arith.constant 198 : i32
      %swap3A_656 = arith.index_cast %swap3A_655 : i32 to index
      %swap3A_657 = arith.constant 0 : index
      %swap3A_658 = tpu.vector_load %arg8[%swap3A_656, %swap3A_657] {strides = array<i32>} : memref<200x64xf32, #tpu.memory_space<vmem>>, vector<1x16xf32>,
      %swap3A_659 = vector.shape_cast %swap3A_658 : vector<1x16xf32> to vector<16xf32>
      %swap3A_660 = vector.shape_cast %select_n3A_654 : vector<16xf32> to vector<1x16xf32>
      tpu.vector_store %arg8[%swap3A_656, %swap3A_657], %swap3A_660 {strides = array<i32>} : memref<200x64xf32, #tpu.memory_space<vmem>>, vector<1x16xf32>,
      %get3A_661 = arith.constant 0 : i32
      %get3A_662 = arith.constant 198 : i32
      %get3A_663 = arith.index_cast %get3A_661 : i32 to index
      %get3A_664 = arith.index_cast %get3A_662 : i32 to index
      %get3A_665 = arith.constant 16 : index
      %get3A_666 = tpu.vector_load %arg7[%get3A_663, %get3A_664, %get3A_665] {strides = array<i32>} : memref<2x200x128xf32, #tpu.memory_space<vmem>>, vector<1x1x16xf32>,
      %get3A_667 = vector.shape_cast %get3A_666 : vector<1x1x16xf32> to vector<16xf32>
      %lt3A_668 = arith.constant 0.000000e+00 : f32
      %lt3A_669 = vector.broadcast %lt3A_668 : f32 to vector<16xf32>
      %lt3A_670 = arith.cmpf olt, %get3A_667, %lt3A_669 : vector<16xf32>
      %select_n3A_671 = arith.select %lt3A_670, %broadcast_in_dim3A_643, %broadcast_in_dim3A_640 : vector<16xi1>, vector<16xf32>
      %swap3A_672 = arith.constant 198 : i32
      %swap3A_673 = arith.index_cast %swap3A_672 : i32 to index
      %swap3A_674 = arith.constant 16 : index
      %swap3A_675 = tpu.vector_load %arg8[%swap3A_673, %swap3A_674] {strides = array<i32>} : memref<200x64xf32, #tpu.memory_space<vmem>>, vector<1x16xf32>,
      %swap3A_676 = vector.shape_cast %swap3A_675 : vector<1x16xf32> to vector<16xf32>
      %swap3A_677 = vector.shape_cast %select_n3A_671 : vector<16xf32> to vector<1x16xf32>
      tpu.vector_store %arg8[%swap3A_673, %swap3A_674], %swap3A_677 {strides = array<i32>} : memref<200x64xf32, #tpu.memory_space<vmem>>, vector<1x16xf32>,
      %get3A_678 = arith.constant 0 : i32
      %get3A_679 = arith.constant 198 : i32
      %get3A_680 = arith.index_cast %get3A_678 : i32 to index
      %get3A_681 = arith.index_cast %get3A_679 : i32 to index
      %get3A_682 = arith.constant 32 : index
      %get3A_683 = tpu.vector_load %arg7[%get3A_680, %get3A_681, %get3A_682] {strides = array<i32>} : memref<2x200x128xf32, #tpu.memory_space<vmem>>, vector<1x1x16xf32>,
      %get3A_684 = vector.shape_cast %get3A_683 : vector<1x1x16xf32> to vector<16xf32>
      %lt3A_685 = arith.constant 0.000000e+00 : f32
      %lt3A_686 = vector.broadcast %lt3A_685 : f32 to vector<16xf32>
      %lt3A_687 = arith.cmpf olt, %get3A_684, %lt3A_686 : vector<16xf32>
      %select_n3A_688 = arith.select %lt3A_687, %broadcast_in_dim3A_643, %broadcast_in_dim3A_640 : vector<16xi1>, vector<16xf32>
      %swap3A_689 = arith.constant 198 : i32
      %swap3A_690 = arith.index_cast %swap3A_689 : i32 to index
      %swap3A_691 = arith.constant 32 : index
      %swap3A_692 = tpu.vector_load %arg8[%swap3A_690, %swap3A_691] {strides = array<i32>} : memref<200x64xf32, #tpu.memory_space<vmem>>, vector<1x16xf32>,
      %swap3A_693 = vector.shape_cast %swap3A_692 : vector<1x16xf32> to vector<16xf32>
      %swap3A_694 = vector.shape_cast %select_n3A_688 : vector<16xf32> to vector<1x16xf32>
      tpu.vector_store %arg8[%swap3A_690, %swap3A_691], %swap3A_694 {strides = array<i32>} : memref<200x64xf32, #tpu.memory_space<vmem>>, vector<1x16xf32>,
      %get3A_695 = arith.constant 0 : i32
      %get3A_696 = arith.constant 198 : i32
      %get3A_697 = arith.index_cast %get3A_695 : i32 to index
      %get3A_698 = arith.index_cast %get3A_696 : i32 to index
      %get3A_699 = arith.constant 48 : index
      %get3A_700 = tpu.vector_load %arg7[%get3A_697, %get3A_698, %get3A_699] {strides = array<i32>} : memref<2x200x128xf32, #tpu.memory_space<vmem>>, vector<1x1x16xf32>,
      %get3A_701 = vector.shape_cast %get3A_700 : vector<1x1x16xf32> to vector<16xf32>
      %lt3A_702 = arith.constant 0.000000e+00 : f32
      %lt3A_703 = vector.broadcast %lt3A_702 : f32 to vector<16xf32>
      %lt3A_704 = arith.cmpf olt, %get3A_701, %lt3A_703 : vector<16xf32>
      %select_n3A_705 = arith.select %lt3A_704, %broadcast_in_dim3A_643, %broadcast_in_dim3A_640 : vector<16xi1>, vector<16xf32>
      %swap3A_706 = arith.constant 198 : i32
      %swap3A_707 = arith.index_cast %swap3A_706 : i32 to index
      %swap3A_708 = arith.constant 48 : index
      %swap3A_709 = tpu.vector_load %arg8[%swap3A_707, %swap3A_708] {strides = array<i32>} : memref<200x64xf32, #tpu.memory_space<vmem>>, vector<1x16xf32>,
      %swap3A_710 = vector.shape_cast %swap3A_709 : vector<1x16xf32> to vector<16xf32>
      %swap3A_711 = vector.shape_cast %select_n3A_705 : vector<16xf32> to vector<1x16xf32>
      tpu.vector_store %arg8[%swap3A_707, %swap3A_708], %swap3A_711 {strides = array<i32>} : memref<200x64xf32, #tpu.memory_space<vmem>>, vector<1x16xf32>,
      %slice3A_712 = vector.extract_strided_slice %max3A_196 {offsets = [15], sizes = [1], strides = [1]} : vector<16xf32> to vector<1xf32>
      %squeeze3A_713 = vector.extract %slice3A_712[0] : f32 from vector<1xf32>
      %broadcast_in_dim3A_714 = vector.broadcast %squeeze3A_713 : f32 to vector<16xf32>
      %slice3A_715 = vector.extract_strided_slice %neg3A_198 {offsets = [15], sizes = [1], strides = [1]} : vector<16xf32> to vector<1xf32>
      %squeeze3A_716 = vector.extract %slice3A_715[0] : f32 from vector<1xf32>
      %broadcast_in_dim3A_717 = vector.broadcast %squeeze3A_716 : f32 to vector<16xf32>
      %get3A_718 = arith.constant 0 : i32
      %get3A_719 = arith.constant 199 : i32
      %get3A_720 = arith.index_cast %get3A_718 : i32 to index
      %get3A_721 = arith.index_cast %get3A_719 : i32 to index
      %get3A_722 = arith.constant 0 : index
      %get3A_723 = tpu.vector_load %arg7[%get3A_720, %get3A_721, %get3A_722] {strides = array<i32>} : memref<2x200x128xf32, #tpu.memory_space<vmem>>, vector<1x1x16xf32>,
      %get3A_724 = vector.shape_cast %get3A_723 : vector<1x1x16xf32> to vector<16xf32>
      %lt3A_725 = arith.constant 0.000000e+00 : f32
      %lt3A_726 = vector.broadcast %lt3A_725 : f32 to vector<16xf32>
      %lt3A_727 = arith.cmpf olt, %get3A_724, %lt3A_726 : vector<16xf32>
      %select_n3A_728 = arith.select %lt3A_727, %broadcast_in_dim3A_717, %broadcast_in_dim3A_714 : vector<16xi1>, vector<16xf32>
      %swap3A_729 = arith.constant 199 : i32
      %swap3A_730 = arith.index_cast %swap3A_729 : i32 to index
      %swap3A_731 = arith.constant 0 : index
      %swap3A_732 = tpu.vector_load %arg8[%swap3A_730, %swap3A_731] {strides = array<i32>} : memref<200x64xf32, #tpu.memory_space<vmem>>, vector<1x16xf32>,
      %swap3A_733 = vector.shape_cast %swap3A_732 : vector<1x16xf32> to vector<16xf32>
      %swap3A_734 = vector.shape_cast %select_n3A_728 : vector<16xf32> to vector<1x16xf32>
      tpu.vector_store %arg8[%swap3A_730, %swap3A_731], %swap3A_734 {strides = array<i32>} : memref<200x64xf32, #tpu.memory_space<vmem>>, vector<1x16xf32>,
      %get3A_735 = arith.constant 0 : i32
      %get3A_736 = arith.constant 199 : i32
      %get3A_737 = arith.index_cast %get3A_735 : i32 to index
      %get3A_738 = arith.index_cast %get3A_736 : i32 to index
      %get3A_739 = arith.constant 16 : index
      %get3A_740 = tpu.vector_load %arg7[%get3A_737, %get3A_738, %get3A_739] {strides = array<i32>} : memref<2x200x128xf32, #tpu.memory_space<vmem>>, vector<1x1x16xf32>,
      %get3A_741 = vector.shape_cast %get3A_740 : vector<1x1x16xf32> to vector<16xf32>
      %lt3A_742 = arith.constant 0.000000e+00 : f32
      %lt3A_743 = vector.broadcast %lt3A_742 : f32 to vector<16xf32>
      %lt3A_744 = arith.cmpf olt, %get3A_741, %lt3A_743 : vector<16xf32>
      %select_n3A_745 = arith.select %lt3A_744, %broadcast_in_dim3A_717, %broadcast_in_dim3A_714 : vector<16xi1>, vector<16xf32>
      %swap3A_746 = arith.constant 199 : i32
      %swap3A_747 = arith.index_cast %swap3A_746 : i32 to index
      %swap3A_748 = arith.constant 16 : index
      %swap3A_749 = tpu.vector_load %arg8[%swap3A_747, %swap3A_748] {strides = array<i32>} : memref<200x64xf32, #tpu.memory_space<vmem>>, vector<1x16xf32>,
      %swap3A_750 = vector.shape_cast %swap3A_749 : vector<1x16xf32> to vector<16xf32>
      %swap3A_751 = vector.shape_cast %select_n3A_745 : vector<16xf32> to vector<1x16xf32>
      tpu.vector_store %arg8[%swap3A_747, %swap3A_748], %swap3A_751 {strides = array<i32>} : memref<200x64xf32, #tpu.memory_space<vmem>>, vector<1x16xf32>,
      %get3A_752 = arith.constant 0 : i32
      %get3A_753 = arith.constant 199 : i32
      %get3A_754 = arith.index_cast %get3A_752 : i32 to index
      %get3A_755 = arith.index_cast %get3A_753 : i32 to index
      %get3A_756 = arith.constant 32 : index
      %get3A_757 = tpu.vector_load %arg7[%get3A_754, %get3A_755, %get3A_756] {strides = array<i32>} : memref<2x200x128xf32, #tpu.memory_space<vmem>>, vector<1x1x16xf32>,
      %get3A_758 = vector.shape_cast %get3A_757 : vector<1x1x16xf32> to vector<16xf32>
      %lt3A_759 = arith.constant 0.000000e+00 : f32
      %lt3A_760 = vector.broadcast %lt3A_759 : f32 to vector<16xf32>
      %lt3A_761 = arith.cmpf olt, %get3A_758, %lt3A_760 : vector<16xf32>
      %select_n3A_762 = arith.select %lt3A_761, %broadcast_in_dim3A_717, %broadcast_in_dim3A_714 : vector<16xi1>, vector<16xf32>
      %swap3A_763 = arith.constant 199 : i32
      %swap3A_764 = arith.index_cast %swap3A_763 : i32 to index
      %swap3A_765 = arith.constant 32 : index
      %swap3A_766 = tpu.vector_load %arg8[%swap3A_764, %swap3A_765] {strides = array<i32>} : memref<200x64xf32, #tpu.memory_space<vmem>>, vector<1x16xf32>,
      %swap3A_767 = vector.shape_cast %swap3A_766 : vector<1x16xf32> to vector<16xf32>
      %swap3A_768 = vector.shape_cast %select_n3A_762 : vector<16xf32> to vector<1x16xf32>
      tpu.vector_store %arg8[%swap3A_764, %swap3A_765], %swap3A_768 {strides = array<i32>} : memref<200x64xf32, #tpu.memory_space<vmem>>, vector<1x16xf32>,
      %get3A_769 = arith.constant 0 : i32
      %get3A_770 = arith.constant 199 : i32
      %get3A_771 = arith.index_cast %get3A_769 : i32 to index
      %get3A_772 = arith.index_cast %get3A_770 : i32 to index
      %get3A_773 = arith.constant 48 : index
      %get3A_774 = tpu.vector_load %arg7[%get3A_771, %get3A_772, %get3A_773] {strides = array<i32>} : memref<2x200x128xf32, #tpu.memory_space<vmem>>, vector<1x1x16xf32>,
      %get3A_775 = vector.shape_cast %get3A_774 : vector<1x1x16xf32> to vector<16xf32>
      %lt3A_776 = arith.constant 0.000000e+00 : f32
      %lt3A_777 = vector.broadcast %lt3A_776 : f32 to vector<16xf32>
      %lt3A_778 = arith.cmpf olt, %get3A_775, %lt3A_777 : vector<16xf32>
      %select_n3A_779 = arith.select %lt3A_778, %broadcast_in_dim3A_717, %broadcast_in_dim3A_714 : vector<16xi1>, vector<16xf32>
      %swap3A_780 = arith.constant 199 : i32
      %swap3A_781 = arith.index_cast %swap3A_780 : i32 to index
      %swap3A_782 = arith.constant 48 : index
      %swap3A_783 = tpu.vector_load %arg8[%swap3A_781, %swap3A_782] {strides = array<i32>} : memref<200x64xf32, #tpu.memory_space<vmem>>, vector<1x16xf32>,
      %swap3A_784 = vector.shape_cast %swap3A_783 : vector<1x16xf32> to vector<16xf32>
      %swap3A_785 = vector.shape_cast %select_n3A_779 : vector<16xf32> to vector<1x16xf32>
      tpu.vector_store %arg8[%swap3A_781, %swap3A_782], %swap3A_785 {strides = array<i32>} : memref<200x64xf32, #tpu.memory_space<vmem>>, vector<1x16xf32>,
      %mul3A_786 = arith.constant 4 : i32
      %mul3A_787 = arith.muli %add3A_93, %mul3A_786 : i32
      %add3A_788 = arith.addi %mul3A_4, %mul3A_787 : i32
      %add3A_789 = arith.constant 0 : i32
      %add3A_790 = arith.addi %add3A_788, %add3A_789 : i32
      "tpu.region"() ({
        %run_scoped3A = tpu.sem_alloc : memref<!tpu.dma_semaphore, #tpu.memory_space<semaphore_mem>>
        %dma_start3A_1534 = arith.constant 0 : i32
        %dma_start3A_1535 = arith.constant 0 : i32
        %dma_start3A_1536 = tpu.memref_slice %arg8[%dma_start3A_1534, %dma_start3A_1535] : memref<200x64xf32, #tpu.memory_space<vmem>> -> memref<50x64xf32, #tpu.memory_space<vmem>>
        %dma_start3A_1537 = arith.constant 0 : i32
        %dma_start3A_1538 = arith.constant 0 : i32
        %dma_start3A_1539 = tpu.memref_slice %arg5[%add3A_790, %dma_start3A_1537, %dma_start3A_1538] : memref<4096x50x64xf32, #tpu.memory_space<hbm>> -> memref<1x50x64xf32, #tpu.memory_space<hbm>>
        %dma_start3A_1540 = tpu.memref_squeeze %dma_start3A_1539 : memref<1x50x64xf32, #tpu.memory_space<hbm>> -> memref<50x64xf32, #tpu.memory_space<hbm>>
        %dma_start3A_1541 = arith.constant 0 : i32
        %dma_start3A_1542 = arith.constant 0 : i32
        %dma_start3A_1543 = tpu.memref_slice %arg5[%add3A_790, %dma_start3A_1541, %dma_start3A_1542] : memref<4096x50x64xf32, #tpu.memory_space<hbm>> -> memref<1x50x64xf32, #tpu.memory_space<hbm>>
        %dma_start3A_1544 = tpu.memref_squeeze %dma_start3A_1543 : memref<1x50x64xf32, #tpu.memory_space<hbm>> -> memref<50x64xf32, #tpu.memory_space<hbm>>
        %dma_start3A_1545 = arith.constant 0 : i32
        %dma_start3A_1546 = arith.constant 0 : i32
        %dma_start3A_1547 = tpu.memref_slice %arg8[%dma_start3A_1545, %dma_start3A_1546] : memref<200x64xf32, #tpu.memory_space<vmem>> -> memref<50x64xf32, #tpu.memory_space<vmem>>
        tpu.enqueue_dma source(%dma_start3A_1547 : memref<50x64xf32, #tpu.memory_space<vmem>>) target(%dma_start3A_1544 : memref<50x64xf32, #tpu.memory_space<hbm>>) target_semaphore(%run_scoped3A : memref<!tpu.dma_semaphore, #tpu.memory_space<semaphore_mem>>)
        %dma_wait3A_1548 = arith.constant 0 : i32
        %dma_wait3A_1549 = arith.constant 0 : i32
        %dma_wait3A_1550 = tpu.memref_slice %arg8[%dma_wait3A_1548, %dma_wait3A_1549] : memref<200x64xf32, #tpu.memory_space<vmem>> -> memref<50x64xf32, #tpu.memory_space<vmem>>
        %dma_wait3A_1551 = arith.constant 0 : i32
        %dma_wait3A_1552 = arith.constant 0 : i32
        %dma_wait3A_1553 = tpu.memref_slice %arg5[%add3A_790, %dma_wait3A_1551, %dma_wait3A_1552] : memref<4096x50x64xf32, #tpu.memory_space<hbm>> -> memref<1x50x64xf32, #tpu.memory_space<hbm>>
        %dma_wait3A_1554 = tpu.memref_squeeze %dma_wait3A_1553 : memref<1x50x64xf32, #tpu.memory_space<hbm>> -> memref<50x64xf32, #tpu.memory_space<hbm>>
        %dma_wait3A_1555 = arith.constant 0 : i32
        %dma_wait3A_1556 = arith.constant 0 : i32
        %dma_wait3A_1557 = tpu.memref_slice %arg5[%add3A_790, %dma_wait3A_1555, %dma_wait3A_1556] : memref<4096x50x64xf32, #tpu.memory_space<hbm>> -> memref<1x50x64xf32, #tpu.memory_space<hbm>>
        %dma_wait3A_1558 = tpu.memref_squeeze %dma_wait3A_1557 : memref<1x50x64xf32, #tpu.memory_space<hbm>> -> memref<50x64xf32, #tpu.memory_space<hbm>>
        %dma_wait3A_1559 = arith.constant 0 : i32
        %dma_wait3A_1560 = arith.constant 0 : i32
        %dma_wait3A_1561 = tpu.memref_slice %arg8[%dma_wait3A_1559, %dma_wait3A_1560] : memref<200x64xf32, #tpu.memory_space<vmem>> -> memref<50x64xf32, #tpu.memory_space<vmem>>
        tpu.wait_dma2 semaphore(%run_scoped3A : memref<!tpu.dma_semaphore, #tpu.memory_space<semaphore_mem>>) src(%dma_wait3A_1561 : memref<50x64xf32, #tpu.memory_space<vmem>>) dst(%dma_wait3A_1558 : memref<50x64xf32, #tpu.memory_space<hbm>>)
        tpu.yield
      }) : () -> ()
      %mul3A_791 = arith.constant 4 : i32
      %mul3A_792 = arith.muli %add3A_93, %mul3A_791 : i32
      %add3A_793 = arith.addi %mul3A_4, %mul3A_792 : i32
      %add3A_794 = arith.constant 1 : i32
      %add3A_795 = arith.addi %add3A_793, %add3A_794 : i32
      "tpu.region"() ({
        %run_scoped3A = tpu.sem_alloc : memref<!tpu.dma_semaphore, #tpu.memory_space<semaphore_mem>>
        %dma_start3A_1534 = arith.constant 50 : i32
        %dma_start3A_1535 = arith.constant 0 : i32
        %dma_start3A_1536 = tpu.memref_slice %arg8[%dma_start3A_1534, %dma_start3A_1535] : memref<200x64xf32, #tpu.memory_space<vmem>> -> memref<50x64xf32, #tpu.memory_space<vmem>>
        %dma_start3A_1537 = arith.constant 0 : i32
        %dma_start3A_1538 = arith.constant 0 : i32
        %dma_start3A_1539 = tpu.memref_slice %arg5[%add3A_795, %dma_start3A_1537, %dma_start3A_1538] : memref<4096x50x64xf32, #tpu.memory_space<hbm>> -> memref<1x50x64xf32, #tpu.memory_space<hbm>>
        %dma_start3A_1540 = tpu.memref_squeeze %dma_start3A_1539 : memref<1x50x64xf32, #tpu.memory_space<hbm>> -> memref<50x64xf32, #tpu.memory_space<hbm>>
        %dma_start3A_1541 = arith.constant 0 : i32
        %dma_start3A_1542 = arith.constant 0 : i32
        %dma_start3A_1543 = tpu.memref_slice %arg5[%add3A_795, %dma_start3A_1541, %dma_start3A_1542] : memref<4096x50x64xf32, #tpu.memory_space<hbm>> -> memref<1x50x64xf32, #tpu.memory_space<hbm>>
        %dma_start3A_1544 = tpu.memref_squeeze %dma_start3A_1543 : memref<1x50x64xf32, #tpu.memory_space<hbm>> -> memref<50x64xf32, #tpu.memory_space<hbm>>
        %dma_start3A_1545 = arith.constant 50 : i32
        %dma_start3A_1546 = arith.constant 0 : i32
        %dma_start3A_1547 = tpu.memref_slice %arg8[%dma_start3A_1545, %dma_start3A_1546] : memref<200x64xf32, #tpu.memory_space<vmem>> -> memref<50x64xf32, #tpu.memory_space<vmem>>
        tpu.enqueue_dma source(%dma_start3A_1547 : memref<50x64xf32, #tpu.memory_space<vmem>>) target(%dma_start3A_1544 : memref<50x64xf32, #tpu.memory_space<hbm>>) target_semaphore(%run_scoped3A : memref<!tpu.dma_semaphore, #tpu.memory_space<semaphore_mem>>)
        %dma_wait3A_1548 = arith.constant 50 : i32
        %dma_wait3A_1549 = arith.constant 0 : i32
        %dma_wait3A_1550 = tpu.memref_slice %arg8[%dma_wait3A_1548, %dma_wait3A_1549] : memref<200x64xf32, #tpu.memory_space<vmem>> -> memref<50x64xf32, #tpu.memory_space<vmem>>
        %dma_wait3A_1551 = arith.constant 0 : i32
        %dma_wait3A_1552 = arith.constant 0 : i32
        %dma_wait3A_1553 = tpu.memref_slice %arg5[%add3A_795, %dma_wait3A_1551, %dma_wait3A_1552] : memref<4096x50x64xf32, #tpu.memory_space<hbm>> -> memref<1x50x64xf32, #tpu.memory_space<hbm>>
        %dma_wait3A_1554 = tpu.memref_squeeze %dma_wait3A_1553 : memref<1x50x64xf32, #tpu.memory_space<hbm>> -> memref<50x64xf32, #tpu.memory_space<hbm>>
        %dma_wait3A_1555 = arith.constant 0 : i32
        %dma_wait3A_1556 = arith.constant 0 : i32
        %dma_wait3A_1557 = tpu.memref_slice %arg5[%add3A_795, %dma_wait3A_1555, %dma_wait3A_1556] : memref<4096x50x64xf32, #tpu.memory_space<hbm>> -> memref<1x50x64xf32, #tpu.memory_space<hbm>>
        %dma_wait3A_1558 = tpu.memref_squeeze %dma_wait3A_1557 : memref<1x50x64xf32, #tpu.memory_space<hbm>> -> memref<50x64xf32, #tpu.memory_space<hbm>>
        %dma_wait3A_1559 = arith.constant 50 : i32
        %dma_wait3A_1560 = arith.constant 0 : i32
        %dma_wait3A_1561 = tpu.memref_slice %arg8[%dma_wait3A_1559, %dma_wait3A_1560] : memref<200x64xf32, #tpu.memory_space<vmem>> -> memref<50x64xf32, #tpu.memory_space<vmem>>
        tpu.wait_dma2 semaphore(%run_scoped3A : memref<!tpu.dma_semaphore, #tpu.memory_space<semaphore_mem>>) src(%dma_wait3A_1561 : memref<50x64xf32, #tpu.memory_space<vmem>>) dst(%dma_wait3A_1558 : memref<50x64xf32, #tpu.memory_space<hbm>>)
        tpu.yield
      }) : () -> ()
      %mul3A_796 = arith.constant 4 : i32
      %mul3A_797 = arith.muli %add3A_93, %mul3A_796 : i32
      %add3A_798 = arith.addi %mul3A_4, %mul3A_797 : i32
      %add3A_799 = arith.constant 2 : i32
      %add3A_800 = arith.addi %add3A_798, %add3A_799 : i32
      "tpu.region"() ({
        %run_scoped3A = tpu.sem_alloc : memref<!tpu.dma_semaphore, #tpu.memory_space<semaphore_mem>>
        %dma_start3A_1534 = arith.constant 100 : i32
        %dma_start3A_1535 = arith.constant 0 : i32
        %dma_start3A_1536 = tpu.memref_slice %arg8[%dma_start3A_1534, %dma_start3A_1535] : memref<200x64xf32, #tpu.memory_space<vmem>> -> memref<50x64xf32, #tpu.memory_space<vmem>>
        %dma_start3A_1537 = arith.constant 0 : i32
        %dma_start3A_1538 = arith.constant 0 : i32
        %dma_start3A_1539 = tpu.memref_slice %arg5[%add3A_800, %dma_start3A_1537, %dma_start3A_1538] : memref<4096x50x64xf32, #tpu.memory_space<hbm>> -> memref<1x50x64xf32, #tpu.memory_space<hbm>>
        %dma_start3A_1540 = tpu.memref_squeeze %dma_start3A_1539 : memref<1x50x64xf32, #tpu.memory_space<hbm>> -> memref<50x64xf32, #tpu.memory_space<hbm>>
        %dma_start3A_1541 = arith.constant 0 : i32
        %dma_start3A_1542 = arith.constant 0 : i32
        %dma_start3A_1543 = tpu.memref_slice %arg5[%add3A_800, %dma_start3A_1541, %dma_start3A_1542] : memref<4096x50x64xf32, #tpu.memory_space<hbm>> -> memref<1x50x64xf32, #tpu.memory_space<hbm>>
        %dma_start3A_1544 = tpu.memref_squeeze %dma_start3A_1543 : memref<1x50x64xf32, #tpu.memory_space<hbm>> -> memref<50x64xf32, #tpu.memory_space<hbm>>
        %dma_start3A_1545 = arith.constant 100 : i32
        %dma_start3A_1546 = arith.constant 0 : i32
        %dma_start3A_1547 = tpu.memref_slice %arg8[%dma_start3A_1545, %dma_start3A_1546] : memref<200x64xf32, #tpu.memory_space<vmem>> -> memref<50x64xf32, #tpu.memory_space<vmem>>
        tpu.enqueue_dma source(%dma_start3A_1547 : memref<50x64xf32, #tpu.memory_space<vmem>>) target(%dma_start3A_1544 : memref<50x64xf32, #tpu.memory_space<hbm>>) target_semaphore(%run_scoped3A : memref<!tpu.dma_semaphore, #tpu.memory_space<semaphore_mem>>)
        %dma_wait3A_1548 = arith.constant 100 : i32
        %dma_wait3A_1549 = arith.constant 0 : i32
        %dma_wait3A_1550 = tpu.memref_slice %arg8[%dma_wait3A_1548, %dma_wait3A_1549] : memref<200x64xf32, #tpu.memory_space<vmem>> -> memref<50x64xf32, #tpu.memory_space<vmem>>
        %dma_wait3A_1551 = arith.constant 0 : i32
        %dma_wait3A_1552 = arith.constant 0 : i32
        %dma_wait3A_1553 = tpu.memref_slice %arg5[%add3A_800, %dma_wait3A_1551, %dma_wait3A_1552] : memref<4096x50x64xf32, #tpu.memory_space<hbm>> -> memref<1x50x64xf32, #tpu.memory_space<hbm>>
        %dma_wait3A_1554 = tpu.memref_squeeze %dma_wait3A_1553 : memref<1x50x64xf32, #tpu.memory_space<hbm>> -> memref<50x64xf32, #tpu.memory_space<hbm>>
        %dma_wait3A_1555 = arith.constant 0 : i32
        %dma_wait3A_1556 = arith.constant 0 : i32
        %dma_wait3A_1557 = tpu.memref_slice %arg5[%add3A_800, %dma_wait3A_1555, %dma_wait3A_1556] : memref<4096x50x64xf32, #tpu.memory_space<hbm>> -> memref<1x50x64xf32, #tpu.memory_space<hbm>>
        %dma_wait3A_1558 = tpu.memref_squeeze %dma_wait3A_1557 : memref<1x50x64xf32, #tpu.memory_space<hbm>> -> memref<50x64xf32, #tpu.memory_space<hbm>>
        %dma_wait3A_1559 = arith.constant 100 : i32
        %dma_wait3A_1560 = arith.constant 0 : i32
        %dma_wait3A_1561 = tpu.memref_slice %arg8[%dma_wait3A_1559, %dma_wait3A_1560] : memref<200x64xf32, #tpu.memory_space<vmem>> -> memref<50x64xf32, #tpu.memory_space<vmem>>
        tpu.wait_dma2 semaphore(%run_scoped3A : memref<!tpu.dma_semaphore, #tpu.memory_space<semaphore_mem>>) src(%dma_wait3A_1561 : memref<50x64xf32, #tpu.memory_space<vmem>>) dst(%dma_wait3A_1558 : memref<50x64xf32, #tpu.memory_space<hbm>>)
        tpu.yield
      }) : () -> ()
      %mul3A_801 = arith.constant 4 : i32
      %mul3A_802 = arith.muli %add3A_93, %mul3A_801 : i32
      %add3A_803 = arith.addi %mul3A_4, %mul3A_802 : i32
      %add3A_804 = arith.constant 3 : i32
      %add3A_805 = arith.addi %add3A_803, %add3A_804 : i32
      "tpu.region"() ({
        %run_scoped3A = tpu.sem_alloc : memref<!tpu.dma_semaphore, #tpu.memory_space<semaphore_mem>>
        %dma_start3A_1534 = arith.constant 150 : i32
        %dma_start3A_1535 = arith.constant 0 : i32
        %dma_start3A_1536 = tpu.memref_slice %arg8[%dma_start3A_1534, %dma_start3A_1535] : memref<200x64xf32, #tpu.memory_space<vmem>> -> memref<50x64xf32, #tpu.memory_space<vmem>>
        %dma_start3A_1537 = arith.constant 0 : i32
        %dma_start3A_1538 = arith.constant 0 : i32
        %dma_start3A_1539 = tpu.memref_slice %arg5[%add3A_805, %dma_start3A_1537, %dma_start3A_1538] : memref<4096x50x64xf32, #tpu.memory_space<hbm>> -> memref<1x50x64xf32, #tpu.memory_space<hbm>>
        %dma_start3A_1540 = tpu.memref_squeeze %dma_start3A_1539 : memref<1x50x64xf32, #tpu.memory_space<hbm>> -> memref<50x64xf32, #tpu.memory_space<hbm>>
        %dma_start3A_1541 = arith.constant 0 : i32
        %dma_start3A_1542 = arith.constant 0 : i32
        %dma_start3A_1543 = tpu.memref_slice %arg5[%add3A_805, %dma_start3A_1541, %dma_start3A_1542] : memref<4096x50x64xf32, #tpu.memory_space<hbm>> -> memref<1x50x64xf32, #tpu.memory_space<hbm>>
        %dma_start3A_1544 = tpu.memref_squeeze %dma_start3A_1543 : memref<1x50x64xf32, #tpu.memory_space<hbm>> -> memref<50x64xf32, #tpu.memory_space<hbm>>
        %dma_start3A_1545 = arith.constant 150 : i32
        %dma_start3A_1546 = arith.constant 0 : i32
        %dma_start3A_1547 = tpu.memref_slice %arg8[%dma_start3A_1545, %dma_start3A_1546] : memref<200x64xf32, #tpu.memory_space<vmem>> -> memref<50x64xf32, #tpu.memory_space<vmem>>
        tpu.enqueue_dma source(%dma_start3A_1547 : memref<50x64xf32, #tpu.memory_space<vmem>>) target(%dma_start3A_1544 : memref<50x64xf32, #tpu.memory_space<hbm>>) target_semaphore(%run_scoped3A : memref<!tpu.dma_semaphore, #tpu.memory_space<semaphore_mem>>)
        %dma_wait3A_1548 = arith.constant 150 : i32
        %dma_wait3A_1549 = arith.constant 0 : i32
        %dma_wait3A_1550 = tpu.memref_slice %arg8[%dma_wait3A_1548, %dma_wait3A_1549] : memref<200x64xf32, #tpu.memory_space<vmem>> -> memref<50x64xf32, #tpu.memory_space<vmem>>
        %dma_wait3A_1551 = arith.constant 0 : i32
        %dma_wait3A_1552 = arith.constant 0 : i32
        %dma_wait3A_1553 = tpu.memref_slice %arg5[%add3A_805, %dma_wait3A_1551, %dma_wait3A_1552] : memref<4096x50x64xf32, #tpu.memory_space<hbm>> -> memref<1x50x64xf32, #tpu.memory_space<hbm>>
        %dma_wait3A_1554 = tpu.memref_squeeze %dma_wait3A_1553 : memref<1x50x64xf32, #tpu.memory_space<hbm>> -> memref<50x64xf32, #tpu.memory_space<hbm>>
        %dma_wait3A_1555 = arith.constant 0 : i32
        %dma_wait3A_1556 = arith.constant 0 : i32
        %dma_wait3A_1557 = tpu.memref_slice %arg5[%add3A_805, %dma_wait3A_1555, %dma_wait3A_1556] : memref<4096x50x64xf32, #tpu.memory_space<hbm>> -> memref<1x50x64xf32, #tpu.memory_space<hbm>>
        %dma_wait3A_1558 = tpu.memref_squeeze %dma_wait3A_1557 : memref<1x50x64xf32, #tpu.memory_space<hbm>> -> memref<50x64xf32, #tpu.memory_space<hbm>>
        %dma_wait3A_1559 = arith.constant 150 : i32
        %dma_wait3A_1560 = arith.constant 0 : i32
        %dma_wait3A_1561 = tpu.memref_slice %arg8[%dma_wait3A_1559, %dma_wait3A_1560] : memref<200x64xf32, #tpu.memory_space<vmem>> -> memref<50x64xf32, #tpu.memory_space<vmem>>
        tpu.wait_dma2 semaphore(%run_scoped3A : memref<!tpu.dma_semaphore, #tpu.memory_space<semaphore_mem>>) src(%dma_wait3A_1561 : memref<50x64xf32, #tpu.memory_space<vmem>>) dst(%dma_wait3A_1558 : memref<50x64xf32, #tpu.memory_space<hbm>>)
        tpu.yield
      }) : () -> ()
      %mul3A_806 = arith.constant 2 : i32
      %mul3A_807 = arith.muli %scan3A_89, %mul3A_806 : i32
      %add3A_808 = arith.constant 1 : i32
      %add3A_809 = arith.addi %mul3A_807, %add3A_808 : i32
      %add3A_810 = arith.constant 1 : i32
      %add3A_811 = arith.addi %add3A_809, %add3A_810 : i32
      %lt3A_812 = arith.constant 32 : i32
      %lt3A_813 = arith.cmpi slt, %add3A_811, %lt3A_812 : i32
      %convert_element_type3A_814 = arith.extui %lt3A_813 : i1 to i32
      %cond3A_815 = arith.constant 0 : i32
      %cond3A_816 = arith.cmpi ne, %convert_element_type3A_814, %cond3A_815 : i32
      scf.if %cond3A_816 {
        %mul3A_1534 = arith.constant 200 : i32
        %mul3A_1535 = arith.muli %add3A_811, %mul3A_1534 : i32
        %add3A_1536 = arith.constant 0 : i32
        %add3A_1537 = arith.addi %mul3A_1535, %add3A_1536 : i32
        %dma_start3A_1538 = arith.constant 0 : i32
        %dma_start3A_1539 = tpu.memref_slice %arg9[%dma_start3A_1538] : memref<200xf32, #tpu.memory_space<vmem>> -> memref<40xf32, #tpu.memory_space<vmem>>
        %dma_start3A_1540 = tpu.memref_slice %arg6[%add3A_1537] : memref<6400xi32, #tpu.memory_space<vmem>> -> memref<40xi32, #tpu.memory_space<vmem>>
        %dma_start3A_1541 = arith.constant 0 : i32
        %dma_start3A_1542 = tpu.memref_slice %arg4[%dma_start3A_1541] : memref<1000000xf32, #tpu.memory_space<hbm>> -> memref<1000000xf32, #tpu.memory_space<hbm>>
        tpu.enqueue_indirect_dma source(%dma_start3A_1542 : memref<1000000xf32, #tpu.memory_space<hbm>>) target(%dma_start3A_1539 : memref<40xf32, #tpu.memory_space<vmem>>) offsets(%dma_start3A_1540 : memref<40xi32, #tpu.memory_space<vmem>>) semaphore(%arg11 : memref<!tpu.dma_semaphore, #tpu.memory_space<semaphore_mem>>)
        %dma_start3A_1543 = arith.constant 0 : i32
        %dma_start3A_1544 = arith.constant 0 : i32
        %dma_start3A_1545 = arith.constant 0 : i32
        %dma_start3A_1546 = tpu.memref_slice %arg7[%dma_start3A_1543, %dma_start3A_1544, %dma_start3A_1545] : memref<2x200x128xf32, #tpu.memory_space<vmem>> -> memref<1x40x128xf32, #tpu.memory_space<vmem>>
        %dma_start3A_1547 = tpu.memref_squeeze %dma_start3A_1546 : memref<1x40x128xf32, #tpu.memory_space<vmem>> -> memref<40x128xf32, #tpu.memory_space<vmem>>
        %dma_start3A_1548 = tpu.memref_slice %arg6[%add3A_1537] : memref<6400xi32, #tpu.memory_space<vmem>> -> memref<40xi32, #tpu.memory_space<vmem>>
        %dma_start3A_1549 = arith.constant 0 : i32
        %dma_start3A_1550 = arith.constant 0 : i32
        %dma_start3A_1551 = tpu.memref_slice %arg3[%dma_start3A_1549, %dma_start3A_1550] : memref<1000000x128xf32, #tpu.memory_space<hbm>> -> memref<1000000x128xf32, #tpu.memory_space<hbm>>
        tpu.enqueue_indirect_dma source(%dma_start3A_1551 : memref<1000000x128xf32, #tpu.memory_space<hbm>>) target(%dma_start3A_1547 : memref<40x128xf32, #tpu.memory_space<vmem>>) offsets(%dma_start3A_1548 : memref<40xi32, #tpu.memory_space<vmem>>) semaphore(%arg11 : memref<!tpu.dma_semaphore, #tpu.memory_space<semaphore_mem>>)
        %mul3A_1552 = arith.constant 200 : i32
        %mul3A_1553 = arith.muli %add3A_811, %mul3A_1552 : i32
        %add3A_1554 = arith.constant 40 : i32
        %add3A_1555 = arith.addi %mul3A_1553, %add3A_1554 : i32
        %dma_start3A_1556 = arith.constant 40 : i32
        %dma_start3A_1557 = tpu.memref_slice %arg9[%dma_start3A_1556] : memref<200xf32, #tpu.memory_space<vmem>> -> memref<40xf32, #tpu.memory_space<vmem>>
        %dma_start3A_1558 = tpu.memref_slice %arg6[%add3A_1555] : memref<6400xi32, #tpu.memory_space<vmem>> -> memref<40xi32, #tpu.memory_space<vmem>>
        %dma_start3A_1559 = arith.constant 0 : i32
        %dma_start3A_1560 = tpu.memref_slice %arg4[%dma_start3A_1559] : memref<1000000xf32, #tpu.memory_space<hbm>> -> memref<1000000xf32, #tpu.memory_space<hbm>>
        tpu.enqueue_indirect_dma source(%dma_start3A_1560 : memref<1000000xf32, #tpu.memory_space<hbm>>) target(%dma_start3A_1557 : memref<40xf32, #tpu.memory_space<vmem>>) offsets(%dma_start3A_1558 : memref<40xi32, #tpu.memory_space<vmem>>) semaphore(%arg11 : memref<!tpu.dma_semaphore, #tpu.memory_space<semaphore_mem>>)
        %dma_start3A_1561 = arith.constant 0 : i32
        %dma_start3A_1562 = arith.constant 40 : i32
        %dma_start3A_1563 = arith.constant 0 : i32
        %dma_start3A_1564 = tpu.memref_slice %arg7[%dma_start3A_1561, %dma_start3A_1562, %dma_start3A_1563] : memref<2x200x128xf32, #tpu.memory_space<vmem>> -> memref<1x40x128xf32, #tpu.memory_space<vmem>>
        %dma_start3A_1565 = tpu.memref_squeeze %dma_start3A_1564 : memref<1x40x128xf32, #tpu.memory_space<vmem>> -> memref<40x128xf32, #tpu.memory_space<vmem>>
        %dma_start3A_1566 = tpu.memref_slice %arg6[%add3A_1555] : memref<6400xi32, #tpu.memory_space<vmem>> -> memref<40xi32, #tpu.memory_space<vmem>>
        %dma_start3A_1567 = arith.constant 0 : i32
        %dma_start3A_1568 = arith.constant 0 : i32
        %dma_start3A_1569 = tpu.memref_slice %arg3[%dma_start3A_1567, %dma_start3A_1568] : memref<1000000x128xf32, #tpu.memory_space<hbm>> -> memref<1000000x128xf32, #tpu.memory_space<hbm>>
        tpu.enqueue_indirect_dma source(%dma_start3A_1569 : memref<1000000x128xf32, #tpu.memory_space<hbm>>) target(%dma_start3A_1565 : memref<40x128xf32, #tpu.memory_space<vmem>>) offsets(%dma_start3A_1566 : memref<40xi32, #tpu.memory_space<vmem>>) semaphore(%arg11 : memref<!tpu.dma_semaphore, #tpu.memory_space<semaphore_mem>>)
        %mul3A_1570 = arith.constant 200 : i32
        %mul3A_1571 = arith.muli %add3A_811, %mul3A_1570 : i32
        %add3A_1572 = arith.constant 80 : i32
        %add3A_1573 = arith.addi %mul3A_1571, %add3A_1572 : i32
        %dma_start3A_1574 = arith.constant 80 : i32
        %dma_start3A_1575 = tpu.memref_slice %arg9[%dma_start3A_1574] : memref<200xf32, #tpu.memory_space<vmem>> -> memref<40xf32, #tpu.memory_space<vmem>>
        %dma_start3A_1576 = tpu.memref_slice %arg6[%add3A_1573] : memref<6400xi32, #tpu.memory_space<vmem>> -> memref<40xi32, #tpu.memory_space<vmem>>
        %dma_start3A_1577 = arith.constant 0 : i32
        %dma_start3A_1578 = tpu.memref_slice %arg4[%dma_start3A_1577] : memref<1000000xf32, #tpu.memory_space<hbm>> -> memref<1000000xf32, #tpu.memory_space<hbm>>
        tpu.enqueue_indirect_dma source(%dma_start3A_1578 : memref<1000000xf32, #tpu.memory_space<hbm>>) target(%dma_start3A_1575 : memref<40xf32, #tpu.memory_space<vmem>>) offsets(%dma_start3A_1576 : memref<40xi32, #tpu.memory_space<vmem>>) semaphore(%arg11 : memref<!tpu.dma_semaphore, #tpu.memory_space<semaphore_mem>>)
        %dma_start3A_1579 = arith.constant 0 : i32
        %dma_start3A_1580 = arith.constant 80 : i32
        %dma_start3A_1581 = arith.constant 0 : i32
        %dma_start3A_1582 = tpu.memref_slice %arg7[%dma_start3A_1579, %dma_start3A_1580, %dma_start3A_1581] : memref<2x200x128xf32, #tpu.memory_space<vmem>> -> memref<1x40x128xf32, #tpu.memory_space<vmem>>
        %dma_start3A_1583 = tpu.memref_squeeze %dma_start3A_1582 : memref<1x40x128xf32, #tpu.memory_space<vmem>> -> memref<40x128xf32, #tpu.memory_space<vmem>>
        %dma_start3A_1584 = tpu.memref_slice %arg6[%add3A_1573] : memref<6400xi32, #tpu.memory_space<vmem>> -> memref<40xi32, #tpu.memory_space<vmem>>
        %dma_start3A_1585 = arith.constant 0 : i32
        %dma_start3A_1586 = arith.constant 0 : i32
        %dma_start3A_1587 = tpu.memref_slice %arg3[%dma_start3A_1585, %dma_start3A_1586] : memref<1000000x128xf32, #tpu.memory_space<hbm>> -> memref<1000000x128xf32, #tpu.memory_space<hbm>>
        tpu.enqueue_indirect_dma source(%dma_start3A_1587 : memref<1000000x128xf32, #tpu.memory_space<hbm>>) target(%dma_start3A_1583 : memref<40x128xf32, #tpu.memory_space<vmem>>) offsets(%dma_start3A_1584 : memref<40xi32, #tpu.memory_space<vmem>>) semaphore(%arg11 : memref<!tpu.dma_semaphore, #tpu.memory_space<semaphore_mem>>)
        %mul3A_1588 = arith.constant 200 : i32
        %mul3A_1589 = arith.muli %add3A_811, %mul3A_1588 : i32
        %add3A_1590 = arith.constant 120 : i32
        %add3A_1591 = arith.addi %mul3A_1589, %add3A_1590 : i32
        %dma_start3A_1592 = arith.constant 120 : i32
        %dma_start3A_1593 = tpu.memref_slice %arg9[%dma_start3A_1592] : memref<200xf32, #tpu.memory_space<vmem>> -> memref<40xf32, #tpu.memory_space<vmem>>
        %dma_start3A_1594 = tpu.memref_slice %arg6[%add3A_1591] : memref<6400xi32, #tpu.memory_space<vmem>> -> memref<40xi32, #tpu.memory_space<vmem>>
        %dma_start3A_1595 = arith.constant 0 : i32
        %dma_start3A_1596 = tpu.memref_slice %arg4[%dma_start3A_1595] : memref<1000000xf32, #tpu.memory_space<hbm>> -> memref<1000000xf32, #tpu.memory_space<hbm>>
        tpu.enqueue_indirect_dma source(%dma_start3A_1596 : memref<1000000xf32, #tpu.memory_space<hbm>>) target(%dma_start3A_1593 : memref<40xf32, #tpu.memory_space<vmem>>) offsets(%dma_start3A_1594 : memref<40xi32, #tpu.memory_space<vmem>>) semaphore(%arg11 : memref<!tpu.dma_semaphore, #tpu.memory_space<semaphore_mem>>)
        %dma_start3A_1597 = arith.constant 0 : i32
        %dma_start3A_1598 = arith.constant 120 : i32
        %dma_start3A_1599 = arith.constant 0 : i32
        %dma_start3A_1600 = tpu.memref_slice %arg7[%dma_start3A_1597, %dma_start3A_1598, %dma_start3A_1599] : memref<2x200x128xf32, #tpu.memory_space<vmem>> -> memref<1x40x128xf32, #tpu.memory_space<vmem>>
        %dma_start3A_1601 = tpu.memref_squeeze %dma_start3A_1600 : memref<1x40x128xf32, #tpu.memory_space<vmem>> -> memref<40x128xf32, #tpu.memory_space<vmem>>
        %dma_start3A_1602 = tpu.memref_slice %arg6[%add3A_1591] : memref<6400xi32, #tpu.memory_space<vmem>> -> memref<40xi32, #tpu.memory_space<vmem>>
        %dma_start3A_1603 = arith.constant 0 : i32
        %dma_start3A_1604 = arith.constant 0 : i32
        %dma_start3A_1605 = tpu.memref_slice %arg3[%dma_start3A_1603, %dma_start3A_1604] : memref<1000000x128xf32, #tpu.memory_space<hbm>> -> memref<1000000x128xf32, #tpu.memory_space<hbm>>
        tpu.enqueue_indirect_dma source(%dma_start3A_1605 : memref<1000000x128xf32, #tpu.memory_space<hbm>>) target(%dma_start3A_1601 : memref<40x128xf32, #tpu.memory_space<vmem>>) offsets(%dma_start3A_1602 : memref<40xi32, #tpu.memory_space<vmem>>) semaphore(%arg11 : memref<!tpu.dma_semaphore, #tpu.memory_space<semaphore_mem>>)
        %mul3A_1606 = arith.constant 200 : i32
        %mul3A_1607 = arith.muli %add3A_811, %mul3A_1606 : i32
        %add3A_1608 = arith.constant 160 : i32
        %add3A_1609 = arith.addi %mul3A_1607, %add3A_1608 : i32
        %dma_start3A_1610 = arith.constant 160 : i32
        %dma_start3A_1611 = tpu.memref_slice %arg9[%dma_start3A_1610] : memref<200xf32, #tpu.memory_space<vmem>> -> memref<40xf32, #tpu.memory_space<vmem>>
        %dma_start3A_1612 = tpu.memref_slice %arg6[%add3A_1609] : memref<6400xi32, #tpu.memory_space<vmem>> -> memref<40xi32, #tpu.memory_space<vmem>>
        %dma_start3A_1613 = arith.constant 0 : i32
        %dma_start3A_1614 = tpu.memref_slice %arg4[%dma_start3A_1613] : memref<1000000xf32, #tpu.memory_space<hbm>> -> memref<1000000xf32, #tpu.memory_space<hbm>>
        tpu.enqueue_indirect_dma source(%dma_start3A_1614 : memref<1000000xf32, #tpu.memory_space<hbm>>) target(%dma_start3A_1611 : memref<40xf32, #tpu.memory_space<vmem>>) offsets(%dma_start3A_1612 : memref<40xi32, #tpu.memory_space<vmem>>) semaphore(%arg11 : memref<!tpu.dma_semaphore, #tpu.memory_space<semaphore_mem>>)
        %dma_start3A_1615 = arith.constant 0 : i32
        %dma_start3A_1616 = arith.constant 160 : i32
        %dma_start3A_1617 = arith.constant 0 : i32
        %dma_start3A_1618 = tpu.memref_slice %arg7[%dma_start3A_1615, %dma_start3A_1616, %dma_start3A_1617] : memref<2x200x128xf32, #tpu.memory_space<vmem>> -> memref<1x40x128xf32, #tpu.memory_space<vmem>>
        %dma_start3A_1619 = tpu.memref_squeeze %dma_start3A_1618 : memref<1x40x128xf32, #tpu.memory_space<vmem>> -> memref<40x128xf32, #tpu.memory_space<vmem>>
        %dma_start3A_1620 = tpu.memref_slice %arg6[%add3A_1609] : memref<6400xi32, #tpu.memory_space<vmem>> -> memref<40xi32, #tpu.memory_space<vmem>>
        %dma_start3A_1621 = arith.constant 0 : i32
        %dma_start3A_1622 = arith.constant 0 : i32
        %dma_start3A_1623 = tpu.memref_slice %arg3[%dma_start3A_1621, %dma_start3A_1622] : memref<1000000x128xf32, #tpu.memory_space<hbm>> -> memref<1000000x128xf32, #tpu.memory_space<hbm>>
        tpu.enqueue_indirect_dma source(%dma_start3A_1623 : memref<1000000x128xf32, #tpu.memory_space<hbm>>) target(%dma_start3A_1619 : memref<40x128xf32, #tpu.memory_space<vmem>>) offsets(%dma_start3A_1620 : memref<40xi32, #tpu.memory_space<vmem>>) semaphore(%arg11 : memref<!tpu.dma_semaphore, #tpu.memory_space<semaphore_mem>>)
      } else {
      }
      %mul3A_817 = arith.constant 200 : i32
      %mul3A_818 = arith.muli %add3A_809, %mul3A_817 : i32
      %add3A_819 = arith.constant 0 : i32
      %add3A_820 = arith.addi %mul3A_818, %add3A_819 : i32
      %dma_wait3A_821 = arith.constant 0 : i32
      %dma_wait3A_822 = tpu.memref_slice %arg10[%dma_wait3A_821] : memref<200xf32, #tpu.memory_space<vmem>> -> memref<40xf32, #tpu.memory_space<vmem>>
      %dma_wait3A_823 = tpu.memref_slice %arg6[%add3A_820] : memref<6400xi32, #tpu.memory_space<vmem>> -> memref<40xi32, #tpu.memory_space<vmem>>
      %dma_wait3A_824 = arith.constant 0 : i32
      %dma_wait3A_825 = tpu.memref_slice %arg4[%dma_wait3A_824] : memref<1000000xf32, #tpu.memory_space<hbm>> -> memref<1000000xf32, #tpu.memory_space<hbm>>
      tpu.wait_indirect_dma semaphore(%arg12 : memref<!tpu.dma_semaphore, #tpu.memory_space<semaphore_mem>>) src(%dma_wait3A_825 : memref<1000000xf32, #tpu.memory_space<hbm>>) dst(%dma_wait3A_822 : memref<40xf32, #tpu.memory_space<vmem>>)
      %dma_wait3A_826 = arith.constant 1 : i32
      %dma_wait3A_827 = arith.constant 0 : i32
      %dma_wait3A_828 = arith.constant 0 : i32
      %dma_wait3A_829 = tpu.memref_slice %arg7[%dma_wait3A_826, %dma_wait3A_827, %dma_wait3A_828] : memref<2x200x128xf32, #tpu.memory_space<vmem>> -> memref<1x40x128xf32, #tpu.memory_space<vmem>>
      %dma_wait3A_830 = tpu.memref_squeeze %dma_wait3A_829 : memref<1x40x128xf32, #tpu.memory_space<vmem>> -> memref<40x128xf32, #tpu.memory_space<vmem>>
      %dma_wait3A_831 = tpu.memref_slice %arg6[%add3A_820] : memref<6400xi32, #tpu.memory_space<vmem>> -> memref<40xi32, #tpu.memory_space<vmem>>
      %dma_wait3A_832 = arith.constant 0 : i32
      %dma_wait3A_833 = arith.constant 0 : i32
      %dma_wait3A_834 = tpu.memref_slice %arg3[%dma_wait3A_832, %dma_wait3A_833] : memref<1000000x128xf32, #tpu.memory_space<hbm>> -> memref<1000000x128xf32, #tpu.memory_space<hbm>>
      tpu.wait_indirect_dma semaphore(%arg12 : memref<!tpu.dma_semaphore, #tpu.memory_space<semaphore_mem>>) src(%dma_wait3A_834 : memref<1000000x128xf32, #tpu.memory_space<hbm>>) dst(%dma_wait3A_830 : memref<40x128xf32, #tpu.memory_space<vmem>>)
      %mul3A_835 = arith.constant 200 : i32
      %mul3A_836 = arith.muli %add3A_809, %mul3A_835 : i32
      %add3A_837 = arith.constant 40 : i32
      %add3A_838 = arith.addi %mul3A_836, %add3A_837 : i32
      %dma_wait3A_839 = arith.constant 40 : i32
      %dma_wait3A_840 = tpu.memref_slice %arg10[%dma_wait3A_839] : memref<200xf32, #tpu.memory_space<vmem>> -> memref<40xf32, #tpu.memory_space<vmem>>
      %dma_wait3A_841 = tpu.memref_slice %arg6[%add3A_838] : memref<6400xi32, #tpu.memory_space<vmem>> -> memref<40xi32, #tpu.memory_space<vmem>>
      %dma_wait3A_842 = arith.constant 0 : i32
      %dma_wait3A_843 = tpu.memref_slice %arg4[%dma_wait3A_842] : memref<1000000xf32, #tpu.memory_space<hbm>> -> memref<1000000xf32, #tpu.memory_space<hbm>>
      tpu.wait_indirect_dma semaphore(%arg12 : memref<!tpu.dma_semaphore, #tpu.memory_space<semaphore_mem>>) src(%dma_wait3A_843 : memref<1000000xf32, #tpu.memory_space<hbm>>) dst(%dma_wait3A_840 : memref<40xf32, #tpu.memory_space<vmem>>)
      %dma_wait3A_844 = arith.constant 1 : i32
      %dma_wait3A_845 = arith.constant 40 : i32
      %dma_wait3A_846 = arith.constant 0 : i32
      %dma_wait3A_847 = tpu.memref_slice %arg7[%dma_wait3A_844, %dma_wait3A_845, %dma_wait3A_846] : memref<2x200x128xf32, #tpu.memory_space<vmem>> -> memref<1x40x128xf32, #tpu.memory_space<vmem>>
      %dma_wait3A_848 = tpu.memref_squeeze %dma_wait3A_847 : memref<1x40x128xf32, #tpu.memory_space<vmem>> -> memref<40x128xf32, #tpu.memory_space<vmem>>
      %dma_wait3A_849 = tpu.memref_slice %arg6[%add3A_838] : memref<6400xi32, #tpu.memory_space<vmem>> -> memref<40xi32, #tpu.memory_space<vmem>>
      %dma_wait3A_850 = arith.constant 0 : i32
      %dma_wait3A_851 = arith.constant 0 : i32
      %dma_wait3A_852 = tpu.memref_slice %arg3[%dma_wait3A_850, %dma_wait3A_851] : memref<1000000x128xf32, #tpu.memory_space<hbm>> -> memref<1000000x128xf32, #tpu.memory_space<hbm>>
      tpu.wait_indirect_dma semaphore(%arg12 : memref<!tpu.dma_semaphore, #tpu.memory_space<semaphore_mem>>) src(%dma_wait3A_852 : memref<1000000x128xf32, #tpu.memory_space<hbm>>) dst(%dma_wait3A_848 : memref<40x128xf32, #tpu.memory_space<vmem>>)
      %mul3A_853 = arith.constant 200 : i32
      %mul3A_854 = arith.muli %add3A_809, %mul3A_853 : i32
      %add3A_855 = arith.constant 80 : i32
      %add3A_856 = arith.addi %mul3A_854, %add3A_855 : i32
      %dma_wait3A_857 = arith.constant 80 : i32
      %dma_wait3A_858 = tpu.memref_slice %arg10[%dma_wait3A_857] : memref<200xf32, #tpu.memory_space<vmem>> -> memref<40xf32, #tpu.memory_space<vmem>>
      %dma_wait3A_859 = tpu.memref_slice %arg6[%add3A_856] : memref<6400xi32, #tpu.memory_space<vmem>> -> memref<40xi32, #tpu.memory_space<vmem>>
      %dma_wait3A_860 = arith.constant 0 : i32
      %dma_wait3A_861 = tpu.memref_slice %arg4[%dma_wait3A_860] : memref<1000000xf32, #tpu.memory_space<hbm>> -> memref<1000000xf32, #tpu.memory_space<hbm>>
      tpu.wait_indirect_dma semaphore(%arg12 : memref<!tpu.dma_semaphore, #tpu.memory_space<semaphore_mem>>) src(%dma_wait3A_861 : memref<1000000xf32, #tpu.memory_space<hbm>>) dst(%dma_wait3A_858 : memref<40xf32, #tpu.memory_space<vmem>>)
      %dma_wait3A_862 = arith.constant 1 : i32
      %dma_wait3A_863 = arith.constant 80 : i32
      %dma_wait3A_864 = arith.constant 0 : i32
      %dma_wait3A_865 = tpu.memref_slice %arg7[%dma_wait3A_862, %dma_wait3A_863, %dma_wait3A_864] : memref<2x200x128xf32, #tpu.memory_space<vmem>> -> memref<1x40x128xf32, #tpu.memory_space<vmem>>
      %dma_wait3A_866 = tpu.memref_squeeze %dma_wait3A_865 : memref<1x40x128xf32, #tpu.memory_space<vmem>> -> memref<40x128xf32, #tpu.memory_space<vmem>>
      %dma_wait3A_867 = tpu.memref_slice %arg6[%add3A_856] : memref<6400xi32, #tpu.memory_space<vmem>> -> memref<40xi32, #tpu.memory_space<vmem>>
      %dma_wait3A_868 = arith.constant 0 : i32
      %dma_wait3A_869 = arith.constant 0 : i32
      %dma_wait3A_870 = tpu.memref_slice %arg3[%dma_wait3A_868, %dma_wait3A_869] : memref<1000000x128xf32, #tpu.memory_space<hbm>> -> memref<1000000x128xf32, #tpu.memory_space<hbm>>
      tpu.wait_indirect_dma semaphore(%arg12 : memref<!tpu.dma_semaphore, #tpu.memory_space<semaphore_mem>>) src(%dma_wait3A_870 : memref<1000000x128xf32, #tpu.memory_space<hbm>>) dst(%dma_wait3A_866 : memref<40x128xf32, #tpu.memory_space<vmem>>)
      %mul3A_871 = arith.constant 200 : i32
      %mul3A_872 = arith.muli %add3A_809, %mul3A_871 : i32
      %add3A_873 = arith.constant 120 : i32
      %add3A_874 = arith.addi %mul3A_872, %add3A_873 : i32
      %dma_wait3A_875 = arith.constant 120 : i32
      %dma_wait3A_876 = tpu.memref_slice %arg10[%dma_wait3A_875] : memref<200xf32, #tpu.memory_space<vmem>> -> memref<40xf32, #tpu.memory_space<vmem>>
      %dma_wait3A_877 = tpu.memref_slice %arg6[%add3A_874] : memref<6400xi32, #tpu.memory_space<vmem>> -> memref<40xi32, #tpu.memory_space<vmem>>
      %dma_wait3A_878 = arith.constant 0 : i32
      %dma_wait3A_879 = tpu.memref_slice %arg4[%dma_wait3A_878] : memref<1000000xf32, #tpu.memory_space<hbm>> -> memref<1000000xf32, #tpu.memory_space<hbm>>
      tpu.wait_indirect_dma semaphore(%arg12 : memref<!tpu.dma_semaphore, #tpu.memory_space<semaphore_mem>>) src(%dma_wait3A_879 : memref<1000000xf32, #tpu.memory_space<hbm>>) dst(%dma_wait3A_876 : memref<40xf32, #tpu.memory_space<vmem>>)
      %dma_wait3A_880 = arith.constant 1 : i32
      %dma_wait3A_881 = arith.constant 120 : i32
      %dma_wait3A_882 = arith.constant 0 : i32
      %dma_wait3A_883 = tpu.memref_slice %arg7[%dma_wait3A_880, %dma_wait3A_881, %dma_wait3A_882] : memref<2x200x128xf32, #tpu.memory_space<vmem>> -> memref<1x40x128xf32, #tpu.memory_space<vmem>>
      %dma_wait3A_884 = tpu.memref_squeeze %dma_wait3A_883 : memref<1x40x128xf32, #tpu.memory_space<vmem>> -> memref<40x128xf32, #tpu.memory_space<vmem>>
      %dma_wait3A_885 = tpu.memref_slice %arg6[%add3A_874] : memref<6400xi32, #tpu.memory_space<vmem>> -> memref<40xi32, #tpu.memory_space<vmem>>
      %dma_wait3A_886 = arith.constant 0 : i32
      %dma_wait3A_887 = arith.constant 0 : i32
      %dma_wait3A_888 = tpu.memref_slice %arg3[%dma_wait3A_886, %dma_wait3A_887] : memref<1000000x128xf32, #tpu.memory_space<hbm>> -> memref<1000000x128xf32, #tpu.memory_space<hbm>>
      tpu.wait_indirect_dma semaphore(%arg12 : memref<!tpu.dma_semaphore, #tpu.memory_space<semaphore_mem>>) src(%dma_wait3A_888 : memref<1000000x128xf32, #tpu.memory_space<hbm>>) dst(%dma_wait3A_884 : memref<40x128xf32, #tpu.memory_space<vmem>>)
      %mul3A_889 = arith.constant 200 : i32
      %mul3A_890 = arith.muli %add3A_809, %mul3A_889 : i32
      %add3A_891 = arith.constant 160 : i32
      %add3A_892 = arith.addi %mul3A_890, %add3A_891 : i32
      %dma_wait3A_893 = arith.constant 160 : i32
      %dma_wait3A_894 = tpu.memref_slice %arg10[%dma_wait3A_893] : memref<200xf32, #tpu.memory_space<vmem>> -> memref<40xf32, #tpu.memory_space<vmem>>
      %dma_wait3A_895 = tpu.memref_slice %arg6[%add3A_892] : memref<6400xi32, #tpu.memory_space<vmem>> -> memref<40xi32, #tpu.memory_space<vmem>>
      %dma_wait3A_896 = arith.constant 0 : i32
      %dma_wait3A_897 = tpu.memref_slice %arg4[%dma_wait3A_896] : memref<1000000xf32, #tpu.memory_space<hbm>> -> memref<1000000xf32, #tpu.memory_space<hbm>>
      tpu.wait_indirect_dma semaphore(%arg12 : memref<!tpu.dma_semaphore, #tpu.memory_space<semaphore_mem>>) src(%dma_wait3A_897 : memref<1000000xf32, #tpu.memory_space<hbm>>) dst(%dma_wait3A_894 : memref<40xf32, #tpu.memory_space<vmem>>)
      %dma_wait3A_898 = arith.constant 1 : i32
      %dma_wait3A_899 = arith.constant 160 : i32
      %dma_wait3A_900 = arith.constant 0 : i32
      %dma_wait3A_901 = tpu.memref_slice %arg7[%dma_wait3A_898, %dma_wait3A_899, %dma_wait3A_900] : memref<2x200x128xf32, #tpu.memory_space<vmem>> -> memref<1x40x128xf32, #tpu.memory_space<vmem>>
      %dma_wait3A_902 = tpu.memref_squeeze %dma_wait3A_901 : memref<1x40x128xf32, #tpu.memory_space<vmem>> -> memref<40x128xf32, #tpu.memory_space<vmem>>
      %dma_wait3A_903 = tpu.memref_slice %arg6[%add3A_892] : memref<6400xi32, #tpu.memory_space<vmem>> -> memref<40xi32, #tpu.memory_space<vmem>>
      %dma_wait3A_904 = arith.constant 0 : i32
      %dma_wait3A_905 = arith.constant 0 : i32
      %dma_wait3A_906 = tpu.memref_slice %arg3[%dma_wait3A_904, %dma_wait3A_905] : memref<1000000x128xf32, #tpu.memory_space<hbm>> -> memref<1000000x128xf32, #tpu.memory_space<hbm>>
      tpu.wait_indirect_dma semaphore(%arg12 : memref<!tpu.dma_semaphore, #tpu.memory_space<semaphore_mem>>) src(%dma_wait3A_906 : memref<1000000x128xf32, #tpu.memory_space<hbm>>) dst(%dma_wait3A_902 : memref<40x128xf32, #tpu.memory_space<vmem>>)
      %scan3A_907 = arith.constant 0 : i32
      %scan3A_908 = arith.constant 0 : i32
      %scan3A_909 = arith.constant 12 : i32
      %scan3A_910 = arith.addi %scan3A_908, %scan3A_909 : i32
      %scan3A_911 = arith.constant 1 : i32
      scf.for %scan3A_1534 = %scan3A_908 to %scan3A_910 step %scan3A_911  : i32 {
        %mul3A_1535 = arith.constant 16 : i32
        %mul3A_1536 = arith.muli %scan3A_1534, %mul3A_1535 : i32
        %get3A_1537 = arith.index_cast %mul3A_1536 : i32 to index
        %get3A_1538 = tpu.vector_load %arg10[%get3A_1537] {strides = array<i32>} : memref<200xf32, #tpu.memory_space<vmem>>, vector<16xf32>,
        %get3A_1539 = vector.shape_cast %get3A_1538 : vector<16xf32> to vector<16xf32>
        %max3A_1540 = arith.constant 9.99999993E-9 : f32
        %max3A_1541 = vector.broadcast %max3A_1540 : f32 to vector<16xf32>
        %max3A_1542 = arith.maximumf %get3A_1539, %max3A_1541 : vector<16xf32>
        %mul3A_1543 = arith.constant 16 : i32
        %mul3A_1544 = arith.muli %scan3A_1534, %mul3A_1543 : i32
        %neg3A_1545 = arith.constant 0.000000e+00 : f32
        %neg3A_1546 = vector.broadcast %neg3A_1545 : f32 to vector<16xf32>
        %neg3A_1547 = arith.subf %neg3A_1546, %max3A_1542 : vector<16xf32>
        %slice3A_1548 = vector.extract_strided_slice %max3A_1542 {offsets = [0], sizes = [1], strides = [1]} : vector<16xf32> to vector<1xf32>
        %squeeze3A_1549 = vector.extract %slice3A_1548[0] : f32 from vector<1xf32>
        %broadcast_in_dim3A_1550 = vector.broadcast %squeeze3A_1549 : f32 to vector<16xf32>
        %slice3A_1551 = vector.extract_strided_slice %neg3A_1547 {offsets = [0], sizes = [1], strides = [1]} : vector<16xf32> to vector<1xf32>
        %squeeze3A_1552 = vector.extract %slice3A_1551[0] : f32 from vector<1xf32>
        %broadcast_in_dim3A_1553 = vector.broadcast %squeeze3A_1552 : f32 to vector<16xf32>
        %add3A_1554 = arith.constant 0 : i32
        %add3A_1555 = arith.addi %mul3A_1544, %add3A_1554 : i32
        %get3A_1556 = arith.constant 1 : i32
        %get3A_1557 = arith.index_cast %get3A_1556 : i32 to index
        %get3A_1558 = arith.index_cast %add3A_1555 : i32 to index
        %get3A_1559 = arith.constant 0 : index
        %get3A_1560 = tpu.vector_load %arg7[%get3A_1557, %get3A_1558, %get3A_1559] {strides = array<i32>} : memref<2x200x128xf32, #tpu.memory_space<vmem>>, vector<1x1x16xf32>,
        %get3A_1561 = vector.shape_cast %get3A_1560 : vector<1x1x16xf32> to vector<16xf32>
        %lt3A_1562 = arith.constant 0.000000e+00 : f32
        %lt3A_1563 = vector.broadcast %lt3A_1562 : f32 to vector<16xf32>
        %lt3A_1564 = arith.cmpf olt, %get3A_1561, %lt3A_1563 : vector<16xf32>
        %select_n3A_1565 = arith.select %lt3A_1564, %broadcast_in_dim3A_1553, %broadcast_in_dim3A_1550 : vector<16xi1>, vector<16xf32>
        %swap3A_1566 = arith.index_cast %add3A_1555 : i32 to index
        %swap3A_1567 = arith.constant 0 : index
        %swap3A_1568 = tpu.vector_load %arg8[%swap3A_1566, %swap3A_1567] {strides = array<i32>} : memref<200x64xf32, #tpu.memory_space<vmem>>, vector<1x16xf32>,
        %swap3A_1569 = vector.shape_cast %swap3A_1568 : vector<1x16xf32> to vector<16xf32>
        %swap3A_1570 = vector.shape_cast %select_n3A_1565 : vector<16xf32> to vector<1x16xf32>
        tpu.vector_store %arg8[%swap3A_1566, %swap3A_1567], %swap3A_1570 {strides = array<i32>} : memref<200x64xf32, #tpu.memory_space<vmem>>, vector<1x16xf32>,
        %get3A_1571 = arith.constant 1 : i32
        %get3A_1572 = arith.index_cast %get3A_1571 : i32 to index
        %get3A_1573 = arith.index_cast %add3A_1555 : i32 to index
        %get3A_1574 = arith.constant 16 : index
        %get3A_1575 = tpu.vector_load %arg7[%get3A_1572, %get3A_1573, %get3A_1574] {strides = array<i32>} : memref<2x200x128xf32, #tpu.memory_space<vmem>>, vector<1x1x16xf32>,
        %get3A_1576 = vector.shape_cast %get3A_1575 : vector<1x1x16xf32> to vector<16xf32>
        %lt3A_1577 = arith.constant 0.000000e+00 : f32
        %lt3A_1578 = vector.broadcast %lt3A_1577 : f32 to vector<16xf32>
        %lt3A_1579 = arith.cmpf olt, %get3A_1576, %lt3A_1578 : vector<16xf32>
        %select_n3A_1580 = arith.select %lt3A_1579, %broadcast_in_dim3A_1553, %broadcast_in_dim3A_1550 : vector<16xi1>, vector<16xf32>
        %swap3A_1581 = arith.index_cast %add3A_1555 : i32 to index
        %swap3A_1582 = arith.constant 16 : index
        %swap3A_1583 = tpu.vector_load %arg8[%swap3A_1581, %swap3A_1582] {strides = array<i32>} : memref<200x64xf32, #tpu.memory_space<vmem>>, vector<1x16xf32>,
        %swap3A_1584 = vector.shape_cast %swap3A_1583 : vector<1x16xf32> to vector<16xf32>
        %swap3A_1585 = vector.shape_cast %select_n3A_1580 : vector<16xf32> to vector<1x16xf32>
        tpu.vector_store %arg8[%swap3A_1581, %swap3A_1582], %swap3A_1585 {strides = array<i32>} : memref<200x64xf32, #tpu.memory_space<vmem>>, vector<1x16xf32>,
        %get3A_1586 = arith.constant 1 : i32
        %get3A_1587 = arith.index_cast %get3A_1586 : i32 to index
        %get3A_1588 = arith.index_cast %add3A_1555 : i32 to index
        %get3A_1589 = arith.constant 32 : index
        %get3A_1590 = tpu.vector_load %arg7[%get3A_1587, %get3A_1588, %get3A_1589] {strides = array<i32>} : memref<2x200x128xf32, #tpu.memory_space<vmem>>, vector<1x1x16xf32>,
        %get3A_1591 = vector.shape_cast %get3A_1590 : vector<1x1x16xf32> to vector<16xf32>
        %lt3A_1592 = arith.constant 0.000000e+00 : f32
        %lt3A_1593 = vector.broadcast %lt3A_1592 : f32 to vector<16xf32>
        %lt3A_1594 = arith.cmpf olt, %get3A_1591, %lt3A_1593 : vector<16xf32>
        %select_n3A_1595 = arith.select %lt3A_1594, %broadcast_in_dim3A_1553, %broadcast_in_dim3A_1550 : vector<16xi1>, vector<16xf32>
        %swap3A_1596 = arith.index_cast %add3A_1555 : i32 to index
        %swap3A_1597 = arith.constant 32 : index
        %swap3A_1598 = tpu.vector_load %arg8[%swap3A_1596, %swap3A_1597] {strides = array<i32>} : memref<200x64xf32, #tpu.memory_space<vmem>>, vector<1x16xf32>,
        %swap3A_1599 = vector.shape_cast %swap3A_1598 : vector<1x16xf32> to vector<16xf32>
        %swap3A_1600 = vector.shape_cast %select_n3A_1595 : vector<16xf32> to vector<1x16xf32>
        tpu.vector_store %arg8[%swap3A_1596, %swap3A_1597], %swap3A_1600 {strides = array<i32>} : memref<200x64xf32, #tpu.memory_space<vmem>>, vector<1x16xf32>,
        %get3A_1601 = arith.constant 1 : i32
        %get3A_1602 = arith.index_cast %get3A_1601 : i32 to index
        %get3A_1603 = arith.index_cast %add3A_1555 : i32 to index
        %get3A_1604 = arith.constant 48 : index
        %get3A_1605 = tpu.vector_load %arg7[%get3A_1602, %get3A_1603, %get3A_1604] {strides = array<i32>} : memref<2x200x128xf32, #tpu.memory_space<vmem>>, vector<1x1x16xf32>,
        %get3A_1606 = vector.shape_cast %get3A_1605 : vector<1x1x16xf32> to vector<16xf32>
        %lt3A_1607 = arith.constant 0.000000e+00 : f32
        %lt3A_1608 = vector.broadcast %lt3A_1607 : f32 to vector<16xf32>
        %lt3A_1609 = arith.cmpf olt, %get3A_1606, %lt3A_1608 : vector<16xf32>
        %select_n3A_1610 = arith.select %lt3A_1609, %broadcast_in_dim3A_1553, %broadcast_in_dim3A_1550 : vector<16xi1>, vector<16xf32>
        %swap3A_1611 = arith.index_cast %add3A_1555 : i32 to index
        %swap3A_1612 = arith.constant 48 : index
        %swap3A_1613 = tpu.vector_load %arg8[%swap3A_1611, %swap3A_1612] {strides = array<i32>} : memref<200x64xf32, #tpu.memory_space<vmem>>, vector<1x16xf32>,
        %swap3A_1614 = vector.shape_cast %swap3A_1613 : vector<1x16xf32> to vector<16xf32>
        %swap3A_1615 = vector.shape_cast %select_n3A_1610 : vector<16xf32> to vector<1x16xf32>
        tpu.vector_store %arg8[%swap3A_1611, %swap3A_1612], %swap3A_1615 {strides = array<i32>} : memref<200x64xf32, #tpu.memory_space<vmem>>, vector<1x16xf32>,
        %slice3A_1616 = vector.extract_strided_slice %max3A_1542 {offsets = [1], sizes = [1], strides = [1]} : vector<16xf32> to vector<1xf32>
        %squeeze3A_1617 = vector.extract %slice3A_1616[0] : f32 from vector<1xf32>
        %broadcast_in_dim3A_1618 = vector.broadcast %squeeze3A_1617 : f32 to vector<16xf32>
        %slice3A_1619 = vector.extract_strided_slice %neg3A_1547 {offsets = [1], sizes = [1], strides = [1]} : vector<16xf32> to vector<1xf32>
        %squeeze3A_1620 = vector.extract %slice3A_1619[0] : f32 from vector<1xf32>
        %broadcast_in_dim3A_1621 = vector.broadcast %squeeze3A_1620 : f32 to vector<16xf32>
        %add3A_1622 = arith.constant 1 : i32
        %add3A_1623 = arith.addi %mul3A_1544, %add3A_1622 : i32
        %get3A_1624 = arith.constant 1 : i32
        %get3A_1625 = arith.index_cast %get3A_1624 : i32 to index
        %get3A_1626 = arith.index_cast %add3A_1623 : i32 to index
        %get3A_1627 = arith.constant 0 : index
        %get3A_1628 = tpu.vector_load %arg7[%get3A_1625, %get3A_1626, %get3A_1627] {strides = array<i32>} : memref<2x200x128xf32, #tpu.memory_space<vmem>>, vector<1x1x16xf32>,
        %get3A_1629 = vector.shape_cast %get3A_1628 : vector<1x1x16xf32> to vector<16xf32>
        %lt3A_1630 = arith.constant 0.000000e+00 : f32
        %lt3A_1631 = vector.broadcast %lt3A_1630 : f32 to vector<16xf32>
        %lt3A_1632 = arith.cmpf olt, %get3A_1629, %lt3A_1631 : vector<16xf32>
        %select_n3A_1633 = arith.select %lt3A_1632, %broadcast_in_dim3A_1621, %broadcast_in_dim3A_1618 : vector<16xi1>, vector<16xf32>
        %swap3A_1634 = arith.index_cast %add3A_1623 : i32 to index
        %swap3A_1635 = arith.constant 0 : index
        %swap3A_1636 = tpu.vector_load %arg8[%swap3A_1634, %swap3A_1635] {strides = array<i32>} : memref<200x64xf32, #tpu.memory_space<vmem>>, vector<1x16xf32>,
        %swap3A_1637 = vector.shape_cast %swap3A_1636 : vector<1x16xf32> to vector<16xf32>
        %swap3A_1638 = vector.shape_cast %select_n3A_1633 : vector<16xf32> to vector<1x16xf32>
        tpu.vector_store %arg8[%swap3A_1634, %swap3A_1635], %swap3A_1638 {strides = array<i32>} : memref<200x64xf32, #tpu.memory_space<vmem>>, vector<1x16xf32>,
        %get3A_1639 = arith.constant 1 : i32
        %get3A_1640 = arith.index_cast %get3A_1639 : i32 to index
        %get3A_1641 = arith.index_cast %add3A_1623 : i32 to index
        %get3A_1642 = arith.constant 16 : index
        %get3A_1643 = tpu.vector_load %arg7[%get3A_1640, %get3A_1641, %get3A_1642] {strides = array<i32>} : memref<2x200x128xf32, #tpu.memory_space<vmem>>, vector<1x1x16xf32>,
        %get3A_1644 = vector.shape_cast %get3A_1643 : vector<1x1x16xf32> to vector<16xf32>
        %lt3A_1645 = arith.constant 0.000000e+00 : f32
        %lt3A_1646 = vector.broadcast %lt3A_1645 : f32 to vector<16xf32>
        %lt3A_1647 = arith.cmpf olt, %get3A_1644, %lt3A_1646 : vector<16xf32>
        %select_n3A_1648 = arith.select %lt3A_1647, %broadcast_in_dim3A_1621, %broadcast_in_dim3A_1618 : vector<16xi1>, vector<16xf32>
        %swap3A_1649 = arith.index_cast %add3A_1623 : i32 to index
        %swap3A_1650 = arith.constant 16 : index
        %swap3A_1651 = tpu.vector_load %arg8[%swap3A_1649, %swap3A_1650] {strides = array<i32>} : memref<200x64xf32, #tpu.memory_space<vmem>>, vector<1x16xf32>,
        %swap3A_1652 = vector.shape_cast %swap3A_1651 : vector<1x16xf32> to vector<16xf32>
        %swap3A_1653 = vector.shape_cast %select_n3A_1648 : vector<16xf32> to vector<1x16xf32>
        tpu.vector_store %arg8[%swap3A_1649, %swap3A_1650], %swap3A_1653 {strides = array<i32>} : memref<200x64xf32, #tpu.memory_space<vmem>>, vector<1x16xf32>,
        %get3A_1654 = arith.constant 1 : i32
        %get3A_1655 = arith.index_cast %get3A_1654 : i32 to index
        %get3A_1656 = arith.index_cast %add3A_1623 : i32 to index
        %get3A_1657 = arith.constant 32 : index
        %get3A_1658 = tpu.vector_load %arg7[%get3A_1655, %get3A_1656, %get3A_1657] {strides = array<i32>} : memref<2x200x128xf32, #tpu.memory_space<vmem>>, vector<1x1x16xf32>,
        %get3A_1659 = vector.shape_cast %get3A_1658 : vector<1x1x16xf32> to vector<16xf32>
        %lt3A_1660 = arith.constant 0.000000e+00 : f32
        %lt3A_1661 = vector.broadcast %lt3A_1660 : f32 to vector<16xf32>
        %lt3A_1662 = arith.cmpf olt, %get3A_1659, %lt3A_1661 : vector<16xf32>
        %select_n3A_1663 = arith.select %lt3A_1662, %broadcast_in_dim3A_1621, %broadcast_in_dim3A_1618 : vector<16xi1>, vector<16xf32>
        %swap3A_1664 = arith.index_cast %add3A_1623 : i32 to index
        %swap3A_1665 = arith.constant 32 : index
        %swap3A_1666 = tpu.vector_load %arg8[%swap3A_1664, %swap3A_1665] {strides = array<i32>} : memref<200x64xf32, #tpu.memory_space<vmem>>, vector<1x16xf32>,
        %swap3A_1667 = vector.shape_cast %swap3A_1666 : vector<1x16xf32> to vector<16xf32>
        %swap3A_1668 = vector.shape_cast %select_n3A_1663 : vector<16xf32> to vector<1x16xf32>
        tpu.vector_store %arg8[%swap3A_1664, %swap3A_1665], %swap3A_1668 {strides = array<i32>} : memref<200x64xf32, #tpu.memory_space<vmem>>, vector<1x16xf32>,
        %get3A_1669 = arith.constant 1 : i32
        %get3A_1670 = arith.index_cast %get3A_1669 : i32 to index
        %get3A_1671 = arith.index_cast %add3A_1623 : i32 to index
        %get3A_1672 = arith.constant 48 : index
        %get3A_1673 = tpu.vector_load %arg7[%get3A_1670, %get3A_1671, %get3A_1672] {strides = array<i32>} : memref<2x200x128xf32, #tpu.memory_space<vmem>>, vector<1x1x16xf32>,
        %get3A_1674 = vector.shape_cast %get3A_1673 : vector<1x1x16xf32> to vector<16xf32>
        %lt3A_1675 = arith.constant 0.000000e+00 : f32
        %lt3A_1676 = vector.broadcast %lt3A_1675 : f32 to vector<16xf32>
        %lt3A_1677 = arith.cmpf olt, %get3A_1674, %lt3A_1676 : vector<16xf32>
        %select_n3A_1678 = arith.select %lt3A_1677, %broadcast_in_dim3A_1621, %broadcast_in_dim3A_1618 : vector<16xi1>, vector<16xf32>
        %swap3A_1679 = arith.index_cast %add3A_1623 : i32 to index
        %swap3A_1680 = arith.constant 48 : index
        %swap3A_1681 = tpu.vector_load %arg8[%swap3A_1679, %swap3A_1680] {strides = array<i32>} : memref<200x64xf32, #tpu.memory_space<vmem>>, vector<1x16xf32>,
        %swap3A_1682 = vector.shape_cast %swap3A_1681 : vector<1x16xf32> to vector<16xf32>
        %swap3A_1683 = vector.shape_cast %select_n3A_1678 : vector<16xf32> to vector<1x16xf32>
        tpu.vector_store %arg8[%swap3A_1679, %swap3A_1680], %swap3A_1683 {strides = array<i32>} : memref<200x64xf32, #tpu.memory_space<vmem>>, vector<1x16xf32>,
        %slice3A_1684 = vector.extract_strided_slice %max3A_1542 {offsets = [2], sizes = [1], strides = [1]} : vector<16xf32> to vector<1xf32>
        %squeeze3A_1685 = vector.extract %slice3A_1684[0] : f32 from vector<1xf32>
        %broadcast_in_dim3A_1686 = vector.broadcast %squeeze3A_1685 : f32 to vector<16xf32>
        %slice3A_1687 = vector.extract_strided_slice %neg3A_1547 {offsets = [2], sizes = [1], strides = [1]} : vector<16xf32> to vector<1xf32>
        %squeeze3A_1688 = vector.extract %slice3A_1687[0] : f32 from vector<1xf32>
        %broadcast_in_dim3A_1689 = vector.broadcast %squeeze3A_1688 : f32 to vector<16xf32>
        %add3A_1690 = arith.constant 2 : i32
        %add3A_1691 = arith.addi %mul3A_1544, %add3A_1690 : i32
        %get3A_1692 = arith.constant 1 : i32
        %get3A_1693 = arith.index_cast %get3A_1692 : i32 to index
        %get3A_1694 = arith.index_cast %add3A_1691 : i32 to index
        %get3A_1695 = arith.constant 0 : index
        %get3A_1696 = tpu.vector_load %arg7[%get3A_1693, %get3A_1694, %get3A_1695] {strides = array<i32>} : memref<2x200x128xf32, #tpu.memory_space<vmem>>, vector<1x1x16xf32>,
        %get3A_1697 = vector.shape_cast %get3A_1696 : vector<1x1x16xf32> to vector<16xf32>
        %lt3A_1698 = arith.constant 0.000000e+00 : f32
        %lt3A_1699 = vector.broadcast %lt3A_1698 : f32 to vector<16xf32>
        %lt3A_1700 = arith.cmpf olt, %get3A_1697, %lt3A_1699 : vector<16xf32>
        %select_n3A_1701 = arith.select %lt3A_1700, %broadcast_in_dim3A_1689, %broadcast_in_dim3A_1686 : vector<16xi1>, vector<16xf32>
        %swap3A_1702 = arith.index_cast %add3A_1691 : i32 to index
        %swap3A_1703 = arith.constant 0 : index
        %swap3A_1704 = tpu.vector_load %arg8[%swap3A_1702, %swap3A_1703] {strides = array<i32>} : memref<200x64xf32, #tpu.memory_space<vmem>>, vector<1x16xf32>,
        %swap3A_1705 = vector.shape_cast %swap3A_1704 : vector<1x16xf32> to vector<16xf32>
        %swap3A_1706 = vector.shape_cast %select_n3A_1701 : vector<16xf32> to vector<1x16xf32>
        tpu.vector_store %arg8[%swap3A_1702, %swap3A_1703], %swap3A_1706 {strides = array<i32>} : memref<200x64xf32, #tpu.memory_space<vmem>>, vector<1x16xf32>,
        %get3A_1707 = arith.constant 1 : i32
        %get3A_1708 = arith.index_cast %get3A_1707 : i32 to index
        %get3A_1709 = arith.index_cast %add3A_1691 : i32 to index
        %get3A_1710 = arith.constant 16 : index
        %get3A_1711 = tpu.vector_load %arg7[%get3A_1708, %get3A_1709, %get3A_1710] {strides = array<i32>} : memref<2x200x128xf32, #tpu.memory_space<vmem>>, vector<1x1x16xf32>,
        %get3A_1712 = vector.shape_cast %get3A_1711 : vector<1x1x16xf32> to vector<16xf32>
        %lt3A_1713 = arith.constant 0.000000e+00 : f32
        %lt3A_1714 = vector.broadcast %lt3A_1713 : f32 to vector<16xf32>
        %lt3A_1715 = arith.cmpf olt, %get3A_1712, %lt3A_1714 : vector<16xf32>
        %select_n3A_1716 = arith.select %lt3A_1715, %broadcast_in_dim3A_1689, %broadcast_in_dim3A_1686 : vector<16xi1>, vector<16xf32>
        %swap3A_1717 = arith.index_cast %add3A_1691 : i32 to index
        %swap3A_1718 = arith.constant 16 : index
        %swap3A_1719 = tpu.vector_load %arg8[%swap3A_1717, %swap3A_1718] {strides = array<i32>} : memref<200x64xf32, #tpu.memory_space<vmem>>, vector<1x16xf32>,
        %swap3A_1720 = vector.shape_cast %swap3A_1719 : vector<1x16xf32> to vector<16xf32>
        %swap3A_1721 = vector.shape_cast %select_n3A_1716 : vector<16xf32> to vector<1x16xf32>
        tpu.vector_store %arg8[%swap3A_1717, %swap3A_1718], %swap3A_1721 {strides = array<i32>} : memref<200x64xf32, #tpu.memory_space<vmem>>, vector<1x16xf32>,
        %get3A_1722 = arith.constant 1 : i32
        %get3A_1723 = arith.index_cast %get3A_1722 : i32 to index
        %get3A_1724 = arith.index_cast %add3A_1691 : i32 to index
        %get3A_1725 = arith.constant 32 : index
        %get3A_1726 = tpu.vector_load %arg7[%get3A_1723, %get3A_1724, %get3A_1725] {strides = array<i32>} : memref<2x200x128xf32, #tpu.memory_space<vmem>>, vector<1x1x16xf32>,
        %get3A_1727 = vector.shape_cast %get3A_1726 : vector<1x1x16xf32> to vector<16xf32>
        %lt3A_1728 = arith.constant 0.000000e+00 : f32
        %lt3A_1729 = vector.broadcast %lt3A_1728 : f32 to vector<16xf32>
        %lt3A_1730 = arith.cmpf olt, %get3A_1727, %lt3A_1729 : vector<16xf32>
        %select_n3A_1731 = arith.select %lt3A_1730, %broadcast_in_dim3A_1689, %broadcast_in_dim3A_1686 : vector<16xi1>, vector<16xf32>
        %swap3A_1732 = arith.index_cast %add3A_1691 : i32 to index
        %swap3A_1733 = arith.constant 32 : index
        %swap3A_1734 = tpu.vector_load %arg8[%swap3A_1732, %swap3A_1733] {strides = array<i32>} : memref<200x64xf32, #tpu.memory_space<vmem>>, vector<1x16xf32>,
        %swap3A_1735 = vector.shape_cast %swap3A_1734 : vector<1x16xf32> to vector<16xf32>
        %swap3A_1736 = vector.shape_cast %select_n3A_1731 : vector<16xf32> to vector<1x16xf32>
        tpu.vector_store %arg8[%swap3A_1732, %swap3A_1733], %swap3A_1736 {strides = array<i32>} : memref<200x64xf32, #tpu.memory_space<vmem>>, vector<1x16xf32>,
        %get3A_1737 = arith.constant 1 : i32
        %get3A_1738 = arith.index_cast %get3A_1737 : i32 to index
        %get3A_1739 = arith.index_cast %add3A_1691 : i32 to index
        %get3A_1740 = arith.constant 48 : index
        %get3A_1741 = tpu.vector_load %arg7[%get3A_1738, %get3A_1739, %get3A_1740] {strides = array<i32>} : memref<2x200x128xf32, #tpu.memory_space<vmem>>, vector<1x1x16xf32>,
        %get3A_1742 = vector.shape_cast %get3A_1741 : vector<1x1x16xf32> to vector<16xf32>
        %lt3A_1743 = arith.constant 0.000000e+00 : f32
        %lt3A_1744 = vector.broadcast %lt3A_1743 : f32 to vector<16xf32>
        %lt3A_1745 = arith.cmpf olt, %get3A_1742, %lt3A_1744 : vector<16xf32>
        %select_n3A_1746 = arith.select %lt3A_1745, %broadcast_in_dim3A_1689, %broadcast_in_dim3A_1686 : vector<16xi1>, vector<16xf32>
        %swap3A_1747 = arith.index_cast %add3A_1691 : i32 to index
        %swap3A_1748 = arith.constant 48 : index
        %swap3A_1749 = tpu.vector_load %arg8[%swap3A_1747, %swap3A_1748] {strides = array<i32>} : memref<200x64xf32, #tpu.memory_space<vmem>>, vector<1x16xf32>,
        %swap3A_1750 = vector.shape_cast %swap3A_1749 : vector<1x16xf32> to vector<16xf32>
        %swap3A_1751 = vector.shape_cast %select_n3A_1746 : vector<16xf32> to vector<1x16xf32>
        tpu.vector_store %arg8[%swap3A_1747, %swap3A_1748], %swap3A_1751 {strides = array<i32>} : memref<200x64xf32, #tpu.memory_space<vmem>>, vector<1x16xf32>,
        %slice3A_1752 = vector.extract_strided_slice %max3A_1542 {offsets = [3], sizes = [1], strides = [1]} : vector<16xf32> to vector<1xf32>
        %squeeze3A_1753 = vector.extract %slice3A_1752[0] : f32 from vector<1xf32>
        %broadcast_in_dim3A_1754 = vector.broadcast %squeeze3A_1753 : f32 to vector<16xf32>
        %slice3A_1755 = vector.extract_strided_slice %neg3A_1547 {offsets = [3], sizes = [1], strides = [1]} : vector<16xf32> to vector<1xf32>
        %squeeze3A_1756 = vector.extract %slice3A_1755[0] : f32 from vector<1xf32>
        %broadcast_in_dim3A_1757 = vector.broadcast %squeeze3A_1756 : f32 to vector<16xf32>
        %add3A_1758 = arith.constant 3 : i32
        %add3A_1759 = arith.addi %mul3A_1544, %add3A_1758 : i32
        %get3A_1760 = arith.constant 1 : i32
        %get3A_1761 = arith.index_cast %get3A_1760 : i32 to index
        %get3A_1762 = arith.index_cast %add3A_1759 : i32 to index
        %get3A_1763 = arith.constant 0 : index
        %get3A_1764 = tpu.vector_load %arg7[%get3A_1761, %get3A_1762, %get3A_1763] {strides = array<i32>} : memref<2x200x128xf32, #tpu.memory_space<vmem>>, vector<1x1x16xf32>,
        %get3A_1765 = vector.shape_cast %get3A_1764 : vector<1x1x16xf32> to vector<16xf32>
        %lt3A_1766 = arith.constant 0.000000e+00 : f32
        %lt3A_1767 = vector.broadcast %lt3A_1766 : f32 to vector<16xf32>
        %lt3A_1768 = arith.cmpf olt, %get3A_1765, %lt3A_1767 : vector<16xf32>
        %select_n3A_1769 = arith.select %lt3A_1768, %broadcast_in_dim3A_1757, %broadcast_in_dim3A_1754 : vector<16xi1>, vector<16xf32>
        %swap3A_1770 = arith.index_cast %add3A_1759 : i32 to index
        %swap3A_1771 = arith.constant 0 : index
        %swap3A_1772 = tpu.vector_load %arg8[%swap3A_1770, %swap3A_1771] {strides = array<i32>} : memref<200x64xf32, #tpu.memory_space<vmem>>, vector<1x16xf32>,
        %swap3A_1773 = vector.shape_cast %swap3A_1772 : vector<1x16xf32> to vector<16xf32>
        %swap3A_1774 = vector.shape_cast %select_n3A_1769 : vector<16xf32> to vector<1x16xf32>
        tpu.vector_store %arg8[%swap3A_1770, %swap3A_1771], %swap3A_1774 {strides = array<i32>} : memref<200x64xf32, #tpu.memory_space<vmem>>, vector<1x16xf32>,
        %get3A_1775 = arith.constant 1 : i32
        %get3A_1776 = arith.index_cast %get3A_1775 : i32 to index
        %get3A_1777 = arith.index_cast %add3A_1759 : i32 to index
        %get3A_1778 = arith.constant 16 : index
        %get3A_1779 = tpu.vector_load %arg7[%get3A_1776, %get3A_1777, %get3A_1778] {strides = array<i32>} : memref<2x200x128xf32, #tpu.memory_space<vmem>>, vector<1x1x16xf32>,
        %get3A_1780 = vector.shape_cast %get3A_1779 : vector<1x1x16xf32> to vector<16xf32>
        %lt3A_1781 = arith.constant 0.000000e+00 : f32
        %lt3A_1782 = vector.broadcast %lt3A_1781 : f32 to vector<16xf32>
        %lt3A_1783 = arith.cmpf olt, %get3A_1780, %lt3A_1782 : vector<16xf32>
        %select_n3A_1784 = arith.select %lt3A_1783, %broadcast_in_dim3A_1757, %broadcast_in_dim3A_1754 : vector<16xi1>, vector<16xf32>
        %swap3A_1785 = arith.index_cast %add3A_1759 : i32 to index
        %swap3A_1786 = arith.constant 16 : index
        %swap3A_1787 = tpu.vector_load %arg8[%swap3A_1785, %swap3A_1786] {strides = array<i32>} : memref<200x64xf32, #tpu.memory_space<vmem>>, vector<1x16xf32>,
        %swap3A_1788 = vector.shape_cast %swap3A_1787 : vector<1x16xf32> to vector<16xf32>
        %swap3A_1789 = vector.shape_cast %select_n3A_1784 : vector<16xf32> to vector<1x16xf32>
        tpu.vector_store %arg8[%swap3A_1785, %swap3A_1786], %swap3A_1789 {strides = array<i32>} : memref<200x64xf32, #tpu.memory_space<vmem>>, vector<1x16xf32>,
        %get3A_1790 = arith.constant 1 : i32
        %get3A_1791 = arith.index_cast %get3A_1790 : i32 to index
        %get3A_1792 = arith.index_cast %add3A_1759 : i32 to index
        %get3A_1793 = arith.constant 32 : index
        %get3A_1794 = tpu.vector_load %arg7[%get3A_1791, %get3A_1792, %get3A_1793] {strides = array<i32>} : memref<2x200x128xf32, #tpu.memory_space<vmem>>, vector<1x1x16xf32>,
        %get3A_1795 = vector.shape_cast %get3A_1794 : vector<1x1x16xf32> to vector<16xf32>
        %lt3A_1796 = arith.constant 0.000000e+00 : f32
        %lt3A_1797 = vector.broadcast %lt3A_1796 : f32 to vector<16xf32>
        %lt3A_1798 = arith.cmpf olt, %get3A_1795, %lt3A_1797 : vector<16xf32>
        %select_n3A_1799 = arith.select %lt3A_1798, %broadcast_in_dim3A_1757, %broadcast_in_dim3A_1754 : vector<16xi1>, vector<16xf32>
        %swap3A_1800 = arith.index_cast %add3A_1759 : i32 to index
        %swap3A_1801 = arith.constant 32 : index
        %swap3A_1802 = tpu.vector_load %arg8[%swap3A_1800, %swap3A_1801] {strides = array<i32>} : memref<200x64xf32, #tpu.memory_space<vmem>>, vector<1x16xf32>,
        %swap3A_1803 = vector.shape_cast %swap3A_1802 : vector<1x16xf32> to vector<16xf32>
        %swap3A_1804 = vector.shape_cast %select_n3A_1799 : vector<16xf32> to vector<1x16xf32>
        tpu.vector_store %arg8[%swap3A_1800, %swap3A_1801], %swap3A_1804 {strides = array<i32>} : memref<200x64xf32, #tpu.memory_space<vmem>>, vector<1x16xf32>,
        %get3A_1805 = arith.constant 1 : i32
        %get3A_1806 = arith.index_cast %get3A_1805 : i32 to index
        %get3A_1807 = arith.index_cast %add3A_1759 : i32 to index
        %get3A_1808 = arith.constant 48 : index
        %get3A_1809 = tpu.vector_load %arg7[%get3A_1806, %get3A_1807, %get3A_1808] {strides = array<i32>} : memref<2x200x128xf32, #tpu.memory_space<vmem>>, vector<1x1x16xf32>,
        %get3A_1810 = vector.shape_cast %get3A_1809 : vector<1x1x16xf32> to vector<16xf32>
        %lt3A_1811 = arith.constant 0.000000e+00 : f32
        %lt3A_1812 = vector.broadcast %lt3A_1811 : f32 to vector<16xf32>
        %lt3A_1813 = arith.cmpf olt, %get3A_1810, %lt3A_1812 : vector<16xf32>
        %select_n3A_1814 = arith.select %lt3A_1813, %broadcast_in_dim3A_1757, %broadcast_in_dim3A_1754 : vector<16xi1>, vector<16xf32>
        %swap3A_1815 = arith.index_cast %add3A_1759 : i32 to index
        %swap3A_1816 = arith.constant 48 : index
        %swap3A_1817 = tpu.vector_load %arg8[%swap3A_1815, %swap3A_1816] {strides = array<i32>} : memref<200x64xf32, #tpu.memory_space<vmem>>, vector<1x16xf32>,
        %swap3A_1818 = vector.shape_cast %swap3A_1817 : vector<1x16xf32> to vector<16xf32>
        %swap3A_1819 = vector.shape_cast %select_n3A_1814 : vector<16xf32> to vector<1x16xf32>
        tpu.vector_store %arg8[%swap3A_1815, %swap3A_1816], %swap3A_1819 {strides = array<i32>} : memref<200x64xf32, #tpu.memory_space<vmem>>, vector<1x16xf32>,
        %slice3A_1820 = vector.extract_strided_slice %max3A_1542 {offsets = [4], sizes = [1], strides = [1]} : vector<16xf32> to vector<1xf32>
        %squeeze3A_1821 = vector.extract %slice3A_1820[0] : f32 from vector<1xf32>
        %broadcast_in_dim3A_1822 = vector.broadcast %squeeze3A_1821 : f32 to vector<16xf32>
        %slice3A_1823 = vector.extract_strided_slice %neg3A_1547 {offsets = [4], sizes = [1], strides = [1]} : vector<16xf32> to vector<1xf32>
        %squeeze3A_1824 = vector.extract %slice3A_1823[0] : f32 from vector<1xf32>
        %broadcast_in_dim3A_1825 = vector.broadcast %squeeze3A_1824 : f32 to vector<16xf32>
        %add3A_1826 = arith.constant 4 : i32
        %add3A_1827 = arith.addi %mul3A_1544, %add3A_1826 : i32
        %get3A_1828 = arith.constant 1 : i32
        %get3A_1829 = arith.index_cast %get3A_1828 : i32 to index
        %get3A_1830 = arith.index_cast %add3A_1827 : i32 to index
        %get3A_1831 = arith.constant 0 : index
        %get3A_1832 = tpu.vector_load %arg7[%get3A_1829, %get3A_1830, %get3A_1831] {strides = array<i32>} : memref<2x200x128xf32, #tpu.memory_space<vmem>>, vector<1x1x16xf32>,
        %get3A_1833 = vector.shape_cast %get3A_1832 : vector<1x1x16xf32> to vector<16xf32>
        %lt3A_1834 = arith.constant 0.000000e+00 : f32
        %lt3A_1835 = vector.broadcast %lt3A_1834 : f32 to vector<16xf32>
        %lt3A_1836 = arith.cmpf olt, %get3A_1833, %lt3A_1835 : vector<16xf32>
        %select_n3A_1837 = arith.select %lt3A_1836, %broadcast_in_dim3A_1825, %broadcast_in_dim3A_1822 : vector<16xi1>, vector<16xf32>
        %swap3A_1838 = arith.index_cast %add3A_1827 : i32 to index
        %swap3A_1839 = arith.constant 0 : index
        %swap3A_1840 = tpu.vector_load %arg8[%swap3A_1838, %swap3A_1839] {strides = array<i32>} : memref<200x64xf32, #tpu.memory_space<vmem>>, vector<1x16xf32>,
        %swap3A_1841 = vector.shape_cast %swap3A_1840 : vector<1x16xf32> to vector<16xf32>
        %swap3A_1842 = vector.shape_cast %select_n3A_1837 : vector<16xf32> to vector<1x16xf32>
        tpu.vector_store %arg8[%swap3A_1838, %swap3A_1839], %swap3A_1842 {strides = array<i32>} : memref<200x64xf32, #tpu.memory_space<vmem>>, vector<1x16xf32>,
        %get3A_1843 = arith.constant 1 : i32
        %get3A_1844 = arith.index_cast %get3A_1843 : i32 to index
        %get3A_1845 = arith.index_cast %add3A_1827 : i32 to index
        %get3A_1846 = arith.constant 16 : index
        %get3A_1847 = tpu.vector_load %arg7[%get3A_1844, %get3A_1845, %get3A_1846] {strides = array<i32>} : memref<2x200x128xf32, #tpu.memory_space<vmem>>, vector<1x1x16xf32>,
        %get3A_1848 = vector.shape_cast %get3A_1847 : vector<1x1x16xf32> to vector<16xf32>
        %lt3A_1849 = arith.constant 0.000000e+00 : f32
        %lt3A_1850 = vector.broadcast %lt3A_1849 : f32 to vector<16xf32>
        %lt3A_1851 = arith.cmpf olt, %get3A_1848, %lt3A_1850 : vector<16xf32>
        %select_n3A_1852 = arith.select %lt3A_1851, %broadcast_in_dim3A_1825, %broadcast_in_dim3A_1822 : vector<16xi1>, vector<16xf32>
        %swap3A_1853 = arith.index_cast %add3A_1827 : i32 to index
        %swap3A_1854 = arith.constant 16 : index
        %swap3A_1855 = tpu.vector_load %arg8[%swap3A_1853, %swap3A_1854] {strides = array<i32>} : memref<200x64xf32, #tpu.memory_space<vmem>>, vector<1x16xf32>,
        %swap3A_1856 = vector.shape_cast %swap3A_1855 : vector<1x16xf32> to vector<16xf32>
        %swap3A_1857 = vector.shape_cast %select_n3A_1852 : vector<16xf32> to vector<1x16xf32>
        tpu.vector_store %arg8[%swap3A_1853, %swap3A_1854], %swap3A_1857 {strides = array<i32>} : memref<200x64xf32, #tpu.memory_space<vmem>>, vector<1x16xf32>,
        %get3A_1858 = arith.constant 1 : i32
        %get3A_1859 = arith.index_cast %get3A_1858 : i32 to index
        %get3A_1860 = arith.index_cast %add3A_1827 : i32 to index
        %get3A_1861 = arith.constant 32 : index
        %get3A_1862 = tpu.vector_load %arg7[%get3A_1859, %get3A_1860, %get3A_1861] {strides = array<i32>} : memref<2x200x128xf32, #tpu.memory_space<vmem>>, vector<1x1x16xf32>,
        %get3A_1863 = vector.shape_cast %get3A_1862 : vector<1x1x16xf32> to vector<16xf32>
        %lt3A_1864 = arith.constant 0.000000e+00 : f32
        %lt3A_1865 = vector.broadcast %lt3A_1864 : f32 to vector<16xf32>
        %lt3A_1866 = arith.cmpf olt, %get3A_1863, %lt3A_1865 : vector<16xf32>
        %select_n3A_1867 = arith.select %lt3A_1866, %broadcast_in_dim3A_1825, %broadcast_in_dim3A_1822 : vector<16xi1>, vector<16xf32>
        %swap3A_1868 = arith.index_cast %add3A_1827 : i32 to index
        %swap3A_1869 = arith.constant 32 : index
        %swap3A_1870 = tpu.vector_load %arg8[%swap3A_1868, %swap3A_1869] {strides = array<i32>} : memref<200x64xf32, #tpu.memory_space<vmem>>, vector<1x16xf32>,
        %swap3A_1871 = vector.shape_cast %swap3A_1870 : vector<1x16xf32> to vector<16xf32>
        %swap3A_1872 = vector.shape_cast %select_n3A_1867 : vector<16xf32> to vector<1x16xf32>
        tpu.vector_store %arg8[%swap3A_1868, %swap3A_1869], %swap3A_1872 {strides = array<i32>} : memref<200x64xf32, #tpu.memory_space<vmem>>, vector<1x16xf32>,
        %get3A_1873 = arith.constant 1 : i32
        %get3A_1874 = arith.index_cast %get3A_1873 : i32 to index
        %get3A_1875 = arith.index_cast %add3A_1827 : i32 to index
        %get3A_1876 = arith.constant 48 : index
        %get3A_1877 = tpu.vector_load %arg7[%get3A_1874, %get3A_1875, %get3A_1876] {strides = array<i32>} : memref<2x200x128xf32, #tpu.memory_space<vmem>>, vector<1x1x16xf32>,
        %get3A_1878 = vector.shape_cast %get3A_1877 : vector<1x1x16xf32> to vector<16xf32>
        %lt3A_1879 = arith.constant 0.000000e+00 : f32
        %lt3A_1880 = vector.broadcast %lt3A_1879 : f32 to vector<16xf32>
        %lt3A_1881 = arith.cmpf olt, %get3A_1878, %lt3A_1880 : vector<16xf32>
        %select_n3A_1882 = arith.select %lt3A_1881, %broadcast_in_dim3A_1825, %broadcast_in_dim3A_1822 : vector<16xi1>, vector<16xf32>
        %swap3A_1883 = arith.index_cast %add3A_1827 : i32 to index
        %swap3A_1884 = arith.constant 48 : index
        %swap3A_1885 = tpu.vector_load %arg8[%swap3A_1883, %swap3A_1884] {strides = array<i32>} : memref<200x64xf32, #tpu.memory_space<vmem>>, vector<1x16xf32>,
        %swap3A_1886 = vector.shape_cast %swap3A_1885 : vector<1x16xf32> to vector<16xf32>
        %swap3A_1887 = vector.shape_cast %select_n3A_1882 : vector<16xf32> to vector<1x16xf32>
        tpu.vector_store %arg8[%swap3A_1883, %swap3A_1884], %swap3A_1887 {strides = array<i32>} : memref<200x64xf32, #tpu.memory_space<vmem>>, vector<1x16xf32>,
        %slice3A_1888 = vector.extract_strided_slice %max3A_1542 {offsets = [5], sizes = [1], strides = [1]} : vector<16xf32> to vector<1xf32>
        %squeeze3A_1889 = vector.extract %slice3A_1888[0] : f32 from vector<1xf32>
        %broadcast_in_dim3A_1890 = vector.broadcast %squeeze3A_1889 : f32 to vector<16xf32>
        %slice3A_1891 = vector.extract_strided_slice %neg3A_1547 {offsets = [5], sizes = [1], strides = [1]} : vector<16xf32> to vector<1xf32>
        %squeeze3A_1892 = vector.extract %slice3A_1891[0] : f32 from vector<1xf32>
        %broadcast_in_dim3A_1893 = vector.broadcast %squeeze3A_1892 : f32 to vector<16xf32>
        %add3A_1894 = arith.constant 5 : i32
        %add3A_1895 = arith.addi %mul3A_1544, %add3A_1894 : i32
        %get3A_1896 = arith.constant 1 : i32
        %get3A_1897 = arith.index_cast %get3A_1896 : i32 to index
        %get3A_1898 = arith.index_cast %add3A_1895 : i32 to index
        %get3A_1899 = arith.constant 0 : index
        %get3A_1900 = tpu.vector_load %arg7[%get3A_1897, %get3A_1898, %get3A_1899] {strides = array<i32>} : memref<2x200x128xf32, #tpu.memory_space<vmem>>, vector<1x1x16xf32>,
        %get3A_1901 = vector.shape_cast %get3A_1900 : vector<1x1x16xf32> to vector<16xf32>
        %lt3A_1902 = arith.constant 0.000000e+00 : f32
        %lt3A_1903 = vector.broadcast %lt3A_1902 : f32 to vector<16xf32>
        %lt3A_1904 = arith.cmpf olt, %get3A_1901, %lt3A_1903 : vector<16xf32>
        %select_n3A_1905 = arith.select %lt3A_1904, %broadcast_in_dim3A_1893, %broadcast_in_dim3A_1890 : vector<16xi1>, vector<16xf32>
        %swap3A_1906 = arith.index_cast %add3A_1895 : i32 to index
        %swap3A_1907 = arith.constant 0 : index
        %swap3A_1908 = tpu.vector_load %arg8[%swap3A_1906, %swap3A_1907] {strides = array<i32>} : memref<200x64xf32, #tpu.memory_space<vmem>>, vector<1x16xf32>,
        %swap3A_1909 = vector.shape_cast %swap3A_1908 : vector<1x16xf32> to vector<16xf32>
        %swap3A_1910 = vector.shape_cast %select_n3A_1905 : vector<16xf32> to vector<1x16xf32>
        tpu.vector_store %arg8[%swap3A_1906, %swap3A_1907], %swap3A_1910 {strides = array<i32>} : memref<200x64xf32, #tpu.memory_space<vmem>>, vector<1x16xf32>,
        %get3A_1911 = arith.constant 1 : i32
        %get3A_1912 = arith.index_cast %get3A_1911 : i32 to index
        %get3A_1913 = arith.index_cast %add3A_1895 : i32 to index
        %get3A_1914 = arith.constant 16 : index
        %get3A_1915 = tpu.vector_load %arg7[%get3A_1912, %get3A_1913, %get3A_1914] {strides = array<i32>} : memref<2x200x128xf32, #tpu.memory_space<vmem>>, vector<1x1x16xf32>,
        %get3A_1916 = vector.shape_cast %get3A_1915 : vector<1x1x16xf32> to vector<16xf32>
        %lt3A_1917 = arith.constant 0.000000e+00 : f32
        %lt3A_1918 = vector.broadcast %lt3A_1917 : f32 to vector<16xf32>
        %lt3A_1919 = arith.cmpf olt, %get3A_1916, %lt3A_1918 : vector<16xf32>
        %select_n3A_1920 = arith.select %lt3A_1919, %broadcast_in_dim3A_1893, %broadcast_in_dim3A_1890 : vector<16xi1>, vector<16xf32>
        %swap3A_1921 = arith.index_cast %add3A_1895 : i32 to index
        %swap3A_1922 = arith.constant 16 : index
        %swap3A_1923 = tpu.vector_load %arg8[%swap3A_1921, %swap3A_1922] {strides = array<i32>} : memref<200x64xf32, #tpu.memory_space<vmem>>, vector<1x16xf32>,
        %swap3A_1924 = vector.shape_cast %swap3A_1923 : vector<1x16xf32> to vector<16xf32>
        %swap3A_1925 = vector.shape_cast %select_n3A_1920 : vector<16xf32> to vector<1x16xf32>
        tpu.vector_store %arg8[%swap3A_1921, %swap3A_1922], %swap3A_1925 {strides = array<i32>} : memref<200x64xf32, #tpu.memory_space<vmem>>, vector<1x16xf32>,
        %get3A_1926 = arith.constant 1 : i32
        %get3A_1927 = arith.index_cast %get3A_1926 : i32 to index
        %get3A_1928 = arith.index_cast %add3A_1895 : i32 to index
        %get3A_1929 = arith.constant 32 : index
        %get3A_1930 = tpu.vector_load %arg7[%get3A_1927, %get3A_1928, %get3A_1929] {strides = array<i32>} : memref<2x200x128xf32, #tpu.memory_space<vmem>>, vector<1x1x16xf32>,
        %get3A_1931 = vector.shape_cast %get3A_1930 : vector<1x1x16xf32> to vector<16xf32>
        %lt3A_1932 = arith.constant 0.000000e+00 : f32
        %lt3A_1933 = vector.broadcast %lt3A_1932 : f32 to vector<16xf32>
        %lt3A_1934 = arith.cmpf olt, %get3A_1931, %lt3A_1933 : vector<16xf32>
        %select_n3A_1935 = arith.select %lt3A_1934, %broadcast_in_dim3A_1893, %broadcast_in_dim3A_1890 : vector<16xi1>, vector<16xf32>
        %swap3A_1936 = arith.index_cast %add3A_1895 : i32 to index
        %swap3A_1937 = arith.constant 32 : index
        %swap3A_1938 = tpu.vector_load %arg8[%swap3A_1936, %swap3A_1937] {strides = array<i32>} : memref<200x64xf32, #tpu.memory_space<vmem>>, vector<1x16xf32>,
        %swap3A_1939 = vector.shape_cast %swap3A_1938 : vector<1x16xf32> to vector<16xf32>
        %swap3A_1940 = vector.shape_cast %select_n3A_1935 : vector<16xf32> to vector<1x16xf32>
        tpu.vector_store %arg8[%swap3A_1936, %swap3A_1937], %swap3A_1940 {strides = array<i32>} : memref<200x64xf32, #tpu.memory_space<vmem>>, vector<1x16xf32>,
        %get3A_1941 = arith.constant 1 : i32
        %get3A_1942 = arith.index_cast %get3A_1941 : i32 to index
        %get3A_1943 = arith.index_cast %add3A_1895 : i32 to index
        %get3A_1944 = arith.constant 48 : index
        %get3A_1945 = tpu.vector_load %arg7[%get3A_1942, %get3A_1943, %get3A_1944] {strides = array<i32>} : memref<2x200x128xf32, #tpu.memory_space<vmem>>, vector<1x1x16xf32>,
        %get3A_1946 = vector.shape_cast %get3A_1945 : vector<1x1x16xf32> to vector<16xf32>
        %lt3A_1947 = arith.constant 0.000000e+00 : f32
        %lt3A_1948 = vector.broadcast %lt3A_1947 : f32 to vector<16xf32>
        %lt3A_1949 = arith.cmpf olt, %get3A_1946, %lt3A_1948 : vector<16xf32>
        %select_n3A_1950 = arith.select %lt3A_1949, %broadcast_in_dim3A_1893, %broadcast_in_dim3A_1890 : vector<16xi1>, vector<16xf32>
        %swap3A_1951 = arith.index_cast %add3A_1895 : i32 to index
        %swap3A_1952 = arith.constant 48 : index
        %swap3A_1953 = tpu.vector_load %arg8[%swap3A_1951, %swap3A_1952] {strides = array<i32>} : memref<200x64xf32, #tpu.memory_space<vmem>>, vector<1x16xf32>,
        %swap3A_1954 = vector.shape_cast %swap3A_1953 : vector<1x16xf32> to vector<16xf32>
        %swap3A_1955 = vector.shape_cast %select_n3A_1950 : vector<16xf32> to vector<1x16xf32>
        tpu.vector_store %arg8[%swap3A_1951, %swap3A_1952], %swap3A_1955 {strides = array<i32>} : memref<200x64xf32, #tpu.memory_space<vmem>>, vector<1x16xf32>,
        %slice3A_1956 = vector.extract_strided_slice %max3A_1542 {offsets = [6], sizes = [1], strides = [1]} : vector<16xf32> to vector<1xf32>
        %squeeze3A_1957 = vector.extract %slice3A_1956[0] : f32 from vector<1xf32>
        %broadcast_in_dim3A_1958 = vector.broadcast %squeeze3A_1957 : f32 to vector<16xf32>
        %slice3A_1959 = vector.extract_strided_slice %neg3A_1547 {offsets = [6], sizes = [1], strides = [1]} : vector<16xf32> to vector<1xf32>
        %squeeze3A_1960 = vector.extract %slice3A_1959[0] : f32 from vector<1xf32>
        %broadcast_in_dim3A_1961 = vector.broadcast %squeeze3A_1960 : f32 to vector<16xf32>
        %add3A_1962 = arith.constant 6 : i32
        %add3A_1963 = arith.addi %mul3A_1544, %add3A_1962 : i32
        %get3A_1964 = arith.constant 1 : i32
        %get3A_1965 = arith.index_cast %get3A_1964 : i32 to index
        %get3A_1966 = arith.index_cast %add3A_1963 : i32 to index
        %get3A_1967 = arith.constant 0 : index
        %get3A_1968 = tpu.vector_load %arg7[%get3A_1965, %get3A_1966, %get3A_1967] {strides = array<i32>} : memref<2x200x128xf32, #tpu.memory_space<vmem>>, vector<1x1x16xf32>,
        %get3A_1969 = vector.shape_cast %get3A_1968 : vector<1x1x16xf32> to vector<16xf32>
        %lt3A_1970 = arith.constant 0.000000e+00 : f32
        %lt3A_1971 = vector.broadcast %lt3A_1970 : f32 to vector<16xf32>
        %lt3A_1972 = arith.cmpf olt, %get3A_1969, %lt3A_1971 : vector<16xf32>
        %select_n3A_1973 = arith.select %lt3A_1972, %broadcast_in_dim3A_1961, %broadcast_in_dim3A_1958 : vector<16xi1>, vector<16xf32>
        %swap3A_1974 = arith.index_cast %add3A_1963 : i32 to index
        %swap3A_1975 = arith.constant 0 : index
        %swap3A_1976 = tpu.vector_load %arg8[%swap3A_1974, %swap3A_1975] {strides = array<i32>} : memref<200x64xf32, #tpu.memory_space<vmem>>, vector<1x16xf32>,
        %swap3A_1977 = vector.shape_cast %swap3A_1976 : vector<1x16xf32> to vector<16xf32>
        %swap3A_1978 = vector.shape_cast %select_n3A_1973 : vector<16xf32> to vector<1x16xf32>
        tpu.vector_store %arg8[%swap3A_1974, %swap3A_1975], %swap3A_1978 {strides = array<i32>} : memref<200x64xf32, #tpu.memory_space<vmem>>, vector<1x16xf32>,
        %get3A_1979 = arith.constant 1 : i32
        %get3A_1980 = arith.index_cast %get3A_1979 : i32 to index
        %get3A_1981 = arith.index_cast %add3A_1963 : i32 to index
        %get3A_1982 = arith.constant 16 : index
        %get3A_1983 = tpu.vector_load %arg7[%get3A_1980, %get3A_1981, %get3A_1982] {strides = array<i32>} : memref<2x200x128xf32, #tpu.memory_space<vmem>>, vector<1x1x16xf32>,
        %get3A_1984 = vector.shape_cast %get3A_1983 : vector<1x1x16xf32> to vector<16xf32>
        %lt3A_1985 = arith.constant 0.000000e+00 : f32
        %lt3A_1986 = vector.broadcast %lt3A_1985 : f32 to vector<16xf32>
        %lt3A_1987 = arith.cmpf olt, %get3A_1984, %lt3A_1986 : vector<16xf32>
        %select_n3A_1988 = arith.select %lt3A_1987, %broadcast_in_dim3A_1961, %broadcast_in_dim3A_1958 : vector<16xi1>, vector<16xf32>
        %swap3A_1989 = arith.index_cast %add3A_1963 : i32 to index
        %swap3A_1990 = arith.constant 16 : index
        %swap3A_1991 = tpu.vector_load %arg8[%swap3A_1989, %swap3A_1990] {strides = array<i32>} : memref<200x64xf32, #tpu.memory_space<vmem>>, vector<1x16xf32>,
        %swap3A_1992 = vector.shape_cast %swap3A_1991 : vector<1x16xf32> to vector<16xf32>
        %swap3A_1993 = vector.shape_cast %select_n3A_1988 : vector<16xf32> to vector<1x16xf32>
        tpu.vector_store %arg8[%swap3A_1989, %swap3A_1990], %swap3A_1993 {strides = array<i32>} : memref<200x64xf32, #tpu.memory_space<vmem>>, vector<1x16xf32>,
        %get3A_1994 = arith.constant 1 : i32
        %get3A_1995 = arith.index_cast %get3A_1994 : i32 to index
        %get3A_1996 = arith.index_cast %add3A_1963 : i32 to index
        %get3A_1997 = arith.constant 32 : index
        %get3A_1998 = tpu.vector_load %arg7[%get3A_1995, %get3A_1996, %get3A_1997] {strides = array<i32>} : memref<2x200x128xf32, #tpu.memory_space<vmem>>, vector<1x1x16xf32>,
        %get3A_1999 = vector.shape_cast %get3A_1998 : vector<1x1x16xf32> to vector<16xf32>
        %lt3A_2000 = arith.constant 0.000000e+00 : f32
        %lt3A_2001 = vector.broadcast %lt3A_2000 : f32 to vector<16xf32>
        %lt3A_2002 = arith.cmpf olt, %get3A_1999, %lt3A_2001 : vector<16xf32>
        %select_n3A_2003 = arith.select %lt3A_2002, %broadcast_in_dim3A_1961, %broadcast_in_dim3A_1958 : vector<16xi1>, vector<16xf32>
        %swap3A_2004 = arith.index_cast %add3A_1963 : i32 to index
        %swap3A_2005 = arith.constant 32 : index
        %swap3A_2006 = tpu.vector_load %arg8[%swap3A_2004, %swap3A_2005] {strides = array<i32>} : memref<200x64xf32, #tpu.memory_space<vmem>>, vector<1x16xf32>,
        %swap3A_2007 = vector.shape_cast %swap3A_2006 : vector<1x16xf32> to vector<16xf32>
        %swap3A_2008 = vector.shape_cast %select_n3A_2003 : vector<16xf32> to vector<1x16xf32>
        tpu.vector_store %arg8[%swap3A_2004, %swap3A_2005], %swap3A_2008 {strides = array<i32>} : memref<200x64xf32, #tpu.memory_space<vmem>>, vector<1x16xf32>,
        %get3A_2009 = arith.constant 1 : i32
        %get3A_2010 = arith.index_cast %get3A_2009 : i32 to index
        %get3A_2011 = arith.index_cast %add3A_1963 : i32 to index
        %get3A_2012 = arith.constant 48 : index
        %get3A_2013 = tpu.vector_load %arg7[%get3A_2010, %get3A_2011, %get3A_2012] {strides = array<i32>} : memref<2x200x128xf32, #tpu.memory_space<vmem>>, vector<1x1x16xf32>,
        %get3A_2014 = vector.shape_cast %get3A_2013 : vector<1x1x16xf32> to vector<16xf32>
        %lt3A_2015 = arith.constant 0.000000e+00 : f32
        %lt3A_2016 = vector.broadcast %lt3A_2015 : f32 to vector<16xf32>
        %lt3A_2017 = arith.cmpf olt, %get3A_2014, %lt3A_2016 : vector<16xf32>
        %select_n3A_2018 = arith.select %lt3A_2017, %broadcast_in_dim3A_1961, %broadcast_in_dim3A_1958 : vector<16xi1>, vector<16xf32>
        %swap3A_2019 = arith.index_cast %add3A_1963 : i32 to index
        %swap3A_2020 = arith.constant 48 : index
        %swap3A_2021 = tpu.vector_load %arg8[%swap3A_2019, %swap3A_2020] {strides = array<i32>} : memref<200x64xf32, #tpu.memory_space<vmem>>, vector<1x16xf32>,
        %swap3A_2022 = vector.shape_cast %swap3A_2021 : vector<1x16xf32> to vector<16xf32>
        %swap3A_2023 = vector.shape_cast %select_n3A_2018 : vector<16xf32> to vector<1x16xf32>
        tpu.vector_store %arg8[%swap3A_2019, %swap3A_2020], %swap3A_2023 {strides = array<i32>} : memref<200x64xf32, #tpu.memory_space<vmem>>, vector<1x16xf32>,
        %slice3A_2024 = vector.extract_strided_slice %max3A_1542 {offsets = [7], sizes = [1], strides = [1]} : vector<16xf32> to vector<1xf32>
        %squeeze3A_2025 = vector.extract %slice3A_2024[0] : f32 from vector<1xf32>
        %broadcast_in_dim3A_2026 = vector.broadcast %squeeze3A_2025 : f32 to vector<16xf32>
        %slice3A_2027 = vector.extract_strided_slice %neg3A_1547 {offsets = [7], sizes = [1], strides = [1]} : vector<16xf32> to vector<1xf32>
        %squeeze3A_2028 = vector.extract %slice3A_2027[0] : f32 from vector<1xf32>
        %broadcast_in_dim3A_2029 = vector.broadcast %squeeze3A_2028 : f32 to vector<16xf32>
        %add3A_2030 = arith.constant 7 : i32
        %add3A_2031 = arith.addi %mul3A_1544, %add3A_2030 : i32
        %get3A_2032 = arith.constant 1 : i32
        %get3A_2033 = arith.index_cast %get3A_2032 : i32 to index
        %get3A_2034 = arith.index_cast %add3A_2031 : i32 to index
        %get3A_2035 = arith.constant 0 : index
        %get3A_2036 = tpu.vector_load %arg7[%get3A_2033, %get3A_2034, %get3A_2035] {strides = array<i32>} : memref<2x200x128xf32, #tpu.memory_space<vmem>>, vector<1x1x16xf32>,
        %get3A_2037 = vector.shape_cast %get3A_2036 : vector<1x1x16xf32> to vector<16xf32>
        %lt3A_2038 = arith.constant 0.000000e+00 : f32
        %lt3A_2039 = vector.broadcast %lt3A_2038 : f32 to vector<16xf32>
        %lt3A_2040 = arith.cmpf olt, %get3A_2037, %lt3A_2039 : vector<16xf32>
        %select_n3A_2041 = arith.select %lt3A_2040, %broadcast_in_dim3A_2029, %broadcast_in_dim3A_2026 : vector<16xi1>, vector<16xf32>
        %swap3A_2042 = arith.index_cast %add3A_2031 : i32 to index
        %swap3A_2043 = arith.constant 0 : index
        %swap3A_2044 = tpu.vector_load %arg8[%swap3A_2042, %swap3A_2043] {strides = array<i32>} : memref<200x64xf32, #tpu.memory_space<vmem>>, vector<1x16xf32>,
        %swap3A_2045 = vector.shape_cast %swap3A_2044 : vector<1x16xf32> to vector<16xf32>
        %swap3A_2046 = vector.shape_cast %select_n3A_2041 : vector<16xf32> to vector<1x16xf32>
        tpu.vector_store %arg8[%swap3A_2042, %swap3A_2043], %swap3A_2046 {strides = array<i32>} : memref<200x64xf32, #tpu.memory_space<vmem>>, vector<1x16xf32>,
        %get3A_2047 = arith.constant 1 : i32
        %get3A_2048 = arith.index_cast %get3A_2047 : i32 to index
        %get3A_2049 = arith.index_cast %add3A_2031 : i32 to index
        %get3A_2050 = arith.constant 16 : index
        %get3A_2051 = tpu.vector_load %arg7[%get3A_2048, %get3A_2049, %get3A_2050] {strides = array<i32>} : memref<2x200x128xf32, #tpu.memory_space<vmem>>, vector<1x1x16xf32>,
        %get3A_2052 = vector.shape_cast %get3A_2051 : vector<1x1x16xf32> to vector<16xf32>
        %lt3A_2053 = arith.constant 0.000000e+00 : f32
        %lt3A_2054 = vector.broadcast %lt3A_2053 : f32 to vector<16xf32>
        %lt3A_2055 = arith.cmpf olt, %get3A_2052, %lt3A_2054 : vector<16xf32>
        %select_n3A_2056 = arith.select %lt3A_2055, %broadcast_in_dim3A_2029, %broadcast_in_dim3A_2026 : vector<16xi1>, vector<16xf32>
        %swap3A_2057 = arith.index_cast %add3A_2031 : i32 to index
        %swap3A_2058 = arith.constant 16 : index
        %swap3A_2059 = tpu.vector_load %arg8[%swap3A_2057, %swap3A_2058] {strides = array<i32>} : memref<200x64xf32, #tpu.memory_space<vmem>>, vector<1x16xf32>,
        %swap3A_2060 = vector.shape_cast %swap3A_2059 : vector<1x16xf32> to vector<16xf32>
        %swap3A_2061 = vector.shape_cast %select_n3A_2056 : vector<16xf32> to vector<1x16xf32>
        tpu.vector_store %arg8[%swap3A_2057, %swap3A_2058], %swap3A_2061 {strides = array<i32>} : memref<200x64xf32, #tpu.memory_space<vmem>>, vector<1x16xf32>,
        %get3A_2062 = arith.constant 1 : i32
        %get3A_2063 = arith.index_cast %get3A_2062 : i32 to index
        %get3A_2064 = arith.index_cast %add3A_2031 : i32 to index
        %get3A_2065 = arith.constant 32 : index
        %get3A_2066 = tpu.vector_load %arg7[%get3A_2063, %get3A_2064, %get3A_2065] {strides = array<i32>} : memref<2x200x128xf32, #tpu.memory_space<vmem>>, vector<1x1x16xf32>,
        %get3A_2067 = vector.shape_cast %get3A_2066 : vector<1x1x16xf32> to vector<16xf32>
        %lt3A_2068 = arith.constant 0.000000e+00 : f32
        %lt3A_2069 = vector.broadcast %lt3A_2068 : f32 to vector<16xf32>
        %lt3A_2070 = arith.cmpf olt, %get3A_2067, %lt3A_2069 : vector<16xf32>
        %select_n3A_2071 = arith.select %lt3A_2070, %broadcast_in_dim3A_2029, %broadcast_in_dim3A_2026 : vector<16xi1>, vector<16xf32>
        %swap3A_2072 = arith.index_cast %add3A_2031 : i32 to index
        %swap3A_2073 = arith.constant 32 : index
        %swap3A_2074 = tpu.vector_load %arg8[%swap3A_2072, %swap3A_2073] {strides = array<i32>} : memref<200x64xf32, #tpu.memory_space<vmem>>, vector<1x16xf32>,
        %swap3A_2075 = vector.shape_cast %swap3A_2074 : vector<1x16xf32> to vector<16xf32>
        %swap3A_2076 = vector.shape_cast %select_n3A_2071 : vector<16xf32> to vector<1x16xf32>
        tpu.vector_store %arg8[%swap3A_2072, %swap3A_2073], %swap3A_2076 {strides = array<i32>} : memref<200x64xf32, #tpu.memory_space<vmem>>, vector<1x16xf32>,
        %get3A_2077 = arith.constant 1 : i32
        %get3A_2078 = arith.index_cast %get3A_2077 : i32 to index
        %get3A_2079 = arith.index_cast %add3A_2031 : i32 to index
        %get3A_2080 = arith.constant 48 : index
        %get3A_2081 = tpu.vector_load %arg7[%get3A_2078, %get3A_2079, %get3A_2080] {strides = array<i32>} : memref<2x200x128xf32, #tpu.memory_space<vmem>>, vector<1x1x16xf32>,
        %get3A_2082 = vector.shape_cast %get3A_2081 : vector<1x1x16xf32> to vector<16xf32>
        %lt3A_2083 = arith.constant 0.000000e+00 : f32
        %lt3A_2084 = vector.broadcast %lt3A_2083 : f32 to vector<16xf32>
        %lt3A_2085 = arith.cmpf olt, %get3A_2082, %lt3A_2084 : vector<16xf32>
        %select_n3A_2086 = arith.select %lt3A_2085, %broadcast_in_dim3A_2029, %broadcast_in_dim3A_2026 : vector<16xi1>, vector<16xf32>
        %swap3A_2087 = arith.index_cast %add3A_2031 : i32 to index
        %swap3A_2088 = arith.constant 48 : index
        %swap3A_2089 = tpu.vector_load %arg8[%swap3A_2087, %swap3A_2088] {strides = array<i32>} : memref<200x64xf32, #tpu.memory_space<vmem>>, vector<1x16xf32>,
        %swap3A_2090 = vector.shape_cast %swap3A_2089 : vector<1x16xf32> to vector<16xf32>
        %swap3A_2091 = vector.shape_cast %select_n3A_2086 : vector<16xf32> to vector<1x16xf32>
        tpu.vector_store %arg8[%swap3A_2087, %swap3A_2088], %swap3A_2091 {strides = array<i32>} : memref<200x64xf32, #tpu.memory_space<vmem>>, vector<1x16xf32>,
        %slice3A_2092 = vector.extract_strided_slice %max3A_1542 {offsets = [8], sizes = [1], strides = [1]} : vector<16xf32> to vector<1xf32>
        %squeeze3A_2093 = vector.extract %slice3A_2092[0] : f32 from vector<1xf32>
        %broadcast_in_dim3A_2094 = vector.broadcast %squeeze3A_2093 : f32 to vector<16xf32>
        %slice3A_2095 = vector.extract_strided_slice %neg3A_1547 {offsets = [8], sizes = [1], strides = [1]} : vector<16xf32> to vector<1xf32>
        %squeeze3A_2096 = vector.extract %slice3A_2095[0] : f32 from vector<1xf32>
        %broadcast_in_dim3A_2097 = vector.broadcast %squeeze3A_2096 : f32 to vector<16xf32>
        %add3A_2098 = arith.constant 8 : i32
        %add3A_2099 = arith.addi %mul3A_1544, %add3A_2098 : i32
        %get3A_2100 = arith.constant 1 : i32
        %get3A_2101 = arith.index_cast %get3A_2100 : i32 to index
        %get3A_2102 = arith.index_cast %add3A_2099 : i32 to index
        %get3A_2103 = arith.constant 0 : index
        %get3A_2104 = tpu.vector_load %arg7[%get3A_2101, %get3A_2102, %get3A_2103] {strides = array<i32>} : memref<2x200x128xf32, #tpu.memory_space<vmem>>, vector<1x1x16xf32>,
        %get3A_2105 = vector.shape_cast %get3A_2104 : vector<1x1x16xf32> to vector<16xf32>
        %lt3A_2106 = arith.constant 0.000000e+00 : f32
        %lt3A_2107 = vector.broadcast %lt3A_2106 : f32 to vector<16xf32>
        %lt3A_2108 = arith.cmpf olt, %get3A_2105, %lt3A_2107 : vector<16xf32>
        %select_n3A_2109 = arith.select %lt3A_2108, %broadcast_in_dim3A_2097, %broadcast_in_dim3A_2094 : vector<16xi1>, vector<16xf32>
        %swap3A_2110 = arith.index_cast %add3A_2099 : i32 to index
        %swap3A_2111 = arith.constant 0 : index
        %swap3A_2112 = tpu.vector_load %arg8[%swap3A_2110, %swap3A_2111] {strides = array<i32>} : memref<200x64xf32, #tpu.memory_space<vmem>>, vector<1x16xf32>,
        %swap3A_2113 = vector.shape_cast %swap3A_2112 : vector<1x16xf32> to vector<16xf32>
        %swap3A_2114 = vector.shape_cast %select_n3A_2109 : vector<16xf32> to vector<1x16xf32>
        tpu.vector_store %arg8[%swap3A_2110, %swap3A_2111], %swap3A_2114 {strides = array<i32>} : memref<200x64xf32, #tpu.memory_space<vmem>>, vector<1x16xf32>,
        %get3A_2115 = arith.constant 1 : i32
        %get3A_2116 = arith.index_cast %get3A_2115 : i32 to index
        %get3A_2117 = arith.index_cast %add3A_2099 : i32 to index
        %get3A_2118 = arith.constant 16 : index
        %get3A_2119 = tpu.vector_load %arg7[%get3A_2116, %get3A_2117, %get3A_2118] {strides = array<i32>} : memref<2x200x128xf32, #tpu.memory_space<vmem>>, vector<1x1x16xf32>,
        %get3A_2120 = vector.shape_cast %get3A_2119 : vector<1x1x16xf32> to vector<16xf32>
        %lt3A_2121 = arith.constant 0.000000e+00 : f32
        %lt3A_2122 = vector.broadcast %lt3A_2121 : f32 to vector<16xf32>
        %lt3A_2123 = arith.cmpf olt, %get3A_2120, %lt3A_2122 : vector<16xf32>
        %select_n3A_2124 = arith.select %lt3A_2123, %broadcast_in_dim3A_2097, %broadcast_in_dim3A_2094 : vector<16xi1>, vector<16xf32>
        %swap3A_2125 = arith.index_cast %add3A_2099 : i32 to index
        %swap3A_2126 = arith.constant 16 : index
        %swap3A_2127 = tpu.vector_load %arg8[%swap3A_2125, %swap3A_2126] {strides = array<i32>} : memref<200x64xf32, #tpu.memory_space<vmem>>, vector<1x16xf32>,
        %swap3A_2128 = vector.shape_cast %swap3A_2127 : vector<1x16xf32> to vector<16xf32>
        %swap3A_2129 = vector.shape_cast %select_n3A_2124 : vector<16xf32> to vector<1x16xf32>
        tpu.vector_store %arg8[%swap3A_2125, %swap3A_2126], %swap3A_2129 {strides = array<i32>} : memref<200x64xf32, #tpu.memory_space<vmem>>, vector<1x16xf32>,
        %get3A_2130 = arith.constant 1 : i32
        %get3A_2131 = arith.index_cast %get3A_2130 : i32 to index
        %get3A_2132 = arith.index_cast %add3A_2099 : i32 to index
        %get3A_2133 = arith.constant 32 : index
        %get3A_2134 = tpu.vector_load %arg7[%get3A_2131, %get3A_2132, %get3A_2133] {strides = array<i32>} : memref<2x200x128xf32, #tpu.memory_space<vmem>>, vector<1x1x16xf32>,
        %get3A_2135 = vector.shape_cast %get3A_2134 : vector<1x1x16xf32> to vector<16xf32>
        %lt3A_2136 = arith.constant 0.000000e+00 : f32
        %lt3A_2137 = vector.broadcast %lt3A_2136 : f32 to vector<16xf32>
        %lt3A_2138 = arith.cmpf olt, %get3A_2135, %lt3A_2137 : vector<16xf32>
        %select_n3A_2139 = arith.select %lt3A_2138, %broadcast_in_dim3A_2097, %broadcast_in_dim3A_2094 : vector<16xi1>, vector<16xf32>
        %swap3A_2140 = arith.index_cast %add3A_2099 : i32 to index
        %swap3A_2141 = arith.constant 32 : index
        %swap3A_2142 = tpu.vector_load %arg8[%swap3A_2140, %swap3A_2141] {strides = array<i32>} : memref<200x64xf32, #tpu.memory_space<vmem>>, vector<1x16xf32>,
        %swap3A_2143 = vector.shape_cast %swap3A_2142 : vector<1x16xf32> to vector<16xf32>
        %swap3A_2144 = vector.shape_cast %select_n3A_2139 : vector<16xf32> to vector<1x16xf32>
        tpu.vector_store %arg8[%swap3A_2140, %swap3A_2141], %swap3A_2144 {strides = array<i32>} : memref<200x64xf32, #tpu.memory_space<vmem>>, vector<1x16xf32>,
        %get3A_2145 = arith.constant 1 : i32
        %get3A_2146 = arith.index_cast %get3A_2145 : i32 to index
        %get3A_2147 = arith.index_cast %add3A_2099 : i32 to index
        %get3A_2148 = arith.constant 48 : index
        %get3A_2149 = tpu.vector_load %arg7[%get3A_2146, %get3A_2147, %get3A_2148] {strides = array<i32>} : memref<2x200x128xf32, #tpu.memory_space<vmem>>, vector<1x1x16xf32>,
        %get3A_2150 = vector.shape_cast %get3A_2149 : vector<1x1x16xf32> to vector<16xf32>
        %lt3A_2151 = arith.constant 0.000000e+00 : f32
        %lt3A_2152 = vector.broadcast %lt3A_2151 : f32 to vector<16xf32>
        %lt3A_2153 = arith.cmpf olt, %get3A_2150, %lt3A_2152 : vector<16xf32>
        %select_n3A_2154 = arith.select %lt3A_2153, %broadcast_in_dim3A_2097, %broadcast_in_dim3A_2094 : vector<16xi1>, vector<16xf32>
        %swap3A_2155 = arith.index_cast %add3A_2099 : i32 to index
        %swap3A_2156 = arith.constant 48 : index
        %swap3A_2157 = tpu.vector_load %arg8[%swap3A_2155, %swap3A_2156] {strides = array<i32>} : memref<200x64xf32, #tpu.memory_space<vmem>>, vector<1x16xf32>,
        %swap3A_2158 = vector.shape_cast %swap3A_2157 : vector<1x16xf32> to vector<16xf32>
        %swap3A_2159 = vector.shape_cast %select_n3A_2154 : vector<16xf32> to vector<1x16xf32>
        tpu.vector_store %arg8[%swap3A_2155, %swap3A_2156], %swap3A_2159 {strides = array<i32>} : memref<200x64xf32, #tpu.memory_space<vmem>>, vector<1x16xf32>,
        %slice3A_2160 = vector.extract_strided_slice %max3A_1542 {offsets = [9], sizes = [1], strides = [1]} : vector<16xf32> to vector<1xf32>
        %squeeze3A_2161 = vector.extract %slice3A_2160[0] : f32 from vector<1xf32>
        %broadcast_in_dim3A_2162 = vector.broadcast %squeeze3A_2161 : f32 to vector<16xf32>
        %slice3A_2163 = vector.extract_strided_slice %neg3A_1547 {offsets = [9], sizes = [1], strides = [1]} : vector<16xf32> to vector<1xf32>
        %squeeze3A_2164 = vector.extract %slice3A_2163[0] : f32 from vector<1xf32>
        %broadcast_in_dim3A_2165 = vector.broadcast %squeeze3A_2164 : f32 to vector<16xf32>
        %add3A_2166 = arith.constant 9 : i32
        %add3A_2167 = arith.addi %mul3A_1544, %add3A_2166 : i32
        %get3A_2168 = arith.constant 1 : i32
        %get3A_2169 = arith.index_cast %get3A_2168 : i32 to index
        %get3A_2170 = arith.index_cast %add3A_2167 : i32 to index
        %get3A_2171 = arith.constant 0 : index
        %get3A_2172 = tpu.vector_load %arg7[%get3A_2169, %get3A_2170, %get3A_2171] {strides = array<i32>} : memref<2x200x128xf32, #tpu.memory_space<vmem>>, vector<1x1x16xf32>,
        %get3A_2173 = vector.shape_cast %get3A_2172 : vector<1x1x16xf32> to vector<16xf32>
        %lt3A_2174 = arith.constant 0.000000e+00 : f32
        %lt3A_2175 = vector.broadcast %lt3A_2174 : f32 to vector<16xf32>
        %lt3A_2176 = arith.cmpf olt, %get3A_2173, %lt3A_2175 : vector<16xf32>
        %select_n3A_2177 = arith.select %lt3A_2176, %broadcast_in_dim3A_2165, %broadcast_in_dim3A_2162 : vector<16xi1>, vector<16xf32>
        %swap3A_2178 = arith.index_cast %add3A_2167 : i32 to index
        %swap3A_2179 = arith.constant 0 : index
        %swap3A_2180 = tpu.vector_load %arg8[%swap3A_2178, %swap3A_2179] {strides = array<i32>} : memref<200x64xf32, #tpu.memory_space<vmem>>, vector<1x16xf32>,
        %swap3A_2181 = vector.shape_cast %swap3A_2180 : vector<1x16xf32> to vector<16xf32>
        %swap3A_2182 = vector.shape_cast %select_n3A_2177 : vector<16xf32> to vector<1x16xf32>
        tpu.vector_store %arg8[%swap3A_2178, %swap3A_2179], %swap3A_2182 {strides = array<i32>} : memref<200x64xf32, #tpu.memory_space<vmem>>, vector<1x16xf32>,
        %get3A_2183 = arith.constant 1 : i32
        %get3A_2184 = arith.index_cast %get3A_2183 : i32 to index
        %get3A_2185 = arith.index_cast %add3A_2167 : i32 to index
        %get3A_2186 = arith.constant 16 : index
        %get3A_2187 = tpu.vector_load %arg7[%get3A_2184, %get3A_2185, %get3A_2186] {strides = array<i32>} : memref<2x200x128xf32, #tpu.memory_space<vmem>>, vector<1x1x16xf32>,
        %get3A_2188 = vector.shape_cast %get3A_2187 : vector<1x1x16xf32> to vector<16xf32>
        %lt3A_2189 = arith.constant 0.000000e+00 : f32
        %lt3A_2190 = vector.broadcast %lt3A_2189 : f32 to vector<16xf32>
        %lt3A_2191 = arith.cmpf olt, %get3A_2188, %lt3A_2190 : vector<16xf32>
        %select_n3A_2192 = arith.select %lt3A_2191, %broadcast_in_dim3A_2165, %broadcast_in_dim3A_2162 : vector<16xi1>, vector<16xf32>
        %swap3A_2193 = arith.index_cast %add3A_2167 : i32 to index
        %swap3A_2194 = arith.constant 16 : index
        %swap3A_2195 = tpu.vector_load %arg8[%swap3A_2193, %swap3A_2194] {strides = array<i32>} : memref<200x64xf32, #tpu.memory_space<vmem>>, vector<1x16xf32>,
        %swap3A_2196 = vector.shape_cast %swap3A_2195 : vector<1x16xf32> to vector<16xf32>
        %swap3A_2197 = vector.shape_cast %select_n3A_2192 : vector<16xf32> to vector<1x16xf32>
        tpu.vector_store %arg8[%swap3A_2193, %swap3A_2194], %swap3A_2197 {strides = array<i32>} : memref<200x64xf32, #tpu.memory_space<vmem>>, vector<1x16xf32>,
        %get3A_2198 = arith.constant 1 : i32
        %get3A_2199 = arith.index_cast %get3A_2198 : i32 to index
        %get3A_2200 = arith.index_cast %add3A_2167 : i32 to index
        %get3A_2201 = arith.constant 32 : index
        %get3A_2202 = tpu.vector_load %arg7[%get3A_2199, %get3A_2200, %get3A_2201] {strides = array<i32>} : memref<2x200x128xf32, #tpu.memory_space<vmem>>, vector<1x1x16xf32>,
        %get3A_2203 = vector.shape_cast %get3A_2202 : vector<1x1x16xf32> to vector<16xf32>
        %lt3A_2204 = arith.constant 0.000000e+00 : f32
        %lt3A_2205 = vector.broadcast %lt3A_2204 : f32 to vector<16xf32>
        %lt3A_2206 = arith.cmpf olt, %get3A_2203, %lt3A_2205 : vector<16xf32>
        %select_n3A_2207 = arith.select %lt3A_2206, %broadcast_in_dim3A_2165, %broadcast_in_dim3A_2162 : vector<16xi1>, vector<16xf32>
        %swap3A_2208 = arith.index_cast %add3A_2167 : i32 to index
        %swap3A_2209 = arith.constant 32 : index
        %swap3A_2210 = tpu.vector_load %arg8[%swap3A_2208, %swap3A_2209] {strides = array<i32>} : memref<200x64xf32, #tpu.memory_space<vmem>>, vector<1x16xf32>,
        %swap3A_2211 = vector.shape_cast %swap3A_2210 : vector<1x16xf32> to vector<16xf32>
        %swap3A_2212 = vector.shape_cast %select_n3A_2207 : vector<16xf32> to vector<1x16xf32>
        tpu.vector_store %arg8[%swap3A_2208, %swap3A_2209], %swap3A_2212 {strides = array<i32>} : memref<200x64xf32, #tpu.memory_space<vmem>>, vector<1x16xf32>,
        %get3A_2213 = arith.constant 1 : i32
        %get3A_2214 = arith.index_cast %get3A_2213 : i32 to index
        %get3A_2215 = arith.index_cast %add3A_2167 : i32 to index
        %get3A_2216 = arith.constant 48 : index
        %get3A_2217 = tpu.vector_load %arg7[%get3A_2214, %get3A_2215, %get3A_2216] {strides = array<i32>} : memref<2x200x128xf32, #tpu.memory_space<vmem>>, vector<1x1x16xf32>,
        %get3A_2218 = vector.shape_cast %get3A_2217 : vector<1x1x16xf32> to vector<16xf32>
        %lt3A_2219 = arith.constant 0.000000e+00 : f32
        %lt3A_2220 = vector.broadcast %lt3A_2219 : f32 to vector<16xf32>
        %lt3A_2221 = arith.cmpf olt, %get3A_2218, %lt3A_2220 : vector<16xf32>
        %select_n3A_2222 = arith.select %lt3A_2221, %broadcast_in_dim3A_2165, %broadcast_in_dim3A_2162 : vector<16xi1>, vector<16xf32>
        %swap3A_2223 = arith.index_cast %add3A_2167 : i32 to index
        %swap3A_2224 = arith.constant 48 : index
        %swap3A_2225 = tpu.vector_load %arg8[%swap3A_2223, %swap3A_2224] {strides = array<i32>} : memref<200x64xf32, #tpu.memory_space<vmem>>, vector<1x16xf32>,
        %swap3A_2226 = vector.shape_cast %swap3A_2225 : vector<1x16xf32> to vector<16xf32>
        %swap3A_2227 = vector.shape_cast %select_n3A_2222 : vector<16xf32> to vector<1x16xf32>
        tpu.vector_store %arg8[%swap3A_2223, %swap3A_2224], %swap3A_2227 {strides = array<i32>} : memref<200x64xf32, #tpu.memory_space<vmem>>, vector<1x16xf32>,
        %slice3A_2228 = vector.extract_strided_slice %max3A_1542 {offsets = [10], sizes = [1], strides = [1]} : vector<16xf32> to vector<1xf32>
        %squeeze3A_2229 = vector.extract %slice3A_2228[0] : f32 from vector<1xf32>
        %broadcast_in_dim3A_2230 = vector.broadcast %squeeze3A_2229 : f32 to vector<16xf32>
        %slice3A_2231 = vector.extract_strided_slice %neg3A_1547 {offsets = [10], sizes = [1], strides = [1]} : vector<16xf32> to vector<1xf32>
        %squeeze3A_2232 = vector.extract %slice3A_2231[0] : f32 from vector<1xf32>
        %broadcast_in_dim3A_2233 = vector.broadcast %squeeze3A_2232 : f32 to vector<16xf32>
        %add3A_2234 = arith.constant 10 : i32
        %add3A_2235 = arith.addi %mul3A_1544, %add3A_2234 : i32
        %get3A_2236 = arith.constant 1 : i32
        %get3A_2237 = arith.index_cast %get3A_2236 : i32 to index
        %get3A_2238 = arith.index_cast %add3A_2235 : i32 to index
        %get3A_2239 = arith.constant 0 : index
        %get3A_2240 = tpu.vector_load %arg7[%get3A_2237, %get3A_2238, %get3A_2239] {strides = array<i32>} : memref<2x200x128xf32, #tpu.memory_space<vmem>>, vector<1x1x16xf32>,
        %get3A_2241 = vector.shape_cast %get3A_2240 : vector<1x1x16xf32> to vector<16xf32>
        %lt3A_2242 = arith.constant 0.000000e+00 : f32
        %lt3A_2243 = vector.broadcast %lt3A_2242 : f32 to vector<16xf32>
        %lt3A_2244 = arith.cmpf olt, %get3A_2241, %lt3A_2243 : vector<16xf32>
        %select_n3A_2245 = arith.select %lt3A_2244, %broadcast_in_dim3A_2233, %broadcast_in_dim3A_2230 : vector<16xi1>, vector<16xf32>
        %swap3A_2246 = arith.index_cast %add3A_2235 : i32 to index
        %swap3A_2247 = arith.constant 0 : index
        %swap3A_2248 = tpu.vector_load %arg8[%swap3A_2246, %swap3A_2247] {strides = array<i32>} : memref<200x64xf32, #tpu.memory_space<vmem>>, vector<1x16xf32>,
        %swap3A_2249 = vector.shape_cast %swap3A_2248 : vector<1x16xf32> to vector<16xf32>
        %swap3A_2250 = vector.shape_cast %select_n3A_2245 : vector<16xf32> to vector<1x16xf32>
        tpu.vector_store %arg8[%swap3A_2246, %swap3A_2247], %swap3A_2250 {strides = array<i32>} : memref<200x64xf32, #tpu.memory_space<vmem>>, vector<1x16xf32>,
        %get3A_2251 = arith.constant 1 : i32
        %get3A_2252 = arith.index_cast %get3A_2251 : i32 to index
        %get3A_2253 = arith.index_cast %add3A_2235 : i32 to index
        %get3A_2254 = arith.constant 16 : index
        %get3A_2255 = tpu.vector_load %arg7[%get3A_2252, %get3A_2253, %get3A_2254] {strides = array<i32>} : memref<2x200x128xf32, #tpu.memory_space<vmem>>, vector<1x1x16xf32>,
        %get3A_2256 = vector.shape_cast %get3A_2255 : vector<1x1x16xf32> to vector<16xf32>
        %lt3A_2257 = arith.constant 0.000000e+00 : f32
        %lt3A_2258 = vector.broadcast %lt3A_2257 : f32 to vector<16xf32>
        %lt3A_2259 = arith.cmpf olt, %get3A_2256, %lt3A_2258 : vector<16xf32>
        %select_n3A_2260 = arith.select %lt3A_2259, %broadcast_in_dim3A_2233, %broadcast_in_dim3A_2230 : vector<16xi1>, vector<16xf32>
        %swap3A_2261 = arith.index_cast %add3A_2235 : i32 to index
        %swap3A_2262 = arith.constant 16 : index
        %swap3A_2263 = tpu.vector_load %arg8[%swap3A_2261, %swap3A_2262] {strides = array<i32>} : memref<200x64xf32, #tpu.memory_space<vmem>>, vector<1x16xf32>,
        %swap3A_2264 = vector.shape_cast %swap3A_2263 : vector<1x16xf32> to vector<16xf32>
        %swap3A_2265 = vector.shape_cast %select_n3A_2260 : vector<16xf32> to vector<1x16xf32>
        tpu.vector_store %arg8[%swap3A_2261, %swap3A_2262], %swap3A_2265 {strides = array<i32>} : memref<200x64xf32, #tpu.memory_space<vmem>>, vector<1x16xf32>,
        %get3A_2266 = arith.constant 1 : i32
        %get3A_2267 = arith.index_cast %get3A_2266 : i32 to index
        %get3A_2268 = arith.index_cast %add3A_2235 : i32 to index
        %get3A_2269 = arith.constant 32 : index
        %get3A_2270 = tpu.vector_load %arg7[%get3A_2267, %get3A_2268, %get3A_2269] {strides = array<i32>} : memref<2x200x128xf32, #tpu.memory_space<vmem>>, vector<1x1x16xf32>,
        %get3A_2271 = vector.shape_cast %get3A_2270 : vector<1x1x16xf32> to vector<16xf32>
        %lt3A_2272 = arith.constant 0.000000e+00 : f32
        %lt3A_2273 = vector.broadcast %lt3A_2272 : f32 to vector<16xf32>
        %lt3A_2274 = arith.cmpf olt, %get3A_2271, %lt3A_2273 : vector<16xf32>
        %select_n3A_2275 = arith.select %lt3A_2274, %broadcast_in_dim3A_2233, %broadcast_in_dim3A_2230 : vector<16xi1>, vector<16xf32>
        %swap3A_2276 = arith.index_cast %add3A_2235 : i32 to index
        %swap3A_2277 = arith.constant 32 : index
        %swap3A_2278 = tpu.vector_load %arg8[%swap3A_2276, %swap3A_2277] {strides = array<i32>} : memref<200x64xf32, #tpu.memory_space<vmem>>, vector<1x16xf32>,
        %swap3A_2279 = vector.shape_cast %swap3A_2278 : vector<1x16xf32> to vector<16xf32>
        %swap3A_2280 = vector.shape_cast %select_n3A_2275 : vector<16xf32> to vector<1x16xf32>
        tpu.vector_store %arg8[%swap3A_2276, %swap3A_2277], %swap3A_2280 {strides = array<i32>} : memref<200x64xf32, #tpu.memory_space<vmem>>, vector<1x16xf32>,
        %get3A_2281 = arith.constant 1 : i32
        %get3A_2282 = arith.index_cast %get3A_2281 : i32 to index
        %get3A_2283 = arith.index_cast %add3A_2235 : i32 to index
        %get3A_2284 = arith.constant 48 : index
        %get3A_2285 = tpu.vector_load %arg7[%get3A_2282, %get3A_2283, %get3A_2284] {strides = array<i32>} : memref<2x200x128xf32, #tpu.memory_space<vmem>>, vector<1x1x16xf32>,
        %get3A_2286 = vector.shape_cast %get3A_2285 : vector<1x1x16xf32> to vector<16xf32>
        %lt3A_2287 = arith.constant 0.000000e+00 : f32
        %lt3A_2288 = vector.broadcast %lt3A_2287 : f32 to vector<16xf32>
        %lt3A_2289 = arith.cmpf olt, %get3A_2286, %lt3A_2288 : vector<16xf32>
        %select_n3A_2290 = arith.select %lt3A_2289, %broadcast_in_dim3A_2233, %broadcast_in_dim3A_2230 : vector<16xi1>, vector<16xf32>
        %swap3A_2291 = arith.index_cast %add3A_2235 : i32 to index
        %swap3A_2292 = arith.constant 48 : index
        %swap3A_2293 = tpu.vector_load %arg8[%swap3A_2291, %swap3A_2292] {strides = array<i32>} : memref<200x64xf32, #tpu.memory_space<vmem>>, vector<1x16xf32>,
        %swap3A_2294 = vector.shape_cast %swap3A_2293 : vector<1x16xf32> to vector<16xf32>
        %swap3A_2295 = vector.shape_cast %select_n3A_2290 : vector<16xf32> to vector<1x16xf32>
        tpu.vector_store %arg8[%swap3A_2291, %swap3A_2292], %swap3A_2295 {strides = array<i32>} : memref<200x64xf32, #tpu.memory_space<vmem>>, vector<1x16xf32>,
        %slice3A_2296 = vector.extract_strided_slice %max3A_1542 {offsets = [11], sizes = [1], strides = [1]} : vector<16xf32> to vector<1xf32>
        %squeeze3A_2297 = vector.extract %slice3A_2296[0] : f32 from vector<1xf32>
        %broadcast_in_dim3A_2298 = vector.broadcast %squeeze3A_2297 : f32 to vector<16xf32>
        %slice3A_2299 = vector.extract_strided_slice %neg3A_1547 {offsets = [11], sizes = [1], strides = [1]} : vector<16xf32> to vector<1xf32>
        %squeeze3A_2300 = vector.extract %slice3A_2299[0] : f32 from vector<1xf32>
        %broadcast_in_dim3A_2301 = vector.broadcast %squeeze3A_2300 : f32 to vector<16xf32>
        %add3A_2302 = arith.constant 11 : i32
        %add3A_2303 = arith.addi %mul3A_1544, %add3A_2302 : i32
        %get3A_2304 = arith.constant 1 : i32
        %get3A_2305 = arith.index_cast %get3A_2304 : i32 to index
        %get3A_2306 = arith.index_cast %add3A_2303 : i32 to index
        %get3A_2307 = arith.constant 0 : index
        %get3A_2308 = tpu.vector_load %arg7[%get3A_2305, %get3A_2306, %get3A_2307] {strides = array<i32>} : memref<2x200x128xf32, #tpu.memory_space<vmem>>, vector<1x1x16xf32>,
        %get3A_2309 = vector.shape_cast %get3A_2308 : vector<1x1x16xf32> to vector<16xf32>
        %lt3A_2310 = arith.constant 0.000000e+00 : f32
        %lt3A_2311 = vector.broadcast %lt3A_2310 : f32 to vector<16xf32>
        %lt3A_2312 = arith.cmpf olt, %get3A_2309, %lt3A_2311 : vector<16xf32>
        %select_n3A_2313 = arith.select %lt3A_2312, %broadcast_in_dim3A_2301, %broadcast_in_dim3A_2298 : vector<16xi1>, vector<16xf32>
        %swap3A_2314 = arith.index_cast %add3A_2303 : i32 to index
        %swap3A_2315 = arith.constant 0 : index
        %swap3A_2316 = tpu.vector_load %arg8[%swap3A_2314, %swap3A_2315] {strides = array<i32>} : memref<200x64xf32, #tpu.memory_space<vmem>>, vector<1x16xf32>,
        %swap3A_2317 = vector.shape_cast %swap3A_2316 : vector<1x16xf32> to vector<16xf32>
        %swap3A_2318 = vector.shape_cast %select_n3A_2313 : vector<16xf32> to vector<1x16xf32>
        tpu.vector_store %arg8[%swap3A_2314, %swap3A_2315], %swap3A_2318 {strides = array<i32>} : memref<200x64xf32, #tpu.memory_space<vmem>>, vector<1x16xf32>,
        %get3A_2319 = arith.constant 1 : i32
        %get3A_2320 = arith.index_cast %get3A_2319 : i32 to index
        %get3A_2321 = arith.index_cast %add3A_2303 : i32 to index
        %get3A_2322 = arith.constant 16 : index
        %get3A_2323 = tpu.vector_load %arg7[%get3A_2320, %get3A_2321, %get3A_2322] {strides = array<i32>} : memref<2x200x128xf32, #tpu.memory_space<vmem>>, vector<1x1x16xf32>,
        %get3A_2324 = vector.shape_cast %get3A_2323 : vector<1x1x16xf32> to vector<16xf32>
        %lt3A_2325 = arith.constant 0.000000e+00 : f32
        %lt3A_2326 = vector.broadcast %lt3A_2325 : f32 to vector<16xf32>
        %lt3A_2327 = arith.cmpf olt, %get3A_2324, %lt3A_2326 : vector<16xf32>
        %select_n3A_2328 = arith.select %lt3A_2327, %broadcast_in_dim3A_2301, %broadcast_in_dim3A_2298 : vector<16xi1>, vector<16xf32>
        %swap3A_2329 = arith.index_cast %add3A_2303 : i32 to index
        %swap3A_2330 = arith.constant 16 : index
        %swap3A_2331 = tpu.vector_load %arg8[%swap3A_2329, %swap3A_2330] {strides = array<i32>} : memref<200x64xf32, #tpu.memory_space<vmem>>, vector<1x16xf32>,
        %swap3A_2332 = vector.shape_cast %swap3A_2331 : vector<1x16xf32> to vector<16xf32>
        %swap3A_2333 = vector.shape_cast %select_n3A_2328 : vector<16xf32> to vector<1x16xf32>
        tpu.vector_store %arg8[%swap3A_2329, %swap3A_2330], %swap3A_2333 {strides = array<i32>} : memref<200x64xf32, #tpu.memory_space<vmem>>, vector<1x16xf32>,
        %get3A_2334 = arith.constant 1 : i32
        %get3A_2335 = arith.index_cast %get3A_2334 : i32 to index
        %get3A_2336 = arith.index_cast %add3A_2303 : i32 to index
        %get3A_2337 = arith.constant 32 : index
        %get3A_2338 = tpu.vector_load %arg7[%get3A_2335, %get3A_2336, %get3A_2337] {strides = array<i32>} : memref<2x200x128xf32, #tpu.memory_space<vmem>>, vector<1x1x16xf32>,
        %get3A_2339 = vector.shape_cast %get3A_2338 : vector<1x1x16xf32> to vector<16xf32>
        %lt3A_2340 = arith.constant 0.000000e+00 : f32
        %lt3A_2341 = vector.broadcast %lt3A_2340 : f32 to vector<16xf32>
        %lt3A_2342 = arith.cmpf olt, %get3A_2339, %lt3A_2341 : vector<16xf32>
        %select_n3A_2343 = arith.select %lt3A_2342, %broadcast_in_dim3A_2301, %broadcast_in_dim3A_2298 : vector<16xi1>, vector<16xf32>
        %swap3A_2344 = arith.index_cast %add3A_2303 : i32 to index
        %swap3A_2345 = arith.constant 32 : index
        %swap3A_2346 = tpu.vector_load %arg8[%swap3A_2344, %swap3A_2345] {strides = array<i32>} : memref<200x64xf32, #tpu.memory_space<vmem>>, vector<1x16xf32>,
        %swap3A_2347 = vector.shape_cast %swap3A_2346 : vector<1x16xf32> to vector<16xf32>
        %swap3A_2348 = vector.shape_cast %select_n3A_2343 : vector<16xf32> to vector<1x16xf32>
        tpu.vector_store %arg8[%swap3A_2344, %swap3A_2345], %swap3A_2348 {strides = array<i32>} : memref<200x64xf32, #tpu.memory_space<vmem>>, vector<1x16xf32>,
        %get3A_2349 = arith.constant 1 : i32
        %get3A_2350 = arith.index_cast %get3A_2349 : i32 to index
        %get3A_2351 = arith.index_cast %add3A_2303 : i32 to index
        %get3A_2352 = arith.constant 48 : index
        %get3A_2353 = tpu.vector_load %arg7[%get3A_2350, %get3A_2351, %get3A_2352] {strides = array<i32>} : memref<2x200x128xf32, #tpu.memory_space<vmem>>, vector<1x1x16xf32>,
        %get3A_2354 = vector.shape_cast %get3A_2353 : vector<1x1x16xf32> to vector<16xf32>
        %lt3A_2355 = arith.constant 0.000000e+00 : f32
        %lt3A_2356 = vector.broadcast %lt3A_2355 : f32 to vector<16xf32>
        %lt3A_2357 = arith.cmpf olt, %get3A_2354, %lt3A_2356 : vector<16xf32>
        %select_n3A_2358 = arith.select %lt3A_2357, %broadcast_in_dim3A_2301, %broadcast_in_dim3A_2298 : vector<16xi1>, vector<16xf32>
        %swap3A_2359 = arith.index_cast %add3A_2303 : i32 to index
        %swap3A_2360 = arith.constant 48 : index
        %swap3A_2361 = tpu.vector_load %arg8[%swap3A_2359, %swap3A_2360] {strides = array<i32>} : memref<200x64xf32, #tpu.memory_space<vmem>>, vector<1x16xf32>,
        %swap3A_2362 = vector.shape_cast %swap3A_2361 : vector<1x16xf32> to vector<16xf32>
        %swap3A_2363 = vector.shape_cast %select_n3A_2358 : vector<16xf32> to vector<1x16xf32>
        tpu.vector_store %arg8[%swap3A_2359, %swap3A_2360], %swap3A_2363 {strides = array<i32>} : memref<200x64xf32, #tpu.memory_space<vmem>>, vector<1x16xf32>,
        %slice3A_2364 = vector.extract_strided_slice %max3A_1542 {offsets = [12], sizes = [1], strides = [1]} : vector<16xf32> to vector<1xf32>
        %squeeze3A_2365 = vector.extract %slice3A_2364[0] : f32 from vector<1xf32>
        %broadcast_in_dim3A_2366 = vector.broadcast %squeeze3A_2365 : f32 to vector<16xf32>
        %slice3A_2367 = vector.extract_strided_slice %neg3A_1547 {offsets = [12], sizes = [1], strides = [1]} : vector<16xf32> to vector<1xf32>
        %squeeze3A_2368 = vector.extract %slice3A_2367[0] : f32 from vector<1xf32>
        %broadcast_in_dim3A_2369 = vector.broadcast %squeeze3A_2368 : f32 to vector<16xf32>
        %add3A_2370 = arith.constant 12 : i32
        %add3A_2371 = arith.addi %mul3A_1544, %add3A_2370 : i32
        %get3A_2372 = arith.constant 1 : i32
        %get3A_2373 = arith.index_cast %get3A_2372 : i32 to index
        %get3A_2374 = arith.index_cast %add3A_2371 : i32 to index
        %get3A_2375 = arith.constant 0 : index
        %get3A_2376 = tpu.vector_load %arg7[%get3A_2373, %get3A_2374, %get3A_2375] {strides = array<i32>} : memref<2x200x128xf32, #tpu.memory_space<vmem>>, vector<1x1x16xf32>,
        %get3A_2377 = vector.shape_cast %get3A_2376 : vector<1x1x16xf32> to vector<16xf32>
        %lt3A_2378 = arith.constant 0.000000e+00 : f32
        %lt3A_2379 = vector.broadcast %lt3A_2378 : f32 to vector<16xf32>
        %lt3A_2380 = arith.cmpf olt, %get3A_2377, %lt3A_2379 : vector<16xf32>
        %select_n3A_2381 = arith.select %lt3A_2380, %broadcast_in_dim3A_2369, %broadcast_in_dim3A_2366 : vector<16xi1>, vector<16xf32>
        %swap3A_2382 = arith.index_cast %add3A_2371 : i32 to index
        %swap3A_2383 = arith.constant 0 : index
        %swap3A_2384 = tpu.vector_load %arg8[%swap3A_2382, %swap3A_2383] {strides = array<i32>} : memref<200x64xf32, #tpu.memory_space<vmem>>, vector<1x16xf32>,
        %swap3A_2385 = vector.shape_cast %swap3A_2384 : vector<1x16xf32> to vector<16xf32>
        %swap3A_2386 = vector.shape_cast %select_n3A_2381 : vector<16xf32> to vector<1x16xf32>
        tpu.vector_store %arg8[%swap3A_2382, %swap3A_2383], %swap3A_2386 {strides = array<i32>} : memref<200x64xf32, #tpu.memory_space<vmem>>, vector<1x16xf32>,
        %get3A_2387 = arith.constant 1 : i32
        %get3A_2388 = arith.index_cast %get3A_2387 : i32 to index
        %get3A_2389 = arith.index_cast %add3A_2371 : i32 to index
        %get3A_2390 = arith.constant 16 : index
        %get3A_2391 = tpu.vector_load %arg7[%get3A_2388, %get3A_2389, %get3A_2390] {strides = array<i32>} : memref<2x200x128xf32, #tpu.memory_space<vmem>>, vector<1x1x16xf32>,
        %get3A_2392 = vector.shape_cast %get3A_2391 : vector<1x1x16xf32> to vector<16xf32>
        %lt3A_2393 = arith.constant 0.000000e+00 : f32
        %lt3A_2394 = vector.broadcast %lt3A_2393 : f32 to vector<16xf32>
        %lt3A_2395 = arith.cmpf olt, %get3A_2392, %lt3A_2394 : vector<16xf32>
        %select_n3A_2396 = arith.select %lt3A_2395, %broadcast_in_dim3A_2369, %broadcast_in_dim3A_2366 : vector<16xi1>, vector<16xf32>
        %swap3A_2397 = arith.index_cast %add3A_2371 : i32 to index
        %swap3A_2398 = arith.constant 16 : index
        %swap3A_2399 = tpu.vector_load %arg8[%swap3A_2397, %swap3A_2398] {strides = array<i32>} : memref<200x64xf32, #tpu.memory_space<vmem>>, vector<1x16xf32>,
        %swap3A_2400 = vector.shape_cast %swap3A_2399 : vector<1x16xf32> to vector<16xf32>
        %swap3A_2401 = vector.shape_cast %select_n3A_2396 : vector<16xf32> to vector<1x16xf32>
        tpu.vector_store %arg8[%swap3A_2397, %swap3A_2398], %swap3A_2401 {strides = array<i32>} : memref<200x64xf32, #tpu.memory_space<vmem>>, vector<1x16xf32>,
        %get3A_2402 = arith.constant 1 : i32
        %get3A_2403 = arith.index_cast %get3A_2402 : i32 to index
        %get3A_2404 = arith.index_cast %add3A_2371 : i32 to index
        %get3A_2405 = arith.constant 32 : index
        %get3A_2406 = tpu.vector_load %arg7[%get3A_2403, %get3A_2404, %get3A_2405] {strides = array<i32>} : memref<2x200x128xf32, #tpu.memory_space<vmem>>, vector<1x1x16xf32>,
        %get3A_2407 = vector.shape_cast %get3A_2406 : vector<1x1x16xf32> to vector<16xf32>
        %lt3A_2408 = arith.constant 0.000000e+00 : f32
        %lt3A_2409 = vector.broadcast %lt3A_2408 : f32 to vector<16xf32>
        %lt3A_2410 = arith.cmpf olt, %get3A_2407, %lt3A_2409 : vector<16xf32>
        %select_n3A_2411 = arith.select %lt3A_2410, %broadcast_in_dim3A_2369, %broadcast_in_dim3A_2366 : vector<16xi1>, vector<16xf32>
        %swap3A_2412 = arith.index_cast %add3A_2371 : i32 to index
        %swap3A_2413 = arith.constant 32 : index
        %swap3A_2414 = tpu.vector_load %arg8[%swap3A_2412, %swap3A_2413] {strides = array<i32>} : memref<200x64xf32, #tpu.memory_space<vmem>>, vector<1x16xf32>,
        %swap3A_2415 = vector.shape_cast %swap3A_2414 : vector<1x16xf32> to vector<16xf32>
        %swap3A_2416 = vector.shape_cast %select_n3A_2411 : vector<16xf32> to vector<1x16xf32>
        tpu.vector_store %arg8[%swap3A_2412, %swap3A_2413], %swap3A_2416 {strides = array<i32>} : memref<200x64xf32, #tpu.memory_space<vmem>>, vector<1x16xf32>,
        %get3A_2417 = arith.constant 1 : i32
        %get3A_2418 = arith.index_cast %get3A_2417 : i32 to index
        %get3A_2419 = arith.index_cast %add3A_2371 : i32 to index
        %get3A_2420 = arith.constant 48 : index
        %get3A_2421 = tpu.vector_load %arg7[%get3A_2418, %get3A_2419, %get3A_2420] {strides = array<i32>} : memref<2x200x128xf32, #tpu.memory_space<vmem>>, vector<1x1x16xf32>,
        %get3A_2422 = vector.shape_cast %get3A_2421 : vector<1x1x16xf32> to vector<16xf32>
        %lt3A_2423 = arith.constant 0.000000e+00 : f32
        %lt3A_2424 = vector.broadcast %lt3A_2423 : f32 to vector<16xf32>
        %lt3A_2425 = arith.cmpf olt, %get3A_2422, %lt3A_2424 : vector<16xf32>
        %select_n3A_2426 = arith.select %lt3A_2425, %broadcast_in_dim3A_2369, %broadcast_in_dim3A_2366 : vector<16xi1>, vector<16xf32>
        %swap3A_2427 = arith.index_cast %add3A_2371 : i32 to index
        %swap3A_2428 = arith.constant 48 : index
        %swap3A_2429 = tpu.vector_load %arg8[%swap3A_2427, %swap3A_2428] {strides = array<i32>} : memref<200x64xf32, #tpu.memory_space<vmem>>, vector<1x16xf32>,
        %swap3A_2430 = vector.shape_cast %swap3A_2429 : vector<1x16xf32> to vector<16xf32>
        %swap3A_2431 = vector.shape_cast %select_n3A_2426 : vector<16xf32> to vector<1x16xf32>
        tpu.vector_store %arg8[%swap3A_2427, %swap3A_2428], %swap3A_2431 {strides = array<i32>} : memref<200x64xf32, #tpu.memory_space<vmem>>, vector<1x16xf32>,
        %slice3A_2432 = vector.extract_strided_slice %max3A_1542 {offsets = [13], sizes = [1], strides = [1]} : vector<16xf32> to vector<1xf32>
        %squeeze3A_2433 = vector.extract %slice3A_2432[0] : f32 from vector<1xf32>
        %broadcast_in_dim3A_2434 = vector.broadcast %squeeze3A_2433 : f32 to vector<16xf32>
        %slice3A_2435 = vector.extract_strided_slice %neg3A_1547 {offsets = [13], sizes = [1], strides = [1]} : vector<16xf32> to vector<1xf32>
        %squeeze3A_2436 = vector.extract %slice3A_2435[0] : f32 from vector<1xf32>
        %broadcast_in_dim3A_2437 = vector.broadcast %squeeze3A_2436 : f32 to vector<16xf32>
        %add3A_2438 = arith.constant 13 : i32
        %add3A_2439 = arith.addi %mul3A_1544, %add3A_2438 : i32
        %get3A_2440 = arith.constant 1 : i32
        %get3A_2441 = arith.index_cast %get3A_2440 : i32 to index
        %get3A_2442 = arith.index_cast %add3A_2439 : i32 to index
        %get3A_2443 = arith.constant 0 : index
        %get3A_2444 = tpu.vector_load %arg7[%get3A_2441, %get3A_2442, %get3A_2443] {strides = array<i32>} : memref<2x200x128xf32, #tpu.memory_space<vmem>>, vector<1x1x16xf32>,
        %get3A_2445 = vector.shape_cast %get3A_2444 : vector<1x1x16xf32> to vector<16xf32>
        %lt3A_2446 = arith.constant 0.000000e+00 : f32
        %lt3A_2447 = vector.broadcast %lt3A_2446 : f32 to vector<16xf32>
        %lt3A_2448 = arith.cmpf olt, %get3A_2445, %lt3A_2447 : vector<16xf32>
        %select_n3A_2449 = arith.select %lt3A_2448, %broadcast_in_dim3A_2437, %broadcast_in_dim3A_2434 : vector<16xi1>, vector<16xf32>
        %swap3A_2450 = arith.index_cast %add3A_2439 : i32 to index
        %swap3A_2451 = arith.constant 0 : index
        %swap3A_2452 = tpu.vector_load %arg8[%swap3A_2450, %swap3A_2451] {strides = array<i32>} : memref<200x64xf32, #tpu.memory_space<vmem>>, vector<1x16xf32>,
        %swap3A_2453 = vector.shape_cast %swap3A_2452 : vector<1x16xf32> to vector<16xf32>
        %swap3A_2454 = vector.shape_cast %select_n3A_2449 : vector<16xf32> to vector<1x16xf32>
        tpu.vector_store %arg8[%swap3A_2450, %swap3A_2451], %swap3A_2454 {strides = array<i32>} : memref<200x64xf32, #tpu.memory_space<vmem>>, vector<1x16xf32>,
        %get3A_2455 = arith.constant 1 : i32
        %get3A_2456 = arith.index_cast %get3A_2455 : i32 to index
        %get3A_2457 = arith.index_cast %add3A_2439 : i32 to index
        %get3A_2458 = arith.constant 16 : index
        %get3A_2459 = tpu.vector_load %arg7[%get3A_2456, %get3A_2457, %get3A_2458] {strides = array<i32>} : memref<2x200x128xf32, #tpu.memory_space<vmem>>, vector<1x1x16xf32>,
        %get3A_2460 = vector.shape_cast %get3A_2459 : vector<1x1x16xf32> to vector<16xf32>
        %lt3A_2461 = arith.constant 0.000000e+00 : f32
        %lt3A_2462 = vector.broadcast %lt3A_2461 : f32 to vector<16xf32>
        %lt3A_2463 = arith.cmpf olt, %get3A_2460, %lt3A_2462 : vector<16xf32>
        %select_n3A_2464 = arith.select %lt3A_2463, %broadcast_in_dim3A_2437, %broadcast_in_dim3A_2434 : vector<16xi1>, vector<16xf32>
        %swap3A_2465 = arith.index_cast %add3A_2439 : i32 to index
        %swap3A_2466 = arith.constant 16 : index
        %swap3A_2467 = tpu.vector_load %arg8[%swap3A_2465, %swap3A_2466] {strides = array<i32>} : memref<200x64xf32, #tpu.memory_space<vmem>>, vector<1x16xf32>,
        %swap3A_2468 = vector.shape_cast %swap3A_2467 : vector<1x16xf32> to vector<16xf32>
        %swap3A_2469 = vector.shape_cast %select_n3A_2464 : vector<16xf32> to vector<1x16xf32>
        tpu.vector_store %arg8[%swap3A_2465, %swap3A_2466], %swap3A_2469 {strides = array<i32>} : memref<200x64xf32, #tpu.memory_space<vmem>>, vector<1x16xf32>,
        %get3A_2470 = arith.constant 1 : i32
        %get3A_2471 = arith.index_cast %get3A_2470 : i32 to index
        %get3A_2472 = arith.index_cast %add3A_2439 : i32 to index
        %get3A_2473 = arith.constant 32 : index
        %get3A_2474 = tpu.vector_load %arg7[%get3A_2471, %get3A_2472, %get3A_2473] {strides = array<i32>} : memref<2x200x128xf32, #tpu.memory_space<vmem>>, vector<1x1x16xf32>,
        %get3A_2475 = vector.shape_cast %get3A_2474 : vector<1x1x16xf32> to vector<16xf32>
        %lt3A_2476 = arith.constant 0.000000e+00 : f32
        %lt3A_2477 = vector.broadcast %lt3A_2476 : f32 to vector<16xf32>
        %lt3A_2478 = arith.cmpf olt, %get3A_2475, %lt3A_2477 : vector<16xf32>
        %select_n3A_2479 = arith.select %lt3A_2478, %broadcast_in_dim3A_2437, %broadcast_in_dim3A_2434 : vector<16xi1>, vector<16xf32>
        %swap3A_2480 = arith.index_cast %add3A_2439 : i32 to index
        %swap3A_2481 = arith.constant 32 : index
        %swap3A_2482 = tpu.vector_load %arg8[%swap3A_2480, %swap3A_2481] {strides = array<i32>} : memref<200x64xf32, #tpu.memory_space<vmem>>, vector<1x16xf32>,
        %swap3A_2483 = vector.shape_cast %swap3A_2482 : vector<1x16xf32> to vector<16xf32>
        %swap3A_2484 = vector.shape_cast %select_n3A_2479 : vector<16xf32> to vector<1x16xf32>
        tpu.vector_store %arg8[%swap3A_2480, %swap3A_2481], %swap3A_2484 {strides = array<i32>} : memref<200x64xf32, #tpu.memory_space<vmem>>, vector<1x16xf32>,
        %get3A_2485 = arith.constant 1 : i32
        %get3A_2486 = arith.index_cast %get3A_2485 : i32 to index
        %get3A_2487 = arith.index_cast %add3A_2439 : i32 to index
        %get3A_2488 = arith.constant 48 : index
        %get3A_2489 = tpu.vector_load %arg7[%get3A_2486, %get3A_2487, %get3A_2488] {strides = array<i32>} : memref<2x200x128xf32, #tpu.memory_space<vmem>>, vector<1x1x16xf32>,
        %get3A_2490 = vector.shape_cast %get3A_2489 : vector<1x1x16xf32> to vector<16xf32>
        %lt3A_2491 = arith.constant 0.000000e+00 : f32
        %lt3A_2492 = vector.broadcast %lt3A_2491 : f32 to vector<16xf32>
        %lt3A_2493 = arith.cmpf olt, %get3A_2490, %lt3A_2492 : vector<16xf32>
        %select_n3A_2494 = arith.select %lt3A_2493, %broadcast_in_dim3A_2437, %broadcast_in_dim3A_2434 : vector<16xi1>, vector<16xf32>
        %swap3A_2495 = arith.index_cast %add3A_2439 : i32 to index
        %swap3A_2496 = arith.constant 48 : index
        %swap3A_2497 = tpu.vector_load %arg8[%swap3A_2495, %swap3A_2496] {strides = array<i32>} : memref<200x64xf32, #tpu.memory_space<vmem>>, vector<1x16xf32>,
        %swap3A_2498 = vector.shape_cast %swap3A_2497 : vector<1x16xf32> to vector<16xf32>
        %swap3A_2499 = vector.shape_cast %select_n3A_2494 : vector<16xf32> to vector<1x16xf32>
        tpu.vector_store %arg8[%swap3A_2495, %swap3A_2496], %swap3A_2499 {strides = array<i32>} : memref<200x64xf32, #tpu.memory_space<vmem>>, vector<1x16xf32>,
        %slice3A_2500 = vector.extract_strided_slice %max3A_1542 {offsets = [14], sizes = [1], strides = [1]} : vector<16xf32> to vector<1xf32>
        %squeeze3A_2501 = vector.extract %slice3A_2500[0] : f32 from vector<1xf32>
        %broadcast_in_dim3A_2502 = vector.broadcast %squeeze3A_2501 : f32 to vector<16xf32>
        %slice3A_2503 = vector.extract_strided_slice %neg3A_1547 {offsets = [14], sizes = [1], strides = [1]} : vector<16xf32> to vector<1xf32>
        %squeeze3A_2504 = vector.extract %slice3A_2503[0] : f32 from vector<1xf32>
        %broadcast_in_dim3A_2505 = vector.broadcast %squeeze3A_2504 : f32 to vector<16xf32>
        %add3A_2506 = arith.constant 14 : i32
        %add3A_2507 = arith.addi %mul3A_1544, %add3A_2506 : i32
        %get3A_2508 = arith.constant 1 : i32
        %get3A_2509 = arith.index_cast %get3A_2508 : i32 to index
        %get3A_2510 = arith.index_cast %add3A_2507 : i32 to index
        %get3A_2511 = arith.constant 0 : index
        %get3A_2512 = tpu.vector_load %arg7[%get3A_2509, %get3A_2510, %get3A_2511] {strides = array<i32>} : memref<2x200x128xf32, #tpu.memory_space<vmem>>, vector<1x1x16xf32>,
        %get3A_2513 = vector.shape_cast %get3A_2512 : vector<1x1x16xf32> to vector<16xf32>
        %lt3A_2514 = arith.constant 0.000000e+00 : f32
        %lt3A_2515 = vector.broadcast %lt3A_2514 : f32 to vector<16xf32>
        %lt3A_2516 = arith.cmpf olt, %get3A_2513, %lt3A_2515 : vector<16xf32>
        %select_n3A_2517 = arith.select %lt3A_2516, %broadcast_in_dim3A_2505, %broadcast_in_dim3A_2502 : vector<16xi1>, vector<16xf32>
        %swap3A_2518 = arith.index_cast %add3A_2507 : i32 to index
        %swap3A_2519 = arith.constant 0 : index
        %swap3A_2520 = tpu.vector_load %arg8[%swap3A_2518, %swap3A_2519] {strides = array<i32>} : memref<200x64xf32, #tpu.memory_space<vmem>>, vector<1x16xf32>,
        %swap3A_2521 = vector.shape_cast %swap3A_2520 : vector<1x16xf32> to vector<16xf32>
        %swap3A_2522 = vector.shape_cast %select_n3A_2517 : vector<16xf32> to vector<1x16xf32>
        tpu.vector_store %arg8[%swap3A_2518, %swap3A_2519], %swap3A_2522 {strides = array<i32>} : memref<200x64xf32, #tpu.memory_space<vmem>>, vector<1x16xf32>,
        %get3A_2523 = arith.constant 1 : i32
        %get3A_2524 = arith.index_cast %get3A_2523 : i32 to index
        %get3A_2525 = arith.index_cast %add3A_2507 : i32 to index
        %get3A_2526 = arith.constant 16 : index
        %get3A_2527 = tpu.vector_load %arg7[%get3A_2524, %get3A_2525, %get3A_2526] {strides = array<i32>} : memref<2x200x128xf32, #tpu.memory_space<vmem>>, vector<1x1x16xf32>,
        %get3A_2528 = vector.shape_cast %get3A_2527 : vector<1x1x16xf32> to vector<16xf32>
        %lt3A_2529 = arith.constant 0.000000e+00 : f32
        %lt3A_2530 = vector.broadcast %lt3A_2529 : f32 to vector<16xf32>
        %lt3A_2531 = arith.cmpf olt, %get3A_2528, %lt3A_2530 : vector<16xf32>
        %select_n3A_2532 = arith.select %lt3A_2531, %broadcast_in_dim3A_2505, %broadcast_in_dim3A_2502 : vector<16xi1>, vector<16xf32>
        %swap3A_2533 = arith.index_cast %add3A_2507 : i32 to index
        %swap3A_2534 = arith.constant 16 : index
        %swap3A_2535 = tpu.vector_load %arg8[%swap3A_2533, %swap3A_2534] {strides = array<i32>} : memref<200x64xf32, #tpu.memory_space<vmem>>, vector<1x16xf32>,
        %swap3A_2536 = vector.shape_cast %swap3A_2535 : vector<1x16xf32> to vector<16xf32>
        %swap3A_2537 = vector.shape_cast %select_n3A_2532 : vector<16xf32> to vector<1x16xf32>
        tpu.vector_store %arg8[%swap3A_2533, %swap3A_2534], %swap3A_2537 {strides = array<i32>} : memref<200x64xf32, #tpu.memory_space<vmem>>, vector<1x16xf32>,
        %get3A_2538 = arith.constant 1 : i32
        %get3A_2539 = arith.index_cast %get3A_2538 : i32 to index
        %get3A_2540 = arith.index_cast %add3A_2507 : i32 to index
        %get3A_2541 = arith.constant 32 : index
        %get3A_2542 = tpu.vector_load %arg7[%get3A_2539, %get3A_2540, %get3A_2541] {strides = array<i32>} : memref<2x200x128xf32, #tpu.memory_space<vmem>>, vector<1x1x16xf32>,
        %get3A_2543 = vector.shape_cast %get3A_2542 : vector<1x1x16xf32> to vector<16xf32>
        %lt3A_2544 = arith.constant 0.000000e+00 : f32
        %lt3A_2545 = vector.broadcast %lt3A_2544 : f32 to vector<16xf32>
        %lt3A_2546 = arith.cmpf olt, %get3A_2543, %lt3A_2545 : vector<16xf32>
        %select_n3A_2547 = arith.select %lt3A_2546, %broadcast_in_dim3A_2505, %broadcast_in_dim3A_2502 : vector<16xi1>, vector<16xf32>
        %swap3A_2548 = arith.index_cast %add3A_2507 : i32 to index
        %swap3A_2549 = arith.constant 32 : index
        %swap3A_2550 = tpu.vector_load %arg8[%swap3A_2548, %swap3A_2549] {strides = array<i32>} : memref<200x64xf32, #tpu.memory_space<vmem>>, vector<1x16xf32>,
        %swap3A_2551 = vector.shape_cast %swap3A_2550 : vector<1x16xf32> to vector<16xf32>
        %swap3A_2552 = vector.shape_cast %select_n3A_2547 : vector<16xf32> to vector<1x16xf32>
        tpu.vector_store %arg8[%swap3A_2548, %swap3A_2549], %swap3A_2552 {strides = array<i32>} : memref<200x64xf32, #tpu.memory_space<vmem>>, vector<1x16xf32>,
        %get3A_2553 = arith.constant 1 : i32
        %get3A_2554 = arith.index_cast %get3A_2553 : i32 to index
        %get3A_2555 = arith.index_cast %add3A_2507 : i32 to index
        %get3A_2556 = arith.constant 48 : index
        %get3A_2557 = tpu.vector_load %arg7[%get3A_2554, %get3A_2555, %get3A_2556] {strides = array<i32>} : memref<2x200x128xf32, #tpu.memory_space<vmem>>, vector<1x1x16xf32>,
        %get3A_2558 = vector.shape_cast %get3A_2557 : vector<1x1x16xf32> to vector<16xf32>
        %lt3A_2559 = arith.constant 0.000000e+00 : f32
        %lt3A_2560 = vector.broadcast %lt3A_2559 : f32 to vector<16xf32>
        %lt3A_2561 = arith.cmpf olt, %get3A_2558, %lt3A_2560 : vector<16xf32>
        %select_n3A_2562 = arith.select %lt3A_2561, %broadcast_in_dim3A_2505, %broadcast_in_dim3A_2502 : vector<16xi1>, vector<16xf32>
        %swap3A_2563 = arith.index_cast %add3A_2507 : i32 to index
        %swap3A_2564 = arith.constant 48 : index
        %swap3A_2565 = tpu.vector_load %arg8[%swap3A_2563, %swap3A_2564] {strides = array<i32>} : memref<200x64xf32, #tpu.memory_space<vmem>>, vector<1x16xf32>,
        %swap3A_2566 = vector.shape_cast %swap3A_2565 : vector<1x16xf32> to vector<16xf32>
        %swap3A_2567 = vector.shape_cast %select_n3A_2562 : vector<16xf32> to vector<1x16xf32>
        tpu.vector_store %arg8[%swap3A_2563, %swap3A_2564], %swap3A_2567 {strides = array<i32>} : memref<200x64xf32, #tpu.memory_space<vmem>>, vector<1x16xf32>,
        %slice3A_2568 = vector.extract_strided_slice %max3A_1542 {offsets = [15], sizes = [1], strides = [1]} : vector<16xf32> to vector<1xf32>
        %squeeze3A_2569 = vector.extract %slice3A_2568[0] : f32 from vector<1xf32>
        %broadcast_in_dim3A_2570 = vector.broadcast %squeeze3A_2569 : f32 to vector<16xf32>
        %slice3A_2571 = vector.extract_strided_slice %neg3A_1547 {offsets = [15], sizes = [1], strides = [1]} : vector<16xf32> to vector<1xf32>
        %squeeze3A_2572 = vector.extract %slice3A_2571[0] : f32 from vector<1xf32>
        %broadcast_in_dim3A_2573 = vector.broadcast %squeeze3A_2572 : f32 to vector<16xf32>
        %add3A_2574 = arith.constant 15 : i32
        %add3A_2575 = arith.addi %mul3A_1544, %add3A_2574 : i32
        %get3A_2576 = arith.constant 1 : i32
        %get3A_2577 = arith.index_cast %get3A_2576 : i32 to index
        %get3A_2578 = arith.index_cast %add3A_2575 : i32 to index
        %get3A_2579 = arith.constant 0 : index
        %get3A_2580 = tpu.vector_load %arg7[%get3A_2577, %get3A_2578, %get3A_2579] {strides = array<i32>} : memref<2x200x128xf32, #tpu.memory_space<vmem>>, vector<1x1x16xf32>,
        %get3A_2581 = vector.shape_cast %get3A_2580 : vector<1x1x16xf32> to vector<16xf32>
        %lt3A_2582 = arith.constant 0.000000e+00 : f32
        %lt3A_2583 = vector.broadcast %lt3A_2582 : f32 to vector<16xf32>
        %lt3A_2584 = arith.cmpf olt, %get3A_2581, %lt3A_2583 : vector<16xf32>
        %select_n3A_2585 = arith.select %lt3A_2584, %broadcast_in_dim3A_2573, %broadcast_in_dim3A_2570 : vector<16xi1>, vector<16xf32>
        %swap3A_2586 = arith.index_cast %add3A_2575 : i32 to index
        %swap3A_2587 = arith.constant 0 : index
        %swap3A_2588 = tpu.vector_load %arg8[%swap3A_2586, %swap3A_2587] {strides = array<i32>} : memref<200x64xf32, #tpu.memory_space<vmem>>, vector<1x16xf32>,
        %swap3A_2589 = vector.shape_cast %swap3A_2588 : vector<1x16xf32> to vector<16xf32>
        %swap3A_2590 = vector.shape_cast %select_n3A_2585 : vector<16xf32> to vector<1x16xf32>
        tpu.vector_store %arg8[%swap3A_2586, %swap3A_2587], %swap3A_2590 {strides = array<i32>} : memref<200x64xf32, #tpu.memory_space<vmem>>, vector<1x16xf32>,
        %get3A_2591 = arith.constant 1 : i32
        %get3A_2592 = arith.index_cast %get3A_2591 : i32 to index
        %get3A_2593 = arith.index_cast %add3A_2575 : i32 to index
        %get3A_2594 = arith.constant 16 : index
        %get3A_2595 = tpu.vector_load %arg7[%get3A_2592, %get3A_2593, %get3A_2594] {strides = array<i32>} : memref<2x200x128xf32, #tpu.memory_space<vmem>>, vector<1x1x16xf32>,
        %get3A_2596 = vector.shape_cast %get3A_2595 : vector<1x1x16xf32> to vector<16xf32>
        %lt3A_2597 = arith.constant 0.000000e+00 : f32
        %lt3A_2598 = vector.broadcast %lt3A_2597 : f32 to vector<16xf32>
        %lt3A_2599 = arith.cmpf olt, %get3A_2596, %lt3A_2598 : vector<16xf32>
        %select_n3A_2600 = arith.select %lt3A_2599, %broadcast_in_dim3A_2573, %broadcast_in_dim3A_2570 : vector<16xi1>, vector<16xf32>
        %swap3A_2601 = arith.index_cast %add3A_2575 : i32 to index
        %swap3A_2602 = arith.constant 16 : index
        %swap3A_2603 = tpu.vector_load %arg8[%swap3A_2601, %swap3A_2602] {strides = array<i32>} : memref<200x64xf32, #tpu.memory_space<vmem>>, vector<1x16xf32>,
        %swap3A_2604 = vector.shape_cast %swap3A_2603 : vector<1x16xf32> to vector<16xf32>
        %swap3A_2605 = vector.shape_cast %select_n3A_2600 : vector<16xf32> to vector<1x16xf32>
        tpu.vector_store %arg8[%swap3A_2601, %swap3A_2602], %swap3A_2605 {strides = array<i32>} : memref<200x64xf32, #tpu.memory_space<vmem>>, vector<1x16xf32>,
        %get3A_2606 = arith.constant 1 : i32
        %get3A_2607 = arith.index_cast %get3A_2606 : i32 to index
        %get3A_2608 = arith.index_cast %add3A_2575 : i32 to index
        %get3A_2609 = arith.constant 32 : index
        %get3A_2610 = tpu.vector_load %arg7[%get3A_2607, %get3A_2608, %get3A_2609] {strides = array<i32>} : memref<2x200x128xf32, #tpu.memory_space<vmem>>, vector<1x1x16xf32>,
        %get3A_2611 = vector.shape_cast %get3A_2610 : vector<1x1x16xf32> to vector<16xf32>
        %lt3A_2612 = arith.constant 0.000000e+00 : f32
        %lt3A_2613 = vector.broadcast %lt3A_2612 : f32 to vector<16xf32>
        %lt3A_2614 = arith.cmpf olt, %get3A_2611, %lt3A_2613 : vector<16xf32>
        %select_n3A_2615 = arith.select %lt3A_2614, %broadcast_in_dim3A_2573, %broadcast_in_dim3A_2570 : vector<16xi1>, vector<16xf32>
        %swap3A_2616 = arith.index_cast %add3A_2575 : i32 to index
        %swap3A_2617 = arith.constant 32 : index
        %swap3A_2618 = tpu.vector_load %arg8[%swap3A_2616, %swap3A_2617] {strides = array<i32>} : memref<200x64xf32, #tpu.memory_space<vmem>>, vector<1x16xf32>,
        %swap3A_2619 = vector.shape_cast %swap3A_2618 : vector<1x16xf32> to vector<16xf32>
        %swap3A_2620 = vector.shape_cast %select_n3A_2615 : vector<16xf32> to vector<1x16xf32>
        tpu.vector_store %arg8[%swap3A_2616, %swap3A_2617], %swap3A_2620 {strides = array<i32>} : memref<200x64xf32, #tpu.memory_space<vmem>>, vector<1x16xf32>,
        %get3A_2621 = arith.constant 1 : i32
        %get3A_2622 = arith.index_cast %get3A_2621 : i32 to index
        %get3A_2623 = arith.index_cast %add3A_2575 : i32 to index
        %get3A_2624 = arith.constant 48 : index
        %get3A_2625 = tpu.vector_load %arg7[%get3A_2622, %get3A_2623, %get3A_2624] {strides = array<i32>} : memref<2x200x128xf32, #tpu.memory_space<vmem>>, vector<1x1x16xf32>,
        %get3A_2626 = vector.shape_cast %get3A_2625 : vector<1x1x16xf32> to vector<16xf32>
        %lt3A_2627 = arith.constant 0.000000e+00 : f32
        %lt3A_2628 = vector.broadcast %lt3A_2627 : f32 to vector<16xf32>
        %lt3A_2629 = arith.cmpf olt, %get3A_2626, %lt3A_2628 : vector<16xf32>
        %select_n3A_2630 = arith.select %lt3A_2629, %broadcast_in_dim3A_2573, %broadcast_in_dim3A_2570 : vector<16xi1>, vector<16xf32>
        %swap3A_2631 = arith.index_cast %add3A_2575 : i32 to index
        %swap3A_2632 = arith.constant 48 : index
        %swap3A_2633 = tpu.vector_load %arg8[%swap3A_2631, %swap3A_2632] {strides = array<i32>} : memref<200x64xf32, #tpu.memory_space<vmem>>, vector<1x16xf32>,
        %swap3A_2634 = vector.shape_cast %swap3A_2633 : vector<1x16xf32> to vector<16xf32>
        %swap3A_2635 = vector.shape_cast %select_n3A_2630 : vector<16xf32> to vector<1x16xf32>
        tpu.vector_store %arg8[%swap3A_2631, %swap3A_2632], %swap3A_2635 {strides = array<i32>} : memref<200x64xf32, #tpu.memory_space<vmem>>, vector<1x16xf32>,
      }
      %scan3A_912 = arith.constant 12 : i32
      %get3A_913 = arith.constant 184 : index
      %get3A_914 = tpu.vector_load %arg10[%get3A_913] {strides = array<i32>} : memref<200xf32, #tpu.memory_space<vmem>>, vector<16xf32>,
      %get3A_915 = vector.shape_cast %get3A_914 : vector<16xf32> to vector<16xf32>
      %max3A_916 = arith.constant 9.99999993E-9 : f32
      %max3A_917 = vector.broadcast %max3A_916 : f32 to vector<16xf32>
      %max3A_918 = arith.maximumf %get3A_915, %max3A_917 : vector<16xf32>
      %neg3A_919 = arith.constant 0.000000e+00 : f32
      %neg3A_920 = vector.broadcast %neg3A_919 : f32 to vector<16xf32>
      %neg3A_921 = arith.subf %neg3A_920, %max3A_918 : vector<16xf32>
      %slice3A_922 = vector.extract_strided_slice %max3A_918 {offsets = [8], sizes = [1], strides = [1]} : vector<16xf32> to vector<1xf32>
      %squeeze3A_923 = vector.extract %slice3A_922[0] : f32 from vector<1xf32>
      %broadcast_in_dim3A_924 = vector.broadcast %squeeze3A_923 : f32 to vector<16xf32>
      %slice3A_925 = vector.extract_strided_slice %neg3A_921 {offsets = [8], sizes = [1], strides = [1]} : vector<16xf32> to vector<1xf32>
      %squeeze3A_926 = vector.extract %slice3A_925[0] : f32 from vector<1xf32>
      %broadcast_in_dim3A_927 = vector.broadcast %squeeze3A_926 : f32 to vector<16xf32>
      %get3A_928 = arith.constant 1 : i32
      %get3A_929 = arith.constant 192 : i32
      %get3A_930 = arith.index_cast %get3A_928 : i32 to index
      %get3A_931 = arith.index_cast %get3A_929 : i32 to index
      %get3A_932 = arith.constant 0 : index
      %get3A_933 = tpu.vector_load %arg7[%get3A_930, %get3A_931, %get3A_932] {strides = array<i32>} : memref<2x200x128xf32, #tpu.memory_space<vmem>>, vector<1x1x16xf32>,
      %get3A_934 = vector.shape_cast %get3A_933 : vector<1x1x16xf32> to vector<16xf32>
      %lt3A_935 = arith.constant 0.000000e+00 : f32
      %lt3A_936 = vector.broadcast %lt3A_935 : f32 to vector<16xf32>
      %lt3A_937 = arith.cmpf olt, %get3A_934, %lt3A_936 : vector<16xf32>
      %select_n3A_938 = arith.select %lt3A_937, %broadcast_in_dim3A_927, %broadcast_in_dim3A_924 : vector<16xi1>, vector<16xf32>
      %swap3A_939 = arith.constant 192 : i32
      %swap3A_940 = arith.index_cast %swap3A_939 : i32 to index
      %swap3A_941 = arith.constant 0 : index
      %swap3A_942 = tpu.vector_load %arg8[%swap3A_940, %swap3A_941] {strides = array<i32>} : memref<200x64xf32, #tpu.memory_space<vmem>>, vector<1x16xf32>,
      %swap3A_943 = vector.shape_cast %swap3A_942 : vector<1x16xf32> to vector<16xf32>
      %swap3A_944 = vector.shape_cast %select_n3A_938 : vector<16xf32> to vector<1x16xf32>
      tpu.vector_store %arg8[%swap3A_940, %swap3A_941], %swap3A_944 {strides = array<i32>} : memref<200x64xf32, #tpu.memory_space<vmem>>, vector<1x16xf32>,
      %get3A_945 = arith.constant 1 : i32
      %get3A_946 = arith.constant 192 : i32
      %get3A_947 = arith.index_cast %get3A_945 : i32 to index
      %get3A_948 = arith.index_cast %get3A_946 : i32 to index
      %get3A_949 = arith.constant 16 : index
      %get3A_950 = tpu.vector_load %arg7[%get3A_947, %get3A_948, %get3A_949] {strides = array<i32>} : memref<2x200x128xf32, #tpu.memory_space<vmem>>, vector<1x1x16xf32>,
      %get3A_951 = vector.shape_cast %get3A_950 : vector<1x1x16xf32> to vector<16xf32>
      %lt3A_952 = arith.constant 0.000000e+00 : f32
      %lt3A_953 = vector.broadcast %lt3A_952 : f32 to vector<16xf32>
      %lt3A_954 = arith.cmpf olt, %get3A_951, %lt3A_953 : vector<16xf32>
      %select_n3A_955 = arith.select %lt3A_954, %broadcast_in_dim3A_927, %broadcast_in_dim3A_924 : vector<16xi1>, vector<16xf32>
      %swap3A_956 = arith.constant 192 : i32
      %swap3A_957 = arith.index_cast %swap3A_956 : i32 to index
      %swap3A_958 = arith.constant 16 : index
      %swap3A_959 = tpu.vector_load %arg8[%swap3A_957, %swap3A_958] {strides = array<i32>} : memref<200x64xf32, #tpu.memory_space<vmem>>, vector<1x16xf32>,
      %swap3A_960 = vector.shape_cast %swap3A_959 : vector<1x16xf32> to vector<16xf32>
      %swap3A_961 = vector.shape_cast %select_n3A_955 : vector<16xf32> to vector<1x16xf32>
      tpu.vector_store %arg8[%swap3A_957, %swap3A_958], %swap3A_961 {strides = array<i32>} : memref<200x64xf32, #tpu.memory_space<vmem>>, vector<1x16xf32>,
      %get3A_962 = arith.constant 1 : i32
      %get3A_963 = arith.constant 192 : i32
      %get3A_964 = arith.index_cast %get3A_962 : i32 to index
      %get3A_965 = arith.index_cast %get3A_963 : i32 to index
      %get3A_966 = arith.constant 32 : index
      %get3A_967 = tpu.vector_load %arg7[%get3A_964, %get3A_965, %get3A_966] {strides = array<i32>} : memref<2x200x128xf32, #tpu.memory_space<vmem>>, vector<1x1x16xf32>,
      %get3A_968 = vector.shape_cast %get3A_967 : vector<1x1x16xf32> to vector<16xf32>
      %lt3A_969 = arith.constant 0.000000e+00 : f32
      %lt3A_970 = vector.broadcast %lt3A_969 : f32 to vector<16xf32>
      %lt3A_971 = arith.cmpf olt, %get3A_968, %lt3A_970 : vector<16xf32>
      %select_n3A_972 = arith.select %lt3A_971, %broadcast_in_dim3A_927, %broadcast_in_dim3A_924 : vector<16xi1>, vector<16xf32>
      %swap3A_973 = arith.constant 192 : i32
      %swap3A_974 = arith.index_cast %swap3A_973 : i32 to index
      %swap3A_975 = arith.constant 32 : index
      %swap3A_976 = tpu.vector_load %arg8[%swap3A_974, %swap3A_975] {strides = array<i32>} : memref<200x64xf32, #tpu.memory_space<vmem>>, vector<1x16xf32>,
      %swap3A_977 = vector.shape_cast %swap3A_976 : vector<1x16xf32> to vector<16xf32>
      %swap3A_978 = vector.shape_cast %select_n3A_972 : vector<16xf32> to vector<1x16xf32>
      tpu.vector_store %arg8[%swap3A_974, %swap3A_975], %swap3A_978 {strides = array<i32>} : memref<200x64xf32, #tpu.memory_space<vmem>>, vector<1x16xf32>,
      %get3A_979 = arith.constant 1 : i32
      %get3A_980 = arith.constant 192 : i32
      %get3A_981 = arith.index_cast %get3A_979 : i32 to index
      %get3A_982 = arith.index_cast %get3A_980 : i32 to index
      %get3A_983 = arith.constant 48 : index
      %get3A_984 = tpu.vector_load %arg7[%get3A_981, %get3A_982, %get3A_983] {strides = array<i32>} : memref<2x200x128xf32, #tpu.memory_space<vmem>>, vector<1x1x16xf32>,
      %get3A_985 = vector.shape_cast %get3A_984 : vector<1x1x16xf32> to vector<16xf32>
      %lt3A_986 = arith.constant 0.000000e+00 : f32
      %lt3A_987 = vector.broadcast %lt3A_986 : f32 to vector<16xf32>
      %lt3A_988 = arith.cmpf olt, %get3A_985, %lt3A_987 : vector<16xf32>
      %select_n3A_989 = arith.select %lt3A_988, %broadcast_in_dim3A_927, %broadcast_in_dim3A_924 : vector<16xi1>, vector<16xf32>
      %swap3A_990 = arith.constant 192 : i32
      %swap3A_991 = arith.index_cast %swap3A_990 : i32 to index
      %swap3A_992 = arith.constant 48 : index
      %swap3A_993 = tpu.vector_load %arg8[%swap3A_991, %swap3A_992] {strides = array<i32>} : memref<200x64xf32, #tpu.memory_space<vmem>>, vector<1x16xf32>,
      %swap3A_994 = vector.shape_cast %swap3A_993 : vector<1x16xf32> to vector<16xf32>
      %swap3A_995 = vector.shape_cast %select_n3A_989 : vector<16xf32> to vector<1x16xf32>
      tpu.vector_store %arg8[%swap3A_991, %swap3A_992], %swap3A_995 {strides = array<i32>} : memref<200x64xf32, #tpu.memory_space<vmem>>, vector<1x16xf32>,
      %slice3A_996 = vector.extract_strided_slice %max3A_918 {offsets = [9], sizes = [1], strides = [1]} : vector<16xf32> to vector<1xf32>
      %squeeze3A_997 = vector.extract %slice3A_996[0] : f32 from vector<1xf32>
      %broadcast_in_dim3A_998 = vector.broadcast %squeeze3A_997 : f32 to vector<16xf32>
      %slice3A_999 = vector.extract_strided_slice %neg3A_921 {offsets = [9], sizes = [1], strides = [1]} : vector<16xf32> to vector<1xf32>
      %squeeze3A_1000 = vector.extract %slice3A_999[0] : f32 from vector<1xf32>
      %broadcast_in_dim3A_1001 = vector.broadcast %squeeze3A_1000 : f32 to vector<16xf32>
      %get3A_1002 = arith.constant 1 : i32
      %get3A_1003 = arith.constant 193 : i32
      %get3A_1004 = arith.index_cast %get3A_1002 : i32 to index
      %get3A_1005 = arith.index_cast %get3A_1003 : i32 to index
      %get3A_1006 = arith.constant 0 : index
      %get3A_1007 = tpu.vector_load %arg7[%get3A_1004, %get3A_1005, %get3A_1006] {strides = array<i32>} : memref<2x200x128xf32, #tpu.memory_space<vmem>>, vector<1x1x16xf32>,
      %get3A_1008 = vector.shape_cast %get3A_1007 : vector<1x1x16xf32> to vector<16xf32>
      %lt3A_1009 = arith.constant 0.000000e+00 : f32
      %lt3A_1010 = vector.broadcast %lt3A_1009 : f32 to vector<16xf32>
      %lt3A_1011 = arith.cmpf olt, %get3A_1008, %lt3A_1010 : vector<16xf32>
      %select_n3A_1012 = arith.select %lt3A_1011, %broadcast_in_dim3A_1001, %broadcast_in_dim3A_998 : vector<16xi1>, vector<16xf32>
      %swap3A_1013 = arith.constant 193 : i32
      %swap3A_1014 = arith.index_cast %swap3A_1013 : i32 to index
      %swap3A_1015 = arith.constant 0 : index
      %swap3A_1016 = tpu.vector_load %arg8[%swap3A_1014, %swap3A_1015] {strides = array<i32>} : memref<200x64xf32, #tpu.memory_space<vmem>>, vector<1x16xf32>,
      %swap3A_1017 = vector.shape_cast %swap3A_1016 : vector<1x16xf32> to vector<16xf32>
      %swap3A_1018 = vector.shape_cast %select_n3A_1012 : vector<16xf32> to vector<1x16xf32>
      tpu.vector_store %arg8[%swap3A_1014, %swap3A_1015], %swap3A_1018 {strides = array<i32>} : memref<200x64xf32, #tpu.memory_space<vmem>>, vector<1x16xf32>,
      %get3A_1019 = arith.constant 1 : i32
      %get3A_1020 = arith.constant 193 : i32
      %get3A_1021 = arith.index_cast %get3A_1019 : i32 to index
      %get3A_1022 = arith.index_cast %get3A_1020 : i32 to index
      %get3A_1023 = arith.constant 16 : index
      %get3A_1024 = tpu.vector_load %arg7[%get3A_1021, %get3A_1022, %get3A_1023] {strides = array<i32>} : memref<2x200x128xf32, #tpu.memory_space<vmem>>, vector<1x1x16xf32>,
      %get3A_1025 = vector.shape_cast %get3A_1024 : vector<1x1x16xf32> to vector<16xf32>
      %lt3A_1026 = arith.constant 0.000000e+00 : f32
      %lt3A_1027 = vector.broadcast %lt3A_1026 : f32 to vector<16xf32>
      %lt3A_1028 = arith.cmpf olt, %get3A_1025, %lt3A_1027 : vector<16xf32>
      %select_n3A_1029 = arith.select %lt3A_1028, %broadcast_in_dim3A_1001, %broadcast_in_dim3A_998 : vector<16xi1>, vector<16xf32>
      %swap3A_1030 = arith.constant 193 : i32
      %swap3A_1031 = arith.index_cast %swap3A_1030 : i32 to index
      %swap3A_1032 = arith.constant 16 : index
      %swap3A_1033 = tpu.vector_load %arg8[%swap3A_1031, %swap3A_1032] {strides = array<i32>} : memref<200x64xf32, #tpu.memory_space<vmem>>, vector<1x16xf32>,
      %swap3A_1034 = vector.shape_cast %swap3A_1033 : vector<1x16xf32> to vector<16xf32>
      %swap3A_1035 = vector.shape_cast %select_n3A_1029 : vector<16xf32> to vector<1x16xf32>
      tpu.vector_store %arg8[%swap3A_1031, %swap3A_1032], %swap3A_1035 {strides = array<i32>} : memref<200x64xf32, #tpu.memory_space<vmem>>, vector<1x16xf32>,
      %get3A_1036 = arith.constant 1 : i32
      %get3A_1037 = arith.constant 193 : i32
      %get3A_1038 = arith.index_cast %get3A_1036 : i32 to index
      %get3A_1039 = arith.index_cast %get3A_1037 : i32 to index
      %get3A_1040 = arith.constant 32 : index
      %get3A_1041 = tpu.vector_load %arg7[%get3A_1038, %get3A_1039, %get3A_1040] {strides = array<i32>} : memref<2x200x128xf32, #tpu.memory_space<vmem>>, vector<1x1x16xf32>,
      %get3A_1042 = vector.shape_cast %get3A_1041 : vector<1x1x16xf32> to vector<16xf32>
      %lt3A_1043 = arith.constant 0.000000e+00 : f32
      %lt3A_1044 = vector.broadcast %lt3A_1043 : f32 to vector<16xf32>
      %lt3A_1045 = arith.cmpf olt, %get3A_1042, %lt3A_1044 : vector<16xf32>
      %select_n3A_1046 = arith.select %lt3A_1045, %broadcast_in_dim3A_1001, %broadcast_in_dim3A_998 : vector<16xi1>, vector<16xf32>
      %swap3A_1047 = arith.constant 193 : i32
      %swap3A_1048 = arith.index_cast %swap3A_1047 : i32 to index
      %swap3A_1049 = arith.constant 32 : index
      %swap3A_1050 = tpu.vector_load %arg8[%swap3A_1048, %swap3A_1049] {strides = array<i32>} : memref<200x64xf32, #tpu.memory_space<vmem>>, vector<1x16xf32>,
      %swap3A_1051 = vector.shape_cast %swap3A_1050 : vector<1x16xf32> to vector<16xf32>
      %swap3A_1052 = vector.shape_cast %select_n3A_1046 : vector<16xf32> to vector<1x16xf32>
      tpu.vector_store %arg8[%swap3A_1048, %swap3A_1049], %swap3A_1052 {strides = array<i32>} : memref<200x64xf32, #tpu.memory_space<vmem>>, vector<1x16xf32>,
      %get3A_1053 = arith.constant 1 : i32
      %get3A_1054 = arith.constant 193 : i32
      %get3A_1055 = arith.index_cast %get3A_1053 : i32 to index
      %get3A_1056 = arith.index_cast %get3A_1054 : i32 to index
      %get3A_1057 = arith.constant 48 : index
      %get3A_1058 = tpu.vector_load %arg7[%get3A_1055, %get3A_1056, %get3A_1057] {strides = array<i32>} : memref<2x200x128xf32, #tpu.memory_space<vmem>>, vector<1x1x16xf32>,
      %get3A_1059 = vector.shape_cast %get3A_1058 : vector<1x1x16xf32> to vector<16xf32>
      %lt3A_1060 = arith.constant 0.000000e+00 : f32
      %lt3A_1061 = vector.broadcast %lt3A_1060 : f32 to vector<16xf32>
      %lt3A_1062 = arith.cmpf olt, %get3A_1059, %lt3A_1061 : vector<16xf32>
      %select_n3A_1063 = arith.select %lt3A_1062, %broadcast_in_dim3A_1001, %broadcast_in_dim3A_998 : vector<16xi1>, vector<16xf32>
      %swap3A_1064 = arith.constant 193 : i32
      %swap3A_1065 = arith.index_cast %swap3A_1064 : i32 to index
      %swap3A_1066 = arith.constant 48 : index
      %swap3A_1067 = tpu.vector_load %arg8[%swap3A_1065, %swap3A_1066] {strides = array<i32>} : memref<200x64xf32, #tpu.memory_space<vmem>>, vector<1x16xf32>,
      %swap3A_1068 = vector.shape_cast %swap3A_1067 : vector<1x16xf32> to vector<16xf32>
      %swap3A_1069 = vector.shape_cast %select_n3A_1063 : vector<16xf32> to vector<1x16xf32>
      tpu.vector_store %arg8[%swap3A_1065, %swap3A_1066], %swap3A_1069 {strides = array<i32>} : memref<200x64xf32, #tpu.memory_space<vmem>>, vector<1x16xf32>,
      %slice3A_1070 = vector.extract_strided_slice %max3A_918 {offsets = [10], sizes = [1], strides = [1]} : vector<16xf32> to vector<1xf32>
      %squeeze3A_1071 = vector.extract %slice3A_1070[0] : f32 from vector<1xf32>
      %broadcast_in_dim3A_1072 = vector.broadcast %squeeze3A_1071 : f32 to vector<16xf32>
      %slice3A_1073 = vector.extract_strided_slice %neg3A_921 {offsets = [10], sizes = [1], strides = [1]} : vector<16xf32> to vector<1xf32>
      %squeeze3A_1074 = vector.extract %slice3A_1073[0] : f32 from vector<1xf32>
      %broadcast_in_dim3A_1075 = vector.broadcast %squeeze3A_1074 : f32 to vector<16xf32>
      %get3A_1076 = arith.constant 1 : i32
      %get3A_1077 = arith.constant 194 : i32
      %get3A_1078 = arith.index_cast %get3A_1076 : i32 to index
      %get3A_1079 = arith.index_cast %get3A_1077 : i32 to index
      %get3A_1080 = arith.constant 0 : index
      %get3A_1081 = tpu.vector_load %arg7[%get3A_1078, %get3A_1079, %get3A_1080] {strides = array<i32>} : memref<2x200x128xf32, #tpu.memory_space<vmem>>, vector<1x1x16xf32>,
      %get3A_1082 = vector.shape_cast %get3A_1081 : vector<1x1x16xf32> to vector<16xf32>
      %lt3A_1083 = arith.constant 0.000000e+00 : f32
      %lt3A_1084 = vector.broadcast %lt3A_1083 : f32 to vector<16xf32>
      %lt3A_1085 = arith.cmpf olt, %get3A_1082, %lt3A_1084 : vector<16xf32>
      %select_n3A_1086 = arith.select %lt3A_1085, %broadcast_in_dim3A_1075, %broadcast_in_dim3A_1072 : vector<16xi1>, vector<16xf32>
      %swap3A_1087 = arith.constant 194 : i32
      %swap3A_1088 = arith.index_cast %swap3A_1087 : i32 to index
      %swap3A_1089 = arith.constant 0 : index
      %swap3A_1090 = tpu.vector_load %arg8[%swap3A_1088, %swap3A_1089] {strides = array<i32>} : memref<200x64xf32, #tpu.memory_space<vmem>>, vector<1x16xf32>,
      %swap3A_1091 = vector.shape_cast %swap3A_1090 : vector<1x16xf32> to vector<16xf32>
      %swap3A_1092 = vector.shape_cast %select_n3A_1086 : vector<16xf32> to vector<1x16xf32>
      tpu.vector_store %arg8[%swap3A_1088, %swap3A_1089], %swap3A_1092 {strides = array<i32>} : memref<200x64xf32, #tpu.memory_space<vmem>>, vector<1x16xf32>,
      %get3A_1093 = arith.constant 1 : i32
      %get3A_1094 = arith.constant 194 : i32
      %get3A_1095 = arith.index_cast %get3A_1093 : i32 to index
      %get3A_1096 = arith.index_cast %get3A_1094 : i32 to index
      %get3A_1097 = arith.constant 16 : index
      %get3A_1098 = tpu.vector_load %arg7[%get3A_1095, %get3A_1096, %get3A_1097] {strides = array<i32>} : memref<2x200x128xf32, #tpu.memory_space<vmem>>, vector<1x1x16xf32>,
      %get3A_1099 = vector.shape_cast %get3A_1098 : vector<1x1x16xf32> to vector<16xf32>
      %lt3A_1100 = arith.constant 0.000000e+00 : f32
      %lt3A_1101 = vector.broadcast %lt3A_1100 : f32 to vector<16xf32>
      %lt3A_1102 = arith.cmpf olt, %get3A_1099, %lt3A_1101 : vector<16xf32>
      %select_n3A_1103 = arith.select %lt3A_1102, %broadcast_in_dim3A_1075, %broadcast_in_dim3A_1072 : vector<16xi1>, vector<16xf32>
      %swap3A_1104 = arith.constant 194 : i32
      %swap3A_1105 = arith.index_cast %swap3A_1104 : i32 to index
      %swap3A_1106 = arith.constant 16 : index
      %swap3A_1107 = tpu.vector_load %arg8[%swap3A_1105, %swap3A_1106] {strides = array<i32>} : memref<200x64xf32, #tpu.memory_space<vmem>>, vector<1x16xf32>,
      %swap3A_1108 = vector.shape_cast %swap3A_1107 : vector<1x16xf32> to vector<16xf32>
      %swap3A_1109 = vector.shape_cast %select_n3A_1103 : vector<16xf32> to vector<1x16xf32>
      tpu.vector_store %arg8[%swap3A_1105, %swap3A_1106], %swap3A_1109 {strides = array<i32>} : memref<200x64xf32, #tpu.memory_space<vmem>>, vector<1x16xf32>,
      %get3A_1110 = arith.constant 1 : i32
      %get3A_1111 = arith.constant 194 : i32
      %get3A_1112 = arith.index_cast %get3A_1110 : i32 to index
      %get3A_1113 = arith.index_cast %get3A_1111 : i32 to index
      %get3A_1114 = arith.constant 32 : index
      %get3A_1115 = tpu.vector_load %arg7[%get3A_1112, %get3A_1113, %get3A_1114] {strides = array<i32>} : memref<2x200x128xf32, #tpu.memory_space<vmem>>, vector<1x1x16xf32>,
      %get3A_1116 = vector.shape_cast %get3A_1115 : vector<1x1x16xf32> to vector<16xf32>
      %lt3A_1117 = arith.constant 0.000000e+00 : f32
      %lt3A_1118 = vector.broadcast %lt3A_1117 : f32 to vector<16xf32>
      %lt3A_1119 = arith.cmpf olt, %get3A_1116, %lt3A_1118 : vector<16xf32>
      %select_n3A_1120 = arith.select %lt3A_1119, %broadcast_in_dim3A_1075, %broadcast_in_dim3A_1072 : vector<16xi1>, vector<16xf32>
      %swap3A_1121 = arith.constant 194 : i32
      %swap3A_1122 = arith.index_cast %swap3A_1121 : i32 to index
      %swap3A_1123 = arith.constant 32 : index
      %swap3A_1124 = tpu.vector_load %arg8[%swap3A_1122, %swap3A_1123] {strides = array<i32>} : memref<200x64xf32, #tpu.memory_space<vmem>>, vector<1x16xf32>,
      %swap3A_1125 = vector.shape_cast %swap3A_1124 : vector<1x16xf32> to vector<16xf32>
      %swap3A_1126 = vector.shape_cast %select_n3A_1120 : vector<16xf32> to vector<1x16xf32>
      tpu.vector_store %arg8[%swap3A_1122, %swap3A_1123], %swap3A_1126 {strides = array<i32>} : memref<200x64xf32, #tpu.memory_space<vmem>>, vector<1x16xf32>,
      %get3A_1127 = arith.constant 1 : i32
      %get3A_1128 = arith.constant 194 : i32
      %get3A_1129 = arith.index_cast %get3A_1127 : i32 to index
      %get3A_1130 = arith.index_cast %get3A_1128 : i32 to index
      %get3A_1131 = arith.constant 48 : index
      %get3A_1132 = tpu.vector_load %arg7[%get3A_1129, %get3A_1130, %get3A_1131] {strides = array<i32>} : memref<2x200x128xf32, #tpu.memory_space<vmem>>, vector<1x1x16xf32>,
      %get3A_1133 = vector.shape_cast %get3A_1132 : vector<1x1x16xf32> to vector<16xf32>
      %lt3A_1134 = arith.constant 0.000000e+00 : f32
      %lt3A_1135 = vector.broadcast %lt3A_1134 : f32 to vector<16xf32>
      %lt3A_1136 = arith.cmpf olt, %get3A_1133, %lt3A_1135 : vector<16xf32>
      %select_n3A_1137 = arith.select %lt3A_1136, %broadcast_in_dim3A_1075, %broadcast_in_dim3A_1072 : vector<16xi1>, vector<16xf32>
      %swap3A_1138 = arith.constant 194 : i32
      %swap3A_1139 = arith.index_cast %swap3A_1138 : i32 to index
      %swap3A_1140 = arith.constant 48 : index
      %swap3A_1141 = tpu.vector_load %arg8[%swap3A_1139, %swap3A_1140] {strides = array<i32>} : memref<200x64xf32, #tpu.memory_space<vmem>>, vector<1x16xf32>,
      %swap3A_1142 = vector.shape_cast %swap3A_1141 : vector<1x16xf32> to vector<16xf32>
      %swap3A_1143 = vector.shape_cast %select_n3A_1137 : vector<16xf32> to vector<1x16xf32>
      tpu.vector_store %arg8[%swap3A_1139, %swap3A_1140], %swap3A_1143 {strides = array<i32>} : memref<200x64xf32, #tpu.memory_space<vmem>>, vector<1x16xf32>,
      %slice3A_1144 = vector.extract_strided_slice %max3A_918 {offsets = [11], sizes = [1], strides = [1]} : vector<16xf32> to vector<1xf32>
      %squeeze3A_1145 = vector.extract %slice3A_1144[0] : f32 from vector<1xf32>
      %broadcast_in_dim3A_1146 = vector.broadcast %squeeze3A_1145 : f32 to vector<16xf32>
      %slice3A_1147 = vector.extract_strided_slice %neg3A_921 {offsets = [11], sizes = [1], strides = [1]} : vector<16xf32> to vector<1xf32>
      %squeeze3A_1148 = vector.extract %slice3A_1147[0] : f32 from vector<1xf32>
      %broadcast_in_dim3A_1149 = vector.broadcast %squeeze3A_1148 : f32 to vector<16xf32>
      %get3A_1150 = arith.constant 1 : i32
      %get3A_1151 = arith.constant 195 : i32
      %get3A_1152 = arith.index_cast %get3A_1150 : i32 to index
      %get3A_1153 = arith.index_cast %get3A_1151 : i32 to index
      %get3A_1154 = arith.constant 0 : index
      %get3A_1155 = tpu.vector_load %arg7[%get3A_1152, %get3A_1153, %get3A_1154] {strides = array<i32>} : memref<2x200x128xf32, #tpu.memory_space<vmem>>, vector<1x1x16xf32>,
      %get3A_1156 = vector.shape_cast %get3A_1155 : vector<1x1x16xf32> to vector<16xf32>
      %lt3A_1157 = arith.constant 0.000000e+00 : f32
      %lt3A_1158 = vector.broadcast %lt3A_1157 : f32 to vector<16xf32>
      %lt3A_1159 = arith.cmpf olt, %get3A_1156, %lt3A_1158 : vector<16xf32>
      %select_n3A_1160 = arith.select %lt3A_1159, %broadcast_in_dim3A_1149, %broadcast_in_dim3A_1146 : vector<16xi1>, vector<16xf32>
      %swap3A_1161 = arith.constant 195 : i32
      %swap3A_1162 = arith.index_cast %swap3A_1161 : i32 to index
      %swap3A_1163 = arith.constant 0 : index
      %swap3A_1164 = tpu.vector_load %arg8[%swap3A_1162, %swap3A_1163] {strides = array<i32>} : memref<200x64xf32, #tpu.memory_space<vmem>>, vector<1x16xf32>,
      %swap3A_1165 = vector.shape_cast %swap3A_1164 : vector<1x16xf32> to vector<16xf32>
      %swap3A_1166 = vector.shape_cast %select_n3A_1160 : vector<16xf32> to vector<1x16xf32>
      tpu.vector_store %arg8[%swap3A_1162, %swap3A_1163], %swap3A_1166 {strides = array<i32>} : memref<200x64xf32, #tpu.memory_space<vmem>>, vector<1x16xf32>,
      %get3A_1167 = arith.constant 1 : i32
      %get3A_1168 = arith.constant 195 : i32
      %get3A_1169 = arith.index_cast %get3A_1167 : i32 to index
      %get3A_1170 = arith.index_cast %get3A_1168 : i32 to index
      %get3A_1171 = arith.constant 16 : index
      %get3A_1172 = tpu.vector_load %arg7[%get3A_1169, %get3A_1170, %get3A_1171] {strides = array<i32>} : memref<2x200x128xf32, #tpu.memory_space<vmem>>, vector<1x1x16xf32>,
      %get3A_1173 = vector.shape_cast %get3A_1172 : vector<1x1x16xf32> to vector<16xf32>
      %lt3A_1174 = arith.constant 0.000000e+00 : f32
      %lt3A_1175 = vector.broadcast %lt3A_1174 : f32 to vector<16xf32>
      %lt3A_1176 = arith.cmpf olt, %get3A_1173, %lt3A_1175 : vector<16xf32>
      %select_n3A_1177 = arith.select %lt3A_1176, %broadcast_in_dim3A_1149, %broadcast_in_dim3A_1146 : vector<16xi1>, vector<16xf32>
      %swap3A_1178 = arith.constant 195 : i32
      %swap3A_1179 = arith.index_cast %swap3A_1178 : i32 to index
      %swap3A_1180 = arith.constant 16 : index
      %swap3A_1181 = tpu.vector_load %arg8[%swap3A_1179, %swap3A_1180] {strides = array<i32>} : memref<200x64xf32, #tpu.memory_space<vmem>>, vector<1x16xf32>,
      %swap3A_1182 = vector.shape_cast %swap3A_1181 : vector<1x16xf32> to vector<16xf32>
      %swap3A_1183 = vector.shape_cast %select_n3A_1177 : vector<16xf32> to vector<1x16xf32>
      tpu.vector_store %arg8[%swap3A_1179, %swap3A_1180], %swap3A_1183 {strides = array<i32>} : memref<200x64xf32, #tpu.memory_space<vmem>>, vector<1x16xf32>,
      %get3A_1184 = arith.constant 1 : i32
      %get3A_1185 = arith.constant 195 : i32
      %get3A_1186 = arith.index_cast %get3A_1184 : i32 to index
      %get3A_1187 = arith.index_cast %get3A_1185 : i32 to index
      %get3A_1188 = arith.constant 32 : index
      %get3A_1189 = tpu.vector_load %arg7[%get3A_1186, %get3A_1187, %get3A_1188] {strides = array<i32>} : memref<2x200x128xf32, #tpu.memory_space<vmem>>, vector<1x1x16xf32>,
      %get3A_1190 = vector.shape_cast %get3A_1189 : vector<1x1x16xf32> to vector<16xf32>
      %lt3A_1191 = arith.constant 0.000000e+00 : f32
      %lt3A_1192 = vector.broadcast %lt3A_1191 : f32 to vector<16xf32>
      %lt3A_1193 = arith.cmpf olt, %get3A_1190, %lt3A_1192 : vector<16xf32>
      %select_n3A_1194 = arith.select %lt3A_1193, %broadcast_in_dim3A_1149, %broadcast_in_dim3A_1146 : vector<16xi1>, vector<16xf32>
      %swap3A_1195 = arith.constant 195 : i32
      %swap3A_1196 = arith.index_cast %swap3A_1195 : i32 to index
      %swap3A_1197 = arith.constant 32 : index
      %swap3A_1198 = tpu.vector_load %arg8[%swap3A_1196, %swap3A_1197] {strides = array<i32>} : memref<200x64xf32, #tpu.memory_space<vmem>>, vector<1x16xf32>,
      %swap3A_1199 = vector.shape_cast %swap3A_1198 : vector<1x16xf32> to vector<16xf32>
      %swap3A_1200 = vector.shape_cast %select_n3A_1194 : vector<16xf32> to vector<1x16xf32>
      tpu.vector_store %arg8[%swap3A_1196, %swap3A_1197], %swap3A_1200 {strides = array<i32>} : memref<200x64xf32, #tpu.memory_space<vmem>>, vector<1x16xf32>,
      %get3A_1201 = arith.constant 1 : i32
      %get3A_1202 = arith.constant 195 : i32
      %get3A_1203 = arith.index_cast %get3A_1201 : i32 to index
      %get3A_1204 = arith.index_cast %get3A_1202 : i32 to index
      %get3A_1205 = arith.constant 48 : index
      %get3A_1206 = tpu.vector_load %arg7[%get3A_1203, %get3A_1204, %get3A_1205] {strides = array<i32>} : memref<2x200x128xf32, #tpu.memory_space<vmem>>, vector<1x1x16xf32>,
      %get3A_1207 = vector.shape_cast %get3A_1206 : vector<1x1x16xf32> to vector<16xf32>
      %lt3A_1208 = arith.constant 0.000000e+00 : f32
      %lt3A_1209 = vector.broadcast %lt3A_1208 : f32 to vector<16xf32>
      %lt3A_1210 = arith.cmpf olt, %get3A_1207, %lt3A_1209 : vector<16xf32>
      %select_n3A_1211 = arith.select %lt3A_1210, %broadcast_in_dim3A_1149, %broadcast_in_dim3A_1146 : vector<16xi1>, vector<16xf32>
      %swap3A_1212 = arith.constant 195 : i32
      %swap3A_1213 = arith.index_cast %swap3A_1212 : i32 to index
      %swap3A_1214 = arith.constant 48 : index
      %swap3A_1215 = tpu.vector_load %arg8[%swap3A_1213, %swap3A_1214] {strides = array<i32>} : memref<200x64xf32, #tpu.memory_space<vmem>>, vector<1x16xf32>,
      %swap3A_1216 = vector.shape_cast %swap3A_1215 : vector<1x16xf32> to vector<16xf32>
      %swap3A_1217 = vector.shape_cast %select_n3A_1211 : vector<16xf32> to vector<1x16xf32>
      tpu.vector_store %arg8[%swap3A_1213, %swap3A_1214], %swap3A_1217 {strides = array<i32>} : memref<200x64xf32, #tpu.memory_space<vmem>>, vector<1x16xf32>,
      %slice3A_1218 = vector.extract_strided_slice %max3A_918 {offsets = [12], sizes = [1], strides = [1]} : vector<16xf32> to vector<1xf32>
      %squeeze3A_1219 = vector.extract %slice3A_1218[0] : f32 from vector<1xf32>
      %broadcast_in_dim3A_1220 = vector.broadcast %squeeze3A_1219 : f32 to vector<16xf32>
      %slice3A_1221 = vector.extract_strided_slice %neg3A_921 {offsets = [12], sizes = [1], strides = [1]} : vector<16xf32> to vector<1xf32>
      %squeeze3A_1222 = vector.extract %slice3A_1221[0] : f32 from vector<1xf32>
      %broadcast_in_dim3A_1223 = vector.broadcast %squeeze3A_1222 : f32 to vector<16xf32>
      %get3A_1224 = arith.constant 1 : i32
      %get3A_1225 = arith.constant 196 : i32
      %get3A_1226 = arith.index_cast %get3A_1224 : i32 to index
      %get3A_1227 = arith.index_cast %get3A_1225 : i32 to index
      %get3A_1228 = arith.constant 0 : index
      %get3A_1229 = tpu.vector_load %arg7[%get3A_1226, %get3A_1227, %get3A_1228] {strides = array<i32>} : memref<2x200x128xf32, #tpu.memory_space<vmem>>, vector<1x1x16xf32>,
      %get3A_1230 = vector.shape_cast %get3A_1229 : vector<1x1x16xf32> to vector<16xf32>
      %lt3A_1231 = arith.constant 0.000000e+00 : f32
      %lt3A_1232 = vector.broadcast %lt3A_1231 : f32 to vector<16xf32>
      %lt3A_1233 = arith.cmpf olt, %get3A_1230, %lt3A_1232 : vector<16xf32>
      %select_n3A_1234 = arith.select %lt3A_1233, %broadcast_in_dim3A_1223, %broadcast_in_dim3A_1220 : vector<16xi1>, vector<16xf32>
      %swap3A_1235 = arith.constant 196 : i32
      %swap3A_1236 = arith.index_cast %swap3A_1235 : i32 to index
      %swap3A_1237 = arith.constant 0 : index
      %swap3A_1238 = tpu.vector_load %arg8[%swap3A_1236, %swap3A_1237] {strides = array<i32>} : memref<200x64xf32, #tpu.memory_space<vmem>>, vector<1x16xf32>,
      %swap3A_1239 = vector.shape_cast %swap3A_1238 : vector<1x16xf32> to vector<16xf32>
      %swap3A_1240 = vector.shape_cast %select_n3A_1234 : vector<16xf32> to vector<1x16xf32>
      tpu.vector_store %arg8[%swap3A_1236, %swap3A_1237], %swap3A_1240 {strides = array<i32>} : memref<200x64xf32, #tpu.memory_space<vmem>>, vector<1x16xf32>,
      %get3A_1241 = arith.constant 1 : i32
      %get3A_1242 = arith.constant 196 : i32
      %get3A_1243 = arith.index_cast %get3A_1241 : i32 to index
      %get3A_1244 = arith.index_cast %get3A_1242 : i32 to index
      %get3A_1245 = arith.constant 16 : index
      %get3A_1246 = tpu.vector_load %arg7[%get3A_1243, %get3A_1244, %get3A_1245] {strides = array<i32>} : memref<2x200x128xf32, #tpu.memory_space<vmem>>, vector<1x1x16xf32>,
      %get3A_1247 = vector.shape_cast %get3A_1246 : vector<1x1x16xf32> to vector<16xf32>
      %lt3A_1248 = arith.constant 0.000000e+00 : f32
      %lt3A_1249 = vector.broadcast %lt3A_1248 : f32 to vector<16xf32>
      %lt3A_1250 = arith.cmpf olt, %get3A_1247, %lt3A_1249 : vector<16xf32>
      %select_n3A_1251 = arith.select %lt3A_1250, %broadcast_in_dim3A_1223, %broadcast_in_dim3A_1220 : vector<16xi1>, vector<16xf32>
      %swap3A_1252 = arith.constant 196 : i32
      %swap3A_1253 = arith.index_cast %swap3A_1252 : i32 to index
      %swap3A_1254 = arith.constant 16 : index
      %swap3A_1255 = tpu.vector_load %arg8[%swap3A_1253, %swap3A_1254] {strides = array<i32>} : memref<200x64xf32, #tpu.memory_space<vmem>>, vector<1x16xf32>,
      %swap3A_1256 = vector.shape_cast %swap3A_1255 : vector<1x16xf32> to vector<16xf32>
      %swap3A_1257 = vector.shape_cast %select_n3A_1251 : vector<16xf32> to vector<1x16xf32>
      tpu.vector_store %arg8[%swap3A_1253, %swap3A_1254], %swap3A_1257 {strides = array<i32>} : memref<200x64xf32, #tpu.memory_space<vmem>>, vector<1x16xf32>,
      %get3A_1258 = arith.constant 1 : i32
      %get3A_1259 = arith.constant 196 : i32
      %get3A_1260 = arith.index_cast %get3A_1258 : i32 to index
      %get3A_1261 = arith.index_cast %get3A_1259 : i32 to index
      %get3A_1262 = arith.constant 32 : index
      %get3A_1263 = tpu.vector_load %arg7[%get3A_1260, %get3A_1261, %get3A_1262] {strides = array<i32>} : memref<2x200x128xf32, #tpu.memory_space<vmem>>, vector<1x1x16xf32>,
      %get3A_1264 = vector.shape_cast %get3A_1263 : vector<1x1x16xf32> to vector<16xf32>
      %lt3A_1265 = arith.constant 0.000000e+00 : f32
      %lt3A_1266 = vector.broadcast %lt3A_1265 : f32 to vector<16xf32>
      %lt3A_1267 = arith.cmpf olt, %get3A_1264, %lt3A_1266 : vector<16xf32>
      %select_n3A_1268 = arith.select %lt3A_1267, %broadcast_in_dim3A_1223, %broadcast_in_dim3A_1220 : vector<16xi1>, vector<16xf32>
      %swap3A_1269 = arith.constant 196 : i32
      %swap3A_1270 = arith.index_cast %swap3A_1269 : i32 to index
      %swap3A_1271 = arith.constant 32 : index
      %swap3A_1272 = tpu.vector_load %arg8[%swap3A_1270, %swap3A_1271] {strides = array<i32>} : memref<200x64xf32, #tpu.memory_space<vmem>>, vector<1x16xf32>,
      %swap3A_1273 = vector.shape_cast %swap3A_1272 : vector<1x16xf32> to vector<16xf32>
      %swap3A_1274 = vector.shape_cast %select_n3A_1268 : vector<16xf32> to vector<1x16xf32>
      tpu.vector_store %arg8[%swap3A_1270, %swap3A_1271], %swap3A_1274 {strides = array<i32>} : memref<200x64xf32, #tpu.memory_space<vmem>>, vector<1x16xf32>,
      %get3A_1275 = arith.constant 1 : i32
      %get3A_1276 = arith.constant 196 : i32
      %get3A_1277 = arith.index_cast %get3A_1275 : i32 to index
      %get3A_1278 = arith.index_cast %get3A_1276 : i32 to index
      %get3A_1279 = arith.constant 48 : index
      %get3A_1280 = tpu.vector_load %arg7[%get3A_1277, %get3A_1278, %get3A_1279] {strides = array<i32>} : memref<2x200x128xf32, #tpu.memory_space<vmem>>, vector<1x1x16xf32>,
      %get3A_1281 = vector.shape_cast %get3A_1280 : vector<1x1x16xf32> to vector<16xf32>
      %lt3A_1282 = arith.constant 0.000000e+00 : f32
      %lt3A_1283 = vector.broadcast %lt3A_1282 : f32 to vector<16xf32>
      %lt3A_1284 = arith.cmpf olt, %get3A_1281, %lt3A_1283 : vector<16xf32>
      %select_n3A_1285 = arith.select %lt3A_1284, %broadcast_in_dim3A_1223, %broadcast_in_dim3A_1220 : vector<16xi1>, vector<16xf32>
      %swap3A_1286 = arith.constant 196 : i32
      %swap3A_1287 = arith.index_cast %swap3A_1286 : i32 to index
      %swap3A_1288 = arith.constant 48 : index
      %swap3A_1289 = tpu.vector_load %arg8[%swap3A_1287, %swap3A_1288] {strides = array<i32>} : memref<200x64xf32, #tpu.memory_space<vmem>>, vector<1x16xf32>,
      %swap3A_1290 = vector.shape_cast %swap3A_1289 : vector<1x16xf32> to vector<16xf32>
      %swap3A_1291 = vector.shape_cast %select_n3A_1285 : vector<16xf32> to vector<1x16xf32>
      tpu.vector_store %arg8[%swap3A_1287, %swap3A_1288], %swap3A_1291 {strides = array<i32>} : memref<200x64xf32, #tpu.memory_space<vmem>>, vector<1x16xf32>,
      %slice3A_1292 = vector.extract_strided_slice %max3A_918 {offsets = [13], sizes = [1], strides = [1]} : vector<16xf32> to vector<1xf32>
      %squeeze3A_1293 = vector.extract %slice3A_1292[0] : f32 from vector<1xf32>
      %broadcast_in_dim3A_1294 = vector.broadcast %squeeze3A_1293 : f32 to vector<16xf32>
      %slice3A_1295 = vector.extract_strided_slice %neg3A_921 {offsets = [13], sizes = [1], strides = [1]} : vector<16xf32> to vector<1xf32>
      %squeeze3A_1296 = vector.extract %slice3A_1295[0] : f32 from vector<1xf32>
      %broadcast_in_dim3A_1297 = vector.broadcast %squeeze3A_1296 : f32 to vector<16xf32>
      %get3A_1298 = arith.constant 1 : i32
      %get3A_1299 = arith.constant 197 : i32
      %get3A_1300 = arith.index_cast %get3A_1298 : i32 to index
      %get3A_1301 = arith.index_cast %get3A_1299 : i32 to index
      %get3A_1302 = arith.constant 0 : index
      %get3A_1303 = tpu.vector_load %arg7[%get3A_1300, %get3A_1301, %get3A_1302] {strides = array<i32>} : memref<2x200x128xf32, #tpu.memory_space<vmem>>, vector<1x1x16xf32>,
      %get3A_1304 = vector.shape_cast %get3A_1303 : vector<1x1x16xf32> to vector<16xf32>
      %lt3A_1305 = arith.constant 0.000000e+00 : f32
      %lt3A_1306 = vector.broadcast %lt3A_1305 : f32 to vector<16xf32>
      %lt3A_1307 = arith.cmpf olt, %get3A_1304, %lt3A_1306 : vector<16xf32>
      %select_n3A_1308 = arith.select %lt3A_1307, %broadcast_in_dim3A_1297, %broadcast_in_dim3A_1294 : vector<16xi1>, vector<16xf32>
      %swap3A_1309 = arith.constant 197 : i32
      %swap3A_1310 = arith.index_cast %swap3A_1309 : i32 to index
      %swap3A_1311 = arith.constant 0 : index
      %swap3A_1312 = tpu.vector_load %arg8[%swap3A_1310, %swap3A_1311] {strides = array<i32>} : memref<200x64xf32, #tpu.memory_space<vmem>>, vector<1x16xf32>,
      %swap3A_1313 = vector.shape_cast %swap3A_1312 : vector<1x16xf32> to vector<16xf32>
      %swap3A_1314 = vector.shape_cast %select_n3A_1308 : vector<16xf32> to vector<1x16xf32>
      tpu.vector_store %arg8[%swap3A_1310, %swap3A_1311], %swap3A_1314 {strides = array<i32>} : memref<200x64xf32, #tpu.memory_space<vmem>>, vector<1x16xf32>,
      %get3A_1315 = arith.constant 1 : i32
      %get3A_1316 = arith.constant 197 : i32
      %get3A_1317 = arith.index_cast %get3A_1315 : i32 to index
      %get3A_1318 = arith.index_cast %get3A_1316 : i32 to index
      %get3A_1319 = arith.constant 16 : index
      %get3A_1320 = tpu.vector_load %arg7[%get3A_1317, %get3A_1318, %get3A_1319] {strides = array<i32>} : memref<2x200x128xf32, #tpu.memory_space<vmem>>, vector<1x1x16xf32>,
      %get3A_1321 = vector.shape_cast %get3A_1320 : vector<1x1x16xf32> to vector<16xf32>
      %lt3A_1322 = arith.constant 0.000000e+00 : f32
      %lt3A_1323 = vector.broadcast %lt3A_1322 : f32 to vector<16xf32>
      %lt3A_1324 = arith.cmpf olt, %get3A_1321, %lt3A_1323 : vector<16xf32>
      %select_n3A_1325 = arith.select %lt3A_1324, %broadcast_in_dim3A_1297, %broadcast_in_dim3A_1294 : vector<16xi1>, vector<16xf32>
      %swap3A_1326 = arith.constant 197 : i32
      %swap3A_1327 = arith.index_cast %swap3A_1326 : i32 to index
      %swap3A_1328 = arith.constant 16 : index
      %swap3A_1329 = tpu.vector_load %arg8[%swap3A_1327, %swap3A_1328] {strides = array<i32>} : memref<200x64xf32, #tpu.memory_space<vmem>>, vector<1x16xf32>,
      %swap3A_1330 = vector.shape_cast %swap3A_1329 : vector<1x16xf32> to vector<16xf32>
      %swap3A_1331 = vector.shape_cast %select_n3A_1325 : vector<16xf32> to vector<1x16xf32>
      tpu.vector_store %arg8[%swap3A_1327, %swap3A_1328], %swap3A_1331 {strides = array<i32>} : memref<200x64xf32, #tpu.memory_space<vmem>>, vector<1x16xf32>,
      %get3A_1332 = arith.constant 1 : i32
      %get3A_1333 = arith.constant 197 : i32
      %get3A_1334 = arith.index_cast %get3A_1332 : i32 to index
      %get3A_1335 = arith.index_cast %get3A_1333 : i32 to index
      %get3A_1336 = arith.constant 32 : index
      %get3A_1337 = tpu.vector_load %arg7[%get3A_1334, %get3A_1335, %get3A_1336] {strides = array<i32>} : memref<2x200x128xf32, #tpu.memory_space<vmem>>, vector<1x1x16xf32>,
      %get3A_1338 = vector.shape_cast %get3A_1337 : vector<1x1x16xf32> to vector<16xf32>
      %lt3A_1339 = arith.constant 0.000000e+00 : f32
      %lt3A_1340 = vector.broadcast %lt3A_1339 : f32 to vector<16xf32>
      %lt3A_1341 = arith.cmpf olt, %get3A_1338, %lt3A_1340 : vector<16xf32>
      %select_n3A_1342 = arith.select %lt3A_1341, %broadcast_in_dim3A_1297, %broadcast_in_dim3A_1294 : vector<16xi1>, vector<16xf32>
      %swap3A_1343 = arith.constant 197 : i32
      %swap3A_1344 = arith.index_cast %swap3A_1343 : i32 to index
      %swap3A_1345 = arith.constant 32 : index
      %swap3A_1346 = tpu.vector_load %arg8[%swap3A_1344, %swap3A_1345] {strides = array<i32>} : memref<200x64xf32, #tpu.memory_space<vmem>>, vector<1x16xf32>,
      %swap3A_1347 = vector.shape_cast %swap3A_1346 : vector<1x16xf32> to vector<16xf32>
      %swap3A_1348 = vector.shape_cast %select_n3A_1342 : vector<16xf32> to vector<1x16xf32>
      tpu.vector_store %arg8[%swap3A_1344, %swap3A_1345], %swap3A_1348 {strides = array<i32>} : memref<200x64xf32, #tpu.memory_space<vmem>>, vector<1x16xf32>,
      %get3A_1349 = arith.constant 1 : i32
      %get3A_1350 = arith.constant 197 : i32
      %get3A_1351 = arith.index_cast %get3A_1349 : i32 to index
      %get3A_1352 = arith.index_cast %get3A_1350 : i32 to index
      %get3A_1353 = arith.constant 48 : index
      %get3A_1354 = tpu.vector_load %arg7[%get3A_1351, %get3A_1352, %get3A_1353] {strides = array<i32>} : memref<2x200x128xf32, #tpu.memory_space<vmem>>, vector<1x1x16xf32>,
      %get3A_1355 = vector.shape_cast %get3A_1354 : vector<1x1x16xf32> to vector<16xf32>
      %lt3A_1356 = arith.constant 0.000000e+00 : f32
      %lt3A_1357 = vector.broadcast %lt3A_1356 : f32 to vector<16xf32>
      %lt3A_1358 = arith.cmpf olt, %get3A_1355, %lt3A_1357 : vector<16xf32>
      %select_n3A_1359 = arith.select %lt3A_1358, %broadcast_in_dim3A_1297, %broadcast_in_dim3A_1294 : vector<16xi1>, vector<16xf32>
      %swap3A_1360 = arith.constant 197 : i32
      %swap3A_1361 = arith.index_cast %swap3A_1360 : i32 to index
      %swap3A_1362 = arith.constant 48 : index
      %swap3A_1363 = tpu.vector_load %arg8[%swap3A_1361, %swap3A_1362] {strides = array<i32>} : memref<200x64xf32, #tpu.memory_space<vmem>>, vector<1x16xf32>,
      %swap3A_1364 = vector.shape_cast %swap3A_1363 : vector<1x16xf32> to vector<16xf32>
      %swap3A_1365 = vector.shape_cast %select_n3A_1359 : vector<16xf32> to vector<1x16xf32>
      tpu.vector_store %arg8[%swap3A_1361, %swap3A_1362], %swap3A_1365 {strides = array<i32>} : memref<200x64xf32, #tpu.memory_space<vmem>>, vector<1x16xf32>,
      %slice3A_1366 = vector.extract_strided_slice %max3A_918 {offsets = [14], sizes = [1], strides = [1]} : vector<16xf32> to vector<1xf32>
      %squeeze3A_1367 = vector.extract %slice3A_1366[0] : f32 from vector<1xf32>
      %broadcast_in_dim3A_1368 = vector.broadcast %squeeze3A_1367 : f32 to vector<16xf32>
      %slice3A_1369 = vector.extract_strided_slice %neg3A_921 {offsets = [14], sizes = [1], strides = [1]} : vector<16xf32> to vector<1xf32>
      %squeeze3A_1370 = vector.extract %slice3A_1369[0] : f32 from vector<1xf32>
      %broadcast_in_dim3A_1371 = vector.broadcast %squeeze3A_1370 : f32 to vector<16xf32>
      %get3A_1372 = arith.constant 1 : i32
      %get3A_1373 = arith.constant 198 : i32
      %get3A_1374 = arith.index_cast %get3A_1372 : i32 to index
      %get3A_1375 = arith.index_cast %get3A_1373 : i32 to index
      %get3A_1376 = arith.constant 0 : index
      %get3A_1377 = tpu.vector_load %arg7[%get3A_1374, %get3A_1375, %get3A_1376] {strides = array<i32>} : memref<2x200x128xf32, #tpu.memory_space<vmem>>, vector<1x1x16xf32>,
      %get3A_1378 = vector.shape_cast %get3A_1377 : vector<1x1x16xf32> to vector<16xf32>
      %lt3A_1379 = arith.constant 0.000000e+00 : f32
      %lt3A_1380 = vector.broadcast %lt3A_1379 : f32 to vector<16xf32>
      %lt3A_1381 = arith.cmpf olt, %get3A_1378, %lt3A_1380 : vector<16xf32>
      %select_n3A_1382 = arith.select %lt3A_1381, %broadcast_in_dim3A_1371, %broadcast_in_dim3A_1368 : vector<16xi1>, vector<16xf32>
      %swap3A_1383 = arith.constant 198 : i32
      %swap3A_1384 = arith.index_cast %swap3A_1383 : i32 to index
      %swap3A_1385 = arith.constant 0 : index
      %swap3A_1386 = tpu.vector_load %arg8[%swap3A_1384, %swap3A_1385] {strides = array<i32>} : memref<200x64xf32, #tpu.memory_space<vmem>>, vector<1x16xf32>,
      %swap3A_1387 = vector.shape_cast %swap3A_1386 : vector<1x16xf32> to vector<16xf32>
      %swap3A_1388 = vector.shape_cast %select_n3A_1382 : vector<16xf32> to vector<1x16xf32>
      tpu.vector_store %arg8[%swap3A_1384, %swap3A_1385], %swap3A_1388 {strides = array<i32>} : memref<200x64xf32, #tpu.memory_space<vmem>>, vector<1x16xf32>,
      %get3A_1389 = arith.constant 1 : i32
      %get3A_1390 = arith.constant 198 : i32
      %get3A_1391 = arith.index_cast %get3A_1389 : i32 to index
      %get3A_1392 = arith.index_cast %get3A_1390 : i32 to index
      %get3A_1393 = arith.constant 16 : index
      %get3A_1394 = tpu.vector_load %arg7[%get3A_1391, %get3A_1392, %get3A_1393] {strides = array<i32>} : memref<2x200x128xf32, #tpu.memory_space<vmem>>, vector<1x1x16xf32>,
      %get3A_1395 = vector.shape_cast %get3A_1394 : vector<1x1x16xf32> to vector<16xf32>
      %lt3A_1396 = arith.constant 0.000000e+00 : f32
      %lt3A_1397 = vector.broadcast %lt3A_1396 : f32 to vector<16xf32>
      %lt3A_1398 = arith.cmpf olt, %get3A_1395, %lt3A_1397 : vector<16xf32>
      %select_n3A_1399 = arith.select %lt3A_1398, %broadcast_in_dim3A_1371, %broadcast_in_dim3A_1368 : vector<16xi1>, vector<16xf32>
      %swap3A_1400 = arith.constant 198 : i32
      %swap3A_1401 = arith.index_cast %swap3A_1400 : i32 to index
      %swap3A_1402 = arith.constant 16 : index
      %swap3A_1403 = tpu.vector_load %arg8[%swap3A_1401, %swap3A_1402] {strides = array<i32>} : memref<200x64xf32, #tpu.memory_space<vmem>>, vector<1x16xf32>,
      %swap3A_1404 = vector.shape_cast %swap3A_1403 : vector<1x16xf32> to vector<16xf32>
      %swap3A_1405 = vector.shape_cast %select_n3A_1399 : vector<16xf32> to vector<1x16xf32>
      tpu.vector_store %arg8[%swap3A_1401, %swap3A_1402], %swap3A_1405 {strides = array<i32>} : memref<200x64xf32, #tpu.memory_space<vmem>>, vector<1x16xf32>,
      %get3A_1406 = arith.constant 1 : i32
      %get3A_1407 = arith.constant 198 : i32
      %get3A_1408 = arith.index_cast %get3A_1406 : i32 to index
      %get3A_1409 = arith.index_cast %get3A_1407 : i32 to index
      %get3A_1410 = arith.constant 32 : index
      %get3A_1411 = tpu.vector_load %arg7[%get3A_1408, %get3A_1409, %get3A_1410] {strides = array<i32>} : memref<2x200x128xf32, #tpu.memory_space<vmem>>, vector<1x1x16xf32>,
      %get3A_1412 = vector.shape_cast %get3A_1411 : vector<1x1x16xf32> to vector<16xf32>
      %lt3A_1413 = arith.constant 0.000000e+00 : f32
      %lt3A_1414 = vector.broadcast %lt3A_1413 : f32 to vector<16xf32>
      %lt3A_1415 = arith.cmpf olt, %get3A_1412, %lt3A_1414 : vector<16xf32>
      %select_n3A_1416 = arith.select %lt3A_1415, %broadcast_in_dim3A_1371, %broadcast_in_dim3A_1368 : vector<16xi1>, vector<16xf32>
      %swap3A_1417 = arith.constant 198 : i32
      %swap3A_1418 = arith.index_cast %swap3A_1417 : i32 to index
      %swap3A_1419 = arith.constant 32 : index
      %swap3A_1420 = tpu.vector_load %arg8[%swap3A_1418, %swap3A_1419] {strides = array<i32>} : memref<200x64xf32, #tpu.memory_space<vmem>>, vector<1x16xf32>,
      %swap3A_1421 = vector.shape_cast %swap3A_1420 : vector<1x16xf32> to vector<16xf32>
      %swap3A_1422 = vector.shape_cast %select_n3A_1416 : vector<16xf32> to vector<1x16xf32>
      tpu.vector_store %arg8[%swap3A_1418, %swap3A_1419], %swap3A_1422 {strides = array<i32>} : memref<200x64xf32, #tpu.memory_space<vmem>>, vector<1x16xf32>,
      %get3A_1423 = arith.constant 1 : i32
      %get3A_1424 = arith.constant 198 : i32
      %get3A_1425 = arith.index_cast %get3A_1423 : i32 to index
      %get3A_1426 = arith.index_cast %get3A_1424 : i32 to index
      %get3A_1427 = arith.constant 48 : index
      %get3A_1428 = tpu.vector_load %arg7[%get3A_1425, %get3A_1426, %get3A_1427] {strides = array<i32>} : memref<2x200x128xf32, #tpu.memory_space<vmem>>, vector<1x1x16xf32>,
      %get3A_1429 = vector.shape_cast %get3A_1428 : vector<1x1x16xf32> to vector<16xf32>
      %lt3A_1430 = arith.constant 0.000000e+00 : f32
      %lt3A_1431 = vector.broadcast %lt3A_1430 : f32 to vector<16xf32>
      %lt3A_1432 = arith.cmpf olt, %get3A_1429, %lt3A_1431 : vector<16xf32>
      %select_n3A_1433 = arith.select %lt3A_1432, %broadcast_in_dim3A_1371, %broadcast_in_dim3A_1368 : vector<16xi1>, vector<16xf32>
      %swap3A_1434 = arith.constant 198 : i32
      %swap3A_1435 = arith.index_cast %swap3A_1434 : i32 to index
      %swap3A_1436 = arith.constant 48 : index
      %swap3A_1437 = tpu.vector_load %arg8[%swap3A_1435, %swap3A_1436] {strides = array<i32>} : memref<200x64xf32, #tpu.memory_space<vmem>>, vector<1x16xf32>,
      %swap3A_1438 = vector.shape_cast %swap3A_1437 : vector<1x16xf32> to vector<16xf32>
      %swap3A_1439 = vector.shape_cast %select_n3A_1433 : vector<16xf32> to vector<1x16xf32>
      tpu.vector_store %arg8[%swap3A_1435, %swap3A_1436], %swap3A_1439 {strides = array<i32>} : memref<200x64xf32, #tpu.memory_space<vmem>>, vector<1x16xf32>,
      %slice3A_1440 = vector.extract_strided_slice %max3A_918 {offsets = [15], sizes = [1], strides = [1]} : vector<16xf32> to vector<1xf32>
      %squeeze3A_1441 = vector.extract %slice3A_1440[0] : f32 from vector<1xf32>
      %broadcast_in_dim3A_1442 = vector.broadcast %squeeze3A_1441 : f32 to vector<16xf32>
      %slice3A_1443 = vector.extract_strided_slice %neg3A_921 {offsets = [15], sizes = [1], strides = [1]} : vector<16xf32> to vector<1xf32>
      %squeeze3A_1444 = vector.extract %slice3A_1443[0] : f32 from vector<1xf32>
      %broadcast_in_dim3A_1445 = vector.broadcast %squeeze3A_1444 : f32 to vector<16xf32>
      %get3A_1446 = arith.constant 1 : i32
      %get3A_1447 = arith.constant 199 : i32
      %get3A_1448 = arith.index_cast %get3A_1446 : i32 to index
      %get3A_1449 = arith.index_cast %get3A_1447 : i32 to index
      %get3A_1450 = arith.constant 0 : index
      %get3A_1451 = tpu.vector_load %arg7[%get3A_1448, %get3A_1449, %get3A_1450] {strides = array<i32>} : memref<2x200x128xf32, #tpu.memory_space<vmem>>, vector<1x1x16xf32>,
      %get3A_1452 = vector.shape_cast %get3A_1451 : vector<1x1x16xf32> to vector<16xf32>
      %lt3A_1453 = arith.constant 0.000000e+00 : f32
      %lt3A_1454 = vector.broadcast %lt3A_1453 : f32 to vector<16xf32>
      %lt3A_1455 = arith.cmpf olt, %get3A_1452, %lt3A_1454 : vector<16xf32>
      %select_n3A_1456 = arith.select %lt3A_1455, %broadcast_in_dim3A_1445, %broadcast_in_dim3A_1442 : vector<16xi1>, vector<16xf32>
      %swap3A_1457 = arith.constant 199 : i32
      %swap3A_1458 = arith.index_cast %swap3A_1457 : i32 to index
      %swap3A_1459 = arith.constant 0 : index
      %swap3A_1460 = tpu.vector_load %arg8[%swap3A_1458, %swap3A_1459] {strides = array<i32>} : memref<200x64xf32, #tpu.memory_space<vmem>>, vector<1x16xf32>,
      %swap3A_1461 = vector.shape_cast %swap3A_1460 : vector<1x16xf32> to vector<16xf32>
      %swap3A_1462 = vector.shape_cast %select_n3A_1456 : vector<16xf32> to vector<1x16xf32>
      tpu.vector_store %arg8[%swap3A_1458, %swap3A_1459], %swap3A_1462 {strides = array<i32>} : memref<200x64xf32, #tpu.memory_space<vmem>>, vector<1x16xf32>,
      %get3A_1463 = arith.constant 1 : i32
      %get3A_1464 = arith.constant 199 : i32
      %get3A_1465 = arith.index_cast %get3A_1463 : i32 to index
      %get3A_1466 = arith.index_cast %get3A_1464 : i32 to index
      %get3A_1467 = arith.constant 16 : index
      %get3A_1468 = tpu.vector_load %arg7[%get3A_1465, %get3A_1466, %get3A_1467] {strides = array<i32>} : memref<2x200x128xf32, #tpu.memory_space<vmem>>, vector<1x1x16xf32>,
      %get3A_1469 = vector.shape_cast %get3A_1468 : vector<1x1x16xf32> to vector<16xf32>
      %lt3A_1470 = arith.constant 0.000000e+00 : f32
      %lt3A_1471 = vector.broadcast %lt3A_1470 : f32 to vector<16xf32>
      %lt3A_1472 = arith.cmpf olt, %get3A_1469, %lt3A_1471 : vector<16xf32>
      %select_n3A_1473 = arith.select %lt3A_1472, %broadcast_in_dim3A_1445, %broadcast_in_dim3A_1442 : vector<16xi1>, vector<16xf32>
      %swap3A_1474 = arith.constant 199 : i32
      %swap3A_1475 = arith.index_cast %swap3A_1474 : i32 to index
      %swap3A_1476 = arith.constant 16 : index
      %swap3A_1477 = tpu.vector_load %arg8[%swap3A_1475, %swap3A_1476] {strides = array<i32>} : memref<200x64xf32, #tpu.memory_space<vmem>>, vector<1x16xf32>,
      %swap3A_1478 = vector.shape_cast %swap3A_1477 : vector<1x16xf32> to vector<16xf32>
      %swap3A_1479 = vector.shape_cast %select_n3A_1473 : vector<16xf32> to vector<1x16xf32>
      tpu.vector_store %arg8[%swap3A_1475, %swap3A_1476], %swap3A_1479 {strides = array<i32>} : memref<200x64xf32, #tpu.memory_space<vmem>>, vector<1x16xf32>,
      %get3A_1480 = arith.constant 1 : i32
      %get3A_1481 = arith.constant 199 : i32
      %get3A_1482 = arith.index_cast %get3A_1480 : i32 to index
      %get3A_1483 = arith.index_cast %get3A_1481 : i32 to index
      %get3A_1484 = arith.constant 32 : index
      %get3A_1485 = tpu.vector_load %arg7[%get3A_1482, %get3A_1483, %get3A_1484] {strides = array<i32>} : memref<2x200x128xf32, #tpu.memory_space<vmem>>, vector<1x1x16xf32>,
      %get3A_1486 = vector.shape_cast %get3A_1485 : vector<1x1x16xf32> to vector<16xf32>
      %lt3A_1487 = arith.constant 0.000000e+00 : f32
      %lt3A_1488 = vector.broadcast %lt3A_1487 : f32 to vector<16xf32>
      %lt3A_1489 = arith.cmpf olt, %get3A_1486, %lt3A_1488 : vector<16xf32>
      %select_n3A_1490 = arith.select %lt3A_1489, %broadcast_in_dim3A_1445, %broadcast_in_dim3A_1442 : vector<16xi1>, vector<16xf32>
      %swap3A_1491 = arith.constant 199 : i32
      %swap3A_1492 = arith.index_cast %swap3A_1491 : i32 to index
      %swap3A_1493 = arith.constant 32 : index
      %swap3A_1494 = tpu.vector_load %arg8[%swap3A_1492, %swap3A_1493] {strides = array<i32>} : memref<200x64xf32, #tpu.memory_space<vmem>>, vector<1x16xf32>,
      %swap3A_1495 = vector.shape_cast %swap3A_1494 : vector<1x16xf32> to vector<16xf32>
      %swap3A_1496 = vector.shape_cast %select_n3A_1490 : vector<16xf32> to vector<1x16xf32>
      tpu.vector_store %arg8[%swap3A_1492, %swap3A_1493], %swap3A_1496 {strides = array<i32>} : memref<200x64xf32, #tpu.memory_space<vmem>>, vector<1x16xf32>,
      %get3A_1497 = arith.constant 1 : i32
      %get3A_1498 = arith.constant 199 : i32
      %get3A_1499 = arith.index_cast %get3A_1497 : i32 to index
      %get3A_1500 = arith.index_cast %get3A_1498 : i32 to index
      %get3A_1501 = arith.constant 48 : index
      %get3A_1502 = tpu.vector_load %arg7[%get3A_1499, %get3A_1500, %get3A_1501] {strides = array<i32>} : memref<2x200x128xf32, #tpu.memory_space<vmem>>, vector<1x1x16xf32>,
      %get3A_1503 = vector.shape_cast %get3A_1502 : vector<1x1x16xf32> to vector<16xf32>
      %lt3A_1504 = arith.constant 0.000000e+00 : f32
      %lt3A_1505 = vector.broadcast %lt3A_1504 : f32 to vector<16xf32>
      %lt3A_1506 = arith.cmpf olt, %get3A_1503, %lt3A_1505 : vector<16xf32>
      %select_n3A_1507 = arith.select %lt3A_1506, %broadcast_in_dim3A_1445, %broadcast_in_dim3A_1442 : vector<16xi1>, vector<16xf32>
      %swap3A_1508 = arith.constant 199 : i32
      %swap3A_1509 = arith.index_cast %swap3A_1508 : i32 to index
      %swap3A_1510 = arith.constant 48 : index
      %swap3A_1511 = tpu.vector_load %arg8[%swap3A_1509, %swap3A_1510] {strides = array<i32>} : memref<200x64xf32, #tpu.memory_space<vmem>>, vector<1x16xf32>,
      %swap3A_1512 = vector.shape_cast %swap3A_1511 : vector<1x16xf32> to vector<16xf32>
      %swap3A_1513 = vector.shape_cast %select_n3A_1507 : vector<16xf32> to vector<1x16xf32>
      tpu.vector_store %arg8[%swap3A_1509, %swap3A_1510], %swap3A_1513 {strides = array<i32>} : memref<200x64xf32, #tpu.memory_space<vmem>>, vector<1x16xf32>,
      %mul3A_1514 = arith.constant 4 : i32
      %mul3A_1515 = arith.muli %add3A_809, %mul3A_1514 : i32
      %add3A_1516 = arith.addi %mul3A_4, %mul3A_1515 : i32
      %add3A_1517 = arith.constant 0 : i32
      %add3A_1518 = arith.addi %add3A_1516, %add3A_1517 : i32
      "tpu.region"() ({
        %run_scoped3A = tpu.sem_alloc : memref<!tpu.dma_semaphore, #tpu.memory_space<semaphore_mem>>
        %dma_start3A_1534 = arith.constant 0 : i32
        %dma_start3A_1535 = arith.constant 0 : i32
        %dma_start3A_1536 = tpu.memref_slice %arg8[%dma_start3A_1534, %dma_start3A_1535] : memref<200x64xf32, #tpu.memory_space<vmem>> -> memref<50x64xf32, #tpu.memory_space<vmem>>
        %dma_start3A_1537 = arith.constant 0 : i32
        %dma_start3A_1538 = arith.constant 0 : i32
        %dma_start3A_1539 = tpu.memref_slice %arg5[%add3A_1518, %dma_start3A_1537, %dma_start3A_1538] : memref<4096x50x64xf32, #tpu.memory_space<hbm>> -> memref<1x50x64xf32, #tpu.memory_space<hbm>>
        %dma_start3A_1540 = tpu.memref_squeeze %dma_start3A_1539 : memref<1x50x64xf32, #tpu.memory_space<hbm>> -> memref<50x64xf32, #tpu.memory_space<hbm>>
        %dma_start3A_1541 = arith.constant 0 : i32
        %dma_start3A_1542 = arith.constant 0 : i32
        %dma_start3A_1543 = tpu.memref_slice %arg5[%add3A_1518, %dma_start3A_1541, %dma_start3A_1542] : memref<4096x50x64xf32, #tpu.memory_space<hbm>> -> memref<1x50x64xf32, #tpu.memory_space<hbm>>
        %dma_start3A_1544 = tpu.memref_squeeze %dma_start3A_1543 : memref<1x50x64xf32, #tpu.memory_space<hbm>> -> memref<50x64xf32, #tpu.memory_space<hbm>>
        %dma_start3A_1545 = arith.constant 0 : i32
        %dma_start3A_1546 = arith.constant 0 : i32
        %dma_start3A_1547 = tpu.memref_slice %arg8[%dma_start3A_1545, %dma_start3A_1546] : memref<200x64xf32, #tpu.memory_space<vmem>> -> memref<50x64xf32, #tpu.memory_space<vmem>>
        tpu.enqueue_dma source(%dma_start3A_1547 : memref<50x64xf32, #tpu.memory_space<vmem>>) target(%dma_start3A_1544 : memref<50x64xf32, #tpu.memory_space<hbm>>) target_semaphore(%run_scoped3A : memref<!tpu.dma_semaphore, #tpu.memory_space<semaphore_mem>>)
        %dma_wait3A_1548 = arith.constant 0 : i32
        %dma_wait3A_1549 = arith.constant 0 : i32
        %dma_wait3A_1550 = tpu.memref_slice %arg8[%dma_wait3A_1548, %dma_wait3A_1549] : memref<200x64xf32, #tpu.memory_space<vmem>> -> memref<50x64xf32, #tpu.memory_space<vmem>>
        %dma_wait3A_1551 = arith.constant 0 : i32
        %dma_wait3A_1552 = arith.constant 0 : i32
        %dma_wait3A_1553 = tpu.memref_slice %arg5[%add3A_1518, %dma_wait3A_1551, %dma_wait3A_1552] : memref<4096x50x64xf32, #tpu.memory_space<hbm>> -> memref<1x50x64xf32, #tpu.memory_space<hbm>>
        %dma_wait3A_1554 = tpu.memref_squeeze %dma_wait3A_1553 : memref<1x50x64xf32, #tpu.memory_space<hbm>> -> memref<50x64xf32, #tpu.memory_space<hbm>>
        %dma_wait3A_1555 = arith.constant 0 : i32
        %dma_wait3A_1556 = arith.constant 0 : i32
        %dma_wait3A_1557 = tpu.memref_slice %arg5[%add3A_1518, %dma_wait3A_1555, %dma_wait3A_1556] : memref<4096x50x64xf32, #tpu.memory_space<hbm>> -> memref<1x50x64xf32, #tpu.memory_space<hbm>>
        %dma_wait3A_1558 = tpu.memref_squeeze %dma_wait3A_1557 : memref<1x50x64xf32, #tpu.memory_space<hbm>> -> memref<50x64xf32, #tpu.memory_space<hbm>>
        %dma_wait3A_1559 = arith.constant 0 : i32
        %dma_wait3A_1560 = arith.constant 0 : i32
        %dma_wait3A_1561 = tpu.memref_slice %arg8[%dma_wait3A_1559, %dma_wait3A_1560] : memref<200x64xf32, #tpu.memory_space<vmem>> -> memref<50x64xf32, #tpu.memory_space<vmem>>
        tpu.wait_dma2 semaphore(%run_scoped3A : memref<!tpu.dma_semaphore, #tpu.memory_space<semaphore_mem>>) src(%dma_wait3A_1561 : memref<50x64xf32, #tpu.memory_space<vmem>>) dst(%dma_wait3A_1558 : memref<50x64xf32, #tpu.memory_space<hbm>>)
        tpu.yield
      }) : () -> ()
      %mul3A_1519 = arith.constant 4 : i32
      %mul3A_1520 = arith.muli %add3A_809, %mul3A_1519 : i32
      %add3A_1521 = arith.addi %mul3A_4, %mul3A_1520 : i32
      %add3A_1522 = arith.constant 1 : i32
      %add3A_1523 = arith.addi %add3A_1521, %add3A_1522 : i32
      "tpu.region"() ({
        %run_scoped3A = tpu.sem_alloc : memref<!tpu.dma_semaphore, #tpu.memory_space<semaphore_mem>>
        %dma_start3A_1534 = arith.constant 50 : i32
        %dma_start3A_1535 = arith.constant 0 : i32
        %dma_start3A_1536 = tpu.memref_slice %arg8[%dma_start3A_1534, %dma_start3A_1535] : memref<200x64xf32, #tpu.memory_space<vmem>> -> memref<50x64xf32, #tpu.memory_space<vmem>>
        %dma_start3A_1537 = arith.constant 0 : i32
        %dma_start3A_1538 = arith.constant 0 : i32
        %dma_start3A_1539 = tpu.memref_slice %arg5[%add3A_1523, %dma_start3A_1537, %dma_start3A_1538] : memref<4096x50x64xf32, #tpu.memory_space<hbm>> -> memref<1x50x64xf32, #tpu.memory_space<hbm>>
        %dma_start3A_1540 = tpu.memref_squeeze %dma_start3A_1539 : memref<1x50x64xf32, #tpu.memory_space<hbm>> -> memref<50x64xf32, #tpu.memory_space<hbm>>
        %dma_start3A_1541 = arith.constant 0 : i32
        %dma_start3A_1542 = arith.constant 0 : i32
        %dma_start3A_1543 = tpu.memref_slice %arg5[%add3A_1523, %dma_start3A_1541, %dma_start3A_1542] : memref<4096x50x64xf32, #tpu.memory_space<hbm>> -> memref<1x50x64xf32, #tpu.memory_space<hbm>>
        %dma_start3A_1544 = tpu.memref_squeeze %dma_start3A_1543 : memref<1x50x64xf32, #tpu.memory_space<hbm>> -> memref<50x64xf32, #tpu.memory_space<hbm>>
        %dma_start3A_1545 = arith.constant 50 : i32
        %dma_start3A_1546 = arith.constant 0 : i32
        %dma_start3A_1547 = tpu.memref_slice %arg8[%dma_start3A_1545, %dma_start3A_1546] : memref<200x64xf32, #tpu.memory_space<vmem>> -> memref<50x64xf32, #tpu.memory_space<vmem>>
        tpu.enqueue_dma source(%dma_start3A_1547 : memref<50x64xf32, #tpu.memory_space<vmem>>) target(%dma_start3A_1544 : memref<50x64xf32, #tpu.memory_space<hbm>>) target_semaphore(%run_scoped3A : memref<!tpu.dma_semaphore, #tpu.memory_space<semaphore_mem>>)
        %dma_wait3A_1548 = arith.constant 50 : i32
        %dma_wait3A_1549 = arith.constant 0 : i32
        %dma_wait3A_1550 = tpu.memref_slice %arg8[%dma_wait3A_1548, %dma_wait3A_1549] : memref<200x64xf32, #tpu.memory_space<vmem>> -> memref<50x64xf32, #tpu.memory_space<vmem>>
        %dma_wait3A_1551 = arith.constant 0 : i32
        %dma_wait3A_1552 = arith.constant 0 : i32
        %dma_wait3A_1553 = tpu.memref_slice %arg5[%add3A_1523, %dma_wait3A_1551, %dma_wait3A_1552] : memref<4096x50x64xf32, #tpu.memory_space<hbm>> -> memref<1x50x64xf32, #tpu.memory_space<hbm>>
        %dma_wait3A_1554 = tpu.memref_squeeze %dma_wait3A_1553 : memref<1x50x64xf32, #tpu.memory_space<hbm>> -> memref<50x64xf32, #tpu.memory_space<hbm>>
        %dma_wait3A_1555 = arith.constant 0 : i32
        %dma_wait3A_1556 = arith.constant 0 : i32
        %dma_wait3A_1557 = tpu.memref_slice %arg5[%add3A_1523, %dma_wait3A_1555, %dma_wait3A_1556] : memref<4096x50x64xf32, #tpu.memory_space<hbm>> -> memref<1x50x64xf32, #tpu.memory_space<hbm>>
        %dma_wait3A_1558 = tpu.memref_squeeze %dma_wait3A_1557 : memref<1x50x64xf32, #tpu.memory_space<hbm>> -> memref<50x64xf32, #tpu.memory_space<hbm>>
        %dma_wait3A_1559 = arith.constant 50 : i32
        %dma_wait3A_1560 = arith.constant 0 : i32
        %dma_wait3A_1561 = tpu.memref_slice %arg8[%dma_wait3A_1559, %dma_wait3A_1560] : memref<200x64xf32, #tpu.memory_space<vmem>> -> memref<50x64xf32, #tpu.memory_space<vmem>>
        tpu.wait_dma2 semaphore(%run_scoped3A : memref<!tpu.dma_semaphore, #tpu.memory_space<semaphore_mem>>) src(%dma_wait3A_1561 : memref<50x64xf32, #tpu.memory_space<vmem>>) dst(%dma_wait3A_1558 : memref<50x64xf32, #tpu.memory_space<hbm>>)
        tpu.yield
      }) : () -> ()
      %mul3A_1524 = arith.constant 4 : i32
      %mul3A_1525 = arith.muli %add3A_809, %mul3A_1524 : i32
      %add3A_1526 = arith.addi %mul3A_4, %mul3A_1525 : i32
      %add3A_1527 = arith.constant 2 : i32
      %add3A_1528 = arith.addi %add3A_1526, %add3A_1527 : i32
      "tpu.region"() ({
        %run_scoped3A = tpu.sem_alloc : memref<!tpu.dma_semaphore, #tpu.memory_space<semaphore_mem>>
        %dma_start3A_1534 = arith.constant 100 : i32
        %dma_start3A_1535 = arith.constant 0 : i32
        %dma_start3A_1536 = tpu.memref_slice %arg8[%dma_start3A_1534, %dma_start3A_1535] : memref<200x64xf32, #tpu.memory_space<vmem>> -> memref<50x64xf32, #tpu.memory_space<vmem>>
        %dma_start3A_1537 = arith.constant 0 : i32
        %dma_start3A_1538 = arith.constant 0 : i32
        %dma_start3A_1539 = tpu.memref_slice %arg5[%add3A_1528, %dma_start3A_1537, %dma_start3A_1538] : memref<4096x50x64xf32, #tpu.memory_space<hbm>> -> memref<1x50x64xf32, #tpu.memory_space<hbm>>
        %dma_start3A_1540 = tpu.memref_squeeze %dma_start3A_1539 : memref<1x50x64xf32, #tpu.memory_space<hbm>> -> memref<50x64xf32, #tpu.memory_space<hbm>>
        %dma_start3A_1541 = arith.constant 0 : i32
        %dma_start3A_1542 = arith.constant 0 : i32
        %dma_start3A_1543 = tpu.memref_slice %arg5[%add3A_1528, %dma_start3A_1541, %dma_start3A_1542] : memref<4096x50x64xf32, #tpu.memory_space<hbm>> -> memref<1x50x64xf32, #tpu.memory_space<hbm>>
        %dma_start3A_1544 = tpu.memref_squeeze %dma_start3A_1543 : memref<1x50x64xf32, #tpu.memory_space<hbm>> -> memref<50x64xf32, #tpu.memory_space<hbm>>
        %dma_start3A_1545 = arith.constant 100 : i32
        %dma_start3A_1546 = arith.constant 0 : i32
        %dma_start3A_1547 = tpu.memref_slice %arg8[%dma_start3A_1545, %dma_start3A_1546] : memref<200x64xf32, #tpu.memory_space<vmem>> -> memref<50x64xf32, #tpu.memory_space<vmem>>
        tpu.enqueue_dma source(%dma_start3A_1547 : memref<50x64xf32, #tpu.memory_space<vmem>>) target(%dma_start3A_1544 : memref<50x64xf32, #tpu.memory_space<hbm>>) target_semaphore(%run_scoped3A : memref<!tpu.dma_semaphore, #tpu.memory_space<semaphore_mem>>)
        %dma_wait3A_1548 = arith.constant 100 : i32
        %dma_wait3A_1549 = arith.constant 0 : i32
        %dma_wait3A_1550 = tpu.memref_slice %arg8[%dma_wait3A_1548, %dma_wait3A_1549] : memref<200x64xf32, #tpu.memory_space<vmem>> -> memref<50x64xf32, #tpu.memory_space<vmem>>
        %dma_wait3A_1551 = arith.constant 0 : i32
        %dma_wait3A_1552 = arith.constant 0 : i32
        %dma_wait3A_1553 = tpu.memref_slice %arg5[%add3A_1528, %dma_wait3A_1551, %dma_wait3A_1552] : memref<4096x50x64xf32, #tpu.memory_space<hbm>> -> memref<1x50x64xf32, #tpu.memory_space<hbm>>
        %dma_wait3A_1554 = tpu.memref_squeeze %dma_wait3A_1553 : memref<1x50x64xf32, #tpu.memory_space<hbm>> -> memref<50x64xf32, #tpu.memory_space<hbm>>
        %dma_wait3A_1555 = arith.constant 0 : i32
        %dma_wait3A_1556 = arith.constant 0 : i32
        %dma_wait3A_1557 = tpu.memref_slice %arg5[%add3A_1528, %dma_wait3A_1555, %dma_wait3A_1556] : memref<4096x50x64xf32, #tpu.memory_space<hbm>> -> memref<1x50x64xf32, #tpu.memory_space<hbm>>
        %dma_wait3A_1558 = tpu.memref_squeeze %dma_wait3A_1557 : memref<1x50x64xf32, #tpu.memory_space<hbm>> -> memref<50x64xf32, #tpu.memory_space<hbm>>
        %dma_wait3A_1559 = arith.constant 100 : i32
        %dma_wait3A_1560 = arith.constant 0 : i32
        %dma_wait3A_1561 = tpu.memref_slice %arg8[%dma_wait3A_1559, %dma_wait3A_1560] : memref<200x64xf32, #tpu.memory_space<vmem>> -> memref<50x64xf32, #tpu.memory_space<vmem>>
        tpu.wait_dma2 semaphore(%run_scoped3A : memref<!tpu.dma_semaphore, #tpu.memory_space<semaphore_mem>>) src(%dma_wait3A_1561 : memref<50x64xf32, #tpu.memory_space<vmem>>) dst(%dma_wait3A_1558 : memref<50x64xf32, #tpu.memory_space<hbm>>)
        tpu.yield
      }) : () -> ()
      %mul3A_1529 = arith.constant 4 : i32
      %mul3A_1530 = arith.muli %add3A_809, %mul3A_1529 : i32
      %add3A_1531 = arith.addi %mul3A_4, %mul3A_1530 : i32
      %add3A_1532 = arith.constant 3 : i32
      %add3A_1533 = arith.addi %add3A_1531, %add3A_1532 : i32
      "tpu.region"() ({
        %run_scoped3A = tpu.sem_alloc : memref<!tpu.dma_semaphore, #tpu.memory_space<semaphore_mem>>
        %dma_start3A_1534 = arith.constant 150 : i32
        %dma_start3A_1535 = arith.constant 0 : i32
        %dma_start3A_1536 = tpu.memref_slice %arg8[%dma_start3A_1534, %dma_start3A_1535] : memref<200x64xf32, #tpu.memory_space<vmem>> -> memref<50x64xf32, #tpu.memory_space<vmem>>
        %dma_start3A_1537 = arith.constant 0 : i32
        %dma_start3A_1538 = arith.constant 0 : i32
        %dma_start3A_1539 = tpu.memref_slice %arg5[%add3A_1533, %dma_start3A_1537, %dma_start3A_1538] : memref<4096x50x64xf32, #tpu.memory_space<hbm>> -> memref<1x50x64xf32, #tpu.memory_space<hbm>>
        %dma_start3A_1540 = tpu.memref_squeeze %dma_start3A_1539 : memref<1x50x64xf32, #tpu.memory_space<hbm>> -> memref<50x64xf32, #tpu.memory_space<hbm>>
        %dma_start3A_1541 = arith.constant 0 : i32
        %dma_start3A_1542 = arith.constant 0 : i32
        %dma_start3A_1543 = tpu.memref_slice %arg5[%add3A_1533, %dma_start3A_1541, %dma_start3A_1542] : memref<4096x50x64xf32, #tpu.memory_space<hbm>> -> memref<1x50x64xf32, #tpu.memory_space<hbm>>
        %dma_start3A_1544 = tpu.memref_squeeze %dma_start3A_1543 : memref<1x50x64xf32, #tpu.memory_space<hbm>> -> memref<50x64xf32, #tpu.memory_space<hbm>>
        %dma_start3A_1545 = arith.constant 150 : i32
        %dma_start3A_1546 = arith.constant 0 : i32
        %dma_start3A_1547 = tpu.memref_slice %arg8[%dma_start3A_1545, %dma_start3A_1546] : memref<200x64xf32, #tpu.memory_space<vmem>> -> memref<50x64xf32, #tpu.memory_space<vmem>>
        tpu.enqueue_dma source(%dma_start3A_1547 : memref<50x64xf32, #tpu.memory_space<vmem>>) target(%dma_start3A_1544 : memref<50x64xf32, #tpu.memory_space<hbm>>) target_semaphore(%run_scoped3A : memref<!tpu.dma_semaphore, #tpu.memory_space<semaphore_mem>>)
        %dma_wait3A_1548 = arith.constant 150 : i32
        %dma_wait3A_1549 = arith.constant 0 : i32
        %dma_wait3A_1550 = tpu.memref_slice %arg8[%dma_wait3A_1548, %dma_wait3A_1549] : memref<200x64xf32, #tpu.memory_space<vmem>> -> memref<50x64xf32, #tpu.memory_space<vmem>>
        %dma_wait3A_1551 = arith.constant 0 : i32
        %dma_wait3A_1552 = arith.constant 0 : i32
        %dma_wait3A_1553 = tpu.memref_slice %arg5[%add3A_1533, %dma_wait3A_1551, %dma_wait3A_1552] : memref<4096x50x64xf32, #tpu.memory_space<hbm>> -> memref<1x50x64xf32, #tpu.memory_space<hbm>>
        %dma_wait3A_1554 = tpu.memref_squeeze %dma_wait3A_1553 : memref<1x50x64xf32, #tpu.memory_space<hbm>> -> memref<50x64xf32, #tpu.memory_space<hbm>>
        %dma_wait3A_1555 = arith.constant 0 : i32
        %dma_wait3A_1556 = arith.constant 0 : i32
        %dma_wait3A_1557 = tpu.memref_slice %arg5[%add3A_1533, %dma_wait3A_1555, %dma_wait3A_1556] : memref<4096x50x64xf32, #tpu.memory_space<hbm>> -> memref<1x50x64xf32, #tpu.memory_space<hbm>>
        %dma_wait3A_1558 = tpu.memref_squeeze %dma_wait3A_1557 : memref<1x50x64xf32, #tpu.memory_space<hbm>> -> memref<50x64xf32, #tpu.memory_space<hbm>>
        %dma_wait3A_1559 = arith.constant 150 : i32
        %dma_wait3A_1560 = arith.constant 0 : i32
        %dma_wait3A_1561 = tpu.memref_slice %arg8[%dma_wait3A_1559, %dma_wait3A_1560] : memref<200x64xf32, #tpu.memory_space<vmem>> -> memref<50x64xf32, #tpu.memory_space<vmem>>
        tpu.wait_dma2 semaphore(%run_scoped3A : memref<!tpu.dma_semaphore, #tpu.memory_space<semaphore_mem>>) src(%dma_wait3A_1561 : memref<50x64xf32, #tpu.memory_space<vmem>>) dst(%dma_wait3A_1558 : memref<50x64xf32, #tpu.memory_space<hbm>>)
        tpu.yield
      }) : () -> ()
    }
    %scan3A_88 = arith.constant 16 : i32
    return
  }
}

</mosaic_0001>

<sc_bundles>
// kernel: kernel.3.cloned.1.call-start
scs
__scs_entry_jumppad:
0x0: {  	(pc) =	sbr.rel $0x88, $3  }
0x1: {  	(tag) =	ssettag $0x0;
	lr =	simm.s32 $0x1  }
0x2: {  	[smem:$0x3F9E] =	sst lr;
	_ =	strace $0xD0000000  }
0x3: {  	_ = 	snop  }
0x4: {  	_ = 	snop  }
0x5: {  	_ = 	snop  }
0x6: {  	_ = 	snop  }
0x7: {  	_ = 	snop  }
__scs_overlays_trampoline_lowered:
0x8: {  	[smem:$0x3FAD] =	sst s0  }
0x9: {  	[smem:$0x3FAE] =	sst s1  }
0xa: {  	[smem:$0x3FAF] =	sst s2  }
0xb: {  	[smem:$0x3FB0] =	sst s3  }
0xc: {  	[smem:$0x3FB1] =	sst s4  }
0xd: {  	[smem:$0x3FB2] =	sst s5  }
0xe: {  	[smem:$0x3FB3] =	sst s6  }
0xf: {  	[smem:$0x3FB4] =	sst s7  }
0x10: {  	[smem:$0x3FB5] =	sst s8  }
0x11: {  	[smem:$0x3FB6] =	sst s9;
	s0 =	simm.s32 @!p0 $0x0  }
0x12: {  	s1 =	sld [smem:$0x3F9C];
	s0 =	simm.s32 @p0 $0x1  }
0x13: {  	[smem:$0x3FB7] =	sst s0;
	s0 =	simm.s32 @!p1 $0x0  }
0x14: {  	s2 =	sld [smem:$0x3F9B];
	s0 =	simm.s32 @p1 $0x1  }
0x15: {  	[smem:$0x3FB8] =	sst s0;
	s0 =	simm.s32 @!p2 $0x0  }
0x16: {  	s3 =	sld [smem:$0x3FDB];
	s0 =	simm.s32 @p2 $0x1  }
0x17: {  	s4 =	simm.s32 $0x1BF5;
	[smem:$0x3FBA] =	sst s0  }
0x18: {  	s0 =	sld [smem:$0x3F9D];
	_ =	swait.ge [sflag:s4], $0x0  }
0x19: {  	s7 =	sld [smem:$0x3F9E]  }
0x1a: {  	s8 =	sadd.s32 $0xFFFFE003, lr  }
0x1b: {  	s9 =	sadd.s32 $0xFFFFFEF7, lr;
	s5 =	simm.s32 $0xFFFFFFFF;
	p2 =	slt.u32 s8, $0xFFFFF086  }
0x1c: {  	p1 =	slt.u32 s9, $0xF7A;
	s5 =	simm.s32 @!p2 $0x0  }
0x1d: {  	s5 =	simm.s32 @p1 $0x1;
	p0 =	seq.s32 s7, s2  }
0x1e: {  	s7 =	smul.u32 @!p0 $0xF7A, s2;
	p2 =	seq.s32 @!p0 s5, $0x0  }
0x1f: {  	s9 =	smul.u32 $0xF7A, s1;
	s8 =	simm.s32 @!p0 $0x1BF5;
	p2 =	por !p2, p0  }
0x20: {  	[sflag:s8] =	ssyncset.s32 @!p0 $0xFFFFF086;
	s6 =	sadd.s32 @!p0 s3, s7;
	s7 =	simm.s32 @!p0 $0x108  }
0x21: {  	s3 =	sadd.s32 s3, s9;
	s6 =	sadd.s32 @!p0 $0x88, s6;
	s7 =	simm.s32 @p2 $0x1082  }
0x22: {  	[simem:s7], [sflag:s8] =	dma.local @!p0 [hbm:s6], $0xF7A  }
0x23: {  	s9 =	sor.u32 $0xD0000000, s2;
	s6 =	simm.s32 $0x108;
	_ =	swait.ge @!p0 [sflag:s8], $0x0  }
0x24: {  	s3 =	sadd.s32 $0x88, s3;
	s6 =	simm.s32 @!p1 $0x1082;
	[sflag:s4] =	ssyncset.s32 $0xFFFFF086  }
0x25: {  	[simem:s6], [sflag:s4] =	dma.local [hbm:s3], $0xF7A  }
0x26: {  	[smem:$0x3F9E] =	sst s1;
	(tag) =	ssettag s2;
	_ =	strace s9  }
0x27: {  	s1 =	sld [smem:$0x3FAE]  }
0x28: {  	s2 =	sld [smem:$0x3FAF]  }
0x29: {  	s4 =	sld [smem:$0x3FB1]  }
0x2a: {  	p0 =	seq.s32 s5, $0x0;
	s5 =	sld [smem:$0x3FB2]  }
0x2b: {  	s6 =	sld [smem:$0x3FB3]  }
0x2c: {  	s7 =	sld [smem:$0x3FB4]  }
0x2d: {  	s3 =	simm.s32 $0x108;
	s8 =	sld [smem:$0x3FB5]  }
0x2e: {  	s3 =	simm.s32 @!p0 $0x1082;
	s9 =	sld [smem:$0x3FB6]  }
0x2f: {  	lr =	sadd.s32 s0, s3;
	s0 =	sld [smem:$0x3FAD]  }
0x30: {  	s3 =	sld [smem:$0x3FB0]  }
0x31: {  	[smem:$0x3FB9] =	sst s10  }
0x32: {  	s10 =	sld [smem:$0x3FB7];
	_ =	sdelay $0x3  }
0x33: {  	p0 =	seq.s32 s10, $0x1;
	s10 =	sld [smem:$0x3FB9];
	_ =	sdelay $0x3  }
0x34: {  	[smem:$0x3FB9] =	sst s10  }
0x35: {  	s10 =	sld [smem:$0x3FB8];
	_ =	sdelay $0x3  }
0x36: {  	p1 =	seq.s32 s10, $0x1;
	s10 =	sld [smem:$0x3FB9];
	_ =	sdelay $0x3  }
0x37: {  	[smem:$0x3FB9] =	sst s10  }
0x38: {  	s10 =	sld [smem:$0x3FBA]  }
0x39: {  	_ = 	snop;
	(pc) =	sbr.ind lr, $3  }
0x3a: {  	_ = 	snop  }
0x3b: {  	_ = 	snop  }
0x3c: {  	p2 =	seq.s32 s10, $0x1;
	s10 =	sld [smem:$0x3FB9]  }
0x3d: {  	_ =	shalt  }
0x3e: {  	_ =	shalt  }
0x3f: {  	_ =	shalt  }
0x40: {  	_ =	shalt  }
0x41: {  	_ =	shalt  }
0x42: {  	_ =	shalt  }
0x43: {  	_ =	shalt  }
0x44: {  	_ =	shalt  }
0x45: {  	_ =	shalt  }
0x46: {  	_ =	shalt  }
0x47: {  	_ =	shalt  }
0x48: {  	_ =	shalt  }
0x49: {  	_ =	shalt  }
0x4a: {  	_ =	shalt  }
0x4b: {  	_ =	shalt  }
0x4c: {  	_ =	shalt  }
0x4d: {  	_ =	shalt  }
0x4e: {  	_ =	shalt  }
0x4f: {  	_ =	shalt  }
0x50: {  	_ =	shalt  }
0x51: {  	_ =	shalt  }
0x52: {  	_ =	shalt  }
0x53: {  	_ =	shalt  }
0x54: {  	_ =	shalt  }
0x55: {  	_ =	shalt  }
0x56: {  	_ =	shalt  }
0x57: {  	_ =	shalt  }
0x58: {  	_ =	shalt  }
0x59: {  	_ =	shalt  }
0x5a: {  	_ =	shalt  }
0x5b: {  	_ =	shalt  }
0x5c: {  	_ =	shalt  }
0x5d: {  	_ =	shalt  }
0x5e: {  	_ =	shalt  }
0x5f: {  	_ =	shalt  }
0x60: {  	_ =	shalt  }
0x61: {  	_ =	shalt  }
0x62: {  	_ =	shalt  }
0x63: {  	_ =	shalt  }
0x64: {  	_ =	shalt  }
0x65: {  	_ =	shalt  }
0x66: {  	_ =	shalt  }
0x67: {  	_ =	shalt  }
0x68: {  	_ =	shalt  }
0x69: {  	_ =	shalt  }
0x6a: {  	_ =	shalt  }
0x6b: {  	_ =	shalt  }
0x6c: {  	_ =	shalt  }
0x6d: {  	_ =	shalt  }
0x6e: {  	_ =	shalt  }
0x6f: {  	_ =	shalt  }
0x70: {  	_ =	shalt  }
0x71: {  	_ =	shalt  }
0x72: {  	_ =	shalt  }
0x73: {  	_ =	shalt  }
0x74: {  	_ =	shalt  }
0x75: {  	_ =	shalt  }
0x76: {  	_ =	shalt  }
0x77: {  	_ =	shalt  }
0x78: {  	_ =	shalt  }
0x79: {  	_ =	shalt  }
0x7a: {  	_ =	shalt  }
0x7b: {  	_ =	shalt  }
0x7c: {  	_ =	shalt  }
0x7d: {  	_ =	shalt  }
0x7e: {  	_ =	shalt  }
0x7f: {  	_ =	shalt  }
0x80: {  	_ =	shalt  }
0x81: {  	_ =	shalt  }
0x82: {  	_ =	shalt  }
0x83: {  	_ =	shalt  }
0x84: {  	_ =	shalt  }
0x85: {  	_ =	shalt  }
0x86: {  	_ =	shalt  }
0x87: {  	_ =	shalt  }
.Lfunc_end0:
.L_simem_size_0:
called_computation_lowered:
.L_overlay_start_0:
0x88: {  	s2 =	sld [smem:$0x3FD9]  }
0x89: {  	s3 =	sld [smem:$0x3FFE];
	_ =	sdelay $0x1  }
0x8a: {  	s1 =	srdreg.scid  }
0x8b: {  	s0 =	sand.u32 $0x1, s1  }
0x8c: {  	s17 =	sshll.u32 s0, $0xA;
	s2 =	sadd.s32 s3, s2  }
0x8d: {  	s2 =	sadd.s32 s2, s17  }
0x8e: {  	[smem:$0x3FC5] =	sst s2  }
0x8f: {  	_ = 	snop  }
0x90: {  	s2 =	sld [smem:$0x3FD0];
	(tm) =	ssettm $0x1  }
0x91: {  	s18 =	sld [smem:$0x3FFB];
	_ =	sdelay $0x3  }
0x92: {  	_ =	strace s18  }
0x93: {  	s3 =	sld [smem:$0x3FFC];
	_ =	sdelay $0x3  }
0x94: {  	_ =	strace s3  }
0x95: {  	s3 =	sld [smem:$0x3FFD];
	_ =	sdelay $0x3  }
0x96: {  	_ =	strace s3  }
0x97: {  	_ =	strace $0x8FFFFFFF  }
0x98: {  	s19 =	sld [smem:$0x3FDB];
	_ =	sdelay $0x1  }
0x99: {  	s4 =	simm.s32 $_scs_section_size  }
0x9a: {  	s5 =	simm.s32 $_size__tile_overlayer_lowered;
	s6 =	simm.s32 $_tile_overlayer_lowered  }
0x9b: {  	s22 =	simm.s32 $0x1BFF;
	s21 =	sshll.u32 s6, $0x1;
	s3 =	sadd.s32 s4, s19  }
0x9c: {  	s7 =	simm.s32 $0x0;
	s20 =	sshll.u32 s5, $0x1;
	s5 =	sadd.s32 s21, s3  }
0x9d: {  	[timem:s7], [sflag:s22] =	dma.local [hbm:s5], s20  }
0x9e: {  	_ =	swait.ge [sflag:s22], s20  }
0x9f: {  	s4 =	ssub.s32 $0x0, s20;
	[sflag:s22] =	ssyncset.done $0x0  }
0xa0: {  	[sflag:s22] =	ssyncadd.s32 s4;
	_ =	sdelay $0x1  }
0xa1: {  	s23 =	simm.s32 $0x1B8B  }
0xa2: {  	_ =	swait.ge [sflag:s23], $0x1  }
0xa3: {  	[sflag:s23] =	ssyncset.done $0x0  }
0xa4: {  	s25 =	simm.s32 $0x1B8E;
	s24 =	sld [smem:$0x3FFE];
	[sflag:s23] =	ssyncadd.s32 $0xFFFFFFFF  }
0xa5: {  	s26 =	simm.s32 $execute0_lowered;
	[smem:$0x3FD2] =	sst s25  }
0xa6: {  	s5 =	sshll.u32 s26, $0x1;
	_ =	strace $0x80000046;
	[dreg:$0x1] =	wrdreg $0xFFFFFFFF  }
0xa7: {  	s28 =	simm.s32 $_size_execute0_lowered;
	s3 =	sadd.s32 s3, s5;
	[dreg:$0x0] =	wrdreg $0x0  }
0xa8: {  	s5 =	sshll.u32 s28, $0x1;
	[dreg:$0x2] =	wrdreg s3  }
0xa9: {  	[dreg:$0x3] =	wrdreg s5  }
0xaa: {  	[dreg:$0x4] =	wrdreg $0xC0  }
0xab: {  	_ =	task [dreg:s7], $0x5FFFF  }
0xac: {  	[dreg:$0x1] =	wrdreg $0xFFFFFFFF  }
0xad: {  	[dreg:$0x0] =	wrdreg $0x60  }
0xae: {  	[dreg:$0x2] =	wrdreg s24  }
0xaf: {  	[dreg:$0x3] =	wrdreg s2  }
0xb0: {  	[dreg:$0x4] =	wrdreg $0x9  }
0xb1: {  	_ =	task.clear_ibuf [dreg:s7], $0x5FFFF;
	_ =	strace $0x90000046  }
0xb2: {  	s29 =	simm.s32 $0x9;
	_ =	strace $0x80000048  }
0xb3: {  	_ =	swait.ge [sflag:s29], $0x1  }
0xb4: {  	[sflag:s29] =	ssyncadd.s32 $0xFFFFFFFF  }
0xb5: {  	_ =	strace $0x90000048  }
0xb6: {  	_ =	sfence  }
0xb7: {  	s30 =	sld [smem:$0x0];
	_ =	sdelay $0x2  }
0xb8: {  	s31 =	sshll.u32 s1, $0xD;
	s1 =	sshrl.u32 s1, $0x2  }
0xb9: {  	s3 =	sand.u32 $0x4000, s31;
	s1 =	sadd.s32 s1, s30  }
0xba: {  	s0 =	sor.u32 s3, s0;
	s1 =	sshll.u32 s1, $0x11  }
0xbb: {  	s0 =	sor.u32 s1, s0  }
0xbc: {  	s0 =	sadd.s32 $0x8F2B, s0  }
0xbd: {  	[sflag:s0] =	ssyncadd.remote.s32 $0x1  }
0xbe: {  	_ =	sfence.sel $0xFFFF  }
0xbf: {  	[dreg:$0x0] =	wrdreg $0xFFFFFFFF;
	(pc) =	sbr.abs _section_cstart, $3  }
0xc0: {  	[dreg:$0x1] =	wrdreg $0xFFFFFFFF  }
0xc1: {  	_ =	task.clear_ibuf [dreg:s7], $0x2FFFF;
	_ =	strace $0x9FFFFFFF  }
0xc2: {  	(tm) =	ssettm $0x7FFFFFFF  }
0xc3: {  	_ =	shalt  }
tec
execute0_lowered:
.L_overlay_start_1:
0x0: {  	(tag) =	ssettag $0x1  }
0x1: {  	s0 =	srdreg.scid  }
0x2: {  	s2 =	stileid.u32;
	s1 =	rddreg [dreg:$0x0]  }
0x3: {  	s10 =	simm.s32 $0x3;
	s11 =	simm.s32 $0x28;
	s25 =	simm.s32 $0x14600  }
0x4: {  	s26 =	simm.s32 $0x7D00;
	s28 =	simm.s32 $0x14628;
	s29 =	simm.s32 $0x9100  }
0x5: {  	s30 =	simm.s32 $0x14650;
	s31 =	simm.s32 $0xA500;
	s12 =	simm.s32 $0x146A0  }
0x6: {  	s13 =	simm.s32 $0xCD00;
	s14 =	simm.s32 $0x1;
	s15 =	simm.s32 $0xE100  }
0x7: {  	s17 =	simm.s32 $0xFA00;
	s18 =	simm.s32 $0x11300;
	s20 =	simm.s32 $0x12C00  }
0x8: {  	s21 =	simm.s32 $0x2;
	s23 =	simm.s32 $0x0;
	s0 =	sand.u32 $0x1, s0  }
0x9: {  	s3 =	sshll.u32 s2, $0x1;
	s2 =	rddreg [dreg:$0x1];
	s5 =	sadd.s32 $0x400, s1  }
0xa: {  	s6 =	sor.u32 s0, s3;
	s3 =	simm.s32 $0x0;
	s0 =	ssub.s32 $0x2, s0  }
0xb: {  	s4 =	smul.u32 $0x320, s6;
	[smem:$0x7FF] =	sst s3;
	s8 =	sshrl.u32 s0, $0x1  }
0xc: {  	s6 =	sshll.u32 s6, $0x7;
	_ =	strace $0x80000047;
	s0 =	ssub.s32 s0, s8  }
0xd: {  	s8 =	sadd.s32 $0x780, s1;
	s7 =	sadd.s32 s4, s1;
	s0 =	smax.u32 s0, $0x1  }
0xe: {  	s4 =	sadd.s32 $0xF48C00, s1;
	s7 =	sadd.s32 $0xF42800, s7;
	[dreg:$0x4] =	wrdreg s0  }
0xf: {  	s1 =	simm.s32 $0x14678;
	s0 =	simm.s32 $0xB900;
	[dreg:$0x3] =	wrdreg s7  }
.LBB2_1:
0x10: {  	s7 =	rddreg [dreg:$0x3]  }
0x11: {  	[tilespmem:s3], [sflag:$0x3] =	stream.linear.gather [hbm4b:s7+s3], $0x1900, $0x38;
	[tilespmem:$0x14700] =	vst v63  }
0x12: {  	_ =	swait.ge [sflag:s10], $0x1900  }
0x13: {  	[sflag:s10] =	ssyncset.done $0x0  }
0x14: {  	s19 =	simm.s32 $0x14500;
	[sflag:s10] =	ssyncadd.s32 $0xFFFFE700  }
0x15: {  	[tilespmem:s19], [sflag:$0x1] =	stream.indirect.gather [hbm4b:s2+s11], $0x1, s3, s11, $0xb8;
	[tilespmem:$0x14700] =	vst v63  }
0x16: {  	s22 =	simm.s32 $0x1900  }
0x17: {  	[tilespmem:s22], [sflag:$0x1] =	stream.indirect.gather [hbm4b:s4+s11], $0x80, s3, s11, $0xb8;
	[tilespmem:$0x14700] =	vst v63  }
0x18: {  	s24 =	simm.s32 $0x14528  }
0x19: {  	[tilespmem:s24], [sflag:$0x1] =	stream.indirect.gather [hbm4b:s2+s11], $0x1, s11, s11, $0xb8;
	[tilespmem:$0x14700] =	vst v63  }
0x1a: {  	s9 =	simm.s32 $0x2D00  }
0x1b: {  	[tilespmem:s9], [sflag:$0x1] =	stream.indirect.gather [hbm4b:s4+s11], $0x80, s11, s11, $0xb8;
	[tilespmem:$0x14700] =	vst v63  }
0x1c: {  	s16 =	simm.s32 $0x50;
	s9 =	simm.s32 $0x14550  }
0x1d: {  	[tilespmem:s9], [sflag:$0x1] =	stream.indirect.gather [hbm4b:s2+s11], $0x1, s16, s11, $0xb8;
	[tilespmem:$0x14700] =	vst v63  }
0x1e: {  	s19 =	simm.s32 $0x4100  }
0x1f: {  	[tilespmem:s19], [sflag:$0x1] =	stream.indirect.gather [hbm4b:s4+s11], $0x80, s16, s11, $0xb8;
	[tilespmem:$0x14700] =	vst v63  }
0x20: {  	s22 =	simm.s32 $0x78;
	s24 =	simm.s32 $0x14578  }
0x21: {  	[tilespmem:s24], [sflag:$0x1] =	stream.indirect.gather [hbm4b:s2+s11], $0x1, s22, s11, $0xb8;
	[tilespmem:$0x14700] =	vst v63  }
0x22: {  	s16 =	simm.s32 $0x5500  }
0x23: {  	[tilespmem:s16], [sflag:$0x1] =	stream.indirect.gather [hbm4b:s4+s11], $0x80, s22, s11, $0xb8;
	[tilespmem:$0x14700] =	vst v63  }
0x24: {  	s19 =	simm.s32 $0xA0;
	s22 =	simm.s32 $0x145A0  }
0x25: {  	[tilespmem:s22], [sflag:$0x1] =	stream.indirect.gather [hbm4b:s2+s11], $0x1, s19, s11, $0xb8;
	[tilespmem:$0x14700] =	vst v63  }
0x26: {  	s24 =	simm.s32 $0x6900  }
0x27: {  	[tilespmem:s24], [sflag:$0x1] =	stream.indirect.gather [hbm4b:s4+s11], $0x80, s19, s11, $0xb8;
	[tilespmem:$0x14700] =	vst v63  }
0x28: {  	s24 =	simm.s32 $0x0  }
.LBB2_2:
0x29: {  	s16 =	sshllo.u32 s24, $0x1  }
0x2a: {  	s7 =	smul.u32 $0x320, s16;
	_ =	sdelay $0x1  }
0x2b: {  	s7 =	sshra.s32 s7, $0x2  }
0x2c: {  	[tilespmem:s25], [sflag:$0x2] =	stream.indirect.gather [hbm4b:s2+s11], $0x1, s7, s11, $0xb8;
	[tilespmem:$0x14700] =	vst v63  }
0x2d: {  	_ = 	snop  }
0x2e: {  	[tilespmem:s26], [sflag:$0x2] =	stream.indirect.gather [hbm4b:s4+s11], $0x80, s7, s11, $0xb8;
	[tilespmem:$0x14700] =	vst v63  }
0x2f: {  	s9 =	sadd.s32 $0x28, s7  }
0x30: {  	[tilespmem:s28], [sflag:$0x2] =	stream.indirect.gather [hbm4b:s2+s11], $0x1, s9, s11, $0xb8;
	[tilespmem:$0x14700] =	vst v63  }
0x31: {  	_ = 	snop  }
0x32: {  	[tilespmem:s29], [sflag:$0x2] =	stream.indirect.gather [hbm4b:s4+s11], $0x80, s9, s11, $0xb8;
	[tilespmem:$0x14700] =	vst v63  }
0x33: {  	s19 =	sadd.s32 $0x50, s7  }
0x34: {  	[tilespmem:s30], [sflag:$0x2] =	stream.indirect.gather [hbm4b:s2+s11], $0x1, s19, s11, $0xb8;
	[tilespmem:$0x14700] =	vst v63  }
0x35: {  	_ = 	snop  }
0x36: {  	[tilespmem:s31], [sflag:$0x2] =	stream.indirect.gather [hbm4b:s4+s11], $0x80, s19, s11, $0xb8;
	[tilespmem:$0x14700] =	vst v63  }
0x37: {  	s22 =	sadd.s32 $0x78, s7  }
0x38: {  	[tilespmem:s1], [sflag:$0x2] =	stream.indirect.gather [hbm4b:s2+s11], $0x1, s22, s11, $0xb8;
	[tilespmem:$0x14700] =	vst v63  }
0x39: {  	_ = 	snop  }
0x3a: {  	[tilespmem:s0], [sflag:$0x2] =	stream.indirect.gather [hbm4b:s4+s11], $0x80, s22, s11, $0xb8;
	[tilespmem:$0x14700] =	vst v63  }
0x3b: {  	s7 =	sadd.s32 $0xA0, s7  }
0x3c: {  	[tilespmem:s12], [sflag:$0x2] =	stream.indirect.gather [hbm4b:s2+s11], $0x1, s7, s11, $0xb8;
	[tilespmem:$0x14700] =	vst v63  }
0x3d: {  	_ = 	snop  }
0x3e: {  	[tilespmem:s13], [sflag:$0x2] =	stream.indirect.gather [hbm4b:s4+s11], $0x80, s7, s11, $0xb8;
	[tilespmem:$0x14700] =	vst v63  }
0x3f: {  	_ =	swait.ge [sflag:s14], $0x28  }
0x40: {  	[sflag:s14] =	ssyncset.done $0x0  }
0x41: {  	[sflag:s14] =	ssyncadd.s32 $0xFFFFFFD8  }
0x42: {  	_ =	swait.ge [sflag:s14], $0x1400  }
0x43: {  	[sflag:s14] =	ssyncset.done $0x0  }
0x44: {  	[sflag:s14] =	ssyncadd.s32 $0xFFFFEC00  }
0x45: {  	_ =	swait.ge [sflag:s14], $0x28  }
0x46: {  	[sflag:s14] =	ssyncset.done $0x0  }
0x47: {  	[sflag:s14] =	ssyncadd.s32 $0xFFFFFFD8  }
0x48: {  	_ =	swait.ge [sflag:s14], $0x1400  }
0x49: {  	[sflag:s14] =	ssyncset.done $0x0  }
0x4a: {  	[sflag:s14] =	ssyncadd.s32 $0xFFFFEC00  }
0x4b: {  	_ =	swait.ge [sflag:s14], $0x28  }
0x4c: {  	[sflag:s14] =	ssyncset.done $0x0  }
0x4d: {  	[sflag:s14] =	ssyncadd.s32 $0xFFFFFFD8  }
0x4e: {  	_ =	swait.ge [sflag:s14], $0x1400  }
0x4f: {  	[sflag:s14] =	ssyncset.done $0x0  }
0x50: {  	[sflag:s14] =	ssyncadd.s32 $0xFFFFEC00  }
0x51: {  	_ =	swait.ge [sflag:s14], $0x28  }
0x52: {  	[sflag:s14] =	ssyncset.done $0x0  }
0x53: {  	[sflag:s14] =	ssyncadd.s32 $0xFFFFFFD8  }
0x54: {  	_ =	swait.ge [sflag:s14], $0x1400  }
0x55: {  	[sflag:s14] =	ssyncset.done $0x0  }
0x56: {  	[sflag:s14] =	ssyncadd.s32 $0xFFFFEC00  }
0x57: {  	_ =	swait.ge [sflag:s14], $0x28  }
0x58: {  	[sflag:s14] =	ssyncset.done $0x0  }
0x59: {  	[sflag:s14] =	ssyncadd.s32 $0xFFFFFFD8  }
0x5a: {  	_ =	swait.ge [sflag:s14], $0x1400  }
0x5b: {  	[sflag:s14] =	ssyncset.done $0x0  }
0x5c: {  	s19 =	simm.s32 $0x7B0;
	[sflag:s14] =	ssyncadd.s32 $0xFFFFEC00  }
0x5d: {  	v2 =	vld [tilespmem:s19+$0x1150]  }
0x5e: {  	v3 =	vld [tilespmem:s19+$0x1160]  }
0x5f: {  	v4 =	vld [tilespmem:s19+$0x1170]  }
0x60: {  	v5 =	vld [tilespmem:s19+$0x1180]  }
0x61: {  	v6 =	vld [tilespmem:s19+$0x11D0]  }
0x62: {  	v7 =	vld [tilespmem:s19+$0x11E0]  }
0x63: {  	v8 =	vld [tilespmem:s19+$0x11F0]  }
0x64: {  	v9 =	vld [tilespmem:s19+$0x1200]  }
0x65: {  	v10 =	vld [tilespmem:s19+$0x1250]  }
0x66: {  	v17 =	vld [tilespmem:s19+$0x1300]  }
0x67: {  	v18 =	vld [tilespmem:s19+$0x1350]  }
0x68: {  	v11 =	vld [tilespmem:s19+$0x1260]  }
0x69: {  	v19 =	vld [tilespmem:s19+$0x1360]  }
0x6a: {  	v12 =	vld [tilespmem:s19+$0x1270];
	vm0 =	vlt.f32 v7, $0.0e+00  }
0x6b: {  	v20 =	vld [tilespmem:s19+$0x1370];
	vm14 =	vlt.f32 v9, $0.0e+00;
	vm5 =	vlt.f32 v17, $0.0e+00;
	v7 =	vimm.s32 $0x0  }
0x6c: {  	v21 =	vld [tilespmem:s19+$0x1380];
	v9 =	vimm.s32 $0x0;
	v7 =	vsel vm5, $0xFFFFFFFF, v7;
	vm5 =	vlt.f32 v18, $0.0e+00  }
0x6d: {  	v13 =	vld [tilespmem:s19+$0x1280];
	v9 =	vsel vm5, $0xFFFFFFFF, v9  }
0x6e: {  	v22 =	vld [tilespmem:s19+$0x13D0];
	vm5 =	vlt.f32 v19, $0.0e+00;
	[tilespmem:$0x1FEB0] =	vst v9;
	v9 =	vimm.s32 $0x0  }
0x6f: {  	v14 =	vld [tilespmem:s19+$0x12D0];
	v9 =	vsel vm5, $0xFFFFFFFF, v9  }
0x70: {  	v23 =	vld [tilespmem:s19+$0x13E0];
	vm13 =	vlt.f32 v10, $0.0e+00;
	vm5 =	vlt.f32 v20, $0.0e+00;
	[tilespmem:$0x1FEC0] =	vst v9;
	v9 =	vimm.s32 $0x0  }
0x71: {  	v24 =	vld [tilespmem:s19+$0x13F0];
	v10 =	vimm.s32 $0x0;
	v9 =	vsel vm5, $0xFFFFFFFF, v9;
	vm5 =	vlt.f32 v21, $0.0e+00  }
0x72: {  	v15 =	vld [tilespmem:s19+$0x12E0];
	v10 =	vsel vm5, $0xFFFFFFFF, v10  }
0x73: {  	v25 =	vld [tilespmem:s19+$0x1400];
	vm5 =	vlt.f32 v22, $0.0e+00;
	[tilespmem:$0x1FEE0] =	vst v10;
	v10 =	vimm.s32 $0x0  }
0x74: {  	v16 =	vld [tilespmem:s19+$0x12F0];
	v10 =	vsel vm5, $0xFFFFFFFF, v10  }
0x75: {  	v26 =	vld [tilespmem:s19+$0x1450];
	vm10 =	vlt.f32 v11, $0.0e+00;
	vm5 =	vlt.f32 v23, $0.0e+00;
	[tilespmem:$0x1FEF0] =	vst v10;
	v10 =	vimm.s32 $0x0  }
0x76: {  	v27 =	vld [tilespmem:s19+$0x1460];
	v11 =	vimm.s32 $0x0;
	v10 =	vsel vm5, $0xFFFFFFFF, v10;
	vm5 =	vlt.f32 v24, $0.0e+00  }
0x77: {  	v28 =	vld [tilespmem:s19+$0x1470];
	v11 =	vsel vm5, $0xFFFFFFFF, v11  }
0x78: {  	v29 =	vld [tilespmem:s19+$0x1480];
	vm5 =	vlt.f32 v25, $0.0e+00;
	[tilespmem:$0x1FF10] =	vst v11;
	v11 =	vimm.s32 $0x0  }
0x79: {  	v30 =	vld [tilespmem:s19+$0x14D0];
	v11 =	vsel vm5, $0xFFFFFFFF, v11  }
0x7a: {  	v31 =	vld [tilespmem:s19+$0x14E0];
	vm11 =	vlt.f32 v12, $0.0e+00;
	vm5 =	vlt.f32 v26, $0.0e+00;
	[tilespmem:$0x1FF20] =	vst v11;
	v11 =	vimm.s32 $0x0  }
0x7b: {  	v32 =	vld [tilespmem:s19+$0x14F0];
	v12 =	vimm.s32 $0x0;
	v11 =	vsel vm5, $0xFFFFFFFF, v11;
	vm5 =	vlt.f32 v27, $0.0e+00  }
0x7c: {  	v33 =	vld [tilespmem:s19+$0x1500];
	v12 =	vsel vm5, $0xFFFFFFFF, v12  }
0x7d: {  	v34 =	vld [tilespmem:s19+$0x1550];
	vm5 =	vlt.f32 v28, $0.0e+00;
	[tilespmem:$0x1FF40] =	vst v12;
	v12 =	vimm.s32 $0x0  }
0x7e: {  	v35 =	vld [tilespmem:s19+$0x1560];
	v12 =	vsel vm5, $0xFFFFFFFF, v12  }
0x7f: {  	v36 =	vld [tilespmem:s19+$0x1570];
	vm9 =	vlt.f32 v13, $0.0e+00;
	vm5 =	vlt.f32 v29, $0.0e+00;
	[tilespmem:$0x1FF50] =	vst v12;
	v12 =	vimm.s32 $0x0  }
0x80: {  	v37 =	vld [tilespmem:s19+$0x1580];
	v13 =	vimm.s32 $0x0;
	v12 =	vsel vm5, $0xFFFFFFFF, v12;
	vm5 =	vlt.f32 v30, $0.0e+00  }
0x81: {  	v38 =	vld [tilespmem:s19+$0x15D0];
	v13 =	vsel vm5, $0xFFFFFFFF, v13  }
0x82: {  	v0 =	vld [tilespmem:s19+$0x15E0];
	vm5 =	vlt.f32 v31, $0.0e+00;
	[tilespmem:$0x1FF70] =	vst v13;
	v13 =	vimm.s32 $0x0  }
0x83: {  	v1 =	vld [tilespmem:s19+$0x15F0];
	vm2 =	vlt.f32 v2, $0.0e+00;
	vm4 =	vlt.f32 v3, $0.0e+00;
	v13 =	vsel vm5, $0xFFFFFFFF, v13  }
0x84: {  	v2 =	vld [tilespmem:s19+$0x1600];
	vm6 =	vlt.f32 v14, $0.0e+00;
	vm5 =	vlt.f32 v32, $0.0e+00;
	[tilespmem:$0x1FF80] =	vst v13;
	v13 =	vimm.s32 $0x0  }
0x85: {  	v3 =	vld [tilespmem:s19+$0x1650];
	v14 =	vimm.s32 $0x0;
	[tilespmem:$0x1FEA0] =	vst v7;
	v13 =	vsel vm5, $0xFFFFFFFF, v13;
	vm5 =	vlt.f32 v33, $0.0e+00  }
0x86: {  	vm3 =	vlt.f32 v4, $0.0e+00;
	v4 =	vld [tilespmem:s19+$0x1660];
	[tilespmem:$0x1FED0] =	vst v9;
	v14 =	vsel vm5, $0xFFFFFFFF, v14  }
0x87: {  	vm15 =	vlt.f32 v5, $0.0e+00;
	v5 =	vld [tilespmem:s19+$0x1670];
	vm5 =	vlt.f32 v34, $0.0e+00;
	[tilespmem:$0x1FFA0] =	vst v14;
	v14 =	vimm.s32 $0x0  }
0x88: {  	vm1 =	vlt.f32 v6, $0.0e+00;
	vm12 =	vlt.f32 v8, $0.0e+00;
	v6 =	vld [tilespmem:s19+$0x1680];
	[tilespmem:$0x1FF00] =	vst v10;
	v14 =	vsel vm5, $0xFFFFFFFF, v14  }
0x89: {  	vm8 =	vlt.f32 v15, $0.0e+00;
	v8 =	vld [tilespmem:s19+$0x16E0];
	vm5 =	vlt.f32 v35, $0.0e+00;
	[tilespmem:$0x1FFB0] =	vst v14;
	v14 =	vimm.s32 $0x0  }
0x8a: {  	v15 =	vimm.s32 $0x0;
	v7 =	vld [tilespmem:s19+$0x16D0];
	[tilespmem:$0x1FF30] =	vst v11;
	v14 =	vsel vm5, $0xFFFFFFFF, v14;
	vm5 =	vlt.f32 v36, $0.0e+00  }
0x8b: {  	v9 =	vld [tilespmem:s19+$0x16F0];
	[tilespmem:$0x1FF60] =	vst v12;
	v15 =	vsel vm5, $0xFFFFFFFF, v15  }
0x8c: {  	v10 =	vld [tilespmem:s19+$0x1700];
	vm5 =	vlt.f32 v37, $0.0e+00;
	[tilespmem:$0x1FFD0] =	vst v15;
	v15 =	vimm.s32 $0x0  }
0x8d: {  	v11 =	vld [tilespmem:s19+$0x1750];
	[tilespmem:$0x1FF90] =	vst v13;
	v15 =	vsel vm5, $0xFFFFFFFF, v15  }
0x8e: {  	v12 =	vld [tilespmem:s19+$0x1760];
	vm5 =	vlt.f32 v38, $0.0e+00;
	[tilespmem:$0x1FFE0] =	vst v15;
	v15 =	vimm.s32 $0x0  }
0x8f: {  	s22 =	simm.s32 $0x14500;
	v13 =	vld [tilespmem:s19+$0x1770];
	[tilespmem:$0x1FFC0] =	vst v14;
	v15 =	vsel vm5, $0xFFFFFFFF, v15  }
0x90: {  	s7 =	simm.s32 $0x3EC0;
	vm7 =	vlt.f32 v16, $0.0e+00;
	v14 =	vld [tilespmem:s22+$0x0];
	[tilespmem:$0x1FFF0] =	vst v15  }
.LBB2_3:
0x91: {  	vm5 =	vlt.f32 v0, $0.0e+00;
	v0 =	vimm.s32 $0x0  }
0x92: {  	v0 =	vsel vm5, $0xFFFFFFFF, v0  }
0x93: {  	vm5 =	vlt.f32 v1, $0.0e+00;
	[tilespmem:$0x1FD90] =	vst v0;
	v0 =	vimm.s32 $0x0  }
0x94: {  	v0 =	vsel vm5, $0xFFFFFFFF, v0  }
0x95: {  	vm5 =	vlt.f32 v2, $0.0e+00;
	[tilespmem:$0x1FDA0] =	vst v0;
	v0 =	vimm.s32 $0x0  }
0x96: {  	v0 =	vsel vm5, $0xFFFFFFFF, v0  }
0x97: {  	vm5 =	vlt.f32 v3, $0.0e+00;
	[tilespmem:$0x1FDB0] =	vst v0;
	v0 =	vimm.s32 $0x0  }
0x98: {  	v0 =	vsel vm5, $0xFFFFFFFF, v0  }
0x99: {  	vm5 =	vlt.f32 v4, $0.0e+00;
	[tilespmem:$0x1FDC0] =	vst v0;
	v0 =	vimm.s32 $0x0  }
0x9a: {  	v0 =	vsel vm5, $0xFFFFFFFF, v0  }
0x9b: {  	vm5 =	vlt.f32 v5, $0.0e+00;
	[tilespmem:$0x1FDD0] =	vst v0;
	v0 =	vimm.s32 $0x0  }
0x9c: {  	v0 =	vsel vm5, $0xFFFFFFFF, v0  }
0x9d: {  	vm5 =	vlt.f32 v6, $0.0e+00;
	[tilespmem:$0x1FDE0] =	vst v0;
	v0 =	vimm.s32 $0x0  }
0x9e: {  	v0 =	vsel vm5, $0xFFFFFFFF, v0  }
0x9f: {  	vm5 =	vlt.f32 v7, $0.0e+00;
	[tilespmem:$0x1FDF0] =	vst v0;
	v0 =	vimm.s32 $0x0  }
0xa0: {  	v0 =	vsel vm5, $0xFFFFFFFF, v0  }
0xa1: {  	vm5 =	vlt.f32 v8, $0.0e+00;
	[tilespmem:$0x1FE00] =	vst v0;
	v0 =	vimm.s32 $0x0  }
0xa2: {  	v0 =	vsel vm5, $0xFFFFFFFF, v0  }
0xa3: {  	vm5 =	vlt.f32 v9, $0.0e+00;
	[tilespmem:$0x1FE10] =	vst v0;
	v0 =	vimm.s32 $0x0  }
0xa4: {  	v0 =	vsel vm5, $0xFFFFFFFF, v0  }
0xa5: {  	vm5 =	vlt.f32 v10, $0.0e+00;
	[tilespmem:$0x1FE20] =	vst v0;
	v0 =	vimm.s32 $0x0  }
0xa6: {  	v0 =	vsel vm5, $0xFFFFFFFF, v0  }
0xa7: {  	v2 =	vld [tilespmem:s19+$0x1780];
	vm5 =	vlt.f32 v11, $0.0e+00;
	[tilespmem:$0x1FE30] =	vst v0;
	v0 =	vimm.s32 $0x0  }
0xa8: {  	v1 =	vimm.s32 $0x0;
	v3 =	vld [tilespmem:s19+$0x17D0];
	v0 =	vsel vm5, $0xFFFFFFFF, v0;
	vm5 =	vlt.f32 v12, $0.0e+00  }
0xa9: {  	v1 =	vsel vm5, $0xFFFFFFFF, v1  }
0xaa: {  	vm5 =	vlt.f32 v13, $0.0e+00;
	[tilespmem:$0x1FE50] =	vst v1;
	v1 =	vimm.s32 $0x0  }
0xab: {  	[tilespmem:$0x1FE40] =	vst v0;
	v0 =	vmax.f32 v14, $9.999999930e-09;
	v1 =	vsel vm5, $0xFFFFFFFF, v1  }
0xac: {  	vm5 =	vlt.f32 v2, $0.0e+00;
	v2 =	vimm.s32 $0x0;
	[tilespmem:$0x1FE60] =	vst v1;
	v1 =	vsub.f32 $0.0e+00, v0  }
0xad: {  	v2 =	vsel vm5, $0xFFFFFFFF, v2;
	vm5 =	vlt.f32 v3, $0.0e+00;
	v3 =	vimm.s32 $0x0  }
0xae: {  	[tilespmem:$0x1FE70] =	vst v2;
	v2 =	vbroadcast v0, $0x0;
	v3 =	vsel vm5, $0xFFFFFFFF, v3;
	v9 =	vbroadcast v1, $0x0  }
0xaf: {  	v5 =	vbroadcast v0, $0x1;
	[tilespmem:$0x1FE80] =	vst v3;
	v3 =	vbroadcast v1, $0x1  }
0xb0: {  	v12 =	vsel vm4, v9, v2  }
0xb1: {  	[tilespmem:s19+$0xD960] =	vst v12;
	v12 =	vsel vm12, v3, v5  }
0xb2: {  	[tilespmem:s19+$0xD9F0] =	vst v12;
	v12 =	vld [tilespmem:$0x1FEA0];
	_ =	sdelay $0x1  }
0xb3: {  	v11 =	vsel vm2, v9, v2;
	v13 =	vsel vm3, v9, v2;
	v2 =	vsel vm15, v9, v2  }
0xb4: {  	v7 =	vbroadcast v0, $0x3;
	[tilespmem:s19+$0xD980] =	vst v2;
	v2 =	vbroadcast v1, $0x3  }
0xb5: {  	[tilespmem:s19+$0xD950] =	vst v11;
	v11 =	vsel vm0, v3, v5  }
0xb6: {  	[tilespmem:s19+$0xD9E0] =	vst v11;
	v11 =	vsel vm6, v2, v7;
	vm2 =	vnez.u8 v12  }
0xb7: {  	v16 =	vsel vm8, v2, v7;
	v17 =	vsel vm7, v2, v7;
	v12 =	vsel vm2, v2, v7;
	v2 =	vld [tilespmem:$0x1FEB0];
	_ =	sdelay $0x4  }
0xb8: {  	v6 =	vbroadcast v0, $0x2;
	v10 =	vbroadcast v1, $0x2;
	vm2 =	vnez.u8 v2;
	v2 =	vld [tilespmem:$0x1FEC0]  }
0xb9: {  	v8 =	vbroadcast v0, $0x4;
	v9 =	vsel vm1, v3, v5  }
0xba: {  	v15 =	vsel vm11, v10, v6;
	v3 =	vsel vm14, v3, v5;
	v5 =	vsel vm13, v10, v6  }
0xbb: {  	[tilespmem:s19+$0xD970] =	vst v13;
	v13 =	vsel vm10, v10, v6;
	v6 =	vsel vm9, v10, v6;
	v10 =	vbroadcast v1, $0x4  }
0xbc: {  	s9 =	sshra.s32 s7, $0x2;
	[tilespmem:s19+$0xD9D0] =	vst v9  }
0xbd: {  	v19 =	vsel vm2, v10, v8;
	vm2 =	vnez.u8 v2;
	v2 =	vld [tilespmem:s9+$0x1150]  }
0xbe: {  	[tilespmem:s19+$0xDA00] =	vst v3;
	v3 =	vld [tilespmem:$0x1FED0];
	_ =	sdelay $0x4  }
0xbf: {  	v20 =	vsel vm2, v10, v8;
	vm2 =	vnez.u8 v3;
	v3 =	vld [tilespmem:$0x1FEE0];
	_ =	sdelay $0x1  }
0xc0: {  	v4 =	vld [tilespmem:s19+$0x17E0];
	_ =	sdelay $0x2  }
0xc1: {  	v21 =	vsel vm2, v10, v8;
	vm2 =	vnez.u8 v3;
	v3 =	vld [tilespmem:$0x1FEF0];
	_ =	sdelay $0x1  }
0xc2: {  	vm5 =	vlt.f32 v4, $0.0e+00;
	v4 =	vimm.s32 $0x0  }
0xc3: {  	v4 =	vsel vm5, $0xFFFFFFFF, v4  }
0xc4: {  	[tilespmem:$0x1FE90] =	vst v4;
	v4 =	vld [tilespmem:s19+$0x17F0]  }
0xc5: {  	v10 =	vsel vm2, v10, v8;
	vm2 =	vnez.u8 v3;
	v3 =	vld [tilespmem:s9+$0x1160]  }
0xc6: {  	[tilespmem:s19+$0xDA50] =	vst v5;
	v5 =	vld [tilespmem:$0x1FF00];
	_ =	sdelay $0x2  }
0xc7: {  	v9 =	vbroadcast v1, $0x5;
	vm0 =	vlt.f32 v4, $0.0e+00;
	v4 =	vbroadcast v0, $0x5;
	_ =	sdelay $0x1  }
0xc8: {  	v22 =	vsel vm2, v9, v4;
	vm2 =	vnez.u8 v5;
	v5 =	vld [tilespmem:$0x1FF10];
	_ =	sdelay $0x4  }
0xc9: {  	v23 =	vsel vm2, v9, v4;
	vm2 =	vnez.u8 v5;
	v5 =	vld [tilespmem:$0x1FF20];
	_ =	sdelay $0x4  }
0xca: {  	v24 =	vsel vm2, v9, v4;
	vm2 =	vnez.u8 v5;
	v5 =	vld [tilespmem:$0x1FF30];
	_ =	sdelay $0x4  }
0xcb: {  	vm4 =	vnez.u8 v5;
	v5 =	vld [tilespmem:$0x1FF40];
	_ =	sdelay $0x1  }
0xcc: {  	[tilespmem:s19+$0xDA60] =	vst v13  }
0xcd: {  	v7 =	vbroadcast v0, $0x6;
	v8 =	vbroadcast v1, $0x6;
	[tilespmem:s19+$0xDA70] =	vst v15  }
0xce: {  	v25 =	vsel vm2, v9, v4;
	v4 =	vld [tilespmem:s9+$0x1170]  }
0xcf: {  	v62 =	vsel vm4, v8, v7;
	vm4 =	vnez.u8 v5;
	v5 =	vld [tilespmem:$0x1FF50]  }
0xd0: {  	[tilespmem:s19+$0xDA80] =	vst v6;
	v6 =	vld [tilespmem:$0x1FF60];
	_ =	sdelay $0x2  }
0xd1: {  	v14 =	vld [tilespmem:s19+$0x1800]  }
0xd2: {  	v26 =	vsel vm4, v8, v7;
	vm4 =	vnez.u8 v5  }
0xd3: {  	v27 =	vsel vm4, v8, v7;
	vm4 =	vnez.u8 v6;
	v6 =	vld [tilespmem:$0x1FF70];
	_ =	sdelay $0x2  }
0xd4: {  	vm1 =	vlt.f32 v14, $0.0e+00;
	v14 =	vld [tilespmem:s19+$0x1850];
	_ =	sdelay $0x1  }
0xd5: {  	v28 =	vsel vm4, v8, v7;
	vm4 =	vnez.u8 v6;
	v6 =	vld [tilespmem:$0x1FF80]  }
0xd6: {  	v7 =	vld [tilespmem:$0x1FF90];
	_ =	sdelay $0x1  }
0xd7: {  	v13 =	vbroadcast v0, $0x7;
	vm2 =	vlt.f32 v14, $0.0e+00;
	v14 =	vbroadcast v1, $0x7;
	_ =	sdelay $0x1  }
0xd8: {  	v29 =	vsel vm4, v14, v13;
	vm4 =	vnez.u8 v6  }
0xd9: {  	v30 =	vsel vm4, v14, v13;
	vm4 =	vnez.u8 v7;
	v7 =	vld [tilespmem:$0x1FFA0]  }
0xda: {  	v9 =	vld [tilespmem:s19+$0x1870];
	_ =	sdelay $0x3  }
0xdb: {  	v63 =	vsel vm4, v14, v13;
	vm4 =	vnez.u8 v7  }
0xdc: {  	v14 =	vsel vm4, v14, v13;
	vm4 =	vlt.f32 v9, $0.0e+00;
	v9 =	vld [tilespmem:$0x1FFB0];
	_ =	sdelay $0x3  }
0xdd: {  	v15 =	vld [tilespmem:s19+$0x1880]  }
0xde: {  	vm6 =	vnez.u8 v9;
	v9 =	vld [tilespmem:$0x1FFC0];
	_ =	sdelay $0x2  }
0xdf: {  	v5 =	vld [tilespmem:s9+$0x1180];
	[tilespmem:s19+$0xDAD0] =	vst v11;
	v11 =	vbroadcast v1, $0x8;
	v13 =	vbroadcast v0, $0x8;
	_ =	sdelay $0x1  }
0xe0: {  	vm5 =	vlt.f32 v15, $0.0e+00;
	v15 =	vsel vm6, v11, v13;
	vm6 =	vnez.u8 v9;
	v9 =	vld [tilespmem:$0x1FFD0]  }
0xe1: {  	v45 =	vld [tilespmem:$0x1FFE0]  }
0xe2: {  	v6 =	vld [tilespmem:s9+$0x11D0];
	[tilespmem:s19+$0xDAE0] =	vst v16  }
0xe3: {  	[tilespmem:s19+$0xDAF0] =	vst v17  }
0xe4: {  	v7 =	vld [tilespmem:s9+$0x11E0];
	[tilespmem:s19+$0xDB00] =	vst v12  }
0xe5: {  	v8 =	vld [tilespmem:s9+$0x11F0];
	[tilespmem:s19+$0xDB50] =	vst v19;
	v19 =	vsel vm6, v11, v13;
	vm6 =	vnez.u8 v9  }
0xe6: {  	v9 =	vld [tilespmem:s9+$0x1200];
	v33 =	vsel vm6, v11, v13;
	vm6 =	vnez.u8 v45  }
0xe7: {  	[tilespmem:s19+$0xDB60] =	vst v20;
	v20 =	vsel vm6, v11, v13;
	v11 =	vld [tilespmem:$0x1FFF0];
	_ =	sdelay $0x4  }
0xe8: {  	vm6 =	vnez.u8 v11;
	v11 =	vld [tilespmem:$0x1FD90];
	_ =	sdelay $0x2  }
0xe9: {  	v44 =	vbroadcast v1, $0x9;
	v12 =	vbroadcast v0, $0x9;
	_ =	sdelay $0x1  }
0xea: {  	v34 =	vsel vm6, v44, v12;
	vm6 =	vnez.u8 v11;
	v11 =	vld [tilespmem:$0x1FDA0];
	_ =	sdelay $0x4  }
0xeb: {  	v35 =	vsel vm6, v44, v12;
	vm6 =	vnez.u8 v11;
	v11 =	vld [tilespmem:$0x1FDB0];
	_ =	sdelay $0x4  }
0xec: {  	[tilespmem:s19+$0xDB70] =	vst v21;
	v21 =	vsel vm6, v44, v12;
	vm6 =	vnez.u8 v11;
	v11 =	vld [tilespmem:$0x1FDC0];
	_ =	sdelay $0x4  }
0xed: {  	vm7 =	vnez.u8 v11;
	v11 =	vld [tilespmem:$0x1FDD0];
	_ =	sdelay $0x2  }
0xee: {  	v32 =	vbroadcast v1, $0xA;
	[tilespmem:s19+$0xDB80] =	vst v10;
	v17 =	vsel vm6, v44, v12;
	v12 =	vbroadcast v0, $0xA  }
0xef: {  	v10 =	vld [tilespmem:s9+$0x1250]  }
0xf0: {  	[tilespmem:s19+$0xDBD0] =	vst v22;
	v22 =	vsel vm7, v32, v12;
	vm7 =	vnez.u8 v11;
	v11 =	vld [tilespmem:$0x1FDE0]  }
0xf1: {  	v47 =	vld [tilespmem:$0x1FDF0];
	_ =	sdelay $0x1  }
0xf2: {  	v18 =	vld [tilespmem:s19+$0x1860]  }
0xf3: {  	v31 =	vld [tilespmem:s19+$0x18D0]  }
0xf4: {  	v46 =	vld [tilespmem:s19+$0x18F0];
	v38 =	vsel vm7, v32, v12;
	vm7 =	vnez.u8 v11  }
0xf5: {  	v11 =	vld [tilespmem:s9+$0x1260];
	v39 =	vsel vm7, v32, v12;
	vm7 =	vnez.u8 v47  }
0xf6: {  	[tilespmem:s19+$0xDBE0] =	vst v23;
	v23 =	vsel vm7, v32, v12;
	v12 =	vld [tilespmem:$0x1FE00]  }
0xf7: {  	v42 =	vld [tilespmem:s19+$0x1900]  }
0xf8: {  	v48 =	vld [tilespmem:$0x1FE20]  }
0xf9: {  	v41 =	vld [tilespmem:$0x1FE30]  }
0xfa: {  	v53 =	vld [tilespmem:$0x1FE40]  }
0xfb: {  	vm7 =	vnez.u8 v12;
	v12 =	vld [tilespmem:$0x1FE10]  }
0xfc: {  	v54 =	vld [tilespmem:$0x1FE70]  }
0xfd: {  	v55 =	vld [tilespmem:$0x1FE80]  }
0xfe: {  	v36 =	vbroadcast v0, $0xB;
	v37 =	vbroadcast v1, $0xB;
	v13 =	vld [tilespmem:s19+$0x18E0]  }
0xff: {  	v45 =	vld [tilespmem:$0x1FE60]  }
0x100: {  	v50 =	vbroadcast v0, $0xC;
	v44 =	vld [tilespmem:$0x1FE50];
	v32 =	vsel vm7, v37, v36;
	vm7 =	vnez.u8 v12  }
0x101: {  	v52 =	vbroadcast v0, $0xD;
	v12 =	vld [tilespmem:s9+$0x1270];
	[tilespmem:s19+$0xDBF0] =	vst v24;
	v40 =	vsel vm7, v37, v36;
	vm7 =	vnez.u8 v48  }
0x102: {  	v58 =	vbroadcast v0, $0xE;
	v56 =	vld [tilespmem:$0x1FE90];
	[tilespmem:s19+$0xDC00] =	vst v25;
	v24 =	vsel vm7, v37, v36;
	vm7 =	vnez.u8 v41  }
0x103: {  	v49 =	vbroadcast v1, $0xC;
	v36 =	vsel vm7, v37, v36;
	vm7 =	vlt.f32 v13, $0.0e+00;
	v13 =	vld [tilespmem:s9+$0x1280];
	[tilespmem:s19+$0xDC50] =	vst v62  }
0x104: {  	v51 =	vbroadcast v1, $0xD;
	vm9 =	vnez.u8 v53;
	vm6 =	vlt.f32 v31, $0.0e+00;
	v31 =	vld [tilespmem:s9+$0x12D0];
	[tilespmem:s19+$0xDC60] =	vst v26  }
0x105: {  	vm8 =	vlt.f32 v46, $0.0e+00;
	v26 =	vsel vm9, v49, v50;
	vm9 =	vnez.u8 v44;
	v46 =	vld [tilespmem:s9+$0x12E0];
	[tilespmem:s19+$0xDC70] =	vst v27  }
0x106: {  	v43 =	vbroadcast v1, $0xE;
	v44 =	vsel vm9, v49, v50;
	vm9 =	vnez.u8 v45;
	v47 =	vld [tilespmem:s9+$0x12F0];
	[tilespmem:s19+$0xDC80] =	vst v28  }
0x107: {  	vm3 =	vlt.f32 v18, $0.0e+00;
	v45 =	vsel vm9, v49, v50;
	vm9 =	vnez.u8 v54;
	v48 =	vld [tilespmem:s9+$0x1300];
	[tilespmem:s19+$0xDCD0] =	vst v29  }
0x108: {  	v18 =	vsel vm1, v51, v52;
	v25 =	vsel vm9, v49, v50;
	vm9 =	vnez.u8 v55;
	v29 =	vld [tilespmem:s9+$0x1350];
	[tilespmem:s19+$0xDCE0] =	vst v30  }
0x109: {  	v57 =	vsel vm0, v51, v52;
	v27 =	vsel vm9, v51, v52;
	vm9 =	vnez.u8 v56;
	v50 =	vld [tilespmem:s9+$0x1360];
	[tilespmem:s19+$0xDCF0] =	vst v63  }
0x10a: {  	v1 =	vbroadcast v1, $0xF;
	v0 =	vbroadcast v0, $0xF;
	v37 =	vsel vm9, v51, v52;
	v51 =	vld [tilespmem:s9+$0x1370];
	[tilespmem:s19+$0xDD00] =	vst v14  }
0x10b: {  	vm0 =	vlt.f32 v42, $0.0e+00;
	v53 =	vld [tilespmem:s9+$0x1380];
	[tilespmem:s19+$0xDD50] =	vst v15  }
0x10c: {  	v61 =	vsel vm5, v43, v58;
	v14 =	vsel vm0, v1, v0;
	v15 =	vld [tilespmem:s9+$0x13D0];
	[tilespmem:s19+$0xDD60] =	vst v19  }
0x10d: {  	vm0 =	vlt.f32 v7, $0.0e+00;
	v7 =	vimm.s32 $0x0;
	vm5 =	vlt.f32 v48, $0.0e+00;
	v19 =	vld [tilespmem:s9+$0x13E0];
	[tilespmem:s19+$0xDD70] =	vst v33  }
0x10e: {  	v7 =	vsel vm5, $0xFFFFFFFF, v7;
	v33 =	vld [tilespmem:s9+$0x13F0];
	[tilespmem:s19+$0xDD80] =	vst v20  }
0x10f: {  	vm12 =	vlt.f32 v8, $0.0e+00;
	v8 =	vimm.s32 $0x0;
	vm5 =	vlt.f32 v29, $0.0e+00;
	[tilespmem:$0x1FEA0] =	vst v7  }
0x110: {  	v8 =	vsel vm5, $0xFFFFFFFF, v8;
	v20 =	vld [tilespmem:s9+$0x1400];
	[tilespmem:s19+$0xDDD0] =	vst v34  }
0x111: {  	[tilespmem:$0x1FEB0] =	vst v8  }
0x112: {  	vm5 =	vlt.f32 v50, $0.0e+00;
	v8 =	vimm.s32 $0x0;
	v34 =	vld [tilespmem:s9+$0x1450];
	[tilespmem:s19+$0xDDE0] =	vst v35  }
0x113: {  	v8 =	vsel vm5, $0xFFFFFFFF, v8;
	v35 =	vld [tilespmem:s9+$0x1460];
	[tilespmem:s19+$0xDDF0] =	vst v21  }
0x114: {  	[tilespmem:$0x1FEC0] =	vst v8  }
0x115: {  	vm5 =	vlt.f32 v51, $0.0e+00;
	v8 =	vimm.s32 $0x0;
	v21 =	vld [tilespmem:s9+$0x1470];
	[tilespmem:s19+$0xDE00] =	vst v17  }
0x116: {  	v8 =	vsel vm5, $0xFFFFFFFF, v8;
	v17 =	vld [tilespmem:s9+$0x1480];
	[tilespmem:s19+$0xDE50] =	vst v22  }
0x117: {  	vm14 =	vlt.f32 v9, $0.0e+00;
	v9 =	vimm.s32 $0x0;
	vm5 =	vlt.f32 v53, $0.0e+00;
	[tilespmem:$0x1FED0] =	vst v8  }
0x118: {  	v9 =	vsel vm5, $0xFFFFFFFF, v9;
	v22 =	vld [tilespmem:s9+$0x14D0];
	[tilespmem:s19+$0xDE60] =	vst v38  }
0x119: {  	[tilespmem:$0x1FEE0] =	vst v9  }
0x11a: {  	vm5 =	vlt.f32 v15, $0.0e+00;
	v9 =	vimm.s32 $0x0;
	v38 =	vld [tilespmem:s9+$0x14E0];
	[tilespmem:s19+$0xDE70] =	vst v39  }
0x11b: {  	v9 =	vsel vm5, $0xFFFFFFFF, v9;
	v39 =	vld [tilespmem:s9+$0x14F0];
	[tilespmem:s19+$0xDE80] =	vst v23  }
0x11c: {  	[tilespmem:$0x1FEF0] =	vst v9  }
0x11d: {  	vm5 =	vlt.f32 v19, $0.0e+00;
	v9 =	vimm.s32 $0x0;
	v23 =	vld [tilespmem:s9+$0x1500];
	[tilespmem:s19+$0xDED0] =	vst v32  }
0x11e: {  	v9 =	vsel vm5, $0xFFFFFFFF, v9;
	v32 =	vld [tilespmem:s9+$0x1550];
	[tilespmem:s19+$0xDEE0] =	vst v40  }
0x11f: {  	vm13 =	vlt.f32 v10, $0.0e+00;
	v10 =	vimm.s32 $0x0;
	vm5 =	vlt.f32 v33, $0.0e+00;
	[tilespmem:$0x1FF00] =	vst v9  }
0x120: {  	v10 =	vsel vm5, $0xFFFFFFFF, v10;
	v40 =	vld [tilespmem:s9+$0x1560];
	[tilespmem:s19+$0xDEF0] =	vst v24  }
0x121: {  	[tilespmem:$0x1FF10] =	vst v10  }
0x122: {  	vm5 =	vlt.f32 v20, $0.0e+00;
	v10 =	vimm.s32 $0x0;
	v24 =	vld [tilespmem:s9+$0x1570];
	[tilespmem:s19+$0xDF00] =	vst v36  }
0x123: {  	v10 =	vsel vm5, $0xFFFFFFFF, v10;
	v36 =	vld [tilespmem:s9+$0x1580];
	[tilespmem:s19+$0xDF50] =	vst v26  }
0x124: {  	[tilespmem:$0x1FF20] =	vst v10  }
0x125: {  	v62 =	vsel vm6, v1, v0;
	vm5 =	vlt.f32 v34, $0.0e+00;
	v10 =	vimm.s32 $0x0;
	v26 =	vld [tilespmem:s9+$0x15D0];
	[tilespmem:s19+$0xDF60] =	vst v44  }
0x126: {  	v63 =	vsel vm7, v1, v0;
	v52 =	vsel vm8, v1, v0;
	v10 =	vsel vm5, $0xFFFFFFFF, v10;
	v0 =	vld [tilespmem:s9+$0x15E0];
	[tilespmem:s19+$0xDF70] =	vst v45  }
0x127: {  	vm10 =	vlt.f32 v11, $0.0e+00;
	v11 =	vimm.s32 $0x0;
	vm5 =	vlt.f32 v35, $0.0e+00;
	[tilespmem:$0x1FF30] =	vst v10  }
0x128: {  	v11 =	vsel vm5, $0xFFFFFFFF, v11;
	v1 =	vld [tilespmem:s9+$0x15F0];
	[tilespmem:s19+$0xDF80] =	vst v25  }
0x129: {  	v59 =	vsel vm2, v43, v58;
	[tilespmem:$0x1FF40] =	vst v11  }
0x12a: {  	vm2 =	vlt.f32 v2, $0.0e+00;
	vm5 =	vlt.f32 v21, $0.0e+00;
	v11 =	vimm.s32 $0x0;
	v2 =	vld [tilespmem:s9+$0x1600];
	[tilespmem:s19+$0xDFD0] =	vst v27  }
0x12b: {  	v49 =	vsel vm4, v43, v58;
	vm4 =	vlt.f32 v3, $0.0e+00;
	v11 =	vsel vm5, $0xFFFFFFFF, v11;
	v3 =	vld [tilespmem:s9+$0x1650];
	[tilespmem:s19+$0xDFE0] =	vst v37  }
0x12c: {  	v60 =	vsel vm3, v43, v58;
	[tilespmem:$0x1FF50] =	vst v11  }
0x12d: {  	vm3 =	vlt.f32 v4, $0.0e+00;
	vm5 =	vlt.f32 v17, $0.0e+00;
	v11 =	vimm.s32 $0x0;
	v4 =	vld [tilespmem:s9+$0x1660];
	[tilespmem:s19+$0xDFF0] =	vst v57  }
0x12e: {  	vm15 =	vlt.f32 v5, $0.0e+00;
	v11 =	vsel vm5, $0xFFFFFFFF, v11;
	v5 =	vld [tilespmem:s9+$0x1670];
	[tilespmem:s19+$0xE000] =	vst v18  }
0x12f: {  	vm11 =	vlt.f32 v12, $0.0e+00;
	v12 =	vimm.s32 $0x0;
	vm5 =	vlt.f32 v22, $0.0e+00;
	[tilespmem:$0x1FF60] =	vst v11  }
0x130: {  	vm1 =	vlt.f32 v6, $0.0e+00;
	v12 =	vsel vm5, $0xFFFFFFFF, v12;
	v6 =	vld [tilespmem:s9+$0x1680];
	[tilespmem:s19+$0xE050] =	vst v59  }
0x131: {  	[tilespmem:$0x1FF70] =	vst v12  }
0x132: {  	vm5 =	vlt.f32 v38, $0.0e+00;
	v12 =	vimm.s32 $0x0;
	v7 =	vld [tilespmem:s9+$0x16D0];
	[tilespmem:s19+$0xE060] =	vst v60  }
0x133: {  	v12 =	vsel vm5, $0xFFFFFFFF, v12;
	v8 =	vld [tilespmem:s9+$0x16E0];
	[tilespmem:s19+$0xE070] =	vst v49  }
0x134: {  	vm9 =	vlt.f32 v13, $0.0e+00;
	vm5 =	vlt.f32 v39, $0.0e+00;
	[tilespmem:$0x1FF80] =	vst v12;
	v12 =	vimm.s32 $0x0  }
0x135: {  	v13 =	vimm.s32 $0x0;
	v9 =	vld [tilespmem:s9+$0x16F0];
	[tilespmem:s19+$0xE080] =	vst v61;
	v12 =	vsel vm5, $0xFFFFFFFF, v12;
	vm5 =	vlt.f32 v23, $0.0e+00  }
0x136: {  	v10 =	vld [tilespmem:s9+$0x1700];
	[tilespmem:s19+$0xE0D0] =	vst v62;
	v13 =	vsel vm5, $0xFFFFFFFF, v13  }
0x137: {  	vm5 =	vlt.f32 v32, $0.0e+00;
	[tilespmem:$0x1FFA0] =	vst v13;
	v13 =	vimm.s32 $0x0  }
0x138: {  	[tilespmem:$0x1FF90] =	vst v12;
	v13 =	vsel vm5, $0xFFFFFFFF, v13  }
0x139: {  	vm5 =	vlt.f32 v40, $0.0e+00;
	[tilespmem:$0x1FFB0] =	vst v13;
	v13 =	vimm.s32 $0x0  }
0x13a: {  	v15 =	vimm.s32 $0x0;
	v11 =	vld [tilespmem:s9+$0x1750];
	[tilespmem:s19+$0xE0E0] =	vst v63;
	v13 =	vsel vm5, $0xFFFFFFFF, v13;
	vm5 =	vlt.f32 v24, $0.0e+00  }
0x13b: {  	p0 =	sne.s32 s7, $0x17EC0;
	v12 =	vld [tilespmem:s9+$0x1760];
	[tilespmem:s19+$0xE0F0] =	vst v52;
	v15 =	vsel vm5, $0xFFFFFFFF, v15  }
.Ltmp0:
0x13c: {  	vm5 =	vlt.f32 v36, $0.0e+00;
	[tilespmem:$0x1FFD0] =	vst v15;
	v15 =	vimm.s32 $0x0;
	(pc) =	sbr.rel @p0 .LBB2_3-.Ltmp0, $4  }
0x13d: {  	[tilespmem:$0x1FFC0] =	vst v13;
	v15 =	vsel vm5, $0xFFFFFFFF, v15  }
0x13e: {  	vm5 =	vlt.f32 v26, $0.0e+00;
	[tilespmem:$0x1FFE0] =	vst v15;
	v15 =	vimm.s32 $0x0  }
0x13f: {  	s22 =	sadd.s32 $0x10, s22;
	v13 =	vld [tilespmem:s9+$0x1770];
	[tilespmem:s19+$0xE100] =	vst v14;
	v15 =	vsel vm5, $0xFFFFFFFF, v15  }
0x140: {  	s7 =	sadd.s32 $0x2000, s7;
	vm6 =	vlt.f32 v31, $0.0e+00;
	vm8 =	vlt.f32 v46, $0.0e+00;
	vm7 =	vlt.f32 v47, $0.0e+00;
	s19 =	smov.u32 s9;
	v14 =	vld [tilespmem:s22+$0x0];
	[tilespmem:$0x1FFF0] =	vst v15  }
0x141: {  	_ =	sdelay $0x3  }
0x142: {  	v14 =	vmax.f32 v14, $9.999999930e-09  }
0x143: {  	v15 =	vsub.f32 $0.0e+00, v14;
	_ =	sdelay $0x1  }
0x144: {  	v21 =	vbroadcast v14, $0x0;
	v22 =	vbroadcast v15, $0x0;
	_ =	sdelay $0x1  }
0x145: {  	v23 =	vsel vm2, v22, v21  }
0x146: {  	v24 =	vsel vm4, v22, v21;
	[tilespmem:s19+$0xD950] =	vst v23  }
0x147: {  	v25 =	vbroadcast v14, $0x1;
	v26 =	vbroadcast v15, $0x1;
	v29 =	vsel vm3, v22, v21;
	[tilespmem:s19+$0xD960] =	vst v24  }
0x148: {  	v21 =	vsel vm15, v22, v21;
	[tilespmem:s19+$0xD970] =	vst v29  }
0x149: {  	v42 =	vld [tilespmem:$0x1FEA0];
	v30 =	vsel vm1, v26, v25;
	[tilespmem:s19+$0xD980] =	vst v21  }
0x14a: {  	v43 =	vld [tilespmem:$0x1FEB0];
	v31 =	vsel vm0, v26, v25;
	[tilespmem:s19+$0xD9D0] =	vst v30  }
0x14b: {  	v44 =	vld [tilespmem:$0x1FEC0];
	v33 =	vbroadcast v14, $0x2;
	v27 =	vbroadcast v15, $0x2;
	v32 =	vsel vm12, v26, v25;
	[tilespmem:s19+$0xD9E0] =	vst v31  }
0x14c: {  	v45 =	vld [tilespmem:$0x1FED0];
	v37 =	vbroadcast v14, $0x3;
	v25 =	vsel vm14, v26, v25;
	[tilespmem:s19+$0xD9F0] =	vst v32  }
0x14d: {  	v46 =	vld [tilespmem:$0x1FEE0];
	v28 =	vbroadcast v15, $0x3;
	v34 =	vsel vm13, v27, v33;
	v35 =	vsel vm10, v27, v33;
	[tilespmem:s19+$0xDA00] =	vst v25  }
0x14e: {  	v50 =	vld [tilespmem:$0x1FEF0];
	vm0 =	vnez.u8 v42;
	[tilespmem:s19+$0xDA50] =	vst v34;
	v29 =	vbroadcast v14, $0x4;
	v30 =	vbroadcast v15, $0x4  }
0x14f: {  	v36 =	vsel vm11, v27, v33;
	[tilespmem:s19+$0xDA60] =	vst v35;
	v26 =	vsel vm0, v28, v37;
	vm0 =	vnez.u8 v43;
	v31 =	vld [tilespmem:$0x1FF00]  }
0x150: {  	v52 =	vld [tilespmem:$0x1FF10];
	v38 =	vsel vm9, v27, v33;
	[tilespmem:s19+$0xDA70] =	vst v36;
	v27 =	vsel vm0, v30, v29;
	vm0 =	vnez.u8 v44  }
0x151: {  	v53 =	vld [tilespmem:$0x1FF20];
	v47 =	vbroadcast v14, $0x5;
	[tilespmem:s19+$0xDB00] =	vst v26;
	v26 =	vsel vm0, v30, v29;
	vm0 =	vnez.u8 v45  }
0x152: {  	v56 =	vld [tilespmem:$0x1FF30];
	v48 =	vbroadcast v15, $0x5;
	[tilespmem:s19+$0xDB50] =	vst v27;
	v27 =	vsel vm0, v30, v29;
	vm0 =	vnez.u8 v46  }
0x153: {  	v32 =	vld [tilespmem:$0x1FF40];
	[tilespmem:s19+$0xDB60] =	vst v26;
	v26 =	vsel vm0, v30, v29;
	vm0 =	vnez.u8 v50  }
0x154: {  	v54 =	vbroadcast v14, $0x6;
	v34 =	vld [tilespmem:$0x1FF50];
	[tilespmem:s19+$0xDB80] =	vst v26;
	v26 =	vsel vm0, v48, v47;
	vm0 =	vnez.u8 v31  }
0x155: {  	v59 =	vld [tilespmem:$0x1FF60];
	v58 =	vbroadcast v14, $0x7;
	[tilespmem:s19+$0xDA80] =	vst v38;
	v31 =	vsel vm0, v48, v47;
	vm0 =	vnez.u8 v52  }
0x156: {  	v60 =	vld [tilespmem:$0x1FF70];
	v55 =	vbroadcast v15, $0x6;
	[tilespmem:s19+$0xDBD0] =	vst v26;
	v26 =	vsel vm0, v48, v47;
	vm0 =	vnez.u8 v53  }
0x157: {  	v61 =	vld [tilespmem:$0x1FF80];
	v39 =	vsel vm6, v28, v37;
	[tilespmem:s19+$0xDB70] =	vst v27;
	v27 =	vsel vm0, v48, v47;
	vm0 =	vnez.u8 v56  }
0x158: {  	v62 =	vld [tilespmem:$0x1FF90];
	v40 =	vsel vm8, v28, v37;
	[tilespmem:s19+$0xDBF0] =	vst v26;
	v26 =	vsel vm0, v55, v54;
	vm0 =	vnez.u8 v32  }
0x159: {  	v41 =	vsel vm7, v28, v37;
	[tilespmem:s19+$0xDAD0] =	vst v39;
	v37 =	vld [tilespmem:$0x1FFA0];
	v32 =	vsel vm0, v55, v54;
	vm0 =	vnez.u8 v34  }
0x15a: {  	v33 =	vbroadcast v15, $0x7;
	[tilespmem:s19+$0xDAE0] =	vst v40;
	v38 =	vld [tilespmem:$0x1FFB0];
	v34 =	vsel vm0, v55, v54;
	vm0 =	vnez.u8 v59  }
0x15b: {  	[tilespmem:s19+$0xDAF0] =	vst v41;
	v39 =	vld [tilespmem:$0x1FFC0];
	v28 =	vsel vm0, v55, v54;
	vm0 =	vnez.u8 v60  }
0x15c: {  	v42 =	vld [tilespmem:$0x1FFD0];
	[tilespmem:s19+$0xDBE0] =	vst v31;
	v31 =	vsel vm0, v33, v58;
	vm0 =	vnez.u8 v61  }
0x15d: {  	v63 =	vbroadcast v15, $0x8;
	v43 =	vld [tilespmem:$0x1FFE0];
	[tilespmem:s19+$0xDC80] =	vst v28;
	v28 =	vsel vm0, v33, v58;
	vm0 =	vnez.u8 v62  }
0x15e: {  	v36 =	vbroadcast v14, $0x8;
	[tilespmem:s19+$0xDCD0] =	vst v31;
	v31 =	vsel vm0, v33, v58;
	vm0 =	vnez.u8 v37  }
0x15f: {  	[tilespmem:s19+$0xDC50] =	vst v26;
	v26 =	vsel vm0, v33, v58;
	vm0 =	vnez.u8 v38  }
0x160: {  	[tilespmem:s19+$0xDCE0] =	vst v28;
	v28 =	vsel vm0, v63, v36;
	vm0 =	vnez.u8 v39  }
0x161: {  	[tilespmem:s19+$0xDD00] =	vst v26;
	v26 =	vsel vm0, v63, v36;
	vm0 =	vnez.u8 v42  }
0x162: {  	[tilespmem:s19+$0xDC00] =	vst v27;
	v33 =	vsel vm0, v63, v36;
	vm0 =	vnez.u8 v43  }
0x163: {  	[tilespmem:s19+$0xDD60] =	vst v26;
	v26 =	vsel vm0, v63, v36;
	vm0 =	vlt.f32 v0, $0.0e+00;
	v0 =	vld [tilespmem:$0x1FFF0]  }
0x164: {  	[tilespmem:s19+$0xDC60] =	vst v32  }
0x165: {  	[tilespmem:s19+$0xDC70] =	vst v34  }
0x166: {  	[tilespmem:s19+$0xDCF0] =	vst v31  }
0x167: {  	v40 =	vbroadcast v15, $0x9;
	v41 =	vbroadcast v14, $0x9;
	[tilespmem:s19+$0xDD50] =	vst v28  }
0x168: {  	[tilespmem:s19+$0xDD70] =	vst v33;
	vm1 =	vnez.u8 v0  }
0x169: {  	[tilespmem:s19+$0xDD80] =	vst v26;
	v0 =	vsel vm1, v40, v41  }
0x16a: {  	vm2 =	vlt.f32 v2, $0.0e+00;
	vm1 =	vlt.f32 v1, $0.0e+00;
	v1 =	vsel vm0, v40, v41;
	[tilespmem:s19+$0xDDD0] =	vst v0  }
0x16b: {  	v44 =	vbroadcast v14, $0xA;
	v0 =	vbroadcast v15, $0xA;
	v2 =	vsel vm1, v40, v41;
	[tilespmem:s19+$0xDDE0] =	vst v1  }
0x16c: {  	vm0 =	vlt.f32 v3, $0.0e+00;
	v1 =	vsel vm2, v40, v41;
	[tilespmem:s19+$0xDDF0] =	vst v2  }
0x16d: {  	vm1 =	vlt.f32 v4, $0.0e+00;
	[tilespmem:s19+$0xDE00] =	vst v1;
	v2 =	vsel vm0, v0, v44  }
0x16e: {  	v3 =	vbroadcast v15, $0xB;
	vm0 =	vlt.f32 v5, $0.0e+00;
	v1 =	vsel vm1, v0, v44;
	[tilespmem:s19+$0xDE50] =	vst v2  }
0x16f: {  	vm2 =	vlt.f32 v6, $0.0e+00;
	v2 =	vbroadcast v14, $0xB;
	v4 =	vsel vm0, v0, v44;
	[tilespmem:s19+$0xDE60] =	vst v1  }
0x170: {  	vm0 =	vlt.f32 v7, $0.0e+00;
	v0 =	vsel vm2, v0, v44;
	[tilespmem:s19+$0xDE70] =	vst v4  }
0x171: {  	v20 =	vld [tilespmem:s19+$0x1780];
	vm1 =	vlt.f32 v8, $0.0e+00;
	[tilespmem:s19+$0xDE80] =	vst v0;
	v1 =	vsel vm0, v3, v2  }
0x172: {  	v19 =	vld [tilespmem:s19+$0x17D0];
	v5 =	vbroadcast v14, $0xC;
	vm0 =	vlt.f32 v9, $0.0e+00;
	v0 =	vsel vm1, v3, v2;
	[tilespmem:s19+$0xDED0] =	vst v1  }
0x173: {  	v16 =	vld [tilespmem:s19+$0x17E0];
	vm2 =	vlt.f32 v10, $0.0e+00;
	v4 =	vbroadcast v15, $0xC;
	v1 =	vsel vm0, v3, v2;
	[tilespmem:s19+$0xDEE0] =	vst v0  }
0x174: {  	v17 =	vld [tilespmem:s19+$0x17F0];
	vm0 =	vlt.f32 v11, $0.0e+00;
	v0 =	vsel vm2, v3, v2;
	[tilespmem:s19+$0xDEF0] =	vst v1  }
0x175: {  	v18 =	vld [tilespmem:s19+$0x1800];
	vm1 =	vlt.f32 v12, $0.0e+00;
	v1 =	vsel vm0, v4, v5;
	[tilespmem:s19+$0xDF00] =	vst v0  }
0x176: {  	v22 =	vld [tilespmem:s19+$0x1860];
	vm2 =	vlt.f32 v20, $0.0e+00;
	vm0 =	vlt.f32 v13, $0.0e+00;
	v0 =	vsel vm1, v4, v5;
	[tilespmem:s19+$0xDF50] =	vst v1  }
0x177: {  	v21 =	vld [tilespmem:s19+$0x1850];
	v2 =	vbroadcast v14, $0xD;
	v1 =	vbroadcast v15, $0xD;
	v3 =	vsel vm0, v4, v5;
	[tilespmem:s19+$0xDF60] =	vst v0  }
0x178: {  	v23 =	vld [tilespmem:s19+$0x1870];
	vm0 =	vlt.f32 v19, $0.0e+00;
	v0 =	vsel vm2, v4, v5;
	[tilespmem:s19+$0xDF70] =	vst v3  }
0x179: {  	v24 =	vld [tilespmem:s19+$0x1880];
	vm1 =	vlt.f32 v16, $0.0e+00;
	[tilespmem:s19+$0xDF80] =	vst v0;
	v3 =	vsel vm0, v1, v2  }
0x17a: {  	vm2 =	vlt.f32 v18, $0.0e+00;
	vm0 =	vlt.f32 v17, $0.0e+00;
	v0 =	vsel vm1, v1, v2;
	[tilespmem:s19+$0xDFD0] =	vst v3  }
0x17b: {  	v25 =	vld [tilespmem:s19+$0x18D0];
	v5 =	vbroadcast v14, $0xE;
	v3 =	vbroadcast v15, $0xE;
	v4 =	vsel vm0, v1, v2;
	[tilespmem:s19+$0xDFE0] =	vst v0  }
0x17c: {  	v49 =	vld [tilespmem:s19+$0x18E0];
	vm0 =	vlt.f32 v21, $0.0e+00;
	v0 =	vsel vm2, v1, v2;
	[tilespmem:s19+$0xDFF0] =	vst v4  }
0x17d: {  	v51 =	vld [tilespmem:s19+$0x18F0];
	vm1 =	vlt.f32 v22, $0.0e+00;
	[tilespmem:s19+$0xE000] =	vst v0;
	v1 =	vsel vm0, v3, v5  }
0x17e: {  	v57 =	vld [tilespmem:s19+$0x1900];
	vm2 =	vlt.f32 v24, $0.0e+00;
	vm0 =	vlt.f32 v23, $0.0e+00;
	v0 =	vsel vm1, v3, v5;
	[tilespmem:s19+$0xE050] =	vst v1  }
0x17f: {  	v2 =	vbroadcast v15, $0xF;
	v1 =	vbroadcast v14, $0xF;
	v4 =	vsel vm0, v3, v5;
	[tilespmem:s19+$0xE060] =	vst v0  }
0x180: {  	vm0 =	vlt.f32 v25, $0.0e+00;
	v0 =	vsel vm2, v3, v5;
	[tilespmem:s19+$0xE070] =	vst v4  }
0x181: {  	vm1 =	vlt.f32 v49, $0.0e+00;
	[tilespmem:s19+$0xE080] =	vst v0;
	v3 =	vsel vm0, v2, v1  }
0x182: {  	vm0 =	vlt.f32 v51, $0.0e+00;
	v0 =	vsel vm1, v2, v1;
	[tilespmem:s19+$0xE0D0] =	vst v3  }
0x183: {  	vm1 =	vlt.f32 v57, $0.0e+00;
	v3 =	vsel vm0, v2, v1;
	[tilespmem:s19+$0xE0E0] =	vst v0  }
0x184: {  	v0 =	vsel vm1, v2, v1;
	[tilespmem:s19+$0xE0F0] =	vst v3  }
0x185: {  	[tilespmem:s19+$0xE100] =	vst v0  }
0x186: {  	v0 =	vld [tilespmem:$0x145B8];
	_ =	sdelay $0x2  }
0x187: {  	v1 =	vld [tilespmem:$0x7900]  }
0x188: {  	v2 =	vld [tilespmem:$0x7910]  }
0x189: {  	v3 =	vld [tilespmem:$0x7920];
	v0 =	vmax.f32 v0, $9.999999930e-09  }
0x18a: {  	v5 =	vld [tilespmem:$0x7930];
	v4 =	vsub.f32 $0.0e+00, v0  }
0x18b: {  	v6 =	vld [tilespmem:$0x7980]  }
0x18c: {  	v9 =	vld [tilespmem:$0x7990];
	v7 =	vbroadcast v0, $0x8;
	v8 =	vbroadcast v4, $0x8  }
0x18d: {  	vm0 =	vlt.f32 v1, $0.0e+00;
	v1 =	vld [tilespmem:$0x79A0]  }
0x18e: {  	v11 =	vld [tilespmem:$0x7A00];
	vm1 =	vlt.f32 v3, $0.0e+00;
	v10 =	vsel vm0, v8, v7;
	vm0 =	vlt.f32 v2, $0.0e+00  }
0x18f: {  	v2 =	vld [tilespmem:$0x79B0];
	[tilespmem:$0x14100] =	vst v10;
	v3 =	vsel vm0, v8, v7;
	v10 =	vsel vm1, v8, v7  }
0x190: {  	v12 =	vld [tilespmem:$0x7A10];
	vm0 =	vlt.f32 v5, $0.0e+00;
	v5 =	vbroadcast v4, $0x9;
	[tilespmem:$0x14110] =	vst v3;
	v3 =	vbroadcast v0, $0x9  }
0x191: {  	[tilespmem:$0x14120] =	vst v10;
	v7 =	vsel vm0, v8, v7;
	vm0 =	vlt.f32 v6, $0.0e+00;
	v6 =	vld [tilespmem:$0x7A20]  }
0x192: {  	vm1 =	vlt.f32 v1, $0.0e+00;
	v1 =	vld [tilespmem:$0x7A30];
	[tilespmem:$0x14130] =	vst v7;
	v7 =	vsel vm0, v5, v3;
	vm0 =	vlt.f32 v9, $0.0e+00  }
0x193: {  	v10 =	vld [tilespmem:$0x7A90];
	v8 =	vsel vm1, v5, v3;
	[tilespmem:$0x14180] =	vst v7;
	v7 =	vsel vm0, v5, v3  }
0x194: {  	v9 =	vld [tilespmem:$0x7A80];
	vm0 =	vlt.f32 v2, $0.0e+00;
	v2 =	vbroadcast v0, $0xA;
	[tilespmem:$0x14190] =	vst v7;
	v7 =	vbroadcast v4, $0xA  }
0x195: {  	[tilespmem:$0x141A0] =	vst v8;
	v3 =	vsel vm0, v5, v3;
	vm0 =	vlt.f32 v11, $0.0e+00;
	v5 =	vld [tilespmem:$0x7AA0]  }
0x196: {  	v11 =	vld [tilespmem:$0x7B00];
	[tilespmem:$0x141B0] =	vst v3;
	vm1 =	vlt.f32 v6, $0.0e+00;
	v3 =	vsel vm0, v7, v2;
	vm0 =	vlt.f32 v12, $0.0e+00  }
0x197: {  	v6 =	vld [tilespmem:$0x7AB0];
	v8 =	vsel vm1, v7, v2;
	[tilespmem:$0x14200] =	vst v3;
	v3 =	vsel vm0, v7, v2  }
0x198: {  	v12 =	vld [tilespmem:$0x7B10];
	vm0 =	vlt.f32 v1, $0.0e+00;
	v1 =	vbroadcast v0, $0xB;
	[tilespmem:$0x14210] =	vst v3;
	v3 =	vbroadcast v4, $0xB  }
0x199: {  	[tilespmem:$0x14220] =	vst v8;
	v2 =	vsel vm0, v7, v2;
	vm0 =	vlt.f32 v9, $0.0e+00;
	v7 =	vld [tilespmem:$0x7B20]  }
0x19a: {  	v9 =	vld [tilespmem:$0x7B80];
	[tilespmem:$0x14230] =	vst v2;
	vm1 =	vlt.f32 v5, $0.0e+00;
	v2 =	vsel vm0, v3, v1;
	vm0 =	vlt.f32 v10, $0.0e+00  }
0x19b: {  	v5 =	vld [tilespmem:$0x7B30];
	v8 =	vsel vm1, v3, v1;
	[tilespmem:$0x14280] =	vst v2;
	v2 =	vsel vm0, v3, v1  }
0x19c: {  	v10 =	vld [tilespmem:$0x7B90];
	vm0 =	vlt.f32 v6, $0.0e+00;
	v6 =	vbroadcast v4, $0xC;
	[tilespmem:$0x14290] =	vst v2;
	v2 =	vbroadcast v0, $0xC  }
0x19d: {  	[tilespmem:$0x142A0] =	vst v8;
	v1 =	vsel vm0, v3, v1;
	vm0 =	vlt.f32 v11, $0.0e+00;
	v3 =	vld [tilespmem:$0x7BA0]  }
0x19e: {  	[tilespmem:$0x142B0] =	vst v1;
	vm1 =	vlt.f32 v7, $0.0e+00;
	v1 =	vsel vm0, v6, v2;
	vm0 =	vlt.f32 v12, $0.0e+00  }
0x19f: {  	v7 =	vld [tilespmem:$0x7BB0];
	v8 =	vsel vm1, v6, v2;
	[tilespmem:$0x14300] =	vst v1;
	v1 =	vsel vm0, v6, v2  }
0x1a0: {  	v11 =	vld [tilespmem:$0x7C00];
	vm0 =	vlt.f32 v5, $0.0e+00;
	v5 =	vbroadcast v4, $0xD;
	[tilespmem:$0x14310] =	vst v1;
	v1 =	vbroadcast v0, $0xD  }
0x1a1: {  	v12 =	vld [tilespmem:$0x7C10];
	[tilespmem:$0x14320] =	vst v8;
	v2 =	vsel vm0, v6, v2;
	vm0 =	vlt.f32 v9, $0.0e+00  }
0x1a2: {  	v6 =	vld [tilespmem:$0x7C20];
	[tilespmem:$0x14330] =	vst v2;
	vm1 =	vlt.f32 v3, $0.0e+00;
	v2 =	vsel vm0, v5, v1;
	vm0 =	vlt.f32 v10, $0.0e+00  }
0x1a3: {  	v8 =	vld [tilespmem:$0x7C30];
	v3 =	vsel vm1, v5, v1;
	[tilespmem:$0x14380] =	vst v2;
	v2 =	vsel vm0, v5, v1  }
0x1a4: {  	v9 =	vld [tilespmem:$0x7C80];
	vm0 =	vlt.f32 v7, $0.0e+00;
	v7 =	vbroadcast v4, $0xE;
	[tilespmem:$0x14390] =	vst v2;
	v2 =	vbroadcast v0, $0xE  }
0x1a5: {  	[tilespmem:$0x143A0] =	vst v3;
	v3 =	vld [tilespmem:$0x7C90];
	v1 =	vsel vm0, v5, v1;
	vm0 =	vlt.f32 v11, $0.0e+00  }
0x1a6: {  	v5 =	vld [tilespmem:$0x7CA0];
	[tilespmem:$0x143B0] =	vst v1;
	v1 =	vsel vm0, v7, v2;
	vm0 =	vlt.f32 v12, $0.0e+00  }
0x1a7: {  	v10 =	vld [tilespmem:$0x7CB0];
	v0 =	vbroadcast v0, $0xF;
	vm1 =	vlt.f32 v6, $0.0e+00;
	[tilespmem:$0x14400] =	vst v1;
	v1 =	vsel vm0, v7, v2  }
0x1a8: {  	v6 =	vsel vm1, v7, v2;
	vm0 =	vlt.f32 v8, $0.0e+00;
	[tilespmem:$0x14410] =	vst v1;
	v1 =	vbroadcast v4, $0xF  }
0x1a9: {  	[tilespmem:$0x14420] =	vst v6;
	v2 =	vsel vm0, v7, v2;
	vm0 =	vlt.f32 v9, $0.0e+00  }
0x1aa: {  	s7 =	sshll.u32 s24, $0x3;
	[tilespmem:$0x14430] =	vst v2;
	v2 =	vsel vm0, v1, v0;
	vm0 =	vlt.f32 v3, $0.0e+00  }
0x1ab: {  	s7 =	sadd.s32 s6, s7;
	[tilespmem:$0x14480] =	vst v2;
	v2 =	vsel vm0, v1, v0;
	vm0 =	vlt.f32 v5, $0.0e+00  }
0x1ac: {  	s9 =	smul.u32 $0x380, s7;
	[tilespmem:$0x14490] =	vst v2;
	v2 =	vsel vm0, v1, v0;
	vm0 =	vlt.f32 v10, $0.0e+00  }
0x1ad: {  	[tilespmem:$0x144A0] =	vst v2;
	v0 =	vsel vm0, v1, v0  }
0x1ae: {  	s22 =	sadd.s32 s5, s9;
	[tilespmem:$0x144B0] =	vst v0  }
0x1af: {  	[hbm4b:s22+s3] =	stream.linear.scatter [tilespmem:s15], [sflag:$0x3], $0x1900, $0x38;
	[tilespmem:$0x14700] =	vst v63  }
0x1b0: {  	_ =	swait.ge [sflag:s10], $0x1900  }
0x1b1: {  	[sflag:s10] =	ssyncset.done $0x0  }
0x1b2: {  	s7 =	smul.u32 $0x1C00, s7;
	s9 =	sadd.s32 s9, s8;
	[sflag:s10] =	ssyncadd.s32 $0xFFFFE700  }
0x1b3: {  	[hbm4b:s9+s3] =	stream.linear.scatter [tilespmem:s17], [sflag:$0x3], $0x1900, $0x38;
	[tilespmem:$0x14700] =	vst v63  }
0x1b4: {  	s7 =	sshrl.u32 s7, $0x3;
	_ =	swait.ge [sflag:s10], $0x1900  }
0x1b5: {  	s7 =	sadd.s32 s5, s7;
	[sflag:s10] =	ssyncset.done $0x0  }
0x1b6: {  	s22 =	sadd.s32 $0x700, s7;
	[sflag:s10] =	ssyncadd.s32 $0xFFFFE700  }
0x1b7: {  	[hbm4b:s22+s3] =	stream.linear.scatter [tilespmem:s18], [sflag:$0x3], $0x1900, $0x38;
	[tilespmem:$0x14700] =	vst v63  }
0x1b8: {  	_ =	swait.ge [sflag:s10], $0x1900  }
0x1b9: {  	[sflag:s10] =	ssyncset.done $0x0  }
0x1ba: {  	p0 =	seq.s32 s24, $0xF;
	s7 =	sadd.s32 $0xA80, s7;
	[sflag:s10] =	ssyncadd.s32 $0xFFFFE700  }
0x1bb: {  	[hbm4b:s7+s3] =	stream.linear.scatter [tilespmem:s20], [sflag:$0x3], $0x1900, $0x38;
	[tilespmem:$0x14700] =	vst v63  }
0x1bc: {  	s7 =	smul.u32 @!p0 $0x640, s24  }
0x1bd: {  	_ =	swait.ge [sflag:s10], $0x1900  }
0x1be: {  	s19 =	simm.s32 @!p0 $0x28;
	[sflag:s10] =	ssyncset.done $0x0;
	s7 =	sshra.s32 @!p0 s7, $0x2  }
0x1bf: {  	s22 =	simm.s32 @!p0 $0x14500;
	[sflag:s10] =	ssyncadd.s32 $0xFFFFE700;
	s9 =	sadd.s32 @!p0 $0x190, s7  }
0x1c0: {  	[tilespmem:s22], [sflag:$0x1] =	stream.indirect.gather @!p0 [hbm4b:s2+s19], $0x1, s9, s19, $0xb8;
	[tilespmem:$0x14700] =	vst v63  }
0x1c1: {  	s22 =	simm.s32 @!p0 $0x1900  }
0x1c2: {  	[tilespmem:s22], [sflag:$0x1] =	stream.indirect.gather @!p0 [hbm4b:s4+s19], $0x80, s9, s19, $0xb8;
	[tilespmem:$0x14700] =	vst v63  }
0x1c3: {  	s9 =	sadd.s32 @!p0 $0x1B8, s7;
	s22 =	simm.s32 @!p0 $0x14528  }
0x1c4: {  	[tilespmem:s22], [sflag:$0x1] =	stream.indirect.gather @!p0 [hbm4b:s2+s19], $0x1, s9, s19, $0xb8;
	[tilespmem:$0x14700] =	vst v63  }
0x1c5: {  	s22 =	simm.s32 @!p0 $0x2D00  }
0x1c6: {  	[tilespmem:s22], [sflag:$0x1] =	stream.indirect.gather @!p0 [hbm4b:s4+s19], $0x80, s9, s19, $0xb8;
	[tilespmem:$0x14700] =	vst v63  }
0x1c7: {  	s9 =	sadd.s32 @!p0 $0x1E0, s7;
	s22 =	simm.s32 @!p0 $0x14550  }
0x1c8: {  	[tilespmem:s22], [sflag:$0x1] =	stream.indirect.gather @!p0 [hbm4b:s2+s19], $0x1, s9, s19, $0xb8;
	[tilespmem:$0x14700] =	vst v63  }
0x1c9: {  	s22 =	simm.s32 @!p0 $0x4100  }
0x1ca: {  	[tilespmem:s22], [sflag:$0x1] =	stream.indirect.gather @!p0 [hbm4b:s4+s19], $0x80, s9, s19, $0xb8;
	[tilespmem:$0x14700] =	vst v63  }
0x1cb: {  	s9 =	sadd.s32 @!p0 $0x208, s7;
	s22 =	simm.s32 @!p0 $0x14578  }
0x1cc: {  	[tilespmem:s22], [sflag:$0x1] =	stream.indirect.gather @!p0 [hbm4b:s2+s19], $0x1, s9, s19, $0xb8;
	[tilespmem:$0x14700] =	vst v63  }
0x1cd: {  	s22 =	simm.s32 @!p0 $0x5500  }
0x1ce: {  	[tilespmem:s22], [sflag:$0x1] =	stream.indirect.gather @!p0 [hbm4b:s4+s19], $0x80, s9, s19, $0xb8;
	[tilespmem:$0x14700] =	vst v63  }
0x1cf: {  	s7 =	sadd.s32 @!p0 $0x230, s7;
	s9 =	simm.s32 @!p0 $0x145A0  }
0x1d0: {  	[tilespmem:s9], [sflag:$0x1] =	stream.indirect.gather @!p0 [hbm4b:s2+s19], $0x1, s7, s19, $0xb8;
	[tilespmem:$0x14700] =	vst v63  }
0x1d1: {  	s9 =	simm.s32 @!p0 $0x6900  }
0x1d2: {  	[tilespmem:s9], [sflag:$0x1] =	stream.indirect.gather @!p0 [hbm4b:s4+s19], $0x80, s7, s19, $0xb8;
	[tilespmem:$0x14700] =	vst v63  }
0x1d3: {  	_ =	swait.ge [sflag:s21], $0x28  }
0x1d4: {  	[sflag:s21] =	ssyncset.done $0x0  }
0x1d5: {  	[sflag:s21] =	ssyncadd.s32 $0xFFFFFFD8  }
0x1d6: {  	_ =	swait.ge [sflag:s21], $0x1400  }
0x1d7: {  	[sflag:s21] =	ssyncset.done $0x0  }
0x1d8: {  	[sflag:s21] =	ssyncadd.s32 $0xFFFFEC00  }
0x1d9: {  	_ =	swait.ge [sflag:s21], $0x28  }
0x1da: {  	[sflag:s21] =	ssyncset.done $0x0  }
0x1db: {  	[sflag:s21] =	ssyncadd.s32 $0xFFFFFFD8  }
0x1dc: {  	_ =	swait.ge [sflag:s21], $0x1400  }
0x1dd: {  	[sflag:s21] =	ssyncset.done $0x0  }
0x1de: {  	[sflag:s21] =	ssyncadd.s32 $0xFFFFEC00  }
0x1df: {  	_ =	swait.ge [sflag:s21], $0x28  }
0x1e0: {  	[sflag:s21] =	ssyncset.done $0x0  }
0x1e1: {  	[sflag:s21] =	ssyncadd.s32 $0xFFFFFFD8  }
0x1e2: {  	_ =	swait.ge [sflag:s21], $0x1400  }
0x1e3: {  	[sflag:s21] =	ssyncset.done $0x0  }
0x1e4: {  	[sflag:s21] =	ssyncadd.s32 $0xFFFFEC00  }
0x1e5: {  	_ =	swait.ge [sflag:s21], $0x28  }
0x1e6: {  	[sflag:s21] =	ssyncset.done $0x0  }
0x1e7: {  	[sflag:s21] =	ssyncadd.s32 $0xFFFFFFD8  }
0x1e8: {  	_ =	swait.ge [sflag:s21], $0x1400  }
0x1e9: {  	[sflag:s21] =	ssyncset.done $0x0  }
0x1ea: {  	[sflag:s21] =	ssyncadd.s32 $0xFFFFEC00  }
0x1eb: {  	_ =	swait.ge [sflag:s21], $0x28  }
0x1ec: {  	[sflag:s21] =	ssyncset.done $0x0  }
0x1ed: {  	[sflag:s21] =	ssyncadd.s32 $0xFFFFFFD8  }
0x1ee: {  	_ =	swait.ge [sflag:s21], $0x1400  }
0x1ef: {  	[sflag:s21] =	ssyncset.done $0x0  }
0x1f0: {  	s19 =	simm.s32 $0x0;
	[sflag:s21] =	ssyncadd.s32 $0xFFFFEC00  }
0x1f1: {  	v2 =	vld [tilespmem:s19+$0x7D00]  }
0x1f2: {  	v3 =	vld [tilespmem:s19+$0x7D10]  }
0x1f3: {  	v4 =	vld [tilespmem:s19+$0x7D20]  }
0x1f4: {  	v5 =	vld [tilespmem:s19+$0x7D30]  }
0x1f5: {  	v6 =	vld [tilespmem:s19+$0x7D80]  }
0x1f6: {  	v7 =	vld [tilespmem:s19+$0x7D90]  }
0x1f7: {  	v8 =	vld [tilespmem:s19+$0x7DA0]  }
0x1f8: {  	v9 =	vld [tilespmem:s19+$0x7DB0]  }
0x1f9: {  	v10 =	vld [tilespmem:s19+$0x7E00]  }
0x1fa: {  	v46 =	vld [tilespmem:s19+$0x7EB0]  }
0x1fb: {  	v47 =	vld [tilespmem:s19+$0x7F00]  }
0x1fc: {  	v11 =	vld [tilespmem:s19+$0x7E10]  }
0x1fd: {  	v48 =	vld [tilespmem:s19+$0x7F10]  }
0x1fe: {  	v12 =	vld [tilespmem:s19+$0x7E20];
	vm0 =	vlt.f32 v7, $0.0e+00  }
0x1ff: {  	v49 =	vld [tilespmem:s19+$0x7F20];
	vm14 =	vlt.f32 v9, $0.0e+00;
	vm5 =	vlt.f32 v46, $0.0e+00;
	v7 =	vimm.s32 $0x0  }
0x200: {  	v50 =	vld [tilespmem:s19+$0x7F30];
	v9 =	vimm.s32 $0x0;
	v7 =	vsel vm5, $0xFFFFFFFF, v7;
	vm5 =	vlt.f32 v47, $0.0e+00  }
0x201: {  	v13 =	vld [tilespmem:s19+$0x7E30];
	v9 =	vsel vm5, $0xFFFFFFFF, v9  }
0x202: {  	v51 =	vld [tilespmem:s19+$0x7F80];
	vm5 =	vlt.f32 v48, $0.0e+00;
	[tilespmem:$0x1FC40] =	vst v9;
	v9 =	vimm.s32 $0x0  }
0x203: {  	v14 =	vld [tilespmem:s19+$0x7E80];
	v9 =	vsel vm5, $0xFFFFFFFF, v9  }
0x204: {  	v52 =	vld [tilespmem:s19+$0x7F90];
	vm13 =	vlt.f32 v10, $0.0e+00;
	vm5 =	vlt.f32 v49, $0.0e+00;
	[tilespmem:$0x1FC50] =	vst v9;
	v9 =	vimm.s32 $0x0  }
0x205: {  	v53 =	vld [tilespmem:s19+$0x7FA0];
	v10 =	vimm.s32 $0x0;
	v9 =	vsel vm5, $0xFFFFFFFF, v9;
	vm5 =	vlt.f32 v50, $0.0e+00  }
0x206: {  	v15 =	vld [tilespmem:s19+$0x7E90];
	v10 =	vsel vm5, $0xFFFFFFFF, v10  }
0x207: {  	v54 =	vld [tilespmem:s19+$0x7FB0];
	vm5 =	vlt.f32 v51, $0.0e+00;
	[tilespmem:$0x1FC70] =	vst v10;
	v10 =	vimm.s32 $0x0  }
0x208: {  	v45 =	vld [tilespmem:s19+$0x7EA0];
	v10 =	vsel vm5, $0xFFFFFFFF, v10  }
0x209: {  	v55 =	vld [tilespmem:s19+$0x8000];
	vm10 =	vlt.f32 v11, $0.0e+00;
	vm5 =	vlt.f32 v52, $0.0e+00;
	[tilespmem:$0x1FC80] =	vst v10;
	v10 =	vimm.s32 $0x0  }
0x20a: {  	v56 =	vld [tilespmem:s19+$0x8010];
	v11 =	vimm.s32 $0x0;
	v10 =	vsel vm5, $0xFFFFFFFF, v10;
	vm5 =	vlt.f32 v53, $0.0e+00  }
0x20b: {  	v57 =	vld [tilespmem:s19+$0x8020];
	v11 =	vsel vm5, $0xFFFFFFFF, v11  }
0x20c: {  	v58 =	vld [tilespmem:s19+$0x8030];
	vm5 =	vlt.f32 v54, $0.0e+00;
	[tilespmem:$0x1FCA0] =	vst v11;
	v11 =	vimm.s32 $0x0  }
0x20d: {  	v59 =	vld [tilespmem:s19+$0x8080];
	v11 =	vsel vm5, $0xFFFFFFFF, v11  }
0x20e: {  	v60 =	vld [tilespmem:s19+$0x8090];
	vm11 =	vlt.f32 v12, $0.0e+00;
	vm5 =	vlt.f32 v55, $0.0e+00;
	[tilespmem:$0x1FCB0] =	vst v11;
	v11 =	vimm.s32 $0x0  }
0x20f: {  	v61 =	vld [tilespmem:s19+$0x80A0];
	v12 =	vimm.s32 $0x0;
	v11 =	vsel vm5, $0xFFFFFFFF, v11;
	vm5 =	vlt.f32 v56, $0.0e+00  }
0x210: {  	v62 =	vld [tilespmem:s19+$0x80B0];
	v12 =	vsel vm5, $0xFFFFFFFF, v12  }
0x211: {  	v63 =	vld [tilespmem:s19+$0x8100];
	vm5 =	vlt.f32 v57, $0.0e+00;
	[tilespmem:$0x1FCD0] =	vst v12;
	v12 =	vimm.s32 $0x0  }
0x212: {  	v35 =	vld [tilespmem:s19+$0x8110];
	v12 =	vsel vm5, $0xFFFFFFFF, v12  }
0x213: {  	v36 =	vld [tilespmem:s19+$0x8120];
	vm9 =	vlt.f32 v13, $0.0e+00;
	vm5 =	vlt.f32 v58, $0.0e+00;
	[tilespmem:$0x1FCE0] =	vst v12;
	v12 =	vimm.s32 $0x0  }
0x214: {  	v37 =	vld [tilespmem:s19+$0x8130];
	v13 =	vimm.s32 $0x0;
	v12 =	vsel vm5, $0xFFFFFFFF, v12;
	vm5 =	vlt.f32 v59, $0.0e+00  }
0x215: {  	v38 =	vld [tilespmem:s19+$0x8180];
	v13 =	vsel vm5, $0xFFFFFFFF, v13  }
0x216: {  	v0 =	vld [tilespmem:s19+$0x8190];
	vm5 =	vlt.f32 v60, $0.0e+00;
	[tilespmem:$0x1FD00] =	vst v13;
	v13 =	vimm.s32 $0x0  }
0x217: {  	v1 =	vld [tilespmem:s19+$0x81A0];
	vm2 =	vlt.f32 v2, $0.0e+00;
	vm4 =	vlt.f32 v3, $0.0e+00;
	v13 =	vsel vm5, $0xFFFFFFFF, v13  }
0x218: {  	v2 =	vld [tilespmem:s19+$0x81B0];
	vm6 =	vlt.f32 v14, $0.0e+00;
	vm5 =	vlt.f32 v61, $0.0e+00;
	[tilespmem:$0x1FD10] =	vst v13;
	v13 =	vimm.s32 $0x0  }
0x219: {  	v3 =	vld [tilespmem:s19+$0x8200];
	v14 =	vimm.s32 $0x0;
	[tilespmem:$0x1FC30] =	vst v7;
	v13 =	vsel vm5, $0xFFFFFFFF, v13;
	vm5 =	vlt.f32 v62, $0.0e+00  }
0x21a: {  	vm3 =	vlt.f32 v4, $0.0e+00;
	v4 =	vld [tilespmem:s19+$0x8210];
	[tilespmem:$0x1FC60] =	vst v9;
	v14 =	vsel vm5, $0xFFFFFFFF, v14  }
0x21b: {  	vm15 =	vlt.f32 v5, $0.0e+00;
	v5 =	vld [tilespmem:s19+$0x8220];
	vm5 =	vlt.f32 v63, $0.0e+00;
	[tilespmem:$0x1FD30] =	vst v14;
	v14 =	vimm.s32 $0x0  }
0x21c: {  	vm1 =	vlt.f32 v6, $0.0e+00;
	vm12 =	vlt.f32 v8, $0.0e+00;
	v6 =	vld [tilespmem:s19+$0x8230];
	[tilespmem:$0x1FC90] =	vst v10;
	v14 =	vsel vm5, $0xFFFFFFFF, v14  }
0x21d: {  	vm8 =	vlt.f32 v15, $0.0e+00;
	v8 =	vld [tilespmem:s19+$0x8290];
	vm5 =	vlt.f32 v35, $0.0e+00;
	[tilespmem:$0x1FD40] =	vst v14;
	v14 =	vimm.s32 $0x0  }
0x21e: {  	v15 =	vimm.s32 $0x0;
	v7 =	vld [tilespmem:s19+$0x8280];
	[tilespmem:$0x1FCC0] =	vst v11;
	v14 =	vsel vm5, $0xFFFFFFFF, v14;
	vm5 =	vlt.f32 v36, $0.0e+00  }
0x21f: {  	v9 =	vld [tilespmem:s19+$0x82A0];
	[tilespmem:$0x1FCF0] =	vst v12;
	v15 =	vsel vm5, $0xFFFFFFFF, v15  }
0x220: {  	v10 =	vld [tilespmem:s19+$0x82B0];
	vm5 =	vlt.f32 v37, $0.0e+00;
	[tilespmem:$0x1FD60] =	vst v15;
	v15 =	vimm.s32 $0x0  }
0x221: {  	v11 =	vld [tilespmem:s19+$0x8300];
	[tilespmem:$0x1FD20] =	vst v13;
	v15 =	vsel vm5, $0xFFFFFFFF, v15  }
0x222: {  	v12 =	vld [tilespmem:s19+$0x8310];
	vm5 =	vlt.f32 v38, $0.0e+00;
	[tilespmem:$0x1FD70] =	vst v15;
	v15 =	vimm.s32 $0x0  }
0x223: {  	s22 =	simm.s32 $0x14600;
	v13 =	vld [tilespmem:s19+$0x8320];
	[tilespmem:$0x1FD50] =	vst v14;
	v15 =	vsel vm5, $0xFFFFFFFF, v15  }
0x224: {  	s7 =	simm.s32 $0x2000;
	vm7 =	vlt.f32 v45, $0.0e+00;
	v14 =	vld [tilespmem:s22+$0x0];
	[tilespmem:$0x1FD80] =	vst v15  }
.LBB2_5:
0x225: {  	vm5 =	vlt.f32 v0, $0.0e+00;
	v0 =	vimm.s32 $0x0  }
0x226: {  	v0 =	vsel vm5, $0xFFFFFFFF, v0  }
0x227: {  	vm5 =	vlt.f32 v1, $0.0e+00;
	[tilespmem:$0x1FB20] =	vst v0;
	v0 =	vimm.s32 $0x0  }
0x228: {  	v0 =	vsel vm5, $0xFFFFFFFF, v0  }
0x229: {  	vm5 =	vlt.f32 v2, $0.0e+00;
	[tilespmem:$0x1FB30] =	vst v0;
	v0 =	vimm.s32 $0x0  }
0x22a: {  	v0 =	vsel vm5, $0xFFFFFFFF, v0  }
0x22b: {  	vm5 =	vlt.f32 v3, $0.0e+00;
	[tilespmem:$0x1FB40] =	vst v0;
	v0 =	vimm.s32 $0x0  }
0x22c: {  	v0 =	vsel vm5, $0xFFFFFFFF, v0  }
0x22d: {  	vm5 =	vlt.f32 v4, $0.0e+00;
	[tilespmem:$0x1FB50] =	vst v0;
	v0 =	vimm.s32 $0x0  }
0x22e: {  	v0 =	vsel vm5, $0xFFFFFFFF, v0  }
0x22f: {  	vm5 =	vlt.f32 v5, $0.0e+00;
	[tilespmem:$0x1FB60] =	vst v0;
	v0 =	vimm.s32 $0x0  }
0x230: {  	v0 =	vsel vm5, $0xFFFFFFFF, v0  }
0x231: {  	vm5 =	vlt.f32 v6, $0.0e+00;
	[tilespmem:$0x1FB70] =	vst v0;
	v0 =	vimm.s32 $0x0  }
0x232: {  	v0 =	vsel vm5, $0xFFFFFFFF, v0  }
0x233: {  	vm5 =	vlt.f32 v7, $0.0e+00;
	[tilespmem:$0x1FB80] =	vst v0;
	v0 =	vimm.s32 $0x0  }
0x234: {  	v0 =	vsel vm5, $0xFFFFFFFF, v0  }
0x235: {  	vm5 =	vlt.f32 v8, $0.0e+00;
	[tilespmem:$0x1FB90] =	vst v0;
	v0 =	vimm.s32 $0x0  }
0x236: {  	v0 =	vsel vm5, $0xFFFFFFFF, v0  }
0x237: {  	vm5 =	vlt.f32 v9, $0.0e+00;
	[tilespmem:$0x1FBA0] =	vst v0;
	v0 =	vimm.s32 $0x0  }
0x238: {  	v0 =	vsel vm5, $0xFFFFFFFF, v0  }
0x239: {  	vm5 =	vlt.f32 v10, $0.0e+00;
	[tilespmem:$0x1FBB0] =	vst v0;
	v0 =	vimm.s32 $0x0  }
0x23a: {  	v0 =	vsel vm5, $0xFFFFFFFF, v0  }
0x23b: {  	v2 =	vld [tilespmem:s19+$0x8330];
	vm5 =	vlt.f32 v11, $0.0e+00;
	[tilespmem:$0x1FBC0] =	vst v0;
	v0 =	vimm.s32 $0x0  }
0x23c: {  	v1 =	vimm.s32 $0x0;
	v3 =	vld [tilespmem:s19+$0x8380];
	v0 =	vsel vm5, $0xFFFFFFFF, v0;
	vm5 =	vlt.f32 v12, $0.0e+00  }
0x23d: {  	v1 =	vsel vm5, $0xFFFFFFFF, v1  }
0x23e: {  	vm5 =	vlt.f32 v13, $0.0e+00;
	[tilespmem:$0x1FBE0] =	vst v1;
	v1 =	vimm.s32 $0x0  }
0x23f: {  	[tilespmem:$0x1FBD0] =	vst v0;
	v0 =	vmax.f32 v14, $9.999999930e-09;
	v1 =	vsel vm5, $0xFFFFFFFF, v1  }
0x240: {  	vm5 =	vlt.f32 v2, $0.0e+00;
	v2 =	vimm.s32 $0x0;
	[tilespmem:$0x1FBF0] =	vst v1;
	v1 =	vsub.f32 $0.0e+00, v0  }
0x241: {  	v2 =	vsel vm5, $0xFFFFFFFF, v2;
	vm5 =	vlt.f32 v3, $0.0e+00;
	v3 =	vimm.s32 $0x0  }
0x242: {  	[tilespmem:$0x1FC00] =	vst v2;
	v2 =	vbroadcast v0, $0x0;
	v3 =	vsel vm5, $0xFFFFFFFF, v3;
	v9 =	vbroadcast v1, $0x0  }
0x243: {  	v5 =	vbroadcast v0, $0x1;
	[tilespmem:$0x1FC10] =	vst v3;
	v3 =	vbroadcast v1, $0x1  }
0x244: {  	v12 =	vsel vm4, v9, v2  }
0x245: {  	[tilespmem:s19+$0xE110] =	vst v12;
	v12 =	vsel vm12, v3, v5  }
0x246: {  	[tilespmem:s19+$0xE1A0] =	vst v12;
	v12 =	vld [tilespmem:$0x1FC30];
	_ =	sdelay $0x1  }
0x247: {  	v11 =	vsel vm2, v9, v2;
	v13 =	vsel vm3, v9, v2;
	v2 =	vsel vm15, v9, v2  }
0x248: {  	v7 =	vbroadcast v0, $0x3;
	[tilespmem:s19+$0xE130] =	vst v2;
	v2 =	vbroadcast v1, $0x3  }
0x249: {  	[tilespmem:s19+$0xE100] =	vst v11;
	v11 =	vsel vm0, v3, v5  }
0x24a: {  	[tilespmem:s19+$0xE190] =	vst v11;
	v11 =	vsel vm6, v2, v7;
	vm2 =	vnez.u8 v12  }
0x24b: {  	v16 =	vsel vm8, v2, v7;
	v17 =	vsel vm7, v2, v7;
	v12 =	vsel vm2, v2, v7;
	v2 =	vld [tilespmem:$0x1FC40];
	_ =	sdelay $0x4  }
0x24c: {  	v6 =	vbroadcast v0, $0x2;
	v10 =	vbroadcast v1, $0x2;
	vm2 =	vnez.u8 v2;
	v2 =	vld [tilespmem:$0x1FC50]  }
0x24d: {  	v8 =	vbroadcast v0, $0x4;
	v9 =	vsel vm1, v3, v5  }
0x24e: {  	v15 =	vsel vm11, v10, v6;
	v3 =	vsel vm14, v3, v5;
	v5 =	vsel vm13, v10, v6  }
0x24f: {  	[tilespmem:s19+$0xE120] =	vst v13;
	v13 =	vsel vm10, v10, v6;
	v6 =	vsel vm9, v10, v6;
	v10 =	vbroadcast v1, $0x4  }
0x250: {  	s9 =	sshra.s32 s7, $0x2;
	[tilespmem:s19+$0xE180] =	vst v9  }
0x251: {  	v19 =	vsel vm2, v10, v8;
	vm2 =	vnez.u8 v2;
	v2 =	vld [tilespmem:s9+$0x7D00]  }
0x252: {  	[tilespmem:s19+$0xE1B0] =	vst v3;
	v3 =	vld [tilespmem:$0x1FC60];
	_ =	sdelay $0x4  }
0x253: {  	v20 =	vsel vm2, v10, v8;
	vm2 =	vnez.u8 v3;
	v3 =	vld [tilespmem:$0x1FC70];
	_ =	sdelay $0x1  }
0x254: {  	v4 =	vld [tilespmem:s19+$0x8390];
	_ =	sdelay $0x2  }
0x255: {  	v21 =	vsel vm2, v10, v8;
	vm2 =	vnez.u8 v3;
	v3 =	vld [tilespmem:$0x1FC80];
	_ =	sdelay $0x1  }
0x256: {  	vm5 =	vlt.f32 v4, $0.0e+00;
	v4 =	vimm.s32 $0x0  }
0x257: {  	v4 =	vsel vm5, $0xFFFFFFFF, v4  }
0x258: {  	[tilespmem:$0x1FC20] =	vst v4;
	v4 =	vld [tilespmem:s19+$0x83A0]  }
0x259: {  	v10 =	vsel vm2, v10, v8;
	vm2 =	vnez.u8 v3;
	v3 =	vld [tilespmem:s9+$0x7D10]  }
0x25a: {  	[tilespmem:s19+$0xE200] =	vst v5;
	v5 =	vld [tilespmem:$0x1FC90];
	_ =	sdelay $0x2  }
0x25b: {  	v9 =	vbroadcast v1, $0x5;
	vm0 =	vlt.f32 v4, $0.0e+00;
	v4 =	vbroadcast v0, $0x5;
	_ =	sdelay $0x1  }
0x25c: {  	v22 =	vsel vm2, v9, v4;
	vm2 =	vnez.u8 v5;
	v5 =	vld [tilespmem:$0x1FCA0];
	_ =	sdelay $0x4  }
0x25d: {  	v23 =	vsel vm2, v9, v4;
	vm2 =	vnez.u8 v5;
	v5 =	vld [tilespmem:$0x1FCB0];
	_ =	sdelay $0x4  }
0x25e: {  	v24 =	vsel vm2, v9, v4;
	vm2 =	vnez.u8 v5;
	v5 =	vld [tilespmem:$0x1FCC0];
	_ =	sdelay $0x4  }
0x25f: {  	vm4 =	vnez.u8 v5;
	v5 =	vld [tilespmem:$0x1FCD0];
	_ =	sdelay $0x1  }
0x260: {  	[tilespmem:s19+$0xE210] =	vst v13  }
0x261: {  	v7 =	vbroadcast v0, $0x6;
	v8 =	vbroadcast v1, $0x6;
	[tilespmem:s19+$0xE220] =	vst v15  }
0x262: {  	v25 =	vsel vm2, v9, v4;
	v4 =	vld [tilespmem:s9+$0x7D20]  }
0x263: {  	v62 =	vsel vm4, v8, v7;
	vm4 =	vnez.u8 v5;
	v5 =	vld [tilespmem:$0x1FCE0]  }
0x264: {  	[tilespmem:s19+$0xE230] =	vst v6;
	v6 =	vld [tilespmem:$0x1FCF0];
	_ =	sdelay $0x2  }
0x265: {  	v14 =	vld [tilespmem:s19+$0x83B0]  }
0x266: {  	v26 =	vsel vm4, v8, v7;
	vm4 =	vnez.u8 v5  }
0x267: {  	v27 =	vsel vm4, v8, v7;
	vm4 =	vnez.u8 v6;
	v6 =	vld [tilespmem:$0x1FD00];
	_ =	sdelay $0x2  }
0x268: {  	vm1 =	vlt.f32 v14, $0.0e+00;
	v14 =	vld [tilespmem:s19+$0x8400];
	_ =	sdelay $0x1  }
0x269: {  	v28 =	vsel vm4, v8, v7;
	vm4 =	vnez.u8 v6;
	v6 =	vld [tilespmem:$0x1FD10]  }
0x26a: {  	v7 =	vld [tilespmem:$0x1FD20];
	_ =	sdelay $0x1  }
0x26b: {  	v13 =	vbroadcast v0, $0x7;
	vm2 =	vlt.f32 v14, $0.0e+00;
	v14 =	vbroadcast v1, $0x7;
	_ =	sdelay $0x1  }
0x26c: {  	v29 =	vsel vm4, v14, v13;
	vm4 =	vnez.u8 v6  }
0x26d: {  	v30 =	vsel vm4, v14, v13;
	vm4 =	vnez.u8 v7;
	v7 =	vld [tilespmem:$0x1FD30]  }
0x26e: {  	v9 =	vld [tilespmem:s19+$0x8420];
	_ =	sdelay $0x3  }
0x26f: {  	v63 =	vsel vm4, v14, v13;
	vm4 =	vnez.u8 v7  }
0x270: {  	v14 =	vsel vm4, v14, v13;
	vm4 =	vlt.f32 v9, $0.0e+00;
	v9 =	vld [tilespmem:$0x1FD40];
	_ =	sdelay $0x3  }
0x271: {  	v15 =	vld [tilespmem:s19+$0x8430]  }
0x272: {  	vm6 =	vnez.u8 v9;
	v9 =	vld [tilespmem:$0x1FD50];
	_ =	sdelay $0x2  }
0x273: {  	v5 =	vld [tilespmem:s9+$0x7D30];
	[tilespmem:s19+$0xE280] =	vst v11;
	v11 =	vbroadcast v1, $0x8;
	v13 =	vbroadcast v0, $0x8;
	_ =	sdelay $0x1  }
0x274: {  	vm5 =	vlt.f32 v15, $0.0e+00;
	v15 =	vsel vm6, v11, v13;
	vm6 =	vnez.u8 v9;
	v9 =	vld [tilespmem:$0x1FD60]  }
0x275: {  	v45 =	vld [tilespmem:$0x1FD70]  }
0x276: {  	v6 =	vld [tilespmem:s9+$0x7D80];
	[tilespmem:s19+$0xE290] =	vst v16  }
0x277: {  	[tilespmem:s19+$0xE2A0] =	vst v17  }
0x278: {  	v7 =	vld [tilespmem:s9+$0x7D90];
	[tilespmem:s19+$0xE2B0] =	vst v12  }
0x279: {  	v8 =	vld [tilespmem:s9+$0x7DA0];
	[tilespmem:s19+$0xE300] =	vst v19;
	v19 =	vsel vm6, v11, v13;
	vm6 =	vnez.u8 v9  }
0x27a: {  	v9 =	vld [tilespmem:s9+$0x7DB0];
	v33 =	vsel vm6, v11, v13;
	vm6 =	vnez.u8 v45  }
0x27b: {  	[tilespmem:s19+$0xE310] =	vst v20;
	v20 =	vsel vm6, v11, v13;
	v11 =	vld [tilespmem:$0x1FD80];
	_ =	sdelay $0x4  }
0x27c: {  	vm6 =	vnez.u8 v11;
	v11 =	vld [tilespmem:$0x1FB20];
	_ =	sdelay $0x2  }
0x27d: {  	v44 =	vbroadcast v1, $0x9;
	v12 =	vbroadcast v0, $0x9;
	_ =	sdelay $0x1  }
0x27e: {  	v34 =	vsel vm6, v44, v12;
	vm6 =	vnez.u8 v11;
	v11 =	vld [tilespmem:$0x1FB30];
	_ =	sdelay $0x4  }
0x27f: {  	v35 =	vsel vm6, v44, v12;
	vm6 =	vnez.u8 v11;
	v11 =	vld [tilespmem:$0x1FB40];
	_ =	sdelay $0x4  }
0x280: {  	[tilespmem:s19+$0xE320] =	vst v21;
	v21 =	vsel vm6, v44, v12;
	vm6 =	vnez.u8 v11;
	v11 =	vld [tilespmem:$0x1FB50];
	_ =	sdelay $0x4  }
0x281: {  	vm7 =	vnez.u8 v11;
	v11 =	vld [tilespmem:$0x1FB60];
	_ =	sdelay $0x2  }
0x282: {  	v32 =	vbroadcast v1, $0xA;
	[tilespmem:s19+$0xE330] =	vst v10;
	v17 =	vsel vm6, v44, v12;
	v12 =	vbroadcast v0, $0xA  }
0x283: {  	v10 =	vld [tilespmem:s9+$0x7E00]  }
0x284: {  	[tilespmem:s19+$0xE380] =	vst v22;
	v22 =	vsel vm7, v32, v12;
	vm7 =	vnez.u8 v11;
	v11 =	vld [tilespmem:$0x1FB70]  }
0x285: {  	v47 =	vld [tilespmem:$0x1FB80];
	_ =	sdelay $0x1  }
0x286: {  	v18 =	vld [tilespmem:s19+$0x8410]  }
0x287: {  	v31 =	vld [tilespmem:s19+$0x8480]  }
0x288: {  	v46 =	vld [tilespmem:s19+$0x84A0];
	v38 =	vsel vm7, v32, v12;
	vm7 =	vnez.u8 v11  }
0x289: {  	v11 =	vld [tilespmem:s9+$0x7E10];
	v39 =	vsel vm7, v32, v12;
	vm7 =	vnez.u8 v47  }
0x28a: {  	[tilespmem:s19+$0xE390] =	vst v23;
	v23 =	vsel vm7, v32, v12;
	v12 =	vld [tilespmem:$0x1FB90]  }
0x28b: {  	v42 =	vld [tilespmem:s19+$0x84B0]  }
0x28c: {  	v48 =	vld [tilespmem:$0x1FBB0]  }
0x28d: {  	v41 =	vld [tilespmem:$0x1FBC0]  }
0x28e: {  	v53 =	vld [tilespmem:$0x1FBD0]  }
0x28f: {  	vm7 =	vnez.u8 v12;
	v12 =	vld [tilespmem:$0x1FBA0]  }
0x290: {  	v54 =	vld [tilespmem:$0x1FC00]  }
0x291: {  	v55 =	vld [tilespmem:$0x1FC10]  }
0x292: {  	v36 =	vbroadcast v0, $0xB;
	v37 =	vbroadcast v1, $0xB;
	v13 =	vld [tilespmem:s19+$0x8490]  }
0x293: {  	v45 =	vld [tilespmem:$0x1FBF0]  }
0x294: {  	v50 =	vbroadcast v0, $0xC;
	v44 =	vld [tilespmem:$0x1FBE0];
	v32 =	vsel vm7, v37, v36;
	vm7 =	vnez.u8 v12  }
0x295: {  	v52 =	vbroadcast v0, $0xD;
	v12 =	vld [tilespmem:s9+$0x7E20];
	[tilespmem:s19+$0xE3A0] =	vst v24;
	v40 =	vsel vm7, v37, v36;
	vm7 =	vnez.u8 v48  }
0x296: {  	v58 =	vbroadcast v0, $0xE;
	v56 =	vld [tilespmem:$0x1FC20];
	[tilespmem:s19+$0xE3B0] =	vst v25;
	v24 =	vsel vm7, v37, v36;
	vm7 =	vnez.u8 v41  }
0x297: {  	v49 =	vbroadcast v1, $0xC;
	v36 =	vsel vm7, v37, v36;
	vm7 =	vlt.f32 v13, $0.0e+00;
	v13 =	vld [tilespmem:s9+$0x7E30];
	[tilespmem:s19+$0xE400] =	vst v62  }
0x298: {  	v51 =	vbroadcast v1, $0xD;
	vm9 =	vnez.u8 v53;
	vm6 =	vlt.f32 v31, $0.0e+00;
	v31 =	vld [tilespmem:s9+$0x7E80];
	[tilespmem:s19+$0xE410] =	vst v26  }
0x299: {  	vm8 =	vlt.f32 v46, $0.0e+00;
	v26 =	vsel vm9, v49, v50;
	vm9 =	vnez.u8 v44;
	v46 =	vld [tilespmem:s9+$0x7E90];
	[tilespmem:s19+$0xE420] =	vst v27  }
0x29a: {  	v43 =	vbroadcast v1, $0xE;
	v44 =	vsel vm9, v49, v50;
	vm9 =	vnez.u8 v45;
	v47 =	vld [tilespmem:s9+$0x7EA0];
	[tilespmem:s19+$0xE430] =	vst v28  }
0x29b: {  	vm3 =	vlt.f32 v18, $0.0e+00;
	v45 =	vsel vm9, v49, v50;
	vm9 =	vnez.u8 v54;
	v48 =	vld [tilespmem:s9+$0x7EB0];
	[tilespmem:s19+$0xE480] =	vst v29  }
0x29c: {  	v18 =	vsel vm1, v51, v52;
	v25 =	vsel vm9, v49, v50;
	vm9 =	vnez.u8 v55;
	v29 =	vld [tilespmem:s9+$0x7F00];
	[tilespmem:s19+$0xE490] =	vst v30  }
0x29d: {  	v57 =	vsel vm0, v51, v52;
	v27 =	vsel vm9, v51, v52;
	vm9 =	vnez.u8 v56;
	v50 =	vld [tilespmem:s9+$0x7F10];
	[tilespmem:s19+$0xE4A0] =	vst v63  }
0x29e: {  	v1 =	vbroadcast v1, $0xF;
	v0 =	vbroadcast v0, $0xF;
	v37 =	vsel vm9, v51, v52;
	v51 =	vld [tilespmem:s9+$0x7F20];
	[tilespmem:s19+$0xE4B0] =	vst v14  }
0x29f: {  	vm0 =	vlt.f32 v42, $0.0e+00;
	v53 =	vld [tilespmem:s9+$0x7F30];
	[tilespmem:s19+$0xE500] =	vst v15  }
0x2a0: {  	v61 =	vsel vm5, v43, v58;
	v14 =	vsel vm0, v1, v0;
	v15 =	vld [tilespmem:s9+$0x7F80];
	[tilespmem:s19+$0xE510] =	vst v19  }
0x2a1: {  	vm0 =	vlt.f32 v7, $0.0e+00;
	v7 =	vimm.s32 $0x0;
	vm5 =	vlt.f32 v48, $0.0e+00;
	v19 =	vld [tilespmem:s9+$0x7F90];
	[tilespmem:s19+$0xE520] =	vst v33  }
0x2a2: {  	v7 =	vsel vm5, $0xFFFFFFFF, v7;
	v33 =	vld [tilespmem:s9+$0x7FA0];
	[tilespmem:s19+$0xE530] =	vst v20  }
0x2a3: {  	vm12 =	vlt.f32 v8, $0.0e+00;
	v8 =	vimm.s32 $0x0;
	vm5 =	vlt.f32 v29, $0.0e+00;
	[tilespmem:$0x1FC30] =	vst v7  }
0x2a4: {  	v8 =	vsel vm5, $0xFFFFFFFF, v8;
	v20 =	vld [tilespmem:s9+$0x7FB0];
	[tilespmem:s19+$0xE580] =	vst v34  }
0x2a5: {  	[tilespmem:$0x1FC40] =	vst v8  }
0x2a6: {  	vm5 =	vlt.f32 v50, $0.0e+00;
	v8 =	vimm.s32 $0x0;
	v34 =	vld [tilespmem:s9+$0x8000];
	[tilespmem:s19+$0xE590] =	vst v35  }
0x2a7: {  	v8 =	vsel vm5, $0xFFFFFFFF, v8;
	v35 =	vld [tilespmem:s9+$0x8010];
	[tilespmem:s19+$0xE5A0] =	vst v21  }
0x2a8: {  	[tilespmem:$0x1FC50] =	vst v8  }
0x2a9: {  	vm5 =	vlt.f32 v51, $0.0e+00;
	v8 =	vimm.s32 $0x0;
	v21 =	vld [tilespmem:s9+$0x8020];
	[tilespmem:s19+$0xE5B0] =	vst v17  }
0x2aa: {  	v8 =	vsel vm5, $0xFFFFFFFF, v8;
	v17 =	vld [tilespmem:s9+$0x8030];
	[tilespmem:s19+$0xE600] =	vst v22  }
0x2ab: {  	vm14 =	vlt.f32 v9, $0.0e+00;
	v9 =	vimm.s32 $0x0;
	vm5 =	vlt.f32 v53, $0.0e+00;
	[tilespmem:$0x1FC60] =	vst v8  }
0x2ac: {  	v9 =	vsel vm5, $0xFFFFFFFF, v9;
	v22 =	vld [tilespmem:s9+$0x8080];
	[tilespmem:s19+$0xE610] =	vst v38  }
0x2ad: {  	[tilespmem:$0x1FC70] =	vst v9  }
0x2ae: {  	vm5 =	vlt.f32 v15, $0.0e+00;
	v9 =	vimm.s32 $0x0;
	v38 =	vld [tilespmem:s9+$0x8090];
	[tilespmem:s19+$0xE620] =	vst v39  }
0x2af: {  	v9 =	vsel vm5, $0xFFFFFFFF, v9;
	v39 =	vld [tilespmem:s9+$0x80A0];
	[tilespmem:s19+$0xE630] =	vst v23  }
0x2b0: {  	[tilespmem:$0x1FC80] =	vst v9  }
0x2b1: {  	vm5 =	vlt.f32 v19, $0.0e+00;
	v9 =	vimm.s32 $0x0;
	v23 =	vld [tilespmem:s9+$0x80B0];
	[tilespmem:s19+$0xE680] =	vst v32  }
0x2b2: {  	v9 =	vsel vm5, $0xFFFFFFFF, v9;
	v32 =	vld [tilespmem:s9+$0x8100];
	[tilespmem:s19+$0xE690] =	vst v40  }
0x2b3: {  	vm13 =	vlt.f32 v10, $0.0e+00;
	v10 =	vimm.s32 $0x0;
	vm5 =	vlt.f32 v33, $0.0e+00;
	[tilespmem:$0x1FC90] =	vst v9  }
0x2b4: {  	v10 =	vsel vm5, $0xFFFFFFFF, v10;
	v40 =	vld [tilespmem:s9+$0x8110];
	[tilespmem:s19+$0xE6A0] =	vst v24  }
0x2b5: {  	[tilespmem:$0x1FCA0] =	vst v10  }
0x2b6: {  	vm5 =	vlt.f32 v20, $0.0e+00;
	v10 =	vimm.s32 $0x0;
	v24 =	vld [tilespmem:s9+$0x8120];
	[tilespmem:s19+$0xE6B0] =	vst v36  }
0x2b7: {  	v10 =	vsel vm5, $0xFFFFFFFF, v10;
	v36 =	vld [tilespmem:s9+$0x8130];
	[tilespmem:s19+$0xE700] =	vst v26  }
0x2b8: {  	[tilespmem:$0x1FCB0] =	vst v10  }
0x2b9: {  	v62 =	vsel vm6, v1, v0;
	vm5 =	vlt.f32 v34, $0.0e+00;
	v10 =	vimm.s32 $0x0;
	v26 =	vld [tilespmem:s9+$0x8180];
	[tilespmem:s19+$0xE710] =	vst v44  }
0x2ba: {  	v63 =	vsel vm7, v1, v0;
	v52 =	vsel vm8, v1, v0;
	v10 =	vsel vm5, $0xFFFFFFFF, v10;
	v0 =	vld [tilespmem:s9+$0x8190];
	[tilespmem:s19+$0xE720] =	vst v45  }
0x2bb: {  	vm10 =	vlt.f32 v11, $0.0e+00;
	v11 =	vimm.s32 $0x0;
	vm5 =	vlt.f32 v35, $0.0e+00;
	[tilespmem:$0x1FCC0] =	vst v10  }
0x2bc: {  	v11 =	vsel vm5, $0xFFFFFFFF, v11;
	v1 =	vld [tilespmem:s9+$0x81A0];
	[tilespmem:s19+$0xE730] =	vst v25  }
0x2bd: {  	v59 =	vsel vm2, v43, v58;
	[tilespmem:$0x1FCD0] =	vst v11  }
0x2be: {  	vm2 =	vlt.f32 v2, $0.0e+00;
	vm5 =	vlt.f32 v21, $0.0e+00;
	v11 =	vimm.s32 $0x0;
	v2 =	vld [tilespmem:s9+$0x81B0];
	[tilespmem:s19+$0xE780] =	vst v27  }
0x2bf: {  	v49 =	vsel vm4, v43, v58;
	vm4 =	vlt.f32 v3, $0.0e+00;
	v11 =	vsel vm5, $0xFFFFFFFF, v11;
	v3 =	vld [tilespmem:s9+$0x8200];
	[tilespmem:s19+$0xE790] =	vst v37  }
0x2c0: {  	v60 =	vsel vm3, v43, v58;
	[tilespmem:$0x1FCE0] =	vst v11  }
0x2c1: {  	vm3 =	vlt.f32 v4, $0.0e+00;
	vm5 =	vlt.f32 v17, $0.0e+00;
	v11 =	vimm.s32 $0x0;
	v4 =	vld [tilespmem:s9+$0x8210];
	[tilespmem:s19+$0xE7A0] =	vst v57  }
0x2c2: {  	vm15 =	vlt.f32 v5, $0.0e+00;
	v11 =	vsel vm5, $0xFFFFFFFF, v11;
	v5 =	vld [tilespmem:s9+$0x8220];
	[tilespmem:s19+$0xE7B0] =	vst v18  }
0x2c3: {  	vm11 =	vlt.f32 v12, $0.0e+00;
	v12 =	vimm.s32 $0x0;
	vm5 =	vlt.f32 v22, $0.0e+00;
	[tilespmem:$0x1FCF0] =	vst v11  }
0x2c4: {  	vm1 =	vlt.f32 v6, $0.0e+00;
	v12 =	vsel vm5, $0xFFFFFFFF, v12;
	v6 =	vld [tilespmem:s9+$0x8230];
	[tilespmem:s19+$0xE800] =	vst v59  }
0x2c5: {  	[tilespmem:$0x1FD00] =	vst v12  }
0x2c6: {  	vm5 =	vlt.f32 v38, $0.0e+00;
	v12 =	vimm.s32 $0x0;
	v7 =	vld [tilespmem:s9+$0x8280];
	[tilespmem:s19+$0xE810] =	vst v60  }
0x2c7: {  	v12 =	vsel vm5, $0xFFFFFFFF, v12;
	v8 =	vld [tilespmem:s9+$0x8290];
	[tilespmem:s19+$0xE820] =	vst v49  }
0x2c8: {  	vm9 =	vlt.f32 v13, $0.0e+00;
	vm5 =	vlt.f32 v39, $0.0e+00;
	[tilespmem:$0x1FD10] =	vst v12;
	v12 =	vimm.s32 $0x0  }
0x2c9: {  	v13 =	vimm.s32 $0x0;
	v9 =	vld [tilespmem:s9+$0x82A0];
	[tilespmem:s19+$0xE830] =	vst v61;
	v12 =	vsel vm5, $0xFFFFFFFF, v12;
	vm5 =	vlt.f32 v23, $0.0e+00  }
0x2ca: {  	v10 =	vld [tilespmem:s9+$0x82B0];
	[tilespmem:s19+$0xE880] =	vst v62;
	v13 =	vsel vm5, $0xFFFFFFFF, v13  }
0x2cb: {  	vm5 =	vlt.f32 v32, $0.0e+00;
	[tilespmem:$0x1FD30] =	vst v13;
	v13 =	vimm.s32 $0x0  }
0x2cc: {  	[tilespmem:$0x1FD20] =	vst v12;
	v13 =	vsel vm5, $0xFFFFFFFF, v13  }
0x2cd: {  	vm5 =	vlt.f32 v40, $0.0e+00;
	[tilespmem:$0x1FD40] =	vst v13;
	v13 =	vimm.s32 $0x0  }
0x2ce: {  	v15 =	vimm.s32 $0x0;
	v11 =	vld [tilespmem:s9+$0x8300];
	[tilespmem:s19+$0xE890] =	vst v63;
	v13 =	vsel vm5, $0xFFFFFFFF, v13;
	vm5 =	vlt.f32 v24, $0.0e+00  }
0x2cf: {  	p0 =	sne.s32 s7, $0x16000;
	v12 =	vld [tilespmem:s9+$0x8310];
	[tilespmem:s19+$0xE8A0] =	vst v52;
	v15 =	vsel vm5, $0xFFFFFFFF, v15  }
.Ltmp1:
0x2d0: {  	vm5 =	vlt.f32 v36, $0.0e+00;
	[tilespmem:$0x1FD60] =	vst v15;
	v15 =	vimm.s32 $0x0;
	(pc) =	sbr.rel @p0 .LBB2_5-.Ltmp1, $4  }
0x2d1: {  	[tilespmem:$0x1FD50] =	vst v13;
	v15 =	vsel vm5, $0xFFFFFFFF, v15  }
0x2d2: {  	vm5 =	vlt.f32 v26, $0.0e+00;
	[tilespmem:$0x1FD70] =	vst v15;
	v15 =	vimm.s32 $0x0  }
0x2d3: {  	s22 =	sadd.s32 $0x10, s22;
	v13 =	vld [tilespmem:s9+$0x8320];
	[tilespmem:s19+$0xE8B0] =	vst v14;
	v15 =	vsel vm5, $0xFFFFFFFF, v15  }
0x2d4: {  	s7 =	sadd.s32 $0x2000, s7;
	vm6 =	vlt.f32 v31, $0.0e+00;
	vm8 =	vlt.f32 v46, $0.0e+00;
	vm7 =	vlt.f32 v47, $0.0e+00;
	s19 =	smov.u32 s9;
	v14 =	vld [tilespmem:s22+$0x0];
	[tilespmem:$0x1FD80] =	vst v15  }
0x2d5: {  	_ =	sdelay $0x3  }
0x2d6: {  	v14 =	vmax.f32 v14, $9.999999930e-09  }
0x2d7: {  	v15 =	vsub.f32 $0.0e+00, v14;
	_ =	sdelay $0x1  }
0x2d8: {  	v21 =	vbroadcast v14, $0x0;
	v22 =	vbroadcast v15, $0x0;
	_ =	sdelay $0x1  }
0x2d9: {  	v23 =	vsel vm2, v22, v21  }
0x2da: {  	v24 =	vsel vm4, v22, v21;
	[tilespmem:s19+$0xE100] =	vst v23  }
0x2db: {  	v25 =	vbroadcast v14, $0x1;
	v26 =	vbroadcast v15, $0x1;
	v39 =	vsel vm3, v22, v21;
	[tilespmem:s19+$0xE110] =	vst v24  }
0x2dc: {  	v21 =	vsel vm15, v22, v21;
	[tilespmem:s19+$0xE120] =	vst v39  }
0x2dd: {  	v40 =	vsel vm1, v26, v25;
	[tilespmem:s19+$0xE130] =	vst v21  }
0x2de: {  	v41 =	vsel vm0, v26, v25;
	[tilespmem:s19+$0xE180] =	vst v40  }
0x2df: {  	v43 =	vbroadcast v14, $0x2;
	v27 =	vbroadcast v15, $0x2;
	v42 =	vsel vm12, v26, v25;
	[tilespmem:s19+$0xE190] =	vst v41  }
0x2e0: {  	v25 =	vsel vm14, v26, v25;
	[tilespmem:s19+$0xE1A0] =	vst v42  }
0x2e1: {  	v52 =	vld [tilespmem:$0x1FC30];
	v44 =	vsel vm13, v27, v43;
	[tilespmem:s19+$0xE1B0] =	vst v25  }
0x2e2: {  	v32 =	vld [tilespmem:$0x1FCD0];
	v45 =	vsel vm10, v27, v43;
	[tilespmem:s19+$0xE200] =	vst v44  }
0x2e3: {  	v53 =	vld [tilespmem:$0x1FC40];
	v47 =	vbroadcast v14, $0x3;
	v28 =	vbroadcast v15, $0x3;
	v46 =	vsel vm11, v27, v43;
	[tilespmem:s19+$0xE210] =	vst v45  }
0x2e4: {  	v54 =	vld [tilespmem:$0x1FC50];
	v48 =	vsel vm9, v27, v43;
	[tilespmem:s19+$0xE220] =	vst v46  }
0x2e5: {  	v31 =	vld [tilespmem:$0x1FC90];
	v29 =	vbroadcast v14, $0x4;
	v49 =	vsel vm6, v28, v47;
	[tilespmem:s19+$0xE230] =	vst v48  }
0x2e6: {  	v55 =	vld [tilespmem:$0x1FC60];
	v62 =	vbroadcast v14, $0x6;
	v63 =	vbroadcast v15, $0x6;
	v50 =	vsel vm8, v28, v47;
	[tilespmem:s19+$0xE280] =	vst v49  }
0x2e7: {  	v56 =	vld [tilespmem:$0x1FC70];
	v57 =	vbroadcast v14, $0x5;
	vm5 =	vnez.u8 v32;
	v51 =	vsel vm7, v28, v47;
	[tilespmem:s19+$0xE290] =	vst v50  }
0x2e8: {  	v34 =	vld [tilespmem:$0x1FCF0];
	v30 =	vbroadcast v15, $0x4;
	vm7 =	vnez.u8 v52;
	v32 =	vsel vm5, v63, v62;
	[tilespmem:s19+$0xE2A0] =	vst v51  }
0x2e9: {  	v61 =	vld [tilespmem:$0x1FCB0];
	v58 =	vbroadcast v15, $0x5;
	vm8 =	vnez.u8 v53;
	v26 =	vsel vm7, v28, v47;
	[tilespmem:s19+$0xE410] =	vst v32  }
0x2ea: {  	vm13 =	vnez.u8 v31;
	v27 =	vsel vm8, v30, v29;
	[tilespmem:s19+$0xE2B0] =	vst v26  }
0x2eb: {  	vm9 =	vnez.u8 v54;
	v31 =	vsel vm13, v58, v57;
	[tilespmem:s19+$0xE300] =	vst v27  }
0x2ec: {  	v59 =	vld [tilespmem:$0x1FC80];
	vm10 =	vnez.u8 v55;
	v26 =	vsel vm9, v30, v29;
	[tilespmem:s19+$0xE390] =	vst v31  }
0x2ed: {  	v60 =	vld [tilespmem:$0x1FCA0];
	vm7 =	vnez.u8 v34;
	v27 =	vsel vm10, v30, v29;
	[tilespmem:s19+$0xE310] =	vst v26  }
0x2ee: {  	v35 =	vld [tilespmem:$0x1FCC0];
	vm11 =	vnez.u8 v56;
	vm15 =	vnez.u8 v61;
	v28 =	vsel vm7, v63, v62;
	[tilespmem:s19+$0xE320] =	vst v27  }
0x2ef: {  	v43 =	vld [tilespmem:$0x1FD30];
	v47 =	vbroadcast v15, $0x9;
	v48 =	vbroadcast v14, $0x9;
	v26 =	vsel vm11, v30, v29;
	[tilespmem:s19+$0xE430] =	vst v28  }
0x2f0: {  	v36 =	vld [tilespmem:$0x1FCE0];
	vm7 =	vlt.f32 v2, $0.0e+00;
	v27 =	vsel vm15, v58, v57;
	[tilespmem:s19+$0xE330] =	vst v26  }
0x2f1: {  	vm12 =	vnez.u8 v59;
	v39 =	vld [tilespmem:$0x1FD10];
	v55 =	vsel vm7, v47, v48;
	[tilespmem:s19+$0xE3B0] =	vst v27  }
0x2f2: {  	v33 =	vbroadcast v14, $0x7;
	vm14 =	vnez.u8 v60;
	v45 =	vld [tilespmem:$0x1FD50];
	v26 =	vsel vm12, v58, v57;
	[tilespmem:s19+$0xE5B0] =	vst v55  }
0x2f3: {  	v37 =	vbroadcast v15, $0x7;
	vm4 =	vnez.u8 v35;
	v50 =	vld [tilespmem:$0x1FD80];
	[tilespmem:s19+$0xE380] =	vst v26;
	v26 =	vsel vm14, v58, v57  }
0x2f4: {  	vm11 =	vnez.u8 v43;
	[tilespmem:s19+$0xE3A0] =	vst v26;
	v26 =	vsel vm4, v63, v62  }
0x2f5: {  	v38 =	vld [tilespmem:$0x1FD00];
	vm6 =	vnez.u8 v36;
	v41 =	vbroadcast v15, $0x8;
	v32 =	vsel vm11, v37, v33;
	[tilespmem:s19+$0xE400] =	vst v26  }
0x2f6: {  	v42 =	vbroadcast v14, $0x8;
	v49 =	vld [tilespmem:$0x1FD70];
	vm9 =	vnez.u8 v39;
	v26 =	vsel vm6, v63, v62;
	[tilespmem:s19+$0xE4B0] =	vst v32  }
0x2f7: {  	vm13 =	vnez.u8 v45;
	v28 =	vsel vm9, v37, v33;
	[tilespmem:s19+$0xE420] =	vst v26  }
0x2f8: {  	vm5 =	vnez.u8 v50;
	v32 =	vsel vm13, v41, v42;
	[tilespmem:s19+$0xE490] =	vst v28  }
0x2f9: {  	vm4 =	vlt.f32 v0, $0.0e+00;
	v0 =	vsel vm5, v47, v48;
	[tilespmem:s19+$0xE510] =	vst v32  }
0x2fa: {  	vm8 =	vnez.u8 v38;
	v51 =	vsel vm4, v47, v48;
	[tilespmem:s19+$0xE580] =	vst v0  }
0x2fb: {  	v52 =	vbroadcast v15, $0xA;
	v40 =	vld [tilespmem:$0x1FD20];
	vm15 =	vnez.u8 v49;
	v26 =	vsel vm8, v37, v33;
	[tilespmem:s19+$0xE590] =	vst v51  }
0x2fc: {  	v20 =	vld [tilespmem:s19+$0x8330];
	v54 =	vbroadcast v14, $0xA;
	vm6 =	vlt.f32 v1, $0.0e+00;
	v28 =	vsel vm15, v41, v42;
	[tilespmem:s19+$0xE480] =	vst v26  }
0x2fd: {  	v59 =	vbroadcast v15, $0xB;
	vm9 =	vlt.f32 v4, $0.0e+00;
	v53 =	vsel vm6, v47, v48;
	[tilespmem:s19+$0xE530] =	vst v28  }
0x2fe: {  	v44 =	vld [tilespmem:$0x1FD40];
	v58 =	vbroadcast v14, $0xB;
	vm11 =	vlt.f32 v6, $0.0e+00;
	v57 =	vsel vm9, v52, v54;
	[tilespmem:s19+$0xE5A0] =	vst v53  }
0x2ff: {  	vm13 =	vlt.f32 v8, $0.0e+00;
	v0 =	vsel vm11, v52, v54;
	[tilespmem:s19+$0xE610] =	vst v57  }
0x300: {  	v19 =	vld [tilespmem:s19+$0x8380];
	vm10 =	vnez.u8 v40;
	v62 =	vsel vm13, v59, v58;
	[tilespmem:s19+$0xE630] =	vst v0  }
0x301: {  	v16 =	vld [tilespmem:s19+$0x8390];
	vm7 =	vlt.f32 v20, $0.0e+00;
	vm8 =	vlt.f32 v3, $0.0e+00;
	v26 =	vsel vm10, v37, v33;
	[tilespmem:s19+$0xE690] =	vst v62  }
0x302: {  	v18 =	vld [tilespmem:s19+$0x83B0];
	v20 =	vbroadcast v14, $0xD;
	vm15 =	vlt.f32 v10, $0.0e+00;
	v56 =	vsel vm8, v52, v54;
	[tilespmem:s19+$0xE4A0] =	vst v26  }
0x303: {  	v46 =	vld [tilespmem:$0x1FD60];
	vm12 =	vnez.u8 v44;
	vm6 =	vlt.f32 v13, $0.0e+00;
	v10 =	vsel vm15, v59, v58;
	[tilespmem:s19+$0xE600] =	vst v56  }
0x304: {  	v13 =	vbroadcast v15, $0xD;
	vm10 =	vlt.f32 v5, $0.0e+00;
	v26 =	vsel vm12, v41, v42;
	[tilespmem:s19+$0xE6B0] =	vst v10  }
0x305: {  	v17 =	vld [tilespmem:s19+$0x83A0];
	vm8 =	vlt.f32 v19, $0.0e+00;
	v60 =	vsel vm10, v52, v54;
	[tilespmem:s19+$0xE500] =	vst v26  }
0x306: {  	v22 =	vld [tilespmem:s19+$0x8410];
	vm9 =	vlt.f32 v16, $0.0e+00;
	v31 =	vsel vm8, v13, v20;
	[tilespmem:s19+$0xE620] =	vst v60  }
0x307: {  	v24 =	vld [tilespmem:s19+$0x8430];
	vm11 =	vlt.f32 v18, $0.0e+00;
	v32 =	vsel vm9, v13, v20;
	[tilespmem:s19+$0xE780] =	vst v31  }
0x308: {  	vm14 =	vnez.u8 v46;
	v36 =	vsel vm11, v13, v20;
	[tilespmem:s19+$0xE790] =	vst v32  }
0x309: {  	v35 =	vbroadcast v14, $0xE;
	v21 =	vld [tilespmem:s19+$0x8400];
	vm12 =	vlt.f32 v7, $0.0e+00;
	v26 =	vsel vm14, v41, v42;
	[tilespmem:s19+$0xE7B0] =	vst v36  }
0x30a: {  	v33 =	vbroadcast v15, $0xE;
	vm10 =	vlt.f32 v17, $0.0e+00;
	v61 =	vsel vm12, v59, v58;
	[tilespmem:s19+$0xE520] =	vst v26  }
0x30b: {  	vm13 =	vlt.f32 v22, $0.0e+00;
	v34 =	vsel vm10, v13, v20;
	[tilespmem:s19+$0xE680] =	vst v61  }
0x30c: {  	vm15 =	vlt.f32 v24, $0.0e+00;
	v38 =	vsel vm13, v33, v35;
	[tilespmem:s19+$0xE7A0] =	vst v34  }
0x30d: {  	v8 =	vbroadcast v15, $0xC;
	vm14 =	vlt.f32 v9, $0.0e+00;
	v42 =	vsel vm15, v33, v35;
	[tilespmem:s19+$0xE810] =	vst v38  }
0x30e: {  	v23 =	vld [tilespmem:s19+$0x8420];
	v9 =	vbroadcast v14, $0xC;
	vm12 =	vlt.f32 v21, $0.0e+00;
	v63 =	vsel vm14, v59, v58;
	[tilespmem:s19+$0xE830] =	vst v42  }
0x30f: {  	v25 =	vld [tilespmem:s19+$0x8480];
	vm4 =	vlt.f32 v11, $0.0e+00;
	v37 =	vsel vm12, v33, v35;
	[tilespmem:s19+$0xE6A0] =	vst v63  }
0x310: {  	v29 =	vld [tilespmem:s19+$0x8490];
	vm5 =	vlt.f32 v12, $0.0e+00;
	v11 =	vsel vm4, v8, v9;
	[tilespmem:s19+$0xE800] =	vst v37  }
0x311: {  	v30 =	vld [tilespmem:s19+$0x84A0];
	v12 =	vsel vm5, v8, v9;
	[tilespmem:s19+$0xE700] =	vst v11  }
0x312: {  	v27 =	vld [tilespmem:s19+$0x84B0];
	v39 =	vbroadcast v14, $0xF;
	v26 =	vsel vm6, v8, v9;
	[tilespmem:s19+$0xE710] =	vst v12  }
0x313: {  	v40 =	vbroadcast v15, $0xF;
	vm14 =	vlt.f32 v23, $0.0e+00;
	v28 =	vsel vm7, v8, v9;
	[tilespmem:s19+$0xE720] =	vst v26  }
0x314: {  	v41 =	vsel vm14, v33, v35;
	vm4 =	vlt.f32 v25, $0.0e+00;
	[tilespmem:s19+$0xE730] =	vst v28  }
0x315: {  	vm5 =	vlt.f32 v29, $0.0e+00;
	[tilespmem:s19+$0xE820] =	vst v41;
	v43 =	vsel vm4, v40, v39  }
0x316: {  	vm6 =	vlt.f32 v30, $0.0e+00;
	v44 =	vsel vm5, v40, v39;
	[tilespmem:s19+$0xE880] =	vst v43  }
0x317: {  	vm7 =	vlt.f32 v27, $0.0e+00;
	v45 =	vsel vm6, v40, v39;
	[tilespmem:s19+$0xE890] =	vst v44  }
0x318: {  	v46 =	vsel vm7, v40, v39;
	[tilespmem:s19+$0xE8A0] =	vst v45  }
0x319: {  	[tilespmem:s19+$0xE8B0] =	vst v46  }
0x31a: {  	v0 =	vld [tilespmem:$0x146B8];
	_ =	sdelay $0x2  }
0x31b: {  	v47 =	vld [tilespmem:$0xDD00]  }
0x31c: {  	v48 =	vld [tilespmem:$0xDD10]  }
0x31d: {  	v3 =	vld [tilespmem:$0xDD20];
	v0 =	vmax.f32 v0, $9.999999930e-09  }
0x31e: {  	v49 =	vld [tilespmem:$0xDD30];
	v4 =	vsub.f32 $0.0e+00, v0  }
0x31f: {  	v50 =	vld [tilespmem:$0xDD80]  }
0x320: {  	v53 =	vld [tilespmem:$0xDD90];
	v51 =	vbroadcast v0, $0x8;
	v52 =	vbroadcast v4, $0x8  }
0x321: {  	v54 =	vld [tilespmem:$0xDDA0];
	vm8 =	vlt.f32 v47, $0.0e+00  }
0x322: {  	v56 =	vld [tilespmem:$0xDDB0];
	vm9 =	vlt.f32 v48, $0.0e+00;
	v55 =	vsel vm8, v52, v51  }
0x323: {  	v59 =	vld [tilespmem:$0xDE00];
	vm10 =	vlt.f32 v3, $0.0e+00;
	vm11 =	vlt.f32 v49, $0.0e+00;
	v57 =	vsel vm9, v52, v51;
	[tilespmem:$0x14100] =	vst v55  }
0x324: {  	v62 =	vld [tilespmem:$0xDE10];
	v60 =	vbroadcast v0, $0x9;
	v61 =	vbroadcast v4, $0x9;
	v58 =	vsel vm10, v52, v51;
	[tilespmem:$0x14110] =	vst v57  }
0x325: {  	v63 =	vld [tilespmem:$0xDE20];
	vm12 =	vlt.f32 v50, $0.0e+00;
	v7 =	vsel vm11, v52, v51;
	[tilespmem:$0x14120] =	vst v58  }
0x326: {  	v13 =	vld [tilespmem:$0xDE30];
	vm13 =	vlt.f32 v53, $0.0e+00;
	v10 =	vsel vm12, v61, v60;
	[tilespmem:$0x14130] =	vst v7  }
0x327: {  	v16 =	vld [tilespmem:$0xDE80];
	vm14 =	vlt.f32 v54, $0.0e+00;
	vm15 =	vlt.f32 v56, $0.0e+00;
	v14 =	vsel vm13, v61, v60;
	[tilespmem:$0x14180] =	vst v10  }
0x328: {  	v19 =	vld [tilespmem:$0xDE90];
	v17 =	vbroadcast v0, $0xA;
	v18 =	vbroadcast v4, $0xA;
	v15 =	vsel vm14, v61, v60;
	[tilespmem:$0x14190] =	vst v14  }
0x329: {  	v20 =	vld [tilespmem:$0xDEA0];
	vm4 =	vlt.f32 v59, $0.0e+00;
	v3 =	vsel vm15, v61, v60;
	[tilespmem:$0x141A0] =	vst v15  }
0x32a: {  	v22 =	vld [tilespmem:$0xDEB0];
	vm5 =	vlt.f32 v62, $0.0e+00;
	v21 =	vsel vm4, v18, v17;
	[tilespmem:$0x141B0] =	vst v3  }
0x32b: {  	v25 =	vld [tilespmem:$0xDF00];
	vm6 =	vlt.f32 v63, $0.0e+00;
	vm7 =	vlt.f32 v13, $0.0e+00;
	v23 =	vsel vm5, v18, v17;
	[tilespmem:$0x14200] =	vst v21  }
0x32c: {  	v28 =	vld [tilespmem:$0xDF10];
	v26 =	vbroadcast v0, $0xB;
	v27 =	vbroadcast v4, $0xB;
	v24 =	vsel vm6, v18, v17;
	[tilespmem:$0x14210] =	vst v23  }
0x32d: {  	v29 =	vld [tilespmem:$0xDF20];
	v2 =	vsel vm7, v18, v17;
	vm8 =	vlt.f32 v16, $0.0e+00;
	[tilespmem:$0x14220] =	vst v24  }
0x32e: {  	v31 =	vld [tilespmem:$0xDF30];
	vm9 =	vlt.f32 v19, $0.0e+00;
	[tilespmem:$0x14230] =	vst v2;
	v30 =	vsel vm8, v27, v26  }
0x32f: {  	v34 =	vld [tilespmem:$0xDF80];
	v35 =	vbroadcast v0, $0xC;
	vm10 =	vlt.f32 v20, $0.0e+00;
	v32 =	vsel vm9, v27, v26;
	[tilespmem:$0x14280] =	vst v30  }
0x330: {  	v37 =	vld [tilespmem:$0xDF90];
	v36 =	vbroadcast v4, $0xC;
	vm11 =	vlt.f32 v22, $0.0e+00;
	v33 =	vsel vm10, v27, v26;
	[tilespmem:$0x14290] =	vst v32  }
0x331: {  	v38 =	vld [tilespmem:$0xDFA0];
	vm12 =	vlt.f32 v25, $0.0e+00;
	v1 =	vsel vm11, v27, v26;
	[tilespmem:$0x142A0] =	vst v33  }
0x332: {  	v40 =	vld [tilespmem:$0xDFB0];
	vm13 =	vlt.f32 v28, $0.0e+00;
	v39 =	vsel vm12, v36, v35;
	[tilespmem:$0x142B0] =	vst v1  }
0x333: {  	v44 =	vbroadcast v0, $0xD;
	vm14 =	vlt.f32 v29, $0.0e+00;
	v41 =	vsel vm13, v36, v35;
	[tilespmem:$0x14300] =	vst v39  }
0x334: {  	v43 =	vld [tilespmem:$0xE000];
	v45 =	vbroadcast v4, $0xD;
	vm15 =	vlt.f32 v31, $0.0e+00;
	v42 =	vsel vm14, v36, v35;
	[tilespmem:$0x14310] =	vst v41  }
0x335: {  	v46 =	vld [tilespmem:$0xE010];
	vm4 =	vlt.f32 v34, $0.0e+00;
	v2 =	vsel vm15, v36, v35;
	[tilespmem:$0x14320] =	vst v42  }
0x336: {  	v47 =	vld [tilespmem:$0xE020];
	vm5 =	vlt.f32 v37, $0.0e+00;
	v48 =	vsel vm4, v45, v44;
	[tilespmem:$0x14330] =	vst v2  }
0x337: {  	v50 =	vld [tilespmem:$0xE030];
	vm6 =	vlt.f32 v38, $0.0e+00;
	vm7 =	vlt.f32 v40, $0.0e+00;
	v49 =	vsel vm5, v45, v44;
	[tilespmem:$0x14380] =	vst v48  }
0x338: {  	v53 =	vld [tilespmem:$0xE080];
	v51 =	vbroadcast v0, $0xE;
	v52 =	vbroadcast v4, $0xE;
	v3 =	vsel vm6, v45, v44;
	[tilespmem:$0x14390] =	vst v49  }
0x339: {  	v54 =	vld [tilespmem:$0xE090];
	vm8 =	vlt.f32 v43, $0.0e+00;
	[tilespmem:$0x143A0] =	vst v3;
	v1 =	vsel vm7, v45, v44  }
0x33a: {  	v56 =	vld [tilespmem:$0xE0A0];
	vm9 =	vlt.f32 v46, $0.0e+00;
	v55 =	vsel vm8, v52, v51;
	[tilespmem:$0x143B0] =	vst v1  }
0x33b: {  	v59 =	vld [tilespmem:$0xE0B0];
	v0 =	vbroadcast v0, $0xF;
	vm10 =	vlt.f32 v47, $0.0e+00;
	v57 =	vsel vm9, v52, v51;
	[tilespmem:$0x14400] =	vst v55  }
0x33c: {  	v4 =	vbroadcast v4, $0xF;
	vm11 =	vlt.f32 v50, $0.0e+00;
	v58 =	vsel vm10, v52, v51;
	[tilespmem:$0x14410] =	vst v57  }
0x33d: {  	vm12 =	vlt.f32 v53, $0.0e+00;
	v60 =	vsel vm11, v52, v51;
	[tilespmem:$0x14420] =	vst v58  }
0x33e: {  	s7 =	sshll.u32 s16, $0x2;
	vm13 =	vlt.f32 v54, $0.0e+00;
	v61 =	vsel vm12, v4, v0;
	[tilespmem:$0x14430] =	vst v60  }
0x33f: {  	s7 =	sadd.s32 s6, s7;
	vm14 =	vlt.f32 v56, $0.0e+00;
	v62 =	vsel vm13, v4, v0;
	[tilespmem:$0x14480] =	vst v61  }
0x340: {  	s9 =	smul.u32 $0x380, s7;
	vm15 =	vlt.f32 v59, $0.0e+00;
	v63 =	vsel vm14, v4, v0;
	[tilespmem:$0x14490] =	vst v62  }
0x341: {  	v0 =	vsel vm15, v4, v0;
	[tilespmem:$0x144A0] =	vst v63  }
0x342: {  	s7 =	smul.u32 $0x1C00, s7;
	s9 =	sadd.s32 s5, s9;
	[tilespmem:$0x144B0] =	vst v0  }
0x343: {  	[hbm4b:s9+s3] =	stream.linear.scatter [tilespmem:s15], [sflag:$0x3], $0x1900, $0x38;
	[tilespmem:$0x14700] =	vst v63  }
0x344: {  	s7 =	sshrl.u32 s7, $0x3;
	_ =	swait.ge [sflag:s10], $0x1900  }
0x345: {  	s7 =	sadd.s32 s5, s7;
	[sflag:s10] =	ssyncset.done $0x0  }
0x346: {  	s19 =	sadd.s32 $0x380, s7;
	[sflag:s10] =	ssyncadd.s32 $0xFFFFE700  }
0x347: {  	[hbm4b:s19+s3] =	stream.linear.scatter [tilespmem:s17], [sflag:$0x3], $0x1900, $0x38;
	[tilespmem:$0x14700] =	vst v63  }
0x348: {  	_ =	swait.ge [sflag:s10], $0x1900  }
0x349: {  	[sflag:s10] =	ssyncset.done $0x0  }
0x34a: {  	s22 =	sadd.s32 $0x700, s7;
	[sflag:s10] =	ssyncadd.s32 $0xFFFFE700  }
0x34b: {  	[hbm4b:s22+s3] =	stream.linear.scatter [tilespmem:s18], [sflag:$0x3], $0x1900, $0x38;
	[tilespmem:$0x14700] =	vst v63  }
0x34c: {  	s24 =	sadd.s32 $0x1, s24;
	_ =	swait.ge [sflag:s10], $0x1900  }
0x34d: {  	p0 =	sne.s32 s24, $0x10;
	[sflag:s10] =	ssyncset.done $0x0  }
.Ltmp2:
0x34e: {  	s7 =	sadd.s32 $0xA80, s7;
	[sflag:s10] =	ssyncadd.s32 $0xFFFFE700;
	(pc) =	sbr.rel @p0 .LBB2_2-.Ltmp2, $4  }
0x34f: {  	[hbm4b:s7+s3] =	stream.linear.scatter [tilespmem:s20], [sflag:$0x3], $0x1900, $0x38;
	[tilespmem:$0x14700] =	vst v63  }
0x350: {  	_ =	swait.ge [sflag:s10], $0x1900  }
0x351: {  	[sflag:s10] =	ssyncset.done $0x0  }
0x352: {  	[sflag:s10] =	ssyncadd.s32 $0xFFFFE700  }
0x353: {  	s23 =	sadd.s32 $0x1, s23;
	s7 =	rddreg [dreg:$0x4]  }
0x354: {  	p0 =	sne.s32 s23, s7  }
.Ltmp3:
0x355: {  	_ = 	snop;
	(pc) =	sbr.rel @p0 .LBB2_1-.Ltmp3, $1  }
0x356: {  	_ =	sdelay $0x3  }
0x357: {  	_ =	sfence.sel $0x180000  }
0x358: {  	[bflag:$0x0] =	sbarrier.arrive $0xFFFF  }
0x359: {  	_ =	strace $0x90000047  }
0x35a: {  	s0 =	stileid.u32;
	[bflag:$0x2] =	sbarrier.arrive $0xFFFF  }
0x35b: {  	p0 =	sne.s32 s0, $0x0;
	s0 =	rddreg [dreg:$0x2]  }
0x35c: {  	s0 =	sadd.s32 @!p0 $0x100000, s0  }
0x35d: {  	[sflag:s0] =	ssyncadd.tile.s32 @!p0 $0x1;
	_ =	shalt  }
.Lfunc_end2:
_tile_overlayer_lowered:
.L_overlay_start_2:
0x35e: {  	(tag) =	ssettag $0x2  }
0x35f: {  	s0 =	rddreg [dreg:$0x0];
	s2 =	stileid.u32  }
0x360: {  	s1 =	rddreg [dreg:$0x1];
	p0 =	sne.s32 s2, $0x0  }
0x361: {  	s3 =	rddreg [dreg:$0x2];
	[bflag:$0x3] =	sbarrier.arrive $0xFFFF;
	s2 =	simm.s32 @!p0 $0x1C03  }
0x362: {  	[timem:s3], [sflag:s2] =	dma.local @!p0 [hbm:s0], s1  }
0x363: {  	s0 =	simm.s32 @!p0 $0x3  }
0x364: {  	_ =	swait.ge @!p0 [sflag:s0], s1  }
0x365: {  	s1 =	ssub.s32 @!p0 $0x0, s1;
	[sflag:s0] =	ssyncset.done @!p0 $0x0  }
0x366: {  	[sflag:s0] =	ssyncadd.s32 @!p0 s1  }
0x367: {  	[bflag:$0x3] =	sbarrier.arrive $0xFFFF  }
0x368: {  	_ =	shalt  }

</sc_bundles>
